<compile_context>
chip_gen: v7x
topology: tpu7x:2x2x1
jax: 0.10.2.dev20260603
libtpu: 0.0.44.dev20260713+nightly
codegen_flags: <defaults>
</compile_context>

<pallas_src>
import functools

import jax
import jax.numpy as jnp
from jax import lax
from jax.experimental import pallas as pl
from jax.experimental.pallas import tpu as pltpu
from jax.experimental.pallas import tpu_sc as plsc

N = 50000
E = 800000
V = 64
EMB = 32
HID = 64
NC_OUT = 2
G = 128

NB = 7168
N_PAD = 50176
NBLK = N_PAD // NB
E_PAD = 819200
NSC = 2
NTILE = 16
SLICES = NSC * NTILE
EPS = E_PAD // SLICES
RPT = N_PAD // NTILE
ZR = 112

_f32 = jnp.float32
_bf16 = jnp.bfloat16
_i32 = jnp.int32


@functools.lru_cache(maxsize=None)
def _make_agg(width: int, with_deg: bool):
    mesh = plsc.VectorSubcoreMesh(core_axis_name="c", subcore_axis_name="s")

    CHUNK = 512 if width == EMB else 256
    SUB = CHUNK // 128
    TCH = EPS // CHUNK
    NPAIR = TCH // 2

    out_type = [jax.ShapeDtypeStruct((NSC, N_PAD, width), _bf16)]
    if with_deg:
        out_type.append(jax.ShapeDtypeStruct((NSC, NTILE, 1, RPT), _f32))

    scratch = [
        pltpu.VMEM_SHARED((N_PAD, width), _bf16),
        pltpu.VMEM((ZR, width), _bf16),
        pltpu.VMEM((CHUNK,), _i32),
        pltpu.VMEM((CHUNK,), _i32),
        pltpu.VMEM((SUB, 128), _i32),
        pltpu.VMEM((SUB, 128), _i32),
        pltpu.VMEM((CHUNK, width), _bf16),
        pltpu.VMEM((CHUNK, width), _bf16),
        pltpu.SemaphoreType.DMA,
        pltpu.SemaphoreType.DMA,
        pltpu.SemaphoreType.DMA,
        pltpu.SemaphoreType.DMA,
        pltpu.SemaphoreType.DMA,
    ]
    if with_deg:
        scratch += [
            pltpu.VMEM_SHARED((N_PAD,), _f32),
            pltpu.VMEM((ZR,), _f32),
            pltpu.VMEM((128,), _f32),
        ]

    def body(table_hbm, src_hbm, dst_hbm, zrow_hbm, *rest):
        if with_deg:
            (agg_out, deg_out, acc_sh, zbuf, src0, src1, dst0, dst1,
             msg0, msg1, sem_i0, sem_i1, sem_g0, sem_g1, sem_sc,
             deg_sh, zvec_v, ones_v) = rest
        else:
            (agg_out, acc_sh, zbuf, src0, src1, dst0, dst1,
             msg0, msg1, sem_i0, sem_i1, sem_g0, sem_g1, sem_sc) = rest

        c = lax.axis_index("c")
        s = lax.axis_index("s")
        row0 = s * RPT
        chunk0 = (c * NTILE + s) * TCH

        zcp = pltpu.make_async_copy(zrow_hbm, zbuf, sem_i0)
        zcp.start()
        if with_deg:
            for r in range(ZR // 16):
                zvec_v[pl.ds(r * 16, 16)] = jnp.zeros((16,), _f32)
            for r in range(128 // 16):
                ones_v[pl.ds(r * 16, 16)] = jnp.ones((16,), _f32)
        zcp.wait()

        zcps = []
        for k in range(RPT // ZR):
            zcps.append(pltpu.make_async_copy(
                zbuf, acc_sh.at[pl.ds(row0 + k * ZR, ZR)], sem_sc))
            zcps[-1].start()
            if with_deg:
                zcps.append(pltpu.make_async_copy(
                    zvec_v, deg_sh.at[pl.ds(row0 + k * ZR, ZR)], sem_sc))
                zcps[-1].start()
        for cp in zcps:
            cp.wait()
        plsc.subcore_barrier()

        def idx_cps(t, srcb, dstb, sem):
            return (pltpu.make_async_copy(
                        src_hbm.at[pl.ds(t * CHUNK, CHUNK)], srcb, sem),
                    pltpu.make_async_copy(
                        dst_hbm.at[pl.ds(t * SUB, SUB)], dstb, sem))

        def issue_idx(t, srcb, dstb, sem):
            cpa, cpb = idx_cps(t, srcb, dstb, sem)
            cpa.start()
            cpb.start()

        def wait_idx(t, srcb, dstb, sem):
            cpa, cpb = idx_cps(t, srcb, dstb, sem)
            cpa.wait()
            cpb.wait()

        def gather_cp(srcb, msg, sem):
            return pltpu.make_async_copy(table_hbm.at[srcb], msg, sem)

        def scatter(dstb, msg):
            cps = []
            for u in range(SUB):
                cps.append(pltpu.make_async_copy(
                    msg.at[pl.ds(u * 128, 128)],
                    acc_sh.at[dstb.at[u]], sem_sc))
                cps[-1].start(add=True)
                if with_deg:
                    cps.append(pltpu.make_async_copy(
                        ones_v, deg_sh.at[dstb.at[u]], sem_sc))
                    cps[-1].start(add=True)
            for cp in cps:
                cp.wait()

        issue_idx(chunk0 + 0, src0, dst0, sem_i0)
        issue_idx(chunk0 + 1, src1, dst1, sem_i1)
        wait_idx(chunk0 + 0, src0, dst0, sem_i0)
        gather_cp(src0, msg0, sem_g0).start()

        def pair_body(k, _):
            a = chunk0 + 2 * k
            wait_idx(a + 1, src1, dst1, sem_i1)
            gather_cp(src1, msg1, sem_g1).start()
            gather_cp(src0, msg0, sem_g0).wait()
            scatter(dst0, msg0)

            @pl.when(k < NPAIR - 1)
            def _():
                issue_idx(a + 2, src0, dst0, sem_i0)

            gather_cp(src1, msg1, sem_g1).wait()

            @pl.when(k < NPAIR - 1)
            def _():
                wait_idx(a + 2, src0, dst0, sem_i0)
                gather_cp(src0, msg0, sem_g0).start()

            scatter(dst1, msg1)

            @pl.when(k < NPAIR - 1)
            def _():
                issue_idx(a + 3, src1, dst1, sem_i1)

            return 0

        lax.fori_loop(0, NPAIR, pair_body, 0)

        plsc.subcore_barrier()
        pltpu.sync_copy(acc_sh.at[pl.ds(row0, RPT)],
                        agg_out.at[c, pl.ds(row0, RPT)])
        if with_deg:
            pltpu.sync_copy(deg_sh.at[pl.ds(row0, RPT)],
                            deg_out.at[c, s, 0])

    return pl.kernel(
        body, out_type=tuple(out_type), mesh=mesh,
        scratch_types=tuple(scratch),
        compiler_params=pltpu.CompilerParams(use_tc_tiling_on_sc=False))


def _embed_body(x_ref, emb_ref, out_ref):
    ids = x_ref[0, 0, :]
    onehot = (ids[:, None]
              == lax.broadcasted_iota(_i32, (1, V), 1)).astype(_f32)
    out_ref[...] = lax.dot_general(
        onehot, emb_ref[...], (((1,), (0,)), ((), ())),
        preferred_element_type=_f32).astype(_bf16)


def _embed(x3, embed):
    return pl.pallas_call(
        _embed_body,
        grid=(NBLK,),
        in_specs=[
            pl.BlockSpec((1, 1, NB), lambda i: (i, 0, 0)),
            pl.BlockSpec((V, EMB), lambda i: (0, 0)),
        ],
        out_specs=pl.BlockSpec((NB, EMB), lambda i: (i, 0)),
        out_shape=jax.ShapeDtypeStruct((N_PAD, EMB), _bf16),
    )(x3, embed)


def _dense1_body(aggp_ref, deg_ref, h0_ref, wl_ref, wr_ref, b_ref, out_ref):
    agg = aggp_ref[0].astype(_f32) + aggp_ref[1].astype(_f32)
    deg = deg_ref[0, 0, 0, :] + deg_ref[1, 0, 0, :]
    rdeg = 1.0 / jnp.maximum(deg, 1.0)
    mean = agg * rdeg[:, None]
    h0 = h0_ref[...].astype(_f32)
    z = (lax.dot_general(mean, wl_ref[...], (((1,), (1,)), ((), ())),
                         preferred_element_type=_f32)
         + lax.dot_general(h0, wr_ref[...], (((1,), (1,)), ((), ())),
                           preferred_element_type=_f32)
         + b_ref[...])
    out_ref[...] = jnp.maximum(z, 0.0).astype(_bf16)


def _dense1(aggp, deg4, h0, wl, wr, b):
    return pl.pallas_call(
        _dense1_body,
        grid=(NBLK,),
        in_specs=[
            pl.BlockSpec((NSC, NB, EMB), lambda i: (0, i, 0)),
            pl.BlockSpec((NSC, 1, 1, NB), lambda i: (0, i, 0, 0)),
            pl.BlockSpec((NB, EMB), lambda i: (i, 0)),
            pl.BlockSpec((HID, EMB), lambda i: (0, 0)),
            pl.BlockSpec((HID, EMB), lambda i: (0, 0)),
            pl.BlockSpec((1, HID), lambda i: (0, 0)),
        ],
        out_specs=pl.BlockSpec((NB, HID), lambda i: (i, 0)),
        out_shape=jax.ShapeDtypeStruct((N_PAD, HID), _bf16),
    )(aggp, deg4, h0, wl, wr, b)


def _final_body(agg2_ref, deg_ref, h1_ref, bat_ref, wl_ref, wr_ref, b2_ref,
                wlin_ref, blin_ref, out_ref, acc_ref):
    i = pl.program_id(0)
    agg = agg2_ref[0].astype(_f32) + agg2_ref[1].astype(_f32)
    h1 = h1_ref[...].astype(_f32)
    deg = deg_ref[0, 0, 0, :] + deg_ref[1, 0, 0, :]
    rdeg = 1.0 / jnp.maximum(deg, 1.0)
    mean = agg * rdeg[:, None]
    z = (lax.dot_general(mean, wl_ref[...], (((1,), (1,)), ((), ())),
                         preferred_element_type=_f32)
         + lax.dot_general(h1, wr_ref[...], (((1,), (1,)), ((), ())),
                           preferred_element_type=_f32)
         + b2_ref[...])
    h2 = jnp.maximum(z, 0.0)

    bat = bat_ref[0, 0, :]
    onehot_t = (lax.broadcasted_iota(_i32, (G, 1), 0)
                == bat[None, :]).astype(_f32)
    ext = jnp.concatenate([h2, jnp.ones((NB, 8), _f32)], axis=1)
    contrib = lax.dot_general(onehot_t, ext, (((1,), (0,)), ((), ())),
                              preferred_element_type=_f32)

    @pl.when(i == 0)
    def _():
        acc_ref[...] = contrib

    @pl.when(i > 0)
    def _():
        acc_ref[...] = acc_ref[...] + contrib

    @pl.when(i == NBLK - 1)
    def _():
        sums = acc_ref[...]
        cnt = sums[:, HID]
        pooled = sums[:, :HID] * (1.0 / jnp.maximum(cnt, 1.0))[:, None]
        out_ref[...] = (
            lax.dot_general(pooled, wlin_ref[...], (((1,), (1,)), ((), ())),
                            preferred_element_type=_f32)
            + blin_ref[...])


def _final(agg2, deg4, h1, bat3, wl, wr, b2, wlin, blin):
    return pl.pallas_call(
        _final_body,
        grid=(NBLK,),
        in_specs=[
            pl.BlockSpec((NSC, NB, HID), lambda i: (0, i, 0)),
            pl.BlockSpec((NSC, 1, 1, NB), lambda i: (0, i, 0, 0)),
            pl.BlockSpec((NB, HID), lambda i: (i, 0)),
            pl.BlockSpec((1, 1, NB), lambda i: (i, 0, 0)),
            pl.BlockSpec((HID, HID), lambda i: (0, 0)),
            pl.BlockSpec((HID, HID), lambda i: (0, 0)),
            pl.BlockSpec((1, HID), lambda i: (0, 0)),
            pl.BlockSpec((NC_OUT, HID), lambda i: (0, 0)),
            pl.BlockSpec((1, NC_OUT), lambda i: (0, 0)),
        ],
        out_specs=pl.BlockSpec((G, NC_OUT), lambda i: (0, 0)),
        out_shape=jax.ShapeDtypeStruct((G, NC_OUT), _f32),
        scratch_shapes=[pltpu.VMEM((G, HID + 8), _f32)],
    )(agg2, deg4, h1, bat3, wl, wr, b2, wlin, blin)


def kernel(x, edge_index, batch, embed, W_l1, W_r1, b1, W_l2, W_r2, b2,
           W_lin, b_lin):
    src = edge_index[0]
    dst = edge_index[1]

    xp = jnp.pad(x.astype(_i32), (0, N_PAD - N))
    batp = jnp.pad(batch.astype(_i32), (0, N_PAD - N), constant_values=G)
    junk = N + jnp.arange(E_PAD - E, dtype=_i32) % (N_PAD - N)
    srcp = jnp.concatenate([src.astype(_i32), junk])
    dstp = jnp.concatenate([dst.astype(_i32), junk])

    x3 = xp.reshape(NBLK, 1, NB)
    bat3 = batp.reshape(NBLK, 1, NB)
    dst2 = dstp.reshape(E_PAD // 128, 128)
    zrow32 = jnp.zeros((ZR, EMB), _bf16)
    zrow64 = jnp.zeros((ZR, HID), _bf16)

    h0 = _embed(x3, embed)
    agg1p, degp = _make_agg(EMB, True)(h0, srcp, dst2, zrow32)
    deg4 = degp.reshape(NSC, NBLK, 1, NB)
    h1 = _dense1(agg1p, deg4, h0, W_l1, W_r1,
                 b1.reshape(1, HID))
    agg2p = _make_agg(HID, False)(h1, srcp, dst2, zrow64)
    if isinstance(agg2p, (list, tuple)):
        agg2p = agg2p[0]
    out = _final(agg2p, deg4, h1, bat3, W_l2, W_r2,
                 b2.reshape(1, HID), W_lin, b_lin.reshape(1, NC_OUT))
    return out

# --- scband reference (transcript-rebuilt; emitter-appended) ---
"""Pipeline reference for scband-sprgraph-net-88648124990151 (READ-ONLY COPY).

The authoritative reference and input builder live on the scoring server;
editing this copy changes nothing except your own understanding.
"""

import jax, jax.numpy as jnp
import numpy as np

N = 50000
E = 800000
V = 64
EMB = 32
HID = 64
NC = 2
G = 128


def setup_inputs(seed: int = 0) -> dict:
    key = jax.random.key(seed)
    ks = jax.random.split(key, 12)
    x = jax.random.randint(ks[0], (N,), 0, V)
    edge_index = jax.random.randint(ks[1], (2, E), 0, N)
    batch = jnp.sort(jax.random.randint(ks[2], (N,), 0, G))
    embed = jax.random.normal(ks[3], (V, EMB), dtype=jnp.float32) * 0.1
    W_l1 = jax.random.normal(ks[4], (HID, EMB), dtype=jnp.float32) * 0.1
    W_r1 = jax.random.normal(ks[5], (HID, EMB), dtype=jnp.float32) * 0.1
    b1 = jnp.zeros((HID,), dtype=jnp.float32)
    W_l2 = jax.random.normal(ks[6], (HID, HID), dtype=jnp.float32) * 0.1
    W_r2 = jax.random.normal(ks[7], (HID, HID), dtype=jnp.float32) * 0.1
    b2 = jnp.zeros((HID,), dtype=jnp.float32)
    W_lin = jax.random.normal(ks[8], (NC, HID), dtype=jnp.float32) * 0.1
    b_lin = jnp.zeros((NC,), dtype=jnp.float32)
    return {
        "x": x, "edge_index": edge_index, "batch": batch,
        "embed": embed,
        "W_l1": W_l1, "W_r1": W_r1, "b1": b1,
        "W_l2": W_l2, "W_r2": W_r2, "b2": b2,
        "W_lin": W_lin, "b_lin": b_lin,
    }


def _sage(h, edge_index, Wl, Wr, b):
    # PyG SAGEConv: out = W_l @ mean_{j in N(i)} x_j + W_r @ x_i + b
    src = edge_index[0]
    dst = edge_index[1]
    msg = h[src]                                   # gather
    agg = jax.ops.segment_sum(msg, dst, num_segments=N)  # scatter-add
    deg = jax.ops.segment_sum(jnp.ones((E,), dtype=h.dtype), dst, num_segments=N)
    mean = agg / jnp.clip(deg, 1.0)[:, None]
    return mean @ Wl.T + h @ Wr.T + b


def reference(x, edge_index, batch, embed, W_l1, W_r1, b1, W_l2, W_r2, b2, W_lin, b_lin):
    h = jnp.take(embed, x, axis=0)                 # embedding lookup
    h = jax.nn.relu(_sage(h, edge_index, W_l1, W_r1, b1))
    h = jax.nn.relu(_sage(h, edge_index, W_l2, W_r2, b2))
    # global_mean_pool over graph ids
    sums = jax.ops.segment_sum(h, batch, num_segments=G)
    cnt = jax.ops.segment_sum(jnp.ones((N,), dtype=h.dtype), batch, num_segments=G)
    pooled = sums / jnp.clip(cnt, 1.0)[:, None]
    return pooled @ W_lin.T + b_lin

if __name__ == "__main__":
    import jax
    _d = setup_inputs()
    print(jax.jit(kernel)(*tuple(_d.values())))

</pallas_src>

<mosaic_0001>
#map = affine_map<(d0, d1) -> (0, 0)>
#map1 = affine_map<(d0, d1) -> (0)>
#map2 = affine_map<(d0, d1) -> (0, 0, 0)>
#map3 = affine_map<(d0, d1) -> (0, 0, 0, 0)>
module attributes {stable_mosaic.version = 14 : i64} {
  func.func @body(%arg0: i32, %arg1: i32, %arg2: memref<50176x32xbf16, #tpu.memory_space<hbm>>, %arg3: memref<819200xi32, #tpu.memory_space<hbm>>, %arg4: memref<6400x128xi32, #tpu.memory_space<hbm>>, %arg5: memref<112x32xbf16, #tpu.memory_space<hbm>>, %arg6: memref<2x50176x32xbf16, #tpu.memory_space<hbm>>, %arg7: memref<2x16x1x3136xf32, #tpu.memory_space<hbm>>, %arg8: memref<50176x32xbf16, #tpu.memory_space<vmem_shared>>, %arg9: memref<112x32xbf16, #tpu.memory_space<vmem>>, %arg10: memref<512xi32, #tpu.memory_space<vmem>>, %arg11: memref<512xi32, #tpu.memory_space<vmem>>, %arg12: memref<4x128xi32, #tpu.memory_space<vmem>>, %arg13: memref<4x128xi32, #tpu.memory_space<vmem>>, %arg14: memref<512x32xbf16, #tpu.memory_space<vmem>>, %arg15: memref<512x32xbf16, #tpu.memory_space<vmem>>, %arg16: memref<!tpu.dma_semaphore, #tpu.memory_space<semaphore_mem>>, %arg17: memref<!tpu.dma_semaphore, #tpu.memory_space<semaphore_mem>>, %arg18: memref<!tpu.dma_semaphore, #tpu.memory_space<semaphore_mem>>, %arg19: memref<!tpu.dma_semaphore, #tpu.memory_space<semaphore_mem>>, %arg20: memref<!tpu.dma_semaphore, #tpu.memory_space<semaphore_mem>>, %arg21: memref<50176xf32, #tpu.memory_space<vmem_shared>>, %arg22: memref<112xf32, #tpu.memory_space<vmem>>, %arg23: memref<128xf32, #tpu.memory_space<vmem>>) attributes {dimension_semantics = [#tpu.dimension_semantics<core_parallel>, #tpu.dimension_semantics<subcore_parallel>], iteration_bounds = array<i64: 2, 16>, scalar_prefetch = 0 : i64, scratch_operands = 16 : i64, tpu.core_type = #tpu.core_type<sc_vector_subcore>, window_params = [{transform_indices = #map}, {transform_indices = #map1}, {transform_indices = #map}, {transform_indices = #map}, {transform_indices = #map2}, {transform_indices = #map3}]} {
    %mul3A = arith.constant 3136 : i32
    %mul3A_0 = arith.muli %arg1, %mul3A : i32
    %mul3A_1 = arith.constant 16 : i32
    %mul3A_2 = arith.muli %arg0, %mul3A_1 : i32
    %add3A = arith.addi %mul3A_2, %arg1 : i32
    %mul3A_3 = arith.constant 50 : i32
    %mul3A_4 = arith.muli %add3A, %mul3A_3 : i32
    tpu.enqueue_dma source(%arg5 : memref<112x32xbf16, #tpu.memory_space<hbm>>) target(%arg9 : memref<112x32xbf16, #tpu.memory_space<vmem>>) target_semaphore(%arg16 : memref<!tpu.dma_semaphore, #tpu.memory_space<semaphore_mem>>)
    %broadcast_in_dim3A = arith.constant 0.000000e+00 : f32
    %broadcast_in_dim3A_5 = vector.broadcast %broadcast_in_dim3A : f32 to vector<16xf32>
    %swap3A = arith.constant 0 : index
    %swap3A_6 = tpu.vector_load %arg22[%swap3A] {strides = array<i32>} : memref<112xf32, #tpu.memory_space<vmem>>, vector<16xf32>,
    %swap3A_7 = vector.shape_cast %swap3A_6 : vector<16xf32> to vector<16xf32>
    %swap3A_8 = vector.shape_cast %broadcast_in_dim3A_5 : vector<16xf32> to vector<16xf32>
    tpu.vector_store %arg22[%swap3A], %swap3A_8 {strides = array<i32>} : memref<112xf32, #tpu.memory_space<vmem>>, vector<16xf32>,
    %broadcast_in_dim3A_9 = arith.constant 0.000000e+00 : f32
    %broadcast_in_dim3A_10 = vector.broadcast %broadcast_in_dim3A_9 : f32 to vector<16xf32>
    %swap3A_11 = arith.constant 16 : index
    %swap3A_12 = tpu.vector_load %arg22[%swap3A_11] {strides = array<i32>} : memref<112xf32, #tpu.memory_space<vmem>>, vector<16xf32>,
    %swap3A_13 = vector.shape_cast %swap3A_12 : vector<16xf32> to vector<16xf32>
    %swap3A_14 = vector.shape_cast %broadcast_in_dim3A_10 : vector<16xf32> to vector<16xf32>
    tpu.vector_store %arg22[%swap3A_11], %swap3A_14 {strides = array<i32>} : memref<112xf32, #tpu.memory_space<vmem>>, vector<16xf32>,
    %broadcast_in_dim3A_15 = arith.constant 0.000000e+00 : f32
    %broadcast_in_dim3A_16 = vector.broadcast %broadcast_in_dim3A_15 : f32 to vector<16xf32>
    %swap3A_17 = arith.constant 32 : index
    %swap3A_18 = tpu.vector_load %arg22[%swap3A_17] {strides = array<i32>} : memref<112xf32, #tpu.memory_space<vmem>>, vector<16xf32>,
    %swap3A_19 = vector.shape_cast %swap3A_18 : vector<16xf32> to vector<16xf32>
    %swap3A_20 = vector.shape_cast %broadcast_in_dim3A_16 : vector<16xf32> to vector<16xf32>
    tpu.vector_store %arg22[%swap3A_17], %swap3A_20 {strides = array<i32>} : memref<112xf32, #tpu.memory_space<vmem>>, vector<16xf32>,
    %broadcast_in_dim3A_21 = arith.constant 0.000000e+00 : f32
    %broadcast_in_dim3A_22 = vector.broadcast %broadcast_in_dim3A_21 : f32 to vector<16xf32>
    %swap3A_23 = arith.constant 48 : index
    %swap3A_24 = tpu.vector_load %arg22[%swap3A_23] {strides = array<i32>} : memref<112xf32, #tpu.memory_space<vmem>>, vector<16xf32>,
    %swap3A_25 = vector.shape_cast %swap3A_24 : vector<16xf32> to vector<16xf32>
    %swap3A_26 = vector.shape_cast %broadcast_in_dim3A_22 : vector<16xf32> to vector<16xf32>
    tpu.vector_store %arg22[%swap3A_23], %swap3A_26 {strides = array<i32>} : memref<112xf32, #tpu.memory_space<vmem>>, vector<16xf32>,
    %broadcast_in_dim3A_27 = arith.constant 0.000000e+00 : f32
    %broadcast_in_dim3A_28 = vector.broadcast %broadcast_in_dim3A_27 : f32 to vector<16xf32>
    %swap3A_29 = arith.constant 64 : index
    %swap3A_30 = tpu.vector_load %arg22[%swap3A_29] {strides = array<i32>} : memref<112xf32, #tpu.memory_space<vmem>>, vector<16xf32>,
    %swap3A_31 = vector.shape_cast %swap3A_30 : vector<16xf32> to vector<16xf32>
    %swap3A_32 = vector.shape_cast %broadcast_in_dim3A_28 : vector<16xf32> to vector<16xf32>
    tpu.vector_store %arg22[%swap3A_29], %swap3A_32 {strides = array<i32>} : memref<112xf32, #tpu.memory_space<vmem>>, vector<16xf32>,
    %broadcast_in_dim3A_33 = arith.constant 0.000000e+00 : f32
    %broadcast_in_dim3A_34 = vector.broadcast %broadcast_in_dim3A_33 : f32 to vector<16xf32>
    %swap3A_35 = arith.constant 80 : index
    %swap3A_36 = tpu.vector_load %arg22[%swap3A_35] {strides = array<i32>} : memref<112xf32, #tpu.memory_space<vmem>>, vector<16xf32>,
    %swap3A_37 = vector.shape_cast %swap3A_36 : vector<16xf32> to vector<16xf32>
    %swap3A_38 = vector.shape_cast %broadcast_in_dim3A_34 : vector<16xf32> to vector<16xf32>
    tpu.vector_store %arg22[%swap3A_35], %swap3A_38 {strides = array<i32>} : memref<112xf32, #tpu.memory_space<vmem>>, vector<16xf32>,
    %broadcast_in_dim3A_39 = arith.constant 0.000000e+00 : f32
    %broadcast_in_dim3A_40 = vector.broadcast %broadcast_in_dim3A_39 : f32 to vector<16xf32>
    %swap3A_41 = arith.constant 96 : index
    %swap3A_42 = tpu.vector_load %arg22[%swap3A_41] {strides = array<i32>} : memref<112xf32, #tpu.memory_space<vmem>>, vector<16xf32>,
    %swap3A_43 = vector.shape_cast %swap3A_42 : vector<16xf32> to vector<16xf32>
    %swap3A_44 = vector.shape_cast %broadcast_in_dim3A_40 : vector<16xf32> to vector<16xf32>
    tpu.vector_store %arg22[%swap3A_41], %swap3A_44 {strides = array<i32>} : memref<112xf32, #tpu.memory_space<vmem>>, vector<16xf32>,
    %broadcast_in_dim3A_45 = arith.constant 1.000000e+00 : f32
    %broadcast_in_dim3A_46 = vector.broadcast %broadcast_in_dim3A_45 : f32 to vector<16xf32>
    %swap3A_47 = arith.constant 0 : index
    %swap3A_48 = tpu.vector_load %arg23[%swap3A_47] {strides = array<i32>} : memref<128xf32, #tpu.memory_space<vmem>>, vector<16xf32>,
    %swap3A_49 = vector.shape_cast %swap3A_48 : vector<16xf32> to vector<16xf32>
    %swap3A_50 = vector.shape_cast %broadcast_in_dim3A_46 : vector<16xf32> to vector<16xf32>
    tpu.vector_store %arg23[%swap3A_47], %swap3A_50 {strides = array<i32>} : memref<128xf32, #tpu.memory_space<vmem>>, vector<16xf32>,
    %broadcast_in_dim3A_51 = arith.constant 1.000000e+00 : f32
    %broadcast_in_dim3A_52 = vector.broadcast %broadcast_in_dim3A_51 : f32 to vector<16xf32>
    %swap3A_53 = arith.constant 16 : index
    %swap3A_54 = tpu.vector_load %arg23[%swap3A_53] {strides = array<i32>} : memref<128xf32, #tpu.memory_space<vmem>>, vector<16xf32>,
    %swap3A_55 = vector.shape_cast %swap3A_54 : vector<16xf32> to vector<16xf32>
    %swap3A_56 = vector.shape_cast %broadcast_in_dim3A_52 : vector<16xf32> to vector<16xf32>
    tpu.vector_store %arg23[%swap3A_53], %swap3A_56 {strides = array<i32>} : memref<128xf32, #tpu.memory_space<vmem>>, vector<16xf32>,
    %broadcast_in_dim3A_57 = arith.constant 1.000000e+00 : f32
    %broadcast_in_dim3A_58 = vector.broadcast %broadcast_in_dim3A_57 : f32 to vector<16xf32>
    %swap3A_59 = arith.constant 32 : index
    %swap3A_60 = tpu.vector_load %arg23[%swap3A_59] {strides = array<i32>} : memref<128xf32, #tpu.memory_space<vmem>>, vector<16xf32>,
    %swap3A_61 = vector.shape_cast %swap3A_60 : vector<16xf32> to vector<16xf32>
    %swap3A_62 = vector.shape_cast %broadcast_in_dim3A_58 : vector<16xf32> to vector<16xf32>
    tpu.vector_store %arg23[%swap3A_59], %swap3A_62 {strides = array<i32>} : memref<128xf32, #tpu.memory_space<vmem>>, vector<16xf32>,
    %broadcast_in_dim3A_63 = arith.constant 1.000000e+00 : f32
    %broadcast_in_dim3A_64 = vector.broadcast %broadcast_in_dim3A_63 : f32 to vector<16xf32>
    %swap3A_65 = arith.constant 48 : index
    %swap3A_66 = tpu.vector_load %arg23[%swap3A_65] {strides = array<i32>} : memref<128xf32, #tpu.memory_space<vmem>>, vector<16xf32>,
    %swap3A_67 = vector.shape_cast %swap3A_66 : vector<16xf32> to vector<16xf32>
    %swap3A_68 = vector.shape_cast %broadcast_in_dim3A_64 : vector<16xf32> to vector<16xf32>
    tpu.vector_store %arg23[%swap3A_65], %swap3A_68 {strides = array<i32>} : memref<128xf32, #tpu.memory_space<vmem>>, vector<16xf32>,
    %broadcast_in_dim3A_69 = arith.constant 1.000000e+00 : f32
    %broadcast_in_dim3A_70 = vector.broadcast %broadcast_in_dim3A_69 : f32 to vector<16xf32>
    %swap3A_71 = arith.constant 64 : index
    %swap3A_72 = tpu.vector_load %arg23[%swap3A_71] {strides = array<i32>} : memref<128xf32, #tpu.memory_space<vmem>>, vector<16xf32>,
    %swap3A_73 = vector.shape_cast %swap3A_72 : vector<16xf32> to vector<16xf32>
    %swap3A_74 = vector.shape_cast %broadcast_in_dim3A_70 : vector<16xf32> to vector<16xf32>
    tpu.vector_store %arg23[%swap3A_71], %swap3A_74 {strides = array<i32>} : memref<128xf32, #tpu.memory_space<vmem>>, vector<16xf32>,
    %broadcast_in_dim3A_75 = arith.constant 1.000000e+00 : f32
    %broadcast_in_dim3A_76 = vector.broadcast %broadcast_in_dim3A_75 : f32 to vector<16xf32>
    %swap3A_77 = arith.constant 80 : index
    %swap3A_78 = tpu.vector_load %arg23[%swap3A_77] {strides = array<i32>} : memref<128xf32, #tpu.memory_space<vmem>>, vector<16xf32>,
    %swap3A_79 = vector.shape_cast %swap3A_78 : vector<16xf32> to vector<16xf32>
    %swap3A_80 = vector.shape_cast %broadcast_in_dim3A_76 : vector<16xf32> to vector<16xf32>
    tpu.vector_store %arg23[%swap3A_77], %swap3A_80 {strides = array<i32>} : memref<128xf32, #tpu.memory_space<vmem>>, vector<16xf32>,
    %broadcast_in_dim3A_81 = arith.constant 1.000000e+00 : f32
    %broadcast_in_dim3A_82 = vector.broadcast %broadcast_in_dim3A_81 : f32 to vector<16xf32>
    %swap3A_83 = arith.constant 96 : index
    %swap3A_84 = tpu.vector_load %arg23[%swap3A_83] {strides = array<i32>} : memref<128xf32, #tpu.memory_space<vmem>>, vector<16xf32>,
    %swap3A_85 = vector.shape_cast %swap3A_84 : vector<16xf32> to vector<16xf32>
    %swap3A_86 = vector.shape_cast %broadcast_in_dim3A_82 : vector<16xf32> to vector<16xf32>
    tpu.vector_store %arg23[%swap3A_83], %swap3A_86 {strides = array<i32>} : memref<128xf32, #tpu.memory_space<vmem>>, vector<16xf32>,
    %broadcast_in_dim3A_87 = arith.constant 1.000000e+00 : f32
    %broadcast_in_dim3A_88 = vector.broadcast %broadcast_in_dim3A_87 : f32 to vector<16xf32>
    %swap3A_89 = arith.constant 112 : index
    %swap3A_90 = tpu.vector_load %arg23[%swap3A_89] {strides = array<i32>} : memref<128xf32, #tpu.memory_space<vmem>>, vector<16xf32>,
    %swap3A_91 = vector.shape_cast %swap3A_90 : vector<16xf32> to vector<16xf32>
    %swap3A_92 = vector.shape_cast %broadcast_in_dim3A_88 : vector<16xf32> to vector<16xf32>
    tpu.vector_store %arg23[%swap3A_89], %swap3A_92 {strides = array<i32>} : memref<128xf32, #tpu.memory_space<vmem>>, vector<16xf32>,
    tpu.wait_dma2 semaphore(%arg16 : memref<!tpu.dma_semaphore, #tpu.memory_space<semaphore_mem>>) src(%arg5 : memref<112x32xbf16, #tpu.memory_space<hbm>>) dst(%arg9 : memref<112x32xbf16, #tpu.memory_space<vmem>>)
    %add3A_93 = arith.constant 0 : i32
    %add3A_94 = arith.addi %mul3A_0, %add3A_93 : i32
    %dma_start3A = arith.constant 0 : i32
    %dma_start3A_95 = tpu.memref_slice %arg8[%add3A_94, %dma_start3A] : memref<50176x32xbf16, #tpu.memory_space<vmem_shared>> -> memref<112x32xbf16, #tpu.memory_space<vmem_shared>>
    %dma_start3A_96 = arith.constant 0 : i32
    %dma_start3A_97 = tpu.memref_slice %arg8[%add3A_94, %dma_start3A_96] : memref<50176x32xbf16, #tpu.memory_space<vmem_shared>> -> memref<112x32xbf16, #tpu.memory_space<vmem_shared>>
    tpu.enqueue_dma source(%arg9 : memref<112x32xbf16, #tpu.memory_space<vmem>>) target(%dma_start3A_97 : memref<112x32xbf16, #tpu.memory_space<vmem_shared>>) target_semaphore(%arg20 : memref<!tpu.dma_semaphore, #tpu.memory_space<semaphore_mem>>)
    %add3A_98 = arith.constant 0 : i32
    %add3A_99 = arith.addi %mul3A_0, %add3A_98 : i32
    %dma_start3A_100 = tpu.memref_slice %arg21[%add3A_99] : memref<50176xf32, #tpu.memory_space<vmem_shared>> -> memref<112xf32, #tpu.memory_space<vmem_shared>>
    %dma_start3A_101 = tpu.memref_slice %arg21[%add3A_99] : memref<50176xf32, #tpu.memory_space<vmem_shared>> -> memref<112xf32, #tpu.memory_space<vmem_shared>>
    tpu.enqueue_dma source(%arg22 : memref<112xf32, #tpu.memory_space<vmem>>) target(%dma_start3A_101 : memref<112xf32, #tpu.memory_space<vmem_shared>>) target_semaphore(%arg20 : memref<!tpu.dma_semaphore, #tpu.memory_space<semaphore_mem>>)
    %add3A_102 = arith.constant 112 : i32
    %add3A_103 = arith.addi %mul3A_0, %add3A_102 : i32
    %dma_start3A_104 = arith.constant 0 : i32
    %dma_start3A_105 = tpu.memref_slice %arg8[%add3A_103, %dma_start3A_104] : memref<50176x32xbf16, #tpu.memory_space<vmem_shared>> -> memref<112x32xbf16, #tpu.memory_space<vmem_shared>>
    %dma_start3A_106 = arith.constant 0 : i32
    %dma_start3A_107 = tpu.memref_slice %arg8[%add3A_103, %dma_start3A_106] : memref<50176x32xbf16, #tpu.memory_space<vmem_shared>> -> memref<112x32xbf16, #tpu.memory_space<vmem_shared>>
    tpu.enqueue_dma source(%arg9 : memref<112x32xbf16, #tpu.memory_space<vmem>>) target(%dma_start3A_107 : memref<112x32xbf16, #tpu.memory_space<vmem_shared>>) target_semaphore(%arg20 : memref<!tpu.dma_semaphore, #tpu.memory_space<semaphore_mem>>)
    %add3A_108 = arith.constant 112 : i32
    %add3A_109 = arith.addi %mul3A_0, %add3A_108 : i32
    %dma_start3A_110 = tpu.memref_slice %arg21[%add3A_109] : memref<50176xf32, #tpu.memory_space<vmem_shared>> -> memref<112xf32, #tpu.memory_space<vmem_shared>>
    %dma_start3A_111 = tpu.memref_slice %arg21[%add3A_109] : memref<50176xf32, #tpu.memory_space<vmem_shared>> -> memref<112xf32, #tpu.memory_space<vmem_shared>>
    tpu.enqueue_dma source(%arg22 : memref<112xf32, #tpu.memory_space<vmem>>) target(%dma_start3A_111 : memref<112xf32, #tpu.memory_space<vmem_shared>>) target_semaphore(%arg20 : memref<!tpu.dma_semaphore, #tpu.memory_space<semaphore_mem>>)
    %add3A_112 = arith.constant 224 : i32
    %add3A_113 = arith.addi %mul3A_0, %add3A_112 : i32
    %dma_start3A_114 = arith.constant 0 : i32
    %dma_start3A_115 = tpu.memref_slice %arg8[%add3A_113, %dma_start3A_114] : memref<50176x32xbf16, #tpu.memory_space<vmem_shared>> -> memref<112x32xbf16, #tpu.memory_space<vmem_shared>>
    %dma_start3A_116 = arith.constant 0 : i32
    %dma_start3A_117 = tpu.memref_slice %arg8[%add3A_113, %dma_start3A_116] : memref<50176x32xbf16, #tpu.memory_space<vmem_shared>> -> memref<112x32xbf16, #tpu.memory_space<vmem_shared>>
    tpu.enqueue_dma source(%arg9 : memref<112x32xbf16, #tpu.memory_space<vmem>>) target(%dma_start3A_117 : memref<112x32xbf16, #tpu.memory_space<vmem_shared>>) target_semaphore(%arg20 : memref<!tpu.dma_semaphore, #tpu.memory_space<semaphore_mem>>)
    %add3A_118 = arith.constant 224 : i32
    %add3A_119 = arith.addi %mul3A_0, %add3A_118 : i32
    %dma_start3A_120 = tpu.memref_slice %arg21[%add3A_119] : memref<50176xf32, #tpu.memory_space<vmem_shared>> -> memref<112xf32, #tpu.memory_space<vmem_shared>>
    %dma_start3A_121 = tpu.memref_slice %arg21[%add3A_119] : memref<50176xf32, #tpu.memory_space<vmem_shared>> -> memref<112xf32, #tpu.memory_space<vmem_shared>>
    tpu.enqueue_dma source(%arg22 : memref<112xf32, #tpu.memory_space<vmem>>) target(%dma_start3A_121 : memref<112xf32, #tpu.memory_space<vmem_shared>>) target_semaphore(%arg20 : memref<!tpu.dma_semaphore, #tpu.memory_space<semaphore_mem>>)
    %add3A_122 = arith.constant 336 : i32
    %add3A_123 = arith.addi %mul3A_0, %add3A_122 : i32
    %dma_start3A_124 = arith.constant 0 : i32
    %dma_start3A_125 = tpu.memref_slice %arg8[%add3A_123, %dma_start3A_124] : memref<50176x32xbf16, #tpu.memory_space<vmem_shared>> -> memref<112x32xbf16, #tpu.memory_space<vmem_shared>>
    %dma_start3A_126 = arith.constant 0 : i32
    %dma_start3A_127 = tpu.memref_slice %arg8[%add3A_123, %dma_start3A_126] : memref<50176x32xbf16, #tpu.memory_space<vmem_shared>> -> memref<112x32xbf16, #tpu.memory_space<vmem_shared>>
    tpu.enqueue_dma source(%arg9 : memref<112x32xbf16, #tpu.memory_space<vmem>>) target(%dma_start3A_127 : memref<112x32xbf16, #tpu.memory_space<vmem_shared>>) target_semaphore(%arg20 : memref<!tpu.dma_semaphore, #tpu.memory_space<semaphore_mem>>)
    %add3A_128 = arith.constant 336 : i32
    %add3A_129 = arith.addi %mul3A_0, %add3A_128 : i32
    %dma_start3A_130 = tpu.memref_slice %arg21[%add3A_129] : memref<50176xf32, #tpu.memory_space<vmem_shared>> -> memref<112xf32, #tpu.memory_space<vmem_shared>>
    %dma_start3A_131 = tpu.memref_slice %arg21[%add3A_129] : memref<50176xf32, #tpu.memory_space<vmem_shared>> -> memref<112xf32, #tpu.memory_space<vmem_shared>>
    tpu.enqueue_dma source(%arg22 : memref<112xf32, #tpu.memory_space<vmem>>) target(%dma_start3A_131 : memref<112xf32, #tpu.memory_space<vmem_shared>>) target_semaphore(%arg20 : memref<!tpu.dma_semaphore, #tpu.memory_space<semaphore_mem>>)
    %add3A_132 = arith.constant 448 : i32
    %add3A_133 = arith.addi %mul3A_0, %add3A_132 : i32
    %dma_start3A_134 = arith.constant 0 : i32
    %dma_start3A_135 = tpu.memref_slice %arg8[%add3A_133, %dma_start3A_134] : memref<50176x32xbf16, #tpu.memory_space<vmem_shared>> -> memref<112x32xbf16, #tpu.memory_space<vmem_shared>>
    %dma_start3A_136 = arith.constant 0 : i32
    %dma_start3A_137 = tpu.memref_slice %arg8[%add3A_133, %dma_start3A_136] : memref<50176x32xbf16, #tpu.memory_space<vmem_shared>> -> memref<112x32xbf16, #tpu.memory_space<vmem_shared>>
    tpu.enqueue_dma source(%arg9 : memref<112x32xbf16, #tpu.memory_space<vmem>>) target(%dma_start3A_137 : memref<112x32xbf16, #tpu.memory_space<vmem_shared>>) target_semaphore(%arg20 : memref<!tpu.dma_semaphore, #tpu.memory_space<semaphore_mem>>)
    %add3A_138 = arith.constant 448 : i32
    %add3A_139 = arith.addi %mul3A_0, %add3A_138 : i32
    %dma_start3A_140 = tpu.memref_slice %arg21[%add3A_139] : memref<50176xf32, #tpu.memory_space<vmem_shared>> -> memref<112xf32, #tpu.memory_space<vmem_shared>>
    %dma_start3A_141 = tpu.memref_slice %arg21[%add3A_139] : memref<50176xf32, #tpu.memory_space<vmem_shared>> -> memref<112xf32, #tpu.memory_space<vmem_shared>>
    tpu.enqueue_dma source(%arg22 : memref<112xf32, #tpu.memory_space<vmem>>) target(%dma_start3A_141 : memref<112xf32, #tpu.memory_space<vmem_shared>>) target_semaphore(%arg20 : memref<!tpu.dma_semaphore, #tpu.memory_space<semaphore_mem>>)
    %add3A_142 = arith.constant 560 : i32
    %add3A_143 = arith.addi %mul3A_0, %add3A_142 : i32
    %dma_start3A_144 = arith.constant 0 : i32
    %dma_start3A_145 = tpu.memref_slice %arg8[%add3A_143, %dma_start3A_144] : memref<50176x32xbf16, #tpu.memory_space<vmem_shared>> -> memref<112x32xbf16, #tpu.memory_space<vmem_shared>>
    %dma_start3A_146 = arith.constant 0 : i32
    %dma_start3A_147 = tpu.memref_slice %arg8[%add3A_143, %dma_start3A_146] : memref<50176x32xbf16, #tpu.memory_space<vmem_shared>> -> memref<112x32xbf16, #tpu.memory_space<vmem_shared>>
    tpu.enqueue_dma source(%arg9 : memref<112x32xbf16, #tpu.memory_space<vmem>>) target(%dma_start3A_147 : memref<112x32xbf16, #tpu.memory_space<vmem_shared>>) target_semaphore(%arg20 : memref<!tpu.dma_semaphore, #tpu.memory_space<semaphore_mem>>)
    %add3A_148 = arith.constant 560 : i32
    %add3A_149 = arith.addi %mul3A_0, %add3A_148 : i32
    %dma_start3A_150 = tpu.memref_slice %arg21[%add3A_149] : memref<50176xf32, #tpu.memory_space<vmem_shared>> -> memref<112xf32, #tpu.memory_space<vmem_shared>>
    %dma_start3A_151 = tpu.memref_slice %arg21[%add3A_149] : memref<50176xf32, #tpu.memory_space<vmem_shared>> -> memref<112xf32, #tpu.memory_space<vmem_shared>>
    tpu.enqueue_dma source(%arg22 : memref<112xf32, #tpu.memory_space<vmem>>) target(%dma_start3A_151 : memref<112xf32, #tpu.memory_space<vmem_shared>>) target_semaphore(%arg20 : memref<!tpu.dma_semaphore, #tpu.memory_space<semaphore_mem>>)
    %add3A_152 = arith.constant 672 : i32
    %add3A_153 = arith.addi %mul3A_0, %add3A_152 : i32
    %dma_start3A_154 = arith.constant 0 : i32
    %dma_start3A_155 = tpu.memref_slice %arg8[%add3A_153, %dma_start3A_154] : memref<50176x32xbf16, #tpu.memory_space<vmem_shared>> -> memref<112x32xbf16, #tpu.memory_space<vmem_shared>>
    %dma_start3A_156 = arith.constant 0 : i32
    %dma_start3A_157 = tpu.memref_slice %arg8[%add3A_153, %dma_start3A_156] : memref<50176x32xbf16, #tpu.memory_space<vmem_shared>> -> memref<112x32xbf16, #tpu.memory_space<vmem_shared>>
    tpu.enqueue_dma source(%arg9 : memref<112x32xbf16, #tpu.memory_space<vmem>>) target(%dma_start3A_157 : memref<112x32xbf16, #tpu.memory_space<vmem_shared>>) target_semaphore(%arg20 : memref<!tpu.dma_semaphore, #tpu.memory_space<semaphore_mem>>)
    %add3A_158 = arith.constant 672 : i32
    %add3A_159 = arith.addi %mul3A_0, %add3A_158 : i32
    %dma_start3A_160 = tpu.memref_slice %arg21[%add3A_159] : memref<50176xf32, #tpu.memory_space<vmem_shared>> -> memref<112xf32, #tpu.memory_space<vmem_shared>>
    %dma_start3A_161 = tpu.memref_slice %arg21[%add3A_159] : memref<50176xf32, #tpu.memory_space<vmem_shared>> -> memref<112xf32, #tpu.memory_space<vmem_shared>>
    tpu.enqueue_dma source(%arg22 : memref<112xf32, #tpu.memory_space<vmem>>) target(%dma_start3A_161 : memref<112xf32, #tpu.memory_space<vmem_shared>>) target_semaphore(%arg20 : memref<!tpu.dma_semaphore, #tpu.memory_space<semaphore_mem>>)
    %add3A_162 = arith.constant 784 : i32
    %add3A_163 = arith.addi %mul3A_0, %add3A_162 : i32
    %dma_start3A_164 = arith.constant 0 : i32
    %dma_start3A_165 = tpu.memref_slice %arg8[%add3A_163, %dma_start3A_164] : memref<50176x32xbf16, #tpu.memory_space<vmem_shared>> -> memref<112x32xbf16, #tpu.memory_space<vmem_shared>>
    %dma_start3A_166 = arith.constant 0 : i32
    %dma_start3A_167 = tpu.memref_slice %arg8[%add3A_163, %dma_start3A_166] : memref<50176x32xbf16, #tpu.memory_space<vmem_shared>> -> memref<112x32xbf16, #tpu.memory_space<vmem_shared>>
    tpu.enqueue_dma source(%arg9 : memref<112x32xbf16, #tpu.memory_space<vmem>>) target(%dma_start3A_167 : memref<112x32xbf16, #tpu.memory_space<vmem_shared>>) target_semaphore(%arg20 : memref<!tpu.dma_semaphore, #tpu.memory_space<semaphore_mem>>)
    %add3A_168 = arith.constant 784 : i32
    %add3A_169 = arith.addi %mul3A_0, %add3A_168 : i32
    %dma_start3A_170 = tpu.memref_slice %arg21[%add3A_169] : memref<50176xf32, #tpu.memory_space<vmem_shared>> -> memref<112xf32, #tpu.memory_space<vmem_shared>>
    %dma_start3A_171 = tpu.memref_slice %arg21[%add3A_169] : memref<50176xf32, #tpu.memory_space<vmem_shared>> -> memref<112xf32, #tpu.memory_space<vmem_shared>>
    tpu.enqueue_dma source(%arg22 : memref<112xf32, #tpu.memory_space<vmem>>) target(%dma_start3A_171 : memref<112xf32, #tpu.memory_space<vmem_shared>>) target_semaphore(%arg20 : memref<!tpu.dma_semaphore, #tpu.memory_space<semaphore_mem>>)
    %add3A_172 = arith.constant 896 : i32
    %add3A_173 = arith.addi %mul3A_0, %add3A_172 : i32
    %dma_start3A_174 = arith.constant 0 : i32
    %dma_start3A_175 = tpu.memref_slice %arg8[%add3A_173, %dma_start3A_174] : memref<50176x32xbf16, #tpu.memory_space<vmem_shared>> -> memref<112x32xbf16, #tpu.memory_space<vmem_shared>>
    %dma_start3A_176 = arith.constant 0 : i32
    %dma_start3A_177 = tpu.memref_slice %arg8[%add3A_173, %dma_start3A_176] : memref<50176x32xbf16, #tpu.memory_space<vmem_shared>> -> memref<112x32xbf16, #tpu.memory_space<vmem_shared>>
    tpu.enqueue_dma source(%arg9 : memref<112x32xbf16, #tpu.memory_space<vmem>>) target(%dma_start3A_177 : memref<112x32xbf16, #tpu.memory_space<vmem_shared>>) target_semaphore(%arg20 : memref<!tpu.dma_semaphore, #tpu.memory_space<semaphore_mem>>)
    %add3A_178 = arith.constant 896 : i32
    %add3A_179 = arith.addi %mul3A_0, %add3A_178 : i32
    %dma_start3A_180 = tpu.memref_slice %arg21[%add3A_179] : memref<50176xf32, #tpu.memory_space<vmem_shared>> -> memref<112xf32, #tpu.memory_space<vmem_shared>>
    %dma_start3A_181 = tpu.memref_slice %arg21[%add3A_179] : memref<50176xf32, #tpu.memory_space<vmem_shared>> -> memref<112xf32, #tpu.memory_space<vmem_shared>>
    tpu.enqueue_dma source(%arg22 : memref<112xf32, #tpu.memory_space<vmem>>) target(%dma_start3A_181 : memref<112xf32, #tpu.memory_space<vmem_shared>>) target_semaphore(%arg20 : memref<!tpu.dma_semaphore, #tpu.memory_space<semaphore_mem>>)
    %add3A_182 = arith.constant 1008 : i32
    %add3A_183 = arith.addi %mul3A_0, %add3A_182 : i32
    %dma_start3A_184 = arith.constant 0 : i32
    %dma_start3A_185 = tpu.memref_slice %arg8[%add3A_183, %dma_start3A_184] : memref<50176x32xbf16, #tpu.memory_space<vmem_shared>> -> memref<112x32xbf16, #tpu.memory_space<vmem_shared>>
    %dma_start3A_186 = arith.constant 0 : i32
    %dma_start3A_187 = tpu.memref_slice %arg8[%add3A_183, %dma_start3A_186] : memref<50176x32xbf16, #tpu.memory_space<vmem_shared>> -> memref<112x32xbf16, #tpu.memory_space<vmem_shared>>
    tpu.enqueue_dma source(%arg9 : memref<112x32xbf16, #tpu.memory_space<vmem>>) target(%dma_start3A_187 : memref<112x32xbf16, #tpu.memory_space<vmem_shared>>) target_semaphore(%arg20 : memref<!tpu.dma_semaphore, #tpu.memory_space<semaphore_mem>>)
    %add3A_188 = arith.constant 1008 : i32
    %add3A_189 = arith.addi %mul3A_0, %add3A_188 : i32
    %dma_start3A_190 = tpu.memref_slice %arg21[%add3A_189] : memref<50176xf32, #tpu.memory_space<vmem_shared>> -> memref<112xf32, #tpu.memory_space<vmem_shared>>
    %dma_start3A_191 = tpu.memref_slice %arg21[%add3A_189] : memref<50176xf32, #tpu.memory_space<vmem_shared>> -> memref<112xf32, #tpu.memory_space<vmem_shared>>
    tpu.enqueue_dma source(%arg22 : memref<112xf32, #tpu.memory_space<vmem>>) target(%dma_start3A_191 : memref<112xf32, #tpu.memory_space<vmem_shared>>) target_semaphore(%arg20 : memref<!tpu.dma_semaphore, #tpu.memory_space<semaphore_mem>>)
    %add3A_192 = arith.constant 1120 : i32
    %add3A_193 = arith.addi %mul3A_0, %add3A_192 : i32
    %dma_start3A_194 = arith.constant 0 : i32
    %dma_start3A_195 = tpu.memref_slice %arg8[%add3A_193, %dma_start3A_194] : memref<50176x32xbf16, #tpu.memory_space<vmem_shared>> -> memref<112x32xbf16, #tpu.memory_space<vmem_shared>>
    %dma_start3A_196 = arith.constant 0 : i32
    %dma_start3A_197 = tpu.memref_slice %arg8[%add3A_193, %dma_start3A_196] : memref<50176x32xbf16, #tpu.memory_space<vmem_shared>> -> memref<112x32xbf16, #tpu.memory_space<vmem_shared>>
    tpu.enqueue_dma source(%arg9 : memref<112x32xbf16, #tpu.memory_space<vmem>>) target(%dma_start3A_197 : memref<112x32xbf16, #tpu.memory_space<vmem_shared>>) target_semaphore(%arg20 : memref<!tpu.dma_semaphore, #tpu.memory_space<semaphore_mem>>)
    %add3A_198 = arith.constant 1120 : i32
    %add3A_199 = arith.addi %mul3A_0, %add3A_198 : i32
    %dma_start3A_200 = tpu.memref_slice %arg21[%add3A_199] : memref<50176xf32, #tpu.memory_space<vmem_shared>> -> memref<112xf32, #tpu.memory_space<vmem_shared>>
    %dma_start3A_201 = tpu.memref_slice %arg21[%add3A_199] : memref<50176xf32, #tpu.memory_space<vmem_shared>> -> memref<112xf32, #tpu.memory_space<vmem_shared>>
    tpu.enqueue_dma source(%arg22 : memref<112xf32, #tpu.memory_space<vmem>>) target(%dma_start3A_201 : memref<112xf32, #tpu.memory_space<vmem_shared>>) target_semaphore(%arg20 : memref<!tpu.dma_semaphore, #tpu.memory_space<semaphore_mem>>)
    %add3A_202 = arith.constant 1232 : i32
    %add3A_203 = arith.addi %mul3A_0, %add3A_202 : i32
    %dma_start3A_204 = arith.constant 0 : i32
    %dma_start3A_205 = tpu.memref_slice %arg8[%add3A_203, %dma_start3A_204] : memref<50176x32xbf16, #tpu.memory_space<vmem_shared>> -> memref<112x32xbf16, #tpu.memory_space<vmem_shared>>
    %dma_start3A_206 = arith.constant 0 : i32
    %dma_start3A_207 = tpu.memref_slice %arg8[%add3A_203, %dma_start3A_206] : memref<50176x32xbf16, #tpu.memory_space<vmem_shared>> -> memref<112x32xbf16, #tpu.memory_space<vmem_shared>>
    tpu.enqueue_dma source(%arg9 : memref<112x32xbf16, #tpu.memory_space<vmem>>) target(%dma_start3A_207 : memref<112x32xbf16, #tpu.memory_space<vmem_shared>>) target_semaphore(%arg20 : memref<!tpu.dma_semaphore, #tpu.memory_space<semaphore_mem>>)
    %add3A_208 = arith.constant 1232 : i32
    %add3A_209 = arith.addi %mul3A_0, %add3A_208 : i32
    %dma_start3A_210 = tpu.memref_slice %arg21[%add3A_209] : memref<50176xf32, #tpu.memory_space<vmem_shared>> -> memref<112xf32, #tpu.memory_space<vmem_shared>>
    %dma_start3A_211 = tpu.memref_slice %arg21[%add3A_209] : memref<50176xf32, #tpu.memory_space<vmem_shared>> -> memref<112xf32, #tpu.memory_space<vmem_shared>>
    tpu.enqueue_dma source(%arg22 : memref<112xf32, #tpu.memory_space<vmem>>) target(%dma_start3A_211 : memref<112xf32, #tpu.memory_space<vmem_shared>>) target_semaphore(%arg20 : memref<!tpu.dma_semaphore, #tpu.memory_space<semaphore_mem>>)
    %add3A_212 = arith.constant 1344 : i32
    %add3A_213 = arith.addi %mul3A_0, %add3A_212 : i32
    %dma_start3A_214 = arith.constant 0 : i32
    %dma_start3A_215 = tpu.memref_slice %arg8[%add3A_213, %dma_start3A_214] : memref<50176x32xbf16, #tpu.memory_space<vmem_shared>> -> memref<112x32xbf16, #tpu.memory_space<vmem_shared>>
    %dma_start3A_216 = arith.constant 0 : i32
    %dma_start3A_217 = tpu.memref_slice %arg8[%add3A_213, %dma_start3A_216] : memref<50176x32xbf16, #tpu.memory_space<vmem_shared>> -> memref<112x32xbf16, #tpu.memory_space<vmem_shared>>
    tpu.enqueue_dma source(%arg9 : memref<112x32xbf16, #tpu.memory_space<vmem>>) target(%dma_start3A_217 : memref<112x32xbf16, #tpu.memory_space<vmem_shared>>) target_semaphore(%arg20 : memref<!tpu.dma_semaphore, #tpu.memory_space<semaphore_mem>>)
    %add3A_218 = arith.constant 1344 : i32
    %add3A_219 = arith.addi %mul3A_0, %add3A_218 : i32
    %dma_start3A_220 = tpu.memref_slice %arg21[%add3A_219] : memref<50176xf32, #tpu.memory_space<vmem_shared>> -> memref<112xf32, #tpu.memory_space<vmem_shared>>
    %dma_start3A_221 = tpu.memref_slice %arg21[%add3A_219] : memref<50176xf32, #tpu.memory_space<vmem_shared>> -> memref<112xf32, #tpu.memory_space<vmem_shared>>
    tpu.enqueue_dma source(%arg22 : memref<112xf32, #tpu.memory_space<vmem>>) target(%dma_start3A_221 : memref<112xf32, #tpu.memory_space<vmem_shared>>) target_semaphore(%arg20 : memref<!tpu.dma_semaphore, #tpu.memory_space<semaphore_mem>>)
    %add3A_222 = arith.constant 1456 : i32
    %add3A_223 = arith.addi %mul3A_0, %add3A_222 : i32
    %dma_start3A_224 = arith.constant 0 : i32
    %dma_start3A_225 = tpu.memref_slice %arg8[%add3A_223, %dma_start3A_224] : memref<50176x32xbf16, #tpu.memory_space<vmem_shared>> -> memref<112x32xbf16, #tpu.memory_space<vmem_shared>>
    %dma_start3A_226 = arith.constant 0 : i32
    %dma_start3A_227 = tpu.memref_slice %arg8[%add3A_223, %dma_start3A_226] : memref<50176x32xbf16, #tpu.memory_space<vmem_shared>> -> memref<112x32xbf16, #tpu.memory_space<vmem_shared>>
    tpu.enqueue_dma source(%arg9 : memref<112x32xbf16, #tpu.memory_space<vmem>>) target(%dma_start3A_227 : memref<112x32xbf16, #tpu.memory_space<vmem_shared>>) target_semaphore(%arg20 : memref<!tpu.dma_semaphore, #tpu.memory_space<semaphore_mem>>)
    %add3A_228 = arith.constant 1456 : i32
    %add3A_229 = arith.addi %mul3A_0, %add3A_228 : i32
    %dma_start3A_230 = tpu.memref_slice %arg21[%add3A_229] : memref<50176xf32, #tpu.memory_space<vmem_shared>> -> memref<112xf32, #tpu.memory_space<vmem_shared>>
    %dma_start3A_231 = tpu.memref_slice %arg21[%add3A_229] : memref<50176xf32, #tpu.memory_space<vmem_shared>> -> memref<112xf32, #tpu.memory_space<vmem_shared>>
    tpu.enqueue_dma source(%arg22 : memref<112xf32, #tpu.memory_space<vmem>>) target(%dma_start3A_231 : memref<112xf32, #tpu.memory_space<vmem_shared>>) target_semaphore(%arg20 : memref<!tpu.dma_semaphore, #tpu.memory_space<semaphore_mem>>)
    %add3A_232 = arith.constant 1568 : i32
    %add3A_233 = arith.addi %mul3A_0, %add3A_232 : i32
    %dma_start3A_234 = arith.constant 0 : i32
    %dma_start3A_235 = tpu.memref_slice %arg8[%add3A_233, %dma_start3A_234] : memref<50176x32xbf16, #tpu.memory_space<vmem_shared>> -> memref<112x32xbf16, #tpu.memory_space<vmem_shared>>
    %dma_start3A_236 = arith.constant 0 : i32
    %dma_start3A_237 = tpu.memref_slice %arg8[%add3A_233, %dma_start3A_236] : memref<50176x32xbf16, #tpu.memory_space<vmem_shared>> -> memref<112x32xbf16, #tpu.memory_space<vmem_shared>>
    tpu.enqueue_dma source(%arg9 : memref<112x32xbf16, #tpu.memory_space<vmem>>) target(%dma_start3A_237 : memref<112x32xbf16, #tpu.memory_space<vmem_shared>>) target_semaphore(%arg20 : memref<!tpu.dma_semaphore, #tpu.memory_space<semaphore_mem>>)
    %add3A_238 = arith.constant 1568 : i32
    %add3A_239 = arith.addi %mul3A_0, %add3A_238 : i32
    %dma_start3A_240 = tpu.memref_slice %arg21[%add3A_239] : memref<50176xf32, #tpu.memory_space<vmem_shared>> -> memref<112xf32, #tpu.memory_space<vmem_shared>>
    %dma_start3A_241 = tpu.memref_slice %arg21[%add3A_239] : memref<50176xf32, #tpu.memory_space<vmem_shared>> -> memref<112xf32, #tpu.memory_space<vmem_shared>>
    tpu.enqueue_dma source(%arg22 : memref<112xf32, #tpu.memory_space<vmem>>) target(%dma_start3A_241 : memref<112xf32, #tpu.memory_space<vmem_shared>>) target_semaphore(%arg20 : memref<!tpu.dma_semaphore, #tpu.memory_space<semaphore_mem>>)
    %add3A_242 = arith.constant 1680 : i32
    %add3A_243 = arith.addi %mul3A_0, %add3A_242 : i32
    %dma_start3A_244 = arith.constant 0 : i32
    %dma_start3A_245 = tpu.memref_slice %arg8[%add3A_243, %dma_start3A_244] : memref<50176x32xbf16, #tpu.memory_space<vmem_shared>> -> memref<112x32xbf16, #tpu.memory_space<vmem_shared>>
    %dma_start3A_246 = arith.constant 0 : i32
    %dma_start3A_247 = tpu.memref_slice %arg8[%add3A_243, %dma_start3A_246] : memref<50176x32xbf16, #tpu.memory_space<vmem_shared>> -> memref<112x32xbf16, #tpu.memory_space<vmem_shared>>
    tpu.enqueue_dma source(%arg9 : memref<112x32xbf16, #tpu.memory_space<vmem>>) target(%dma_start3A_247 : memref<112x32xbf16, #tpu.memory_space<vmem_shared>>) target_semaphore(%arg20 : memref<!tpu.dma_semaphore, #tpu.memory_space<semaphore_mem>>)
    %add3A_248 = arith.constant 1680 : i32
    %add3A_249 = arith.addi %mul3A_0, %add3A_248 : i32
    %dma_start3A_250 = tpu.memref_slice %arg21[%add3A_249] : memref<50176xf32, #tpu.memory_space<vmem_shared>> -> memref<112xf32, #tpu.memory_space<vmem_shared>>
    %dma_start3A_251 = tpu.memref_slice %arg21[%add3A_249] : memref<50176xf32, #tpu.memory_space<vmem_shared>> -> memref<112xf32, #tpu.memory_space<vmem_shared>>
    tpu.enqueue_dma source(%arg22 : memref<112xf32, #tpu.memory_space<vmem>>) target(%dma_start3A_251 : memref<112xf32, #tpu.memory_space<vmem_shared>>) target_semaphore(%arg20 : memref<!tpu.dma_semaphore, #tpu.memory_space<semaphore_mem>>)
    %add3A_252 = arith.constant 1792 : i32
    %add3A_253 = arith.addi %mul3A_0, %add3A_252 : i32
    %dma_start3A_254 = arith.constant 0 : i32
    %dma_start3A_255 = tpu.memref_slice %arg8[%add3A_253, %dma_start3A_254] : memref<50176x32xbf16, #tpu.memory_space<vmem_shared>> -> memref<112x32xbf16, #tpu.memory_space<vmem_shared>>
    %dma_start3A_256 = arith.constant 0 : i32
    %dma_start3A_257 = tpu.memref_slice %arg8[%add3A_253, %dma_start3A_256] : memref<50176x32xbf16, #tpu.memory_space<vmem_shared>> -> memref<112x32xbf16, #tpu.memory_space<vmem_shared>>
    tpu.enqueue_dma source(%arg9 : memref<112x32xbf16, #tpu.memory_space<vmem>>) target(%dma_start3A_257 : memref<112x32xbf16, #tpu.memory_space<vmem_shared>>) target_semaphore(%arg20 : memref<!tpu.dma_semaphore, #tpu.memory_space<semaphore_mem>>)
    %add3A_258 = arith.constant 1792 : i32
    %add3A_259 = arith.addi %mul3A_0, %add3A_258 : i32
    %dma_start3A_260 = tpu.memref_slice %arg21[%add3A_259] : memref<50176xf32, #tpu.memory_space<vmem_shared>> -> memref<112xf32, #tpu.memory_space<vmem_shared>>
    %dma_start3A_261 = tpu.memref_slice %arg21[%add3A_259] : memref<50176xf32, #tpu.memory_space<vmem_shared>> -> memref<112xf32, #tpu.memory_space<vmem_shared>>
    tpu.enqueue_dma source(%arg22 : memref<112xf32, #tpu.memory_space<vmem>>) target(%dma_start3A_261 : memref<112xf32, #tpu.memory_space<vmem_shared>>) target_semaphore(%arg20 : memref<!tpu.dma_semaphore, #tpu.memory_space<semaphore_mem>>)
    %add3A_262 = arith.constant 1904 : i32
    %add3A_263 = arith.addi %mul3A_0, %add3A_262 : i32
    %dma_start3A_264 = arith.constant 0 : i32
    %dma_start3A_265 = tpu.memref_slice %arg8[%add3A_263, %dma_start3A_264] : memref<50176x32xbf16, #tpu.memory_space<vmem_shared>> -> memref<112x32xbf16, #tpu.memory_space<vmem_shared>>
    %dma_start3A_266 = arith.constant 0 : i32
    %dma_start3A_267 = tpu.memref_slice %arg8[%add3A_263, %dma_start3A_266] : memref<50176x32xbf16, #tpu.memory_space<vmem_shared>> -> memref<112x32xbf16, #tpu.memory_space<vmem_shared>>
    tpu.enqueue_dma source(%arg9 : memref<112x32xbf16, #tpu.memory_space<vmem>>) target(%dma_start3A_267 : memref<112x32xbf16, #tpu.memory_space<vmem_shared>>) target_semaphore(%arg20 : memref<!tpu.dma_semaphore, #tpu.memory_space<semaphore_mem>>)
    %add3A_268 = arith.constant 1904 : i32
    %add3A_269 = arith.addi %mul3A_0, %add3A_268 : i32
    %dma_start3A_270 = tpu.memref_slice %arg21[%add3A_269] : memref<50176xf32, #tpu.memory_space<vmem_shared>> -> memref<112xf32, #tpu.memory_space<vmem_shared>>
    %dma_start3A_271 = tpu.memref_slice %arg21[%add3A_269] : memref<50176xf32, #tpu.memory_space<vmem_shared>> -> memref<112xf32, #tpu.memory_space<vmem_shared>>
    tpu.enqueue_dma source(%arg22 : memref<112xf32, #tpu.memory_space<vmem>>) target(%dma_start3A_271 : memref<112xf32, #tpu.memory_space<vmem_shared>>) target_semaphore(%arg20 : memref<!tpu.dma_semaphore, #tpu.memory_space<semaphore_mem>>)
    %add3A_272 = arith.constant 2016 : i32
    %add3A_273 = arith.addi %mul3A_0, %add3A_272 : i32
    %dma_start3A_274 = arith.constant 0 : i32
    %dma_start3A_275 = tpu.memref_slice %arg8[%add3A_273, %dma_start3A_274] : memref<50176x32xbf16, #tpu.memory_space<vmem_shared>> -> memref<112x32xbf16, #tpu.memory_space<vmem_shared>>
    %dma_start3A_276 = arith.constant 0 : i32
    %dma_start3A_277 = tpu.memref_slice %arg8[%add3A_273, %dma_start3A_276] : memref<50176x32xbf16, #tpu.memory_space<vmem_shared>> -> memref<112x32xbf16, #tpu.memory_space<vmem_shared>>
    tpu.enqueue_dma source(%arg9 : memref<112x32xbf16, #tpu.memory_space<vmem>>) target(%dma_start3A_277 : memref<112x32xbf16, #tpu.memory_space<vmem_shared>>) target_semaphore(%arg20 : memref<!tpu.dma_semaphore, #tpu.memory_space<semaphore_mem>>)
    %add3A_278 = arith.constant 2016 : i32
    %add3A_279 = arith.addi %mul3A_0, %add3A_278 : i32
    %dma_start3A_280 = tpu.memref_slice %arg21[%add3A_279] : memref<50176xf32, #tpu.memory_space<vmem_shared>> -> memref<112xf32, #tpu.memory_space<vmem_shared>>
    %dma_start3A_281 = tpu.memref_slice %arg21[%add3A_279] : memref<50176xf32, #tpu.memory_space<vmem_shared>> -> memref<112xf32, #tpu.memory_space<vmem_shared>>
    tpu.enqueue_dma source(%arg22 : memref<112xf32, #tpu.memory_space<vmem>>) target(%dma_start3A_281 : memref<112xf32, #tpu.memory_space<vmem_shared>>) target_semaphore(%arg20 : memref<!tpu.dma_semaphore, #tpu.memory_space<semaphore_mem>>)
    %add3A_282 = arith.constant 2128 : i32
    %add3A_283 = arith.addi %mul3A_0, %add3A_282 : i32
    %dma_start3A_284 = arith.constant 0 : i32
    %dma_start3A_285 = tpu.memref_slice %arg8[%add3A_283, %dma_start3A_284] : memref<50176x32xbf16, #tpu.memory_space<vmem_shared>> -> memref<112x32xbf16, #tpu.memory_space<vmem_shared>>
    %dma_start3A_286 = arith.constant 0 : i32
    %dma_start3A_287 = tpu.memref_slice %arg8[%add3A_283, %dma_start3A_286] : memref<50176x32xbf16, #tpu.memory_space<vmem_shared>> -> memref<112x32xbf16, #tpu.memory_space<vmem_shared>>
    tpu.enqueue_dma source(%arg9 : memref<112x32xbf16, #tpu.memory_space<vmem>>) target(%dma_start3A_287 : memref<112x32xbf16, #tpu.memory_space<vmem_shared>>) target_semaphore(%arg20 : memref<!tpu.dma_semaphore, #tpu.memory_space<semaphore_mem>>)
    %add3A_288 = arith.constant 2128 : i32
    %add3A_289 = arith.addi %mul3A_0, %add3A_288 : i32
    %dma_start3A_290 = tpu.memref_slice %arg21[%add3A_289] : memref<50176xf32, #tpu.memory_space<vmem_shared>> -> memref<112xf32, #tpu.memory_space<vmem_shared>>
    %dma_start3A_291 = tpu.memref_slice %arg21[%add3A_289] : memref<50176xf32, #tpu.memory_space<vmem_shared>> -> memref<112xf32, #tpu.memory_space<vmem_shared>>
    tpu.enqueue_dma source(%arg22 : memref<112xf32, #tpu.memory_space<vmem>>) target(%dma_start3A_291 : memref<112xf32, #tpu.memory_space<vmem_shared>>) target_semaphore(%arg20 : memref<!tpu.dma_semaphore, #tpu.memory_space<semaphore_mem>>)
    %add3A_292 = arith.constant 2240 : i32
    %add3A_293 = arith.addi %mul3A_0, %add3A_292 : i32
    %dma_start3A_294 = arith.constant 0 : i32
    %dma_start3A_295 = tpu.memref_slice %arg8[%add3A_293, %dma_start3A_294] : memref<50176x32xbf16, #tpu.memory_space<vmem_shared>> -> memref<112x32xbf16, #tpu.memory_space<vmem_shared>>
    %dma_start3A_296 = arith.constant 0 : i32
    %dma_start3A_297 = tpu.memref_slice %arg8[%add3A_293, %dma_start3A_296] : memref<50176x32xbf16, #tpu.memory_space<vmem_shared>> -> memref<112x32xbf16, #tpu.memory_space<vmem_shared>>
    tpu.enqueue_dma source(%arg9 : memref<112x32xbf16, #tpu.memory_space<vmem>>) target(%dma_start3A_297 : memref<112x32xbf16, #tpu.memory_space<vmem_shared>>) target_semaphore(%arg20 : memref<!tpu.dma_semaphore, #tpu.memory_space<semaphore_mem>>)
    %add3A_298 = arith.constant 2240 : i32
    %add3A_299 = arith.addi %mul3A_0, %add3A_298 : i32
    %dma_start3A_300 = tpu.memref_slice %arg21[%add3A_299] : memref<50176xf32, #tpu.memory_space<vmem_shared>> -> memref<112xf32, #tpu.memory_space<vmem_shared>>
    %dma_start3A_301 = tpu.memref_slice %arg21[%add3A_299] : memref<50176xf32, #tpu.memory_space<vmem_shared>> -> memref<112xf32, #tpu.memory_space<vmem_shared>>
    tpu.enqueue_dma source(%arg22 : memref<112xf32, #tpu.memory_space<vmem>>) target(%dma_start3A_301 : memref<112xf32, #tpu.memory_space<vmem_shared>>) target_semaphore(%arg20 : memref<!tpu.dma_semaphore, #tpu.memory_space<semaphore_mem>>)
    %add3A_302 = arith.constant 2352 : i32
    %add3A_303 = arith.addi %mul3A_0, %add3A_302 : i32
    %dma_start3A_304 = arith.constant 0 : i32
    %dma_start3A_305 = tpu.memref_slice %arg8[%add3A_303, %dma_start3A_304] : memref<50176x32xbf16, #tpu.memory_space<vmem_shared>> -> memref<112x32xbf16, #tpu.memory_space<vmem_shared>>
    %dma_start3A_306 = arith.constant 0 : i32
    %dma_start3A_307 = tpu.memref_slice %arg8[%add3A_303, %dma_start3A_306] : memref<50176x32xbf16, #tpu.memory_space<vmem_shared>> -> memref<112x32xbf16, #tpu.memory_space<vmem_shared>>
    tpu.enqueue_dma source(%arg9 : memref<112x32xbf16, #tpu.memory_space<vmem>>) target(%dma_start3A_307 : memref<112x32xbf16, #tpu.memory_space<vmem_shared>>) target_semaphore(%arg20 : memref<!tpu.dma_semaphore, #tpu.memory_space<semaphore_mem>>)
    %add3A_308 = arith.constant 2352 : i32
    %add3A_309 = arith.addi %mul3A_0, %add3A_308 : i32
    %dma_start3A_310 = tpu.memref_slice %arg21[%add3A_309] : memref<50176xf32, #tpu.memory_space<vmem_shared>> -> memref<112xf32, #tpu.memory_space<vmem_shared>>
    %dma_start3A_311 = tpu.memref_slice %arg21[%add3A_309] : memref<50176xf32, #tpu.memory_space<vmem_shared>> -> memref<112xf32, #tpu.memory_space<vmem_shared>>
    tpu.enqueue_dma source(%arg22 : memref<112xf32, #tpu.memory_space<vmem>>) target(%dma_start3A_311 : memref<112xf32, #tpu.memory_space<vmem_shared>>) target_semaphore(%arg20 : memref<!tpu.dma_semaphore, #tpu.memory_space<semaphore_mem>>)
    %add3A_312 = arith.constant 2464 : i32
    %add3A_313 = arith.addi %mul3A_0, %add3A_312 : i32
    %dma_start3A_314 = arith.constant 0 : i32
    %dma_start3A_315 = tpu.memref_slice %arg8[%add3A_313, %dma_start3A_314] : memref<50176x32xbf16, #tpu.memory_space<vmem_shared>> -> memref<112x32xbf16, #tpu.memory_space<vmem_shared>>
    %dma_start3A_316 = arith.constant 0 : i32
    %dma_start3A_317 = tpu.memref_slice %arg8[%add3A_313, %dma_start3A_316] : memref<50176x32xbf16, #tpu.memory_space<vmem_shared>> -> memref<112x32xbf16, #tpu.memory_space<vmem_shared>>
    tpu.enqueue_dma source(%arg9 : memref<112x32xbf16, #tpu.memory_space<vmem>>) target(%dma_start3A_317 : memref<112x32xbf16, #tpu.memory_space<vmem_shared>>) target_semaphore(%arg20 : memref<!tpu.dma_semaphore, #tpu.memory_space<semaphore_mem>>)
    %add3A_318 = arith.constant 2464 : i32
    %add3A_319 = arith.addi %mul3A_0, %add3A_318 : i32
    %dma_start3A_320 = tpu.memref_slice %arg21[%add3A_319] : memref<50176xf32, #tpu.memory_space<vmem_shared>> -> memref<112xf32, #tpu.memory_space<vmem_shared>>
    %dma_start3A_321 = tpu.memref_slice %arg21[%add3A_319] : memref<50176xf32, #tpu.memory_space<vmem_shared>> -> memref<112xf32, #tpu.memory_space<vmem_shared>>
    tpu.enqueue_dma source(%arg22 : memref<112xf32, #tpu.memory_space<vmem>>) target(%dma_start3A_321 : memref<112xf32, #tpu.memory_space<vmem_shared>>) target_semaphore(%arg20 : memref<!tpu.dma_semaphore, #tpu.memory_space<semaphore_mem>>)
    %add3A_322 = arith.constant 2576 : i32
    %add3A_323 = arith.addi %mul3A_0, %add3A_322 : i32
    %dma_start3A_324 = arith.constant 0 : i32
    %dma_start3A_325 = tpu.memref_slice %arg8[%add3A_323, %dma_start3A_324] : memref<50176x32xbf16, #tpu.memory_space<vmem_shared>> -> memref<112x32xbf16, #tpu.memory_space<vmem_shared>>
    %dma_start3A_326 = arith.constant 0 : i32
    %dma_start3A_327 = tpu.memref_slice %arg8[%add3A_323, %dma_start3A_326] : memref<50176x32xbf16, #tpu.memory_space<vmem_shared>> -> memref<112x32xbf16, #tpu.memory_space<vmem_shared>>
    tpu.enqueue_dma source(%arg9 : memref<112x32xbf16, #tpu.memory_space<vmem>>) target(%dma_start3A_327 : memref<112x32xbf16, #tpu.memory_space<vmem_shared>>) target_semaphore(%arg20 : memref<!tpu.dma_semaphore, #tpu.memory_space<semaphore_mem>>)
    %add3A_328 = arith.constant 2576 : i32
    %add3A_329 = arith.addi %mul3A_0, %add3A_328 : i32
    %dma_start3A_330 = tpu.memref_slice %arg21[%add3A_329] : memref<50176xf32, #tpu.memory_space<vmem_shared>> -> memref<112xf32, #tpu.memory_space<vmem_shared>>
    %dma_start3A_331 = tpu.memref_slice %arg21[%add3A_329] : memref<50176xf32, #tpu.memory_space<vmem_shared>> -> memref<112xf32, #tpu.memory_space<vmem_shared>>
    tpu.enqueue_dma source(%arg22 : memref<112xf32, #tpu.memory_space<vmem>>) target(%dma_start3A_331 : memref<112xf32, #tpu.memory_space<vmem_shared>>) target_semaphore(%arg20 : memref<!tpu.dma_semaphore, #tpu.memory_space<semaphore_mem>>)
    %add3A_332 = arith.constant 2688 : i32
    %add3A_333 = arith.addi %mul3A_0, %add3A_332 : i32
    %dma_start3A_334 = arith.constant 0 : i32
    %dma_start3A_335 = tpu.memref_slice %arg8[%add3A_333, %dma_start3A_334] : memref<50176x32xbf16, #tpu.memory_space<vmem_shared>> -> memref<112x32xbf16, #tpu.memory_space<vmem_shared>>
    %dma_start3A_336 = arith.constant 0 : i32
    %dma_start3A_337 = tpu.memref_slice %arg8[%add3A_333, %dma_start3A_336] : memref<50176x32xbf16, #tpu.memory_space<vmem_shared>> -> memref<112x32xbf16, #tpu.memory_space<vmem_shared>>
    tpu.enqueue_dma source(%arg9 : memref<112x32xbf16, #tpu.memory_space<vmem>>) target(%dma_start3A_337 : memref<112x32xbf16, #tpu.memory_space<vmem_shared>>) target_semaphore(%arg20 : memref<!tpu.dma_semaphore, #tpu.memory_space<semaphore_mem>>)
    %add3A_338 = arith.constant 2688 : i32
    %add3A_339 = arith.addi %mul3A_0, %add3A_338 : i32
    %dma_start3A_340 = tpu.memref_slice %arg21[%add3A_339] : memref<50176xf32, #tpu.memory_space<vmem_shared>> -> memref<112xf32, #tpu.memory_space<vmem_shared>>
    %dma_start3A_341 = tpu.memref_slice %arg21[%add3A_339] : memref<50176xf32, #tpu.memory_space<vmem_shared>> -> memref<112xf32, #tpu.memory_space<vmem_shared>>
    tpu.enqueue_dma source(%arg22 : memref<112xf32, #tpu.memory_space<vmem>>) target(%dma_start3A_341 : memref<112xf32, #tpu.memory_space<vmem_shared>>) target_semaphore(%arg20 : memref<!tpu.dma_semaphore, #tpu.memory_space<semaphore_mem>>)
    %add3A_342 = arith.constant 2800 : i32
    %add3A_343 = arith.addi %mul3A_0, %add3A_342 : i32
    %dma_start3A_344 = arith.constant 0 : i32
    %dma_start3A_345 = tpu.memref_slice %arg8[%add3A_343, %dma_start3A_344] : memref<50176x32xbf16, #tpu.memory_space<vmem_shared>> -> memref<112x32xbf16, #tpu.memory_space<vmem_shared>>
    %dma_start3A_346 = arith.constant 0 : i32
    %dma_start3A_347 = tpu.memref_slice %arg8[%add3A_343, %dma_start3A_346] : memref<50176x32xbf16, #tpu.memory_space<vmem_shared>> -> memref<112x32xbf16, #tpu.memory_space<vmem_shared>>
    tpu.enqueue_dma source(%arg9 : memref<112x32xbf16, #tpu.memory_space<vmem>>) target(%dma_start3A_347 : memref<112x32xbf16, #tpu.memory_space<vmem_shared>>) target_semaphore(%arg20 : memref<!tpu.dma_semaphore, #tpu.memory_space<semaphore_mem>>)
    %add3A_348 = arith.constant 2800 : i32
    %add3A_349 = arith.addi %mul3A_0, %add3A_348 : i32
    %dma_start3A_350 = tpu.memref_slice %arg21[%add3A_349] : memref<50176xf32, #tpu.memory_space<vmem_shared>> -> memref<112xf32, #tpu.memory_space<vmem_shared>>
    %dma_start3A_351 = tpu.memref_slice %arg21[%add3A_349] : memref<50176xf32, #tpu.memory_space<vmem_shared>> -> memref<112xf32, #tpu.memory_space<vmem_shared>>
    tpu.enqueue_dma source(%arg22 : memref<112xf32, #tpu.memory_space<vmem>>) target(%dma_start3A_351 : memref<112xf32, #tpu.memory_space<vmem_shared>>) target_semaphore(%arg20 : memref<!tpu.dma_semaphore, #tpu.memory_space<semaphore_mem>>)
    %add3A_352 = arith.constant 2912 : i32
    %add3A_353 = arith.addi %mul3A_0, %add3A_352 : i32
    %dma_start3A_354 = arith.constant 0 : i32
    %dma_start3A_355 = tpu.memref_slice %arg8[%add3A_353, %dma_start3A_354] : memref<50176x32xbf16, #tpu.memory_space<vmem_shared>> -> memref<112x32xbf16, #tpu.memory_space<vmem_shared>>
    %dma_start3A_356 = arith.constant 0 : i32
    %dma_start3A_357 = tpu.memref_slice %arg8[%add3A_353, %dma_start3A_356] : memref<50176x32xbf16, #tpu.memory_space<vmem_shared>> -> memref<112x32xbf16, #tpu.memory_space<vmem_shared>>
    tpu.enqueue_dma source(%arg9 : memref<112x32xbf16, #tpu.memory_space<vmem>>) target(%dma_start3A_357 : memref<112x32xbf16, #tpu.memory_space<vmem_shared>>) target_semaphore(%arg20 : memref<!tpu.dma_semaphore, #tpu.memory_space<semaphore_mem>>)
    %add3A_358 = arith.constant 2912 : i32
    %add3A_359 = arith.addi %mul3A_0, %add3A_358 : i32
    %dma_start3A_360 = tpu.memref_slice %arg21[%add3A_359] : memref<50176xf32, #tpu.memory_space<vmem_shared>> -> memref<112xf32, #tpu.memory_space<vmem_shared>>
    %dma_start3A_361 = tpu.memref_slice %arg21[%add3A_359] : memref<50176xf32, #tpu.memory_space<vmem_shared>> -> memref<112xf32, #tpu.memory_space<vmem_shared>>
    tpu.enqueue_dma source(%arg22 : memref<112xf32, #tpu.memory_space<vmem>>) target(%dma_start3A_361 : memref<112xf32, #tpu.memory_space<vmem_shared>>) target_semaphore(%arg20 : memref<!tpu.dma_semaphore, #tpu.memory_space<semaphore_mem>>)
    %add3A_362 = arith.constant 3024 : i32
    %add3A_363 = arith.addi %mul3A_0, %add3A_362 : i32
    %dma_start3A_364 = arith.constant 0 : i32
    %dma_start3A_365 = tpu.memref_slice %arg8[%add3A_363, %dma_start3A_364] : memref<50176x32xbf16, #tpu.memory_space<vmem_shared>> -> memref<112x32xbf16, #tpu.memory_space<vmem_shared>>
    %dma_start3A_366 = arith.constant 0 : i32
    %dma_start3A_367 = tpu.memref_slice %arg8[%add3A_363, %dma_start3A_366] : memref<50176x32xbf16, #tpu.memory_space<vmem_shared>> -> memref<112x32xbf16, #tpu.memory_space<vmem_shared>>
    tpu.enqueue_dma source(%arg9 : memref<112x32xbf16, #tpu.memory_space<vmem>>) target(%dma_start3A_367 : memref<112x32xbf16, #tpu.memory_space<vmem_shared>>) target_semaphore(%arg20 : memref<!tpu.dma_semaphore, #tpu.memory_space<semaphore_mem>>)
    %add3A_368 = arith.constant 3024 : i32
    %add3A_369 = arith.addi %mul3A_0, %add3A_368 : i32
    %dma_start3A_370 = tpu.memref_slice %arg21[%add3A_369] : memref<50176xf32, #tpu.memory_space<vmem_shared>> -> memref<112xf32, #tpu.memory_space<vmem_shared>>
    %dma_start3A_371 = tpu.memref_slice %arg21[%add3A_369] : memref<50176xf32, #tpu.memory_space<vmem_shared>> -> memref<112xf32, #tpu.memory_space<vmem_shared>>
    tpu.enqueue_dma source(%arg22 : memref<112xf32, #tpu.memory_space<vmem>>) target(%dma_start3A_371 : memref<112xf32, #tpu.memory_space<vmem_shared>>) target_semaphore(%arg20 : memref<!tpu.dma_semaphore, #tpu.memory_space<semaphore_mem>>)
    %dma_wait3A = arith.constant 0 : i32
    %dma_wait3A_372 = tpu.memref_slice %arg8[%add3A_94, %dma_wait3A] : memref<50176x32xbf16, #tpu.memory_space<vmem_shared>> -> memref<112x32xbf16, #tpu.memory_space<vmem_shared>>
    %dma_wait3A_373 = arith.constant 0 : i32
    %dma_wait3A_374 = tpu.memref_slice %arg8[%add3A_94, %dma_wait3A_373] : memref<50176x32xbf16, #tpu.memory_space<vmem_shared>> -> memref<112x32xbf16, #tpu.memory_space<vmem_shared>>
    tpu.wait_dma2 semaphore(%arg20 : memref<!tpu.dma_semaphore, #tpu.memory_space<semaphore_mem>>) src(%arg9 : memref<112x32xbf16, #tpu.memory_space<vmem>>) dst(%dma_wait3A_374 : memref<112x32xbf16, #tpu.memory_space<vmem_shared>>)
    %dma_wait3A_375 = tpu.memref_slice %arg21[%add3A_99] : memref<50176xf32, #tpu.memory_space<vmem_shared>> -> memref<112xf32, #tpu.memory_space<vmem_shared>>
    %dma_wait3A_376 = tpu.memref_slice %arg21[%add3A_99] : memref<50176xf32, #tpu.memory_space<vmem_shared>> -> memref<112xf32, #tpu.memory_space<vmem_shared>>
    tpu.wait_dma2 semaphore(%arg20 : memref<!tpu.dma_semaphore, #tpu.memory_space<semaphore_mem>>) src(%arg22 : memref<112xf32, #tpu.memory_space<vmem>>) dst(%dma_wait3A_376 : memref<112xf32, #tpu.memory_space<vmem_shared>>)
    %dma_wait3A_377 = arith.constant 0 : i32
    %dma_wait3A_378 = tpu.memref_slice %arg8[%add3A_103, %dma_wait3A_377] : memref<50176x32xbf16, #tpu.memory_space<vmem_shared>> -> memref<112x32xbf16, #tpu.memory_space<vmem_shared>>
    %dma_wait3A_379 = arith.constant 0 : i32
    %dma_wait3A_380 = tpu.memref_slice %arg8[%add3A_103, %dma_wait3A_379] : memref<50176x32xbf16, #tpu.memory_space<vmem_shared>> -> memref<112x32xbf16, #tpu.memory_space<vmem_shared>>
    tpu.wait_dma2 semaphore(%arg20 : memref<!tpu.dma_semaphore, #tpu.memory_space<semaphore_mem>>) src(%arg9 : memref<112x32xbf16, #tpu.memory_space<vmem>>) dst(%dma_wait3A_380 : memref<112x32xbf16, #tpu.memory_space<vmem_shared>>)
    %dma_wait3A_381 = tpu.memref_slice %arg21[%add3A_109] : memref<50176xf32, #tpu.memory_space<vmem_shared>> -> memref<112xf32, #tpu.memory_space<vmem_shared>>
    %dma_wait3A_382 = tpu.memref_slice %arg21[%add3A_109] : memref<50176xf32, #tpu.memory_space<vmem_shared>> -> memref<112xf32, #tpu.memory_space<vmem_shared>>
    tpu.wait_dma2 semaphore(%arg20 : memref<!tpu.dma_semaphore, #tpu.memory_space<semaphore_mem>>) src(%arg22 : memref<112xf32, #tpu.memory_space<vmem>>) dst(%dma_wait3A_382 : memref<112xf32, #tpu.memory_space<vmem_shared>>)
    %dma_wait3A_383 = arith.constant 0 : i32
    %dma_wait3A_384 = tpu.memref_slice %arg8[%add3A_113, %dma_wait3A_383] : memref<50176x32xbf16, #tpu.memory_space<vmem_shared>> -> memref<112x32xbf16, #tpu.memory_space<vmem_shared>>
    %dma_wait3A_385 = arith.constant 0 : i32
    %dma_wait3A_386 = tpu.memref_slice %arg8[%add3A_113, %dma_wait3A_385] : memref<50176x32xbf16, #tpu.memory_space<vmem_shared>> -> memref<112x32xbf16, #tpu.memory_space<vmem_shared>>
    tpu.wait_dma2 semaphore(%arg20 : memref<!tpu.dma_semaphore, #tpu.memory_space<semaphore_mem>>) src(%arg9 : memref<112x32xbf16, #tpu.memory_space<vmem>>) dst(%dma_wait3A_386 : memref<112x32xbf16, #tpu.memory_space<vmem_shared>>)
    %dma_wait3A_387 = tpu.memref_slice %arg21[%add3A_119] : memref<50176xf32, #tpu.memory_space<vmem_shared>> -> memref<112xf32, #tpu.memory_space<vmem_shared>>
    %dma_wait3A_388 = tpu.memref_slice %arg21[%add3A_119] : memref<50176xf32, #tpu.memory_space<vmem_shared>> -> memref<112xf32, #tpu.memory_space<vmem_shared>>
    tpu.wait_dma2 semaphore(%arg20 : memref<!tpu.dma_semaphore, #tpu.memory_space<semaphore_mem>>) src(%arg22 : memref<112xf32, #tpu.memory_space<vmem>>) dst(%dma_wait3A_388 : memref<112xf32, #tpu.memory_space<vmem_shared>>)
    %dma_wait3A_389 = arith.constant 0 : i32
    %dma_wait3A_390 = tpu.memref_slice %arg8[%add3A_123, %dma_wait3A_389] : memref<50176x32xbf16, #tpu.memory_space<vmem_shared>> -> memref<112x32xbf16, #tpu.memory_space<vmem_shared>>
    %dma_wait3A_391 = arith.constant 0 : i32
    %dma_wait3A_392 = tpu.memref_slice %arg8[%add3A_123, %dma_wait3A_391] : memref<50176x32xbf16, #tpu.memory_space<vmem_shared>> -> memref<112x32xbf16, #tpu.memory_space<vmem_shared>>
    tpu.wait_dma2 semaphore(%arg20 : memref<!tpu.dma_semaphore, #tpu.memory_space<semaphore_mem>>) src(%arg9 : memref<112x32xbf16, #tpu.memory_space<vmem>>) dst(%dma_wait3A_392 : memref<112x32xbf16, #tpu.memory_space<vmem_shared>>)
    %dma_wait3A_393 = tpu.memref_slice %arg21[%add3A_129] : memref<50176xf32, #tpu.memory_space<vmem_shared>> -> memref<112xf32, #tpu.memory_space<vmem_shared>>
    %dma_wait3A_394 = tpu.memref_slice %arg21[%add3A_129] : memref<50176xf32, #tpu.memory_space<vmem_shared>> -> memref<112xf32, #tpu.memory_space<vmem_shared>>
    tpu.wait_dma2 semaphore(%arg20 : memref<!tpu.dma_semaphore, #tpu.memory_space<semaphore_mem>>) src(%arg22 : memref<112xf32, #tpu.memory_space<vmem>>) dst(%dma_wait3A_394 : memref<112xf32, #tpu.memory_space<vmem_shared>>)
    %dma_wait3A_395 = arith.constant 0 : i32
    %dma_wait3A_396 = tpu.memref_slice %arg8[%add3A_133, %dma_wait3A_395] : memref<50176x32xbf16, #tpu.memory_space<vmem_shared>> -> memref<112x32xbf16, #tpu.memory_space<vmem_shared>>
    %dma_wait3A_397 = arith.constant 0 : i32
    %dma_wait3A_398 = tpu.memref_slice %arg8[%add3A_133, %dma_wait3A_397] : memref<50176x32xbf16, #tpu.memory_space<vmem_shared>> -> memref<112x32xbf16, #tpu.memory_space<vmem_shared>>
    tpu.wait_dma2 semaphore(%arg20 : memref<!tpu.dma_semaphore, #tpu.memory_space<semaphore_mem>>) src(%arg9 : memref<112x32xbf16, #tpu.memory_space<vmem>>) dst(%dma_wait3A_398 : memref<112x32xbf16, #tpu.memory_space<vmem_shared>>)
    %dma_wait3A_399 = tpu.memref_slice %arg21[%add3A_139] : memref<50176xf32, #tpu.memory_space<vmem_shared>> -> memref<112xf32, #tpu.memory_space<vmem_shared>>
    %dma_wait3A_400 = tpu.memref_slice %arg21[%add3A_139] : memref<50176xf32, #tpu.memory_space<vmem_shared>> -> memref<112xf32, #tpu.memory_space<vmem_shared>>
    tpu.wait_dma2 semaphore(%arg20 : memref<!tpu.dma_semaphore, #tpu.memory_space<semaphore_mem>>) src(%arg22 : memref<112xf32, #tpu.memory_space<vmem>>) dst(%dma_wait3A_400 : memref<112xf32, #tpu.memory_space<vmem_shared>>)
    %dma_wait3A_401 = arith.constant 0 : i32
    %dma_wait3A_402 = tpu.memref_slice %arg8[%add3A_143, %dma_wait3A_401] : memref<50176x32xbf16, #tpu.memory_space<vmem_shared>> -> memref<112x32xbf16, #tpu.memory_space<vmem_shared>>
    %dma_wait3A_403 = arith.constant 0 : i32
    %dma_wait3A_404 = tpu.memref_slice %arg8[%add3A_143, %dma_wait3A_403] : memref<50176x32xbf16, #tpu.memory_space<vmem_shared>> -> memref<112x32xbf16, #tpu.memory_space<vmem_shared>>
    tpu.wait_dma2 semaphore(%arg20 : memref<!tpu.dma_semaphore, #tpu.memory_space<semaphore_mem>>) src(%arg9 : memref<112x32xbf16, #tpu.memory_space<vmem>>) dst(%dma_wait3A_404 : memref<112x32xbf16, #tpu.memory_space<vmem_shared>>)
    %dma_wait3A_405 = tpu.memref_slice %arg21[%add3A_149] : memref<50176xf32, #tpu.memory_space<vmem_shared>> -> memref<112xf32, #tpu.memory_space<vmem_shared>>
    %dma_wait3A_406 = tpu.memref_slice %arg21[%add3A_149] : memref<50176xf32, #tpu.memory_space<vmem_shared>> -> memref<112xf32, #tpu.memory_space<vmem_shared>>
    tpu.wait_dma2 semaphore(%arg20 : memref<!tpu.dma_semaphore, #tpu.memory_space<semaphore_mem>>) src(%arg22 : memref<112xf32, #tpu.memory_space<vmem>>) dst(%dma_wait3A_406 : memref<112xf32, #tpu.memory_space<vmem_shared>>)
    %dma_wait3A_407 = arith.constant 0 : i32
    %dma_wait3A_408 = tpu.memref_slice %arg8[%add3A_153, %dma_wait3A_407] : memref<50176x32xbf16, #tpu.memory_space<vmem_shared>> -> memref<112x32xbf16, #tpu.memory_space<vmem_shared>>
    %dma_wait3A_409 = arith.constant 0 : i32
    %dma_wait3A_410 = tpu.memref_slice %arg8[%add3A_153, %dma_wait3A_409] : memref<50176x32xbf16, #tpu.memory_space<vmem_shared>> -> memref<112x32xbf16, #tpu.memory_space<vmem_shared>>
    tpu.wait_dma2 semaphore(%arg20 : memref<!tpu.dma_semaphore, #tpu.memory_space<semaphore_mem>>) src(%arg9 : memref<112x32xbf16, #tpu.memory_space<vmem>>) dst(%dma_wait3A_410 : memref<112x32xbf16, #tpu.memory_space<vmem_shared>>)
    %dma_wait3A_411 = tpu.memref_slice %arg21[%add3A_159] : memref<50176xf32, #tpu.memory_space<vmem_shared>> -> memref<112xf32, #tpu.memory_space<vmem_shared>>
    %dma_wait3A_412 = tpu.memref_slice %arg21[%add3A_159] : memref<50176xf32, #tpu.memory_space<vmem_shared>> -> memref<112xf32, #tpu.memory_space<vmem_shared>>
    tpu.wait_dma2 semaphore(%arg20 : memref<!tpu.dma_semaphore, #tpu.memory_space<semaphore_mem>>) src(%arg22 : memref<112xf32, #tpu.memory_space<vmem>>) dst(%dma_wait3A_412 : memref<112xf32, #tpu.memory_space<vmem_shared>>)
    %dma_wait3A_413 = arith.constant 0 : i32
    %dma_wait3A_414 = tpu.memref_slice %arg8[%add3A_163, %dma_wait3A_413] : memref<50176x32xbf16, #tpu.memory_space<vmem_shared>> -> memref<112x32xbf16, #tpu.memory_space<vmem_shared>>
    %dma_wait3A_415 = arith.constant 0 : i32
    %dma_wait3A_416 = tpu.memref_slice %arg8[%add3A_163, %dma_wait3A_415] : memref<50176x32xbf16, #tpu.memory_space<vmem_shared>> -> memref<112x32xbf16, #tpu.memory_space<vmem_shared>>
    tpu.wait_dma2 semaphore(%arg20 : memref<!tpu.dma_semaphore, #tpu.memory_space<semaphore_mem>>) src(%arg9 : memref<112x32xbf16, #tpu.memory_space<vmem>>) dst(%dma_wait3A_416 : memref<112x32xbf16, #tpu.memory_space<vmem_shared>>)
    %dma_wait3A_417 = tpu.memref_slice %arg21[%add3A_169] : memref<50176xf32, #tpu.memory_space<vmem_shared>> -> memref<112xf32, #tpu.memory_space<vmem_shared>>
    %dma_wait3A_418 = tpu.memref_slice %arg21[%add3A_169] : memref<50176xf32, #tpu.memory_space<vmem_shared>> -> memref<112xf32, #tpu.memory_space<vmem_shared>>
    tpu.wait_dma2 semaphore(%arg20 : memref<!tpu.dma_semaphore, #tpu.memory_space<semaphore_mem>>) src(%arg22 : memref<112xf32, #tpu.memory_space<vmem>>) dst(%dma_wait3A_418 : memref<112xf32, #tpu.memory_space<vmem_shared>>)
    %dma_wait3A_419 = arith.constant 0 : i32
    %dma_wait3A_420 = tpu.memref_slice %arg8[%add3A_173, %dma_wait3A_419] : memref<50176x32xbf16, #tpu.memory_space<vmem_shared>> -> memref<112x32xbf16, #tpu.memory_space<vmem_shared>>
    %dma_wait3A_421 = arith.constant 0 : i32
    %dma_wait3A_422 = tpu.memref_slice %arg8[%add3A_173, %dma_wait3A_421] : memref<50176x32xbf16, #tpu.memory_space<vmem_shared>> -> memref<112x32xbf16, #tpu.memory_space<vmem_shared>>
    tpu.wait_dma2 semaphore(%arg20 : memref<!tpu.dma_semaphore, #tpu.memory_space<semaphore_mem>>) src(%arg9 : memref<112x32xbf16, #tpu.memory_space<vmem>>) dst(%dma_wait3A_422 : memref<112x32xbf16, #tpu.memory_space<vmem_shared>>)
    %dma_wait3A_423 = tpu.memref_slice %arg21[%add3A_179] : memref<50176xf32, #tpu.memory_space<vmem_shared>> -> memref<112xf32, #tpu.memory_space<vmem_shared>>
    %dma_wait3A_424 = tpu.memref_slice %arg21[%add3A_179] : memref<50176xf32, #tpu.memory_space<vmem_shared>> -> memref<112xf32, #tpu.memory_space<vmem_shared>>
    tpu.wait_dma2 semaphore(%arg20 : memref<!tpu.dma_semaphore, #tpu.memory_space<semaphore_mem>>) src(%arg22 : memref<112xf32, #tpu.memory_space<vmem>>) dst(%dma_wait3A_424 : memref<112xf32, #tpu.memory_space<vmem_shared>>)
    %dma_wait3A_425 = arith.constant 0 : i32
    %dma_wait3A_426 = tpu.memref_slice %arg8[%add3A_183, %dma_wait3A_425] : memref<50176x32xbf16, #tpu.memory_space<vmem_shared>> -> memref<112x32xbf16, #tpu.memory_space<vmem_shared>>
    %dma_wait3A_427 = arith.constant 0 : i32
    %dma_wait3A_428 = tpu.memref_slice %arg8[%add3A_183, %dma_wait3A_427] : memref<50176x32xbf16, #tpu.memory_space<vmem_shared>> -> memref<112x32xbf16, #tpu.memory_space<vmem_shared>>
    tpu.wait_dma2 semaphore(%arg20 : memref<!tpu.dma_semaphore, #tpu.memory_space<semaphore_mem>>) src(%arg9 : memref<112x32xbf16, #tpu.memory_space<vmem>>) dst(%dma_wait3A_428 : memref<112x32xbf16, #tpu.memory_space<vmem_shared>>)
    %dma_wait3A_429 = tpu.memref_slice %arg21[%add3A_189] : memref<50176xf32, #tpu.memory_space<vmem_shared>> -> memref<112xf32, #tpu.memory_space<vmem_shared>>
    %dma_wait3A_430 = tpu.memref_slice %arg21[%add3A_189] : memref<50176xf32, #tpu.memory_space<vmem_shared>> -> memref<112xf32, #tpu.memory_space<vmem_shared>>
    tpu.wait_dma2 semaphore(%arg20 : memref<!tpu.dma_semaphore, #tpu.memory_space<semaphore_mem>>) src(%arg22 : memref<112xf32, #tpu.memory_space<vmem>>) dst(%dma_wait3A_430 : memref<112xf32, #tpu.memory_space<vmem_shared>>)
    %dma_wait3A_431 = arith.constant 0 : i32
    %dma_wait3A_432 = tpu.memref_slice %arg8[%add3A_193, %dma_wait3A_431] : memref<50176x32xbf16, #tpu.memory_space<vmem_shared>> -> memref<112x32xbf16, #tpu.memory_space<vmem_shared>>
    %dma_wait3A_433 = arith.constant 0 : i32
    %dma_wait3A_434 = tpu.memref_slice %arg8[%add3A_193, %dma_wait3A_433] : memref<50176x32xbf16, #tpu.memory_space<vmem_shared>> -> memref<112x32xbf16, #tpu.memory_space<vmem_shared>>
    tpu.wait_dma2 semaphore(%arg20 : memref<!tpu.dma_semaphore, #tpu.memory_space<semaphore_mem>>) src(%arg9 : memref<112x32xbf16, #tpu.memory_space<vmem>>) dst(%dma_wait3A_434 : memref<112x32xbf16, #tpu.memory_space<vmem_shared>>)
    %dma_wait3A_435 = tpu.memref_slice %arg21[%add3A_199] : memref<50176xf32, #tpu.memory_space<vmem_shared>> -> memref<112xf32, #tpu.memory_space<vmem_shared>>
    %dma_wait3A_436 = tpu.memref_slice %arg21[%add3A_199] : memref<50176xf32, #tpu.memory_space<vmem_shared>> -> memref<112xf32, #tpu.memory_space<vmem_shared>>
    tpu.wait_dma2 semaphore(%arg20 : memref<!tpu.dma_semaphore, #tpu.memory_space<semaphore_mem>>) src(%arg22 : memref<112xf32, #tpu.memory_space<vmem>>) dst(%dma_wait3A_436 : memref<112xf32, #tpu.memory_space<vmem_shared>>)
    %dma_wait3A_437 = arith.constant 0 : i32
    %dma_wait3A_438 = tpu.memref_slice %arg8[%add3A_203, %dma_wait3A_437] : memref<50176x32xbf16, #tpu.memory_space<vmem_shared>> -> memref<112x32xbf16, #tpu.memory_space<vmem_shared>>
    %dma_wait3A_439 = arith.constant 0 : i32
    %dma_wait3A_440 = tpu.memref_slice %arg8[%add3A_203, %dma_wait3A_439] : memref<50176x32xbf16, #tpu.memory_space<vmem_shared>> -> memref<112x32xbf16, #tpu.memory_space<vmem_shared>>
    tpu.wait_dma2 semaphore(%arg20 : memref<!tpu.dma_semaphore, #tpu.memory_space<semaphore_mem>>) src(%arg9 : memref<112x32xbf16, #tpu.memory_space<vmem>>) dst(%dma_wait3A_440 : memref<112x32xbf16, #tpu.memory_space<vmem_shared>>)
    %dma_wait3A_441 = tpu.memref_slice %arg21[%add3A_209] : memref<50176xf32, #tpu.memory_space<vmem_shared>> -> memref<112xf32, #tpu.memory_space<vmem_shared>>
    %dma_wait3A_442 = tpu.memref_slice %arg21[%add3A_209] : memref<50176xf32, #tpu.memory_space<vmem_shared>> -> memref<112xf32, #tpu.memory_space<vmem_shared>>
    tpu.wait_dma2 semaphore(%arg20 : memref<!tpu.dma_semaphore, #tpu.memory_space<semaphore_mem>>) src(%arg22 : memref<112xf32, #tpu.memory_space<vmem>>) dst(%dma_wait3A_442 : memref<112xf32, #tpu.memory_space<vmem_shared>>)
    %dma_wait3A_443 = arith.constant 0 : i32
    %dma_wait3A_444 = tpu.memref_slice %arg8[%add3A_213, %dma_wait3A_443] : memref<50176x32xbf16, #tpu.memory_space<vmem_shared>> -> memref<112x32xbf16, #tpu.memory_space<vmem_shared>>
    %dma_wait3A_445 = arith.constant 0 : i32
    %dma_wait3A_446 = tpu.memref_slice %arg8[%add3A_213, %dma_wait3A_445] : memref<50176x32xbf16, #tpu.memory_space<vmem_shared>> -> memref<112x32xbf16, #tpu.memory_space<vmem_shared>>
    tpu.wait_dma2 semaphore(%arg20 : memref<!tpu.dma_semaphore, #tpu.memory_space<semaphore_mem>>) src(%arg9 : memref<112x32xbf16, #tpu.memory_space<vmem>>) dst(%dma_wait3A_446 : memref<112x32xbf16, #tpu.memory_space<vmem_shared>>)
    %dma_wait3A_447 = tpu.memref_slice %arg21[%add3A_219] : memref<50176xf32, #tpu.memory_space<vmem_shared>> -> memref<112xf32, #tpu.memory_space<vmem_shared>>
    %dma_wait3A_448 = tpu.memref_slice %arg21[%add3A_219] : memref<50176xf32, #tpu.memory_space<vmem_shared>> -> memref<112xf32, #tpu.memory_space<vmem_shared>>
    tpu.wait_dma2 semaphore(%arg20 : memref<!tpu.dma_semaphore, #tpu.memory_space<semaphore_mem>>) src(%arg22 : memref<112xf32, #tpu.memory_space<vmem>>) dst(%dma_wait3A_448 : memref<112xf32, #tpu.memory_space<vmem_shared>>)
    %dma_wait3A_449 = arith.constant 0 : i32
    %dma_wait3A_450 = tpu.memref_slice %arg8[%add3A_223, %dma_wait3A_449] : memref<50176x32xbf16, #tpu.memory_space<vmem_shared>> -> memref<112x32xbf16, #tpu.memory_space<vmem_shared>>
    %dma_wait3A_451 = arith.constant 0 : i32
    %dma_wait3A_452 = tpu.memref_slice %arg8[%add3A_223, %dma_wait3A_451] : memref<50176x32xbf16, #tpu.memory_space<vmem_shared>> -> memref<112x32xbf16, #tpu.memory_space<vmem_shared>>
    tpu.wait_dma2 semaphore(%arg20 : memref<!tpu.dma_semaphore, #tpu.memory_space<semaphore_mem>>) src(%arg9 : memref<112x32xbf16, #tpu.memory_space<vmem>>) dst(%dma_wait3A_452 : memref<112x32xbf16, #tpu.memory_space<vmem_shared>>)
    %dma_wait3A_453 = tpu.memref_slice %arg21[%add3A_229] : memref<50176xf32, #tpu.memory_space<vmem_shared>> -> memref<112xf32, #tpu.memory_space<vmem_shared>>
    %dma_wait3A_454 = tpu.memref_slice %arg21[%add3A_229] : memref<50176xf32, #tpu.memory_space<vmem_shared>> -> memref<112xf32, #tpu.memory_space<vmem_shared>>
    tpu.wait_dma2 semaphore(%arg20 : memref<!tpu.dma_semaphore, #tpu.memory_space<semaphore_mem>>) src(%arg22 : memref<112xf32, #tpu.memory_space<vmem>>) dst(%dma_wait3A_454 : memref<112xf32, #tpu.memory_space<vmem_shared>>)
    %dma_wait3A_455 = arith.constant 0 : i32
    %dma_wait3A_456 = tpu.memref_slice %arg8[%add3A_233, %dma_wait3A_455] : memref<50176x32xbf16, #tpu.memory_space<vmem_shared>> -> memref<112x32xbf16, #tpu.memory_space<vmem_shared>>
    %dma_wait3A_457 = arith.constant 0 : i32
    %dma_wait3A_458 = tpu.memref_slice %arg8[%add3A_233, %dma_wait3A_457] : memref<50176x32xbf16, #tpu.memory_space<vmem_shared>> -> memref<112x32xbf16, #tpu.memory_space<vmem_shared>>
    tpu.wait_dma2 semaphore(%arg20 : memref<!tpu.dma_semaphore, #tpu.memory_space<semaphore_mem>>) src(%arg9 : memref<112x32xbf16, #tpu.memory_space<vmem>>) dst(%dma_wait3A_458 : memref<112x32xbf16, #tpu.memory_space<vmem_shared>>)
    %dma_wait3A_459 = tpu.memref_slice %arg21[%add3A_239] : memref<50176xf32, #tpu.memory_space<vmem_shared>> -> memref<112xf32, #tpu.memory_space<vmem_shared>>
    %dma_wait3A_460 = tpu.memref_slice %arg21[%add3A_239] : memref<50176xf32, #tpu.memory_space<vmem_shared>> -> memref<112xf32, #tpu.memory_space<vmem_shared>>
    tpu.wait_dma2 semaphore(%arg20 : memref<!tpu.dma_semaphore, #tpu.memory_space<semaphore_mem>>) src(%arg22 : memref<112xf32, #tpu.memory_space<vmem>>) dst(%dma_wait3A_460 : memref<112xf32, #tpu.memory_space<vmem_shared>>)
    %dma_wait3A_461 = arith.constant 0 : i32
    %dma_wait3A_462 = tpu.memref_slice %arg8[%add3A_243, %dma_wait3A_461] : memref<50176x32xbf16, #tpu.memory_space<vmem_shared>> -> memref<112x32xbf16, #tpu.memory_space<vmem_shared>>
    %dma_wait3A_463 = arith.constant 0 : i32
    %dma_wait3A_464 = tpu.memref_slice %arg8[%add3A_243, %dma_wait3A_463] : memref<50176x32xbf16, #tpu.memory_space<vmem_shared>> -> memref<112x32xbf16, #tpu.memory_space<vmem_shared>>
    tpu.wait_dma2 semaphore(%arg20 : memref<!tpu.dma_semaphore, #tpu.memory_space<semaphore_mem>>) src(%arg9 : memref<112x32xbf16, #tpu.memory_space<vmem>>) dst(%dma_wait3A_464 : memref<112x32xbf16, #tpu.memory_space<vmem_shared>>)
    %dma_wait3A_465 = tpu.memref_slice %arg21[%add3A_249] : memref<50176xf32, #tpu.memory_space<vmem_shared>> -> memref<112xf32, #tpu.memory_space<vmem_shared>>
    %dma_wait3A_466 = tpu.memref_slice %arg21[%add3A_249] : memref<50176xf32, #tpu.memory_space<vmem_shared>> -> memref<112xf32, #tpu.memory_space<vmem_shared>>
    tpu.wait_dma2 semaphore(%arg20 : memref<!tpu.dma_semaphore, #tpu.memory_space<semaphore_mem>>) src(%arg22 : memref<112xf32, #tpu.memory_space<vmem>>) dst(%dma_wait3A_466 : memref<112xf32, #tpu.memory_space<vmem_shared>>)
    %dma_wait3A_467 = arith.constant 0 : i32
    %dma_wait3A_468 = tpu.memref_slice %arg8[%add3A_253, %dma_wait3A_467] : memref<50176x32xbf16, #tpu.memory_space<vmem_shared>> -> memref<112x32xbf16, #tpu.memory_space<vmem_shared>>
    %dma_wait3A_469 = arith.constant 0 : i32
    %dma_wait3A_470 = tpu.memref_slice %arg8[%add3A_253, %dma_wait3A_469] : memref<50176x32xbf16, #tpu.memory_space<vmem_shared>> -> memref<112x32xbf16, #tpu.memory_space<vmem_shared>>
    tpu.wait_dma2 semaphore(%arg20 : memref<!tpu.dma_semaphore, #tpu.memory_space<semaphore_mem>>) src(%arg9 : memref<112x32xbf16, #tpu.memory_space<vmem>>) dst(%dma_wait3A_470 : memref<112x32xbf16, #tpu.memory_space<vmem_shared>>)
    %dma_wait3A_471 = tpu.memref_slice %arg21[%add3A_259] : memref<50176xf32, #tpu.memory_space<vmem_shared>> -> memref<112xf32, #tpu.memory_space<vmem_shared>>
    %dma_wait3A_472 = tpu.memref_slice %arg21[%add3A_259] : memref<50176xf32, #tpu.memory_space<vmem_shared>> -> memref<112xf32, #tpu.memory_space<vmem_shared>>
    tpu.wait_dma2 semaphore(%arg20 : memref<!tpu.dma_semaphore, #tpu.memory_space<semaphore_mem>>) src(%arg22 : memref<112xf32, #tpu.memory_space<vmem>>) dst(%dma_wait3A_472 : memref<112xf32, #tpu.memory_space<vmem_shared>>)
    %dma_wait3A_473 = arith.constant 0 : i32
    %dma_wait3A_474 = tpu.memref_slice %arg8[%add3A_263, %dma_wait3A_473] : memref<50176x32xbf16, #tpu.memory_space<vmem_shared>> -> memref<112x32xbf16, #tpu.memory_space<vmem_shared>>
    %dma_wait3A_475 = arith.constant 0 : i32
    %dma_wait3A_476 = tpu.memref_slice %arg8[%add3A_263, %dma_wait3A_475] : memref<50176x32xbf16, #tpu.memory_space<vmem_shared>> -> memref<112x32xbf16, #tpu.memory_space<vmem_shared>>
    tpu.wait_dma2 semaphore(%arg20 : memref<!tpu.dma_semaphore, #tpu.memory_space<semaphore_mem>>) src(%arg9 : memref<112x32xbf16, #tpu.memory_space<vmem>>) dst(%dma_wait3A_476 : memref<112x32xbf16, #tpu.memory_space<vmem_shared>>)
    %dma_wait3A_477 = tpu.memref_slice %arg21[%add3A_269] : memref<50176xf32, #tpu.memory_space<vmem_shared>> -> memref<112xf32, #tpu.memory_space<vmem_shared>>
    %dma_wait3A_478 = tpu.memref_slice %arg21[%add3A_269] : memref<50176xf32, #tpu.memory_space<vmem_shared>> -> memref<112xf32, #tpu.memory_space<vmem_shared>>
    tpu.wait_dma2 semaphore(%arg20 : memref<!tpu.dma_semaphore, #tpu.memory_space<semaphore_mem>>) src(%arg22 : memref<112xf32, #tpu.memory_space<vmem>>) dst(%dma_wait3A_478 : memref<112xf32, #tpu.memory_space<vmem_shared>>)
    %dma_wait3A_479 = arith.constant 0 : i32
    %dma_wait3A_480 = tpu.memref_slice %arg8[%add3A_273, %dma_wait3A_479] : memref<50176x32xbf16, #tpu.memory_space<vmem_shared>> -> memref<112x32xbf16, #tpu.memory_space<vmem_shared>>
    %dma_wait3A_481 = arith.constant 0 : i32
    %dma_wait3A_482 = tpu.memref_slice %arg8[%add3A_273, %dma_wait3A_481] : memref<50176x32xbf16, #tpu.memory_space<vmem_shared>> -> memref<112x32xbf16, #tpu.memory_space<vmem_shared>>
    tpu.wait_dma2 semaphore(%arg20 : memref<!tpu.dma_semaphore, #tpu.memory_space<semaphore_mem>>) src(%arg9 : memref<112x32xbf16, #tpu.memory_space<vmem>>) dst(%dma_wait3A_482 : memref<112x32xbf16, #tpu.memory_space<vmem_shared>>)
    %dma_wait3A_483 = tpu.memref_slice %arg21[%add3A_279] : memref<50176xf32, #tpu.memory_space<vmem_shared>> -> memref<112xf32, #tpu.memory_space<vmem_shared>>
    %dma_wait3A_484 = tpu.memref_slice %arg21[%add3A_279] : memref<50176xf32, #tpu.memory_space<vmem_shared>> -> memref<112xf32, #tpu.memory_space<vmem_shared>>
    tpu.wait_dma2 semaphore(%arg20 : memref<!tpu.dma_semaphore, #tpu.memory_space<semaphore_mem>>) src(%arg22 : memref<112xf32, #tpu.memory_space<vmem>>) dst(%dma_wait3A_484 : memref<112xf32, #tpu.memory_space<vmem_shared>>)
    %dma_wait3A_485 = arith.constant 0 : i32
    %dma_wait3A_486 = tpu.memref_slice %arg8[%add3A_283, %dma_wait3A_485] : memref<50176x32xbf16, #tpu.memory_space<vmem_shared>> -> memref<112x32xbf16, #tpu.memory_space<vmem_shared>>
    %dma_wait3A_487 = arith.constant 0 : i32
    %dma_wait3A_488 = tpu.memref_slice %arg8[%add3A_283, %dma_wait3A_487] : memref<50176x32xbf16, #tpu.memory_space<vmem_shared>> -> memref<112x32xbf16, #tpu.memory_space<vmem_shared>>
    tpu.wait_dma2 semaphore(%arg20 : memref<!tpu.dma_semaphore, #tpu.memory_space<semaphore_mem>>) src(%arg9 : memref<112x32xbf16, #tpu.memory_space<vmem>>) dst(%dma_wait3A_488 : memref<112x32xbf16, #tpu.memory_space<vmem_shared>>)
    %dma_wait3A_489 = tpu.memref_slice %arg21[%add3A_289] : memref<50176xf32, #tpu.memory_space<vmem_shared>> -> memref<112xf32, #tpu.memory_space<vmem_shared>>
    %dma_wait3A_490 = tpu.memref_slice %arg21[%add3A_289] : memref<50176xf32, #tpu.memory_space<vmem_shared>> -> memref<112xf32, #tpu.memory_space<vmem_shared>>
    tpu.wait_dma2 semaphore(%arg20 : memref<!tpu.dma_semaphore, #tpu.memory_space<semaphore_mem>>) src(%arg22 : memref<112xf32, #tpu.memory_space<vmem>>) dst(%dma_wait3A_490 : memref<112xf32, #tpu.memory_space<vmem_shared>>)
    %dma_wait3A_491 = arith.constant 0 : i32
    %dma_wait3A_492 = tpu.memref_slice %arg8[%add3A_293, %dma_wait3A_491] : memref<50176x32xbf16, #tpu.memory_space<vmem_shared>> -> memref<112x32xbf16, #tpu.memory_space<vmem_shared>>
    %dma_wait3A_493 = arith.constant 0 : i32
    %dma_wait3A_494 = tpu.memref_slice %arg8[%add3A_293, %dma_wait3A_493] : memref<50176x32xbf16, #tpu.memory_space<vmem_shared>> -> memref<112x32xbf16, #tpu.memory_space<vmem_shared>>
    tpu.wait_dma2 semaphore(%arg20 : memref<!tpu.dma_semaphore, #tpu.memory_space<semaphore_mem>>) src(%arg9 : memref<112x32xbf16, #tpu.memory_space<vmem>>) dst(%dma_wait3A_494 : memref<112x32xbf16, #tpu.memory_space<vmem_shared>>)
    %dma_wait3A_495 = tpu.memref_slice %arg21[%add3A_299] : memref<50176xf32, #tpu.memory_space<vmem_shared>> -> memref<112xf32, #tpu.memory_space<vmem_shared>>
    %dma_wait3A_496 = tpu.memref_slice %arg21[%add3A_299] : memref<50176xf32, #tpu.memory_space<vmem_shared>> -> memref<112xf32, #tpu.memory_space<vmem_shared>>
    tpu.wait_dma2 semaphore(%arg20 : memref<!tpu.dma_semaphore, #tpu.memory_space<semaphore_mem>>) src(%arg22 : memref<112xf32, #tpu.memory_space<vmem>>) dst(%dma_wait3A_496 : memref<112xf32, #tpu.memory_space<vmem_shared>>)
    %dma_wait3A_497 = arith.constant 0 : i32
    %dma_wait3A_498 = tpu.memref_slice %arg8[%add3A_303, %dma_wait3A_497] : memref<50176x32xbf16, #tpu.memory_space<vmem_shared>> -> memref<112x32xbf16, #tpu.memory_space<vmem_shared>>
    %dma_wait3A_499 = arith.constant 0 : i32
    %dma_wait3A_500 = tpu.memref_slice %arg8[%add3A_303, %dma_wait3A_499] : memref<50176x32xbf16, #tpu.memory_space<vmem_shared>> -> memref<112x32xbf16, #tpu.memory_space<vmem_shared>>
    tpu.wait_dma2 semaphore(%arg20 : memref<!tpu.dma_semaphore, #tpu.memory_space<semaphore_mem>>) src(%arg9 : memref<112x32xbf16, #tpu.memory_space<vmem>>) dst(%dma_wait3A_500 : memref<112x32xbf16, #tpu.memory_space<vmem_shared>>)
    %dma_wait3A_501 = tpu.memref_slice %arg21[%add3A_309] : memref<50176xf32, #tpu.memory_space<vmem_shared>> -> memref<112xf32, #tpu.memory_space<vmem_shared>>
    %dma_wait3A_502 = tpu.memref_slice %arg21[%add3A_309] : memref<50176xf32, #tpu.memory_space<vmem_shared>> -> memref<112xf32, #tpu.memory_space<vmem_shared>>
    tpu.wait_dma2 semaphore(%arg20 : memref<!tpu.dma_semaphore, #tpu.memory_space<semaphore_mem>>) src(%arg22 : memref<112xf32, #tpu.memory_space<vmem>>) dst(%dma_wait3A_502 : memref<112xf32, #tpu.memory_space<vmem_shared>>)
    %dma_wait3A_503 = arith.constant 0 : i32
    %dma_wait3A_504 = tpu.memref_slice %arg8[%add3A_313, %dma_wait3A_503] : memref<50176x32xbf16, #tpu.memory_space<vmem_shared>> -> memref<112x32xbf16, #tpu.memory_space<vmem_shared>>
    %dma_wait3A_505 = arith.constant 0 : i32
    %dma_wait3A_506 = tpu.memref_slice %arg8[%add3A_313, %dma_wait3A_505] : memref<50176x32xbf16, #tpu.memory_space<vmem_shared>> -> memref<112x32xbf16, #tpu.memory_space<vmem_shared>>
    tpu.wait_dma2 semaphore(%arg20 : memref<!tpu.dma_semaphore, #tpu.memory_space<semaphore_mem>>) src(%arg9 : memref<112x32xbf16, #tpu.memory_space<vmem>>) dst(%dma_wait3A_506 : memref<112x32xbf16, #tpu.memory_space<vmem_shared>>)
    %dma_wait3A_507 = tpu.memref_slice %arg21[%add3A_319] : memref<50176xf32, #tpu.memory_space<vmem_shared>> -> memref<112xf32, #tpu.memory_space<vmem_shared>>
    %dma_wait3A_508 = tpu.memref_slice %arg21[%add3A_319] : memref<50176xf32, #tpu.memory_space<vmem_shared>> -> memref<112xf32, #tpu.memory_space<vmem_shared>>
    tpu.wait_dma2 semaphore(%arg20 : memref<!tpu.dma_semaphore, #tpu.memory_space<semaphore_mem>>) src(%arg22 : memref<112xf32, #tpu.memory_space<vmem>>) dst(%dma_wait3A_508 : memref<112xf32, #tpu.memory_space<vmem_shared>>)
    %dma_wait3A_509 = arith.constant 0 : i32
    %dma_wait3A_510 = tpu.memref_slice %arg8[%add3A_323, %dma_wait3A_509] : memref<50176x32xbf16, #tpu.memory_space<vmem_shared>> -> memref<112x32xbf16, #tpu.memory_space<vmem_shared>>
    %dma_wait3A_511 = arith.constant 0 : i32
    %dma_wait3A_512 = tpu.memref_slice %arg8[%add3A_323, %dma_wait3A_511] : memref<50176x32xbf16, #tpu.memory_space<vmem_shared>> -> memref<112x32xbf16, #tpu.memory_space<vmem_shared>>
    tpu.wait_dma2 semaphore(%arg20 : memref<!tpu.dma_semaphore, #tpu.memory_space<semaphore_mem>>) src(%arg9 : memref<112x32xbf16, #tpu.memory_space<vmem>>) dst(%dma_wait3A_512 : memref<112x32xbf16, #tpu.memory_space<vmem_shared>>)
    %dma_wait3A_513 = tpu.memref_slice %arg21[%add3A_329] : memref<50176xf32, #tpu.memory_space<vmem_shared>> -> memref<112xf32, #tpu.memory_space<vmem_shared>>
    %dma_wait3A_514 = tpu.memref_slice %arg21[%add3A_329] : memref<50176xf32, #tpu.memory_space<vmem_shared>> -> memref<112xf32, #tpu.memory_space<vmem_shared>>
    tpu.wait_dma2 semaphore(%arg20 : memref<!tpu.dma_semaphore, #tpu.memory_space<semaphore_mem>>) src(%arg22 : memref<112xf32, #tpu.memory_space<vmem>>) dst(%dma_wait3A_514 : memref<112xf32, #tpu.memory_space<vmem_shared>>)
    %dma_wait3A_515 = arith.constant 0 : i32
    %dma_wait3A_516 = tpu.memref_slice %arg8[%add3A_333, %dma_wait3A_515] : memref<50176x32xbf16, #tpu.memory_space<vmem_shared>> -> memref<112x32xbf16, #tpu.memory_space<vmem_shared>>
    %dma_wait3A_517 = arith.constant 0 : i32
    %dma_wait3A_518 = tpu.memref_slice %arg8[%add3A_333, %dma_wait3A_517] : memref<50176x32xbf16, #tpu.memory_space<vmem_shared>> -> memref<112x32xbf16, #tpu.memory_space<vmem_shared>>
    tpu.wait_dma2 semaphore(%arg20 : memref<!tpu.dma_semaphore, #tpu.memory_space<semaphore_mem>>) src(%arg9 : memref<112x32xbf16, #tpu.memory_space<vmem>>) dst(%dma_wait3A_518 : memref<112x32xbf16, #tpu.memory_space<vmem_shared>>)
    %dma_wait3A_519 = tpu.memref_slice %arg21[%add3A_339] : memref<50176xf32, #tpu.memory_space<vmem_shared>> -> memref<112xf32, #tpu.memory_space<vmem_shared>>
    %dma_wait3A_520 = tpu.memref_slice %arg21[%add3A_339] : memref<50176xf32, #tpu.memory_space<vmem_shared>> -> memref<112xf32, #tpu.memory_space<vmem_shared>>
    tpu.wait_dma2 semaphore(%arg20 : memref<!tpu.dma_semaphore, #tpu.memory_space<semaphore_mem>>) src(%arg22 : memref<112xf32, #tpu.memory_space<vmem>>) dst(%dma_wait3A_520 : memref<112xf32, #tpu.memory_space<vmem_shared>>)
    %dma_wait3A_521 = arith.constant 0 : i32
    %dma_wait3A_522 = tpu.memref_slice %arg8[%add3A_343, %dma_wait3A_521] : memref<50176x32xbf16, #tpu.memory_space<vmem_shared>> -> memref<112x32xbf16, #tpu.memory_space<vmem_shared>>
    %dma_wait3A_523 = arith.constant 0 : i32
    %dma_wait3A_524 = tpu.memref_slice %arg8[%add3A_343, %dma_wait3A_523] : memref<50176x32xbf16, #tpu.memory_space<vmem_shared>> -> memref<112x32xbf16, #tpu.memory_space<vmem_shared>>
    tpu.wait_dma2 semaphore(%arg20 : memref<!tpu.dma_semaphore, #tpu.memory_space<semaphore_mem>>) src(%arg9 : memref<112x32xbf16, #tpu.memory_space<vmem>>) dst(%dma_wait3A_524 : memref<112x32xbf16, #tpu.memory_space<vmem_shared>>)
    %dma_wait3A_525 = tpu.memref_slice %arg21[%add3A_349] : memref<50176xf32, #tpu.memory_space<vmem_shared>> -> memref<112xf32, #tpu.memory_space<vmem_shared>>
    %dma_wait3A_526 = tpu.memref_slice %arg21[%add3A_349] : memref<50176xf32, #tpu.memory_space<vmem_shared>> -> memref<112xf32, #tpu.memory_space<vmem_shared>>
    tpu.wait_dma2 semaphore(%arg20 : memref<!tpu.dma_semaphore, #tpu.memory_space<semaphore_mem>>) src(%arg22 : memref<112xf32, #tpu.memory_space<vmem>>) dst(%dma_wait3A_526 : memref<112xf32, #tpu.memory_space<vmem_shared>>)
    %dma_wait3A_527 = arith.constant 0 : i32
    %dma_wait3A_528 = tpu.memref_slice %arg8[%add3A_353, %dma_wait3A_527] : memref<50176x32xbf16, #tpu.memory_space<vmem_shared>> -> memref<112x32xbf16, #tpu.memory_space<vmem_shared>>
    %dma_wait3A_529 = arith.constant 0 : i32
    %dma_wait3A_530 = tpu.memref_slice %arg8[%add3A_353, %dma_wait3A_529] : memref<50176x32xbf16, #tpu.memory_space<vmem_shared>> -> memref<112x32xbf16, #tpu.memory_space<vmem_shared>>
    tpu.wait_dma2 semaphore(%arg20 : memref<!tpu.dma_semaphore, #tpu.memory_space<semaphore_mem>>) src(%arg9 : memref<112x32xbf16, #tpu.memory_space<vmem>>) dst(%dma_wait3A_530 : memref<112x32xbf16, #tpu.memory_space<vmem_shared>>)
    %dma_wait3A_531 = tpu.memref_slice %arg21[%add3A_359] : memref<50176xf32, #tpu.memory_space<vmem_shared>> -> memref<112xf32, #tpu.memory_space<vmem_shared>>
    %dma_wait3A_532 = tpu.memref_slice %arg21[%add3A_359] : memref<50176xf32, #tpu.memory_space<vmem_shared>> -> memref<112xf32, #tpu.memory_space<vmem_shared>>
    tpu.wait_dma2 semaphore(%arg20 : memref<!tpu.dma_semaphore, #tpu.memory_space<semaphore_mem>>) src(%arg22 : memref<112xf32, #tpu.memory_space<vmem>>) dst(%dma_wait3A_532 : memref<112xf32, #tpu.memory_space<vmem_shared>>)
    %dma_wait3A_533 = arith.constant 0 : i32
    %dma_wait3A_534 = tpu.memref_slice %arg8[%add3A_363, %dma_wait3A_533] : memref<50176x32xbf16, #tpu.memory_space<vmem_shared>> -> memref<112x32xbf16, #tpu.memory_space<vmem_shared>>
    %dma_wait3A_535 = arith.constant 0 : i32
    %dma_wait3A_536 = tpu.memref_slice %arg8[%add3A_363, %dma_wait3A_535] : memref<50176x32xbf16, #tpu.memory_space<vmem_shared>> -> memref<112x32xbf16, #tpu.memory_space<vmem_shared>>
    tpu.wait_dma2 semaphore(%arg20 : memref<!tpu.dma_semaphore, #tpu.memory_space<semaphore_mem>>) src(%arg9 : memref<112x32xbf16, #tpu.memory_space<vmem>>) dst(%dma_wait3A_536 : memref<112x32xbf16, #tpu.memory_space<vmem_shared>>)
    %dma_wait3A_537 = tpu.memref_slice %arg21[%add3A_369] : memref<50176xf32, #tpu.memory_space<vmem_shared>> -> memref<112xf32, #tpu.memory_space<vmem_shared>>
    %dma_wait3A_538 = tpu.memref_slice %arg21[%add3A_369] : memref<50176xf32, #tpu.memory_space<vmem_shared>> -> memref<112xf32, #tpu.memory_space<vmem_shared>>
    tpu.wait_dma2 semaphore(%arg20 : memref<!tpu.dma_semaphore, #tpu.memory_space<semaphore_mem>>) src(%arg22 : memref<112xf32, #tpu.memory_space<vmem>>) dst(%dma_wait3A_538 : memref<112xf32, #tpu.memory_space<vmem_shared>>)
    %barrier3A = arith.constant 0 : index
    tpu.barrier barrier_id(%barrier3A)
    %add3A_539 = arith.constant 0 : i32
    %add3A_540 = arith.addi %mul3A_4, %add3A_539 : i32
    %mul3A_541 = arith.constant 512 : i32
    %mul3A_542 = arith.muli %add3A_540, %mul3A_541 : i32
    %mul3A_543 = arith.constant 4 : i32
    %mul3A_544 = arith.muli %add3A_540, %mul3A_543 : i32
    %dma_start3A_545 = tpu.memref_slice %arg3[%mul3A_542] : memref<819200xi32, #tpu.memory_space<hbm>> -> memref<512xi32, #tpu.memory_space<hbm>>
    %dma_start3A_546 = tpu.memref_slice %arg3[%mul3A_542] : memref<819200xi32, #tpu.memory_space<hbm>> -> memref<512xi32, #tpu.memory_space<hbm>>
    tpu.enqueue_dma source(%dma_start3A_546 : memref<512xi32, #tpu.memory_space<hbm>>) target(%arg10 : memref<512xi32, #tpu.memory_space<vmem>>) target_semaphore(%arg16 : memref<!tpu.dma_semaphore, #tpu.memory_space<semaphore_mem>>)
    %dma_start3A_547 = arith.constant 0 : i32
    %dma_start3A_548 = tpu.memref_slice %arg4[%mul3A_544, %dma_start3A_547] : memref<6400x128xi32, #tpu.memory_space<hbm>> -> memref<4x128xi32, #tpu.memory_space<hbm>>
    %dma_start3A_549 = arith.constant 0 : i32
    %dma_start3A_550 = tpu.memref_slice %arg4[%mul3A_544, %dma_start3A_549] : memref<6400x128xi32, #tpu.memory_space<hbm>> -> memref<4x128xi32, #tpu.memory_space<hbm>>
    tpu.enqueue_dma source(%dma_start3A_550 : memref<4x128xi32, #tpu.memory_space<hbm>>) target(%arg12 : memref<4x128xi32, #tpu.memory_space<vmem>>) target_semaphore(%arg16 : memref<!tpu.dma_semaphore, #tpu.memory_space<semaphore_mem>>)
    %add3A_551 = arith.constant 1 : i32
    %add3A_552 = arith.addi %mul3A_4, %add3A_551 : i32
    %mul3A_553 = arith.constant 512 : i32
    %mul3A_554 = arith.muli %add3A_552, %mul3A_553 : i32
    %mul3A_555 = arith.constant 4 : i32
    %mul3A_556 = arith.muli %add3A_552, %mul3A_555 : i32
    %dma_start3A_557 = tpu.memref_slice %arg3[%mul3A_554] : memref<819200xi32, #tpu.memory_space<hbm>> -> memref<512xi32, #tpu.memory_space<hbm>>
    %dma_start3A_558 = tpu.memref_slice %arg3[%mul3A_554] : memref<819200xi32, #tpu.memory_space<hbm>> -> memref<512xi32, #tpu.memory_space<hbm>>
    tpu.enqueue_dma source(%dma_start3A_558 : memref<512xi32, #tpu.memory_space<hbm>>) target(%arg11 : memref<512xi32, #tpu.memory_space<vmem>>) target_semaphore(%arg17 : memref<!tpu.dma_semaphore, #tpu.memory_space<semaphore_mem>>)
    %dma_start3A_559 = arith.constant 0 : i32
    %dma_start3A_560 = tpu.memref_slice %arg4[%mul3A_556, %dma_start3A_559] : memref<6400x128xi32, #tpu.memory_space<hbm>> -> memref<4x128xi32, #tpu.memory_space<hbm>>
    %dma_start3A_561 = arith.constant 0 : i32
    %dma_start3A_562 = tpu.memref_slice %arg4[%mul3A_556, %dma_start3A_561] : memref<6400x128xi32, #tpu.memory_space<hbm>> -> memref<4x128xi32, #tpu.memory_space<hbm>>
    tpu.enqueue_dma source(%dma_start3A_562 : memref<4x128xi32, #tpu.memory_space<hbm>>) target(%arg13 : memref<4x128xi32, #tpu.memory_space<vmem>>) target_semaphore(%arg17 : memref<!tpu.dma_semaphore, #tpu.memory_space<semaphore_mem>>)
    %add3A_563 = arith.constant 0 : i32
    %add3A_564 = arith.addi %mul3A_4, %add3A_563 : i32
    %mul3A_565 = arith.constant 512 : i32
    %mul3A_566 = arith.muli %add3A_564, %mul3A_565 : i32
    %mul3A_567 = arith.constant 4 : i32
    %mul3A_568 = arith.muli %add3A_564, %mul3A_567 : i32
    %dma_wait3A_569 = tpu.memref_slice %arg3[%mul3A_566] : memref<819200xi32, #tpu.memory_space<hbm>> -> memref<512xi32, #tpu.memory_space<hbm>>
    %dma_wait3A_570 = tpu.memref_slice %arg3[%mul3A_566] : memref<819200xi32, #tpu.memory_space<hbm>> -> memref<512xi32, #tpu.memory_space<hbm>>
    tpu.wait_dma2 semaphore(%arg16 : memref<!tpu.dma_semaphore, #tpu.memory_space<semaphore_mem>>) src(%dma_wait3A_570 : memref<512xi32, #tpu.memory_space<hbm>>) dst(%arg10 : memref<512xi32, #tpu.memory_space<vmem>>)
    %dma_wait3A_571 = arith.constant 0 : i32
    %dma_wait3A_572 = tpu.memref_slice %arg4[%mul3A_568, %dma_wait3A_571] : memref<6400x128xi32, #tpu.memory_space<hbm>> -> memref<4x128xi32, #tpu.memory_space<hbm>>
    %dma_wait3A_573 = arith.constant 0 : i32
    %dma_wait3A_574 = tpu.memref_slice %arg4[%mul3A_568, %dma_wait3A_573] : memref<6400x128xi32, #tpu.memory_space<hbm>> -> memref<4x128xi32, #tpu.memory_space<hbm>>
    tpu.wait_dma2 semaphore(%arg16 : memref<!tpu.dma_semaphore, #tpu.memory_space<semaphore_mem>>) src(%dma_wait3A_574 : memref<4x128xi32, #tpu.memory_space<hbm>>) dst(%arg12 : memref<4x128xi32, #tpu.memory_space<vmem>>)
    %dma_start3A_575 = arith.constant 0 : i32
    %dma_start3A_576 = arith.constant 0 : i32
    %dma_start3A_577 = tpu.memref_slice %arg2[%dma_start3A_575, %dma_start3A_576] : memref<50176x32xbf16, #tpu.memory_space<hbm>> -> memref<50176x32xbf16, #tpu.memory_space<hbm>>
    tpu.enqueue_indirect_dma source(%dma_start3A_577 : memref<50176x32xbf16, #tpu.memory_space<hbm>>) target(%arg14 : memref<512x32xbf16, #tpu.memory_space<vmem>>) offsets(%arg10 : memref<512xi32, #tpu.memory_space<vmem>>) semaphore(%arg18 : memref<!tpu.dma_semaphore, #tpu.memory_space<semaphore_mem>>)
    %scan3A = arith.constant 0 : i32
    %scan3A_578 = arith.constant 0 : i32
    %scan3A_579 = arith.constant 25 : i32
    %scan3A_580 = arith.addi %scan3A_578, %scan3A_579 : i32
    %scan3A_581 = arith.constant 1 : i32
    %scan3A_582 = scf.for %scan3A_585 = %scan3A_578 to %scan3A_580 step %scan3A_581 iter_args(%scan3A_586 = %scan3A) -> (i32)  : i32 {
      %mul3A_587 = arith.constant 2 : i32
      %mul3A_588 = arith.muli %mul3A_587, %scan3A_585 : i32
      %add3A_589 = arith.addi %mul3A_4, %mul3A_588 : i32
      %add3A_590 = arith.constant 1 : i32
      %add3A_591 = arith.addi %add3A_589, %add3A_590 : i32
      %mul3A_592 = arith.constant 512 : i32
      %mul3A_593 = arith.muli %add3A_591, %mul3A_592 : i32
      %mul3A_594 = arith.constant 4 : i32
      %mul3A_595 = arith.muli %add3A_591, %mul3A_594 : i32
      %dma_wait3A_596 = tpu.memref_slice %arg3[%mul3A_593] : memref<819200xi32, #tpu.memory_space<hbm>> -> memref<512xi32, #tpu.memory_space<hbm>>
      %dma_wait3A_597 = tpu.memref_slice %arg3[%mul3A_593] : memref<819200xi32, #tpu.memory_space<hbm>> -> memref<512xi32, #tpu.memory_space<hbm>>
      tpu.wait_dma2 semaphore(%arg17 : memref<!tpu.dma_semaphore, #tpu.memory_space<semaphore_mem>>) src(%dma_wait3A_597 : memref<512xi32, #tpu.memory_space<hbm>>) dst(%arg11 : memref<512xi32, #tpu.memory_space<vmem>>)
      %dma_wait3A_598 = arith.constant 0 : i32
      %dma_wait3A_599 = tpu.memref_slice %arg4[%mul3A_595, %dma_wait3A_598] : memref<6400x128xi32, #tpu.memory_space<hbm>> -> memref<4x128xi32, #tpu.memory_space<hbm>>
      %dma_wait3A_600 = arith.constant 0 : i32
      %dma_wait3A_601 = tpu.memref_slice %arg4[%mul3A_595, %dma_wait3A_600] : memref<6400x128xi32, #tpu.memory_space<hbm>> -> memref<4x128xi32, #tpu.memory_space<hbm>>
      tpu.wait_dma2 semaphore(%arg17 : memref<!tpu.dma_semaphore, #tpu.memory_space<semaphore_mem>>) src(%dma_wait3A_601 : memref<4x128xi32, #tpu.memory_space<hbm>>) dst(%arg13 : memref<4x128xi32, #tpu.memory_space<vmem>>)
      %dma_start3A_602 = arith.constant 0 : i32
      %dma_start3A_603 = arith.constant 0 : i32
      %dma_start3A_604 = tpu.memref_slice %arg2[%dma_start3A_602, %dma_start3A_603] : memref<50176x32xbf16, #tpu.memory_space<hbm>> -> memref<50176x32xbf16, #tpu.memory_space<hbm>>
      tpu.enqueue_indirect_dma source(%dma_start3A_604 : memref<50176x32xbf16, #tpu.memory_space<hbm>>) target(%arg15 : memref<512x32xbf16, #tpu.memory_space<vmem>>) offsets(%arg11 : memref<512xi32, #tpu.memory_space<vmem>>) semaphore(%arg19 : memref<!tpu.dma_semaphore, #tpu.memory_space<semaphore_mem>>)
      %dma_wait3A_605 = arith.constant 0 : i32
      %dma_wait3A_606 = arith.constant 0 : i32
      %dma_wait3A_607 = tpu.memref_slice %arg2[%dma_wait3A_605, %dma_wait3A_606] : memref<50176x32xbf16, #tpu.memory_space<hbm>> -> memref<50176x32xbf16, #tpu.memory_space<hbm>>
      tpu.wait_indirect_dma semaphore(%arg18 : memref<!tpu.dma_semaphore, #tpu.memory_space<semaphore_mem>>) src(%dma_wait3A_607 : memref<50176x32xbf16, #tpu.memory_space<hbm>>) dst(%arg14 : memref<512x32xbf16, #tpu.memory_space<vmem>>)
      %dma_start3A_608 = arith.constant 0 : i32
      %dma_start3A_609 = arith.constant 0 : i32
      %dma_start3A_610 = arith.constant 0 : i32
      %dma_start3A_611 = tpu.memref_slice %arg14[%dma_start3A_609, %dma_start3A_610] : memref<512x32xbf16, #tpu.memory_space<vmem>> -> memref<128x32xbf16, #tpu.memory_space<vmem>>
      %dma_start3A_612 = arith.constant 0 : i32
      %dma_start3A_613 = tpu.memref_slice %arg12[%dma_start3A_608, %dma_start3A_612] : memref<4x128xi32, #tpu.memory_space<vmem>> -> memref<1x128xi32, #tpu.memory_space<vmem>>
      %dma_start3A_614 = tpu.memref_squeeze %dma_start3A_613 : memref<1x128xi32, #tpu.memory_space<vmem>> -> memref<128xi32, #tpu.memory_space<vmem>>
      %dma_start3A_615 = arith.constant 0 : i32
      %dma_start3A_616 = arith.constant 0 : i32
      %dma_start3A_617 = tpu.memref_slice %arg8[%dma_start3A_615, %dma_start3A_616] : memref<50176x32xbf16, #tpu.memory_space<vmem_shared>> -> memref<50176x32xbf16, #tpu.memory_space<vmem_shared>>
      tpu.enqueue_indirect_dma source(%dma_start3A_611 : memref<128x32xbf16, #tpu.memory_space<vmem>>) target(%dma_start3A_617 : memref<50176x32xbf16, #tpu.memory_space<vmem_shared>>) offsets(%dma_start3A_614 : memref<128xi32, #tpu.memory_space<vmem>>) semaphore(%arg20 : memref<!tpu.dma_semaphore, #tpu.memory_space<semaphore_mem>>) {add = true}
      %dma_start3A_618 = arith.constant 0 : i32
      %dma_start3A_619 = arith.constant 0 : i32
      %dma_start3A_620 = tpu.memref_slice %arg12[%dma_start3A_618, %dma_start3A_619] : memref<4x128xi32, #tpu.memory_space<vmem>> -> memref<1x128xi32, #tpu.memory_space<vmem>>
      %dma_start3A_621 = tpu.memref_squeeze %dma_start3A_620 : memref<1x128xi32, #tpu.memory_space<vmem>> -> memref<128xi32, #tpu.memory_space<vmem>>
      %dma_start3A_622 = arith.constant 0 : i32
      %dma_start3A_623 = tpu.memref_slice %arg21[%dma_start3A_622] : memref<50176xf32, #tpu.memory_space<vmem_shared>> -> memref<50176xf32, #tpu.memory_space<vmem_shared>>
      tpu.enqueue_indirect_dma source(%arg23 : memref<128xf32, #tpu.memory_space<vmem>>) target(%dma_start3A_623 : memref<50176xf32, #tpu.memory_space<vmem_shared>>) offsets(%dma_start3A_621 : memref<128xi32, #tpu.memory_space<vmem>>) semaphore(%arg20 : memref<!tpu.dma_semaphore, #tpu.memory_space<semaphore_mem>>) {add = true}
      %dma_start3A_624 = arith.constant 1 : i32
      %dma_start3A_625 = arith.constant 128 : i32
      %dma_start3A_626 = arith.constant 0 : i32
      %dma_start3A_627 = tpu.memref_slice %arg14[%dma_start3A_625, %dma_start3A_626] : memref<512x32xbf16, #tpu.memory_space<vmem>> -> memref<128x32xbf16, #tpu.memory_space<vmem>>
      %dma_start3A_628 = arith.constant 0 : i32
      %dma_start3A_629 = tpu.memref_slice %arg12[%dma_start3A_624, %dma_start3A_628] : memref<4x128xi32, #tpu.memory_space<vmem>> -> memref<1x128xi32, #tpu.memory_space<vmem>>
      %dma_start3A_630 = tpu.memref_squeeze %dma_start3A_629 : memref<1x128xi32, #tpu.memory_space<vmem>> -> memref<128xi32, #tpu.memory_space<vmem>>
      %dma_start3A_631 = arith.constant 0 : i32
      %dma_start3A_632 = arith.constant 0 : i32
      %dma_start3A_633 = tpu.memref_slice %arg8[%dma_start3A_631, %dma_start3A_632] : memref<50176x32xbf16, #tpu.memory_space<vmem_shared>> -> memref<50176x32xbf16, #tpu.memory_space<vmem_shared>>
      tpu.enqueue_indirect_dma source(%dma_start3A_627 : memref<128x32xbf16, #tpu.memory_space<vmem>>) target(%dma_start3A_633 : memref<50176x32xbf16, #tpu.memory_space<vmem_shared>>) offsets(%dma_start3A_630 : memref<128xi32, #tpu.memory_space<vmem>>) semaphore(%arg20 : memref<!tpu.dma_semaphore, #tpu.memory_space<semaphore_mem>>) {add = true}
      %dma_start3A_634 = arith.constant 1 : i32
      %dma_start3A_635 = arith.constant 0 : i32
      %dma_start3A_636 = tpu.memref_slice %arg12[%dma_start3A_634, %dma_start3A_635] : memref<4x128xi32, #tpu.memory_space<vmem>> -> memref<1x128xi32, #tpu.memory_space<vmem>>
      %dma_start3A_637 = tpu.memref_squeeze %dma_start3A_636 : memref<1x128xi32, #tpu.memory_space<vmem>> -> memref<128xi32, #tpu.memory_space<vmem>>
      %dma_start3A_638 = arith.constant 0 : i32
      %dma_start3A_639 = tpu.memref_slice %arg21[%dma_start3A_638] : memref<50176xf32, #tpu.memory_space<vmem_shared>> -> memref<50176xf32, #tpu.memory_space<vmem_shared>>
      tpu.enqueue_indirect_dma source(%arg23 : memref<128xf32, #tpu.memory_space<vmem>>) target(%dma_start3A_639 : memref<50176xf32, #tpu.memory_space<vmem_shared>>) offsets(%dma_start3A_637 : memref<128xi32, #tpu.memory_space<vmem>>) semaphore(%arg20 : memref<!tpu.dma_semaphore, #tpu.memory_space<semaphore_mem>>) {add = true}
      %dma_start3A_640 = arith.constant 2 : i32
      %dma_start3A_641 = arith.constant 256 : i32
      %dma_start3A_642 = arith.constant 0 : i32
      %dma_start3A_643 = tpu.memref_slice %arg14[%dma_start3A_641, %dma_start3A_642] : memref<512x32xbf16, #tpu.memory_space<vmem>> -> memref<128x32xbf16, #tpu.memory_space<vmem>>
      %dma_start3A_644 = arith.constant 0 : i32
      %dma_start3A_645 = tpu.memref_slice %arg12[%dma_start3A_640, %dma_start3A_644] : memref<4x128xi32, #tpu.memory_space<vmem>> -> memref<1x128xi32, #tpu.memory_space<vmem>>
      %dma_start3A_646 = tpu.memref_squeeze %dma_start3A_645 : memref<1x128xi32, #tpu.memory_space<vmem>> -> memref<128xi32, #tpu.memory_space<vmem>>
      %dma_start3A_647 = arith.constant 0 : i32
      %dma_start3A_648 = arith.constant 0 : i32
      %dma_start3A_649 = tpu.memref_slice %arg8[%dma_start3A_647, %dma_start3A_648] : memref<50176x32xbf16, #tpu.memory_space<vmem_shared>> -> memref<50176x32xbf16, #tpu.memory_space<vmem_shared>>
      tpu.enqueue_indirect_dma source(%dma_start3A_643 : memref<128x32xbf16, #tpu.memory_space<vmem>>) target(%dma_start3A_649 : memref<50176x32xbf16, #tpu.memory_space<vmem_shared>>) offsets(%dma_start3A_646 : memref<128xi32, #tpu.memory_space<vmem>>) semaphore(%arg20 : memref<!tpu.dma_semaphore, #tpu.memory_space<semaphore_mem>>) {add = true}
      %dma_start3A_650 = arith.constant 2 : i32
      %dma_start3A_651 = arith.constant 0 : i32
      %dma_start3A_652 = tpu.memref_slice %arg12[%dma_start3A_650, %dma_start3A_651] : memref<4x128xi32, #tpu.memory_space<vmem>> -> memref<1x128xi32, #tpu.memory_space<vmem>>
      %dma_start3A_653 = tpu.memref_squeeze %dma_start3A_652 : memref<1x128xi32, #tpu.memory_space<vmem>> -> memref<128xi32, #tpu.memory_space<vmem>>
      %dma_start3A_654 = arith.constant 0 : i32
      %dma_start3A_655 = tpu.memref_slice %arg21[%dma_start3A_654] : memref<50176xf32, #tpu.memory_space<vmem_shared>> -> memref<50176xf32, #tpu.memory_space<vmem_shared>>
      tpu.enqueue_indirect_dma source(%arg23 : memref<128xf32, #tpu.memory_space<vmem>>) target(%dma_start3A_655 : memref<50176xf32, #tpu.memory_space<vmem_shared>>) offsets(%dma_start3A_653 : memref<128xi32, #tpu.memory_space<vmem>>) semaphore(%arg20 : memref<!tpu.dma_semaphore, #tpu.memory_space<semaphore_mem>>) {add = true}
      %dma_start3A_656 = arith.constant 3 : i32
      %dma_start3A_657 = arith.constant 384 : i32
      %dma_start3A_658 = arith.constant 0 : i32
      %dma_start3A_659 = tpu.memref_slice %arg14[%dma_start3A_657, %dma_start3A_658] : memref<512x32xbf16, #tpu.memory_space<vmem>> -> memref<128x32xbf16, #tpu.memory_space<vmem>>
      %dma_start3A_660 = arith.constant 0 : i32
      %dma_start3A_661 = tpu.memref_slice %arg12[%dma_start3A_656, %dma_start3A_660] : memref<4x128xi32, #tpu.memory_space<vmem>> -> memref<1x128xi32, #tpu.memory_space<vmem>>
      %dma_start3A_662 = tpu.memref_squeeze %dma_start3A_661 : memref<1x128xi32, #tpu.memory_space<vmem>> -> memref<128xi32, #tpu.memory_space<vmem>>
      %dma_start3A_663 = arith.constant 0 : i32
      %dma_start3A_664 = arith.constant 0 : i32
      %dma_start3A_665 = tpu.memref_slice %arg8[%dma_start3A_663, %dma_start3A_664] : memref<50176x32xbf16, #tpu.memory_space<vmem_shared>> -> memref<50176x32xbf16, #tpu.memory_space<vmem_shared>>
      tpu.enqueue_indirect_dma source(%dma_start3A_659 : memref<128x32xbf16, #tpu.memory_space<vmem>>) target(%dma_start3A_665 : memref<50176x32xbf16, #tpu.memory_space<vmem_shared>>) offsets(%dma_start3A_662 : memref<128xi32, #tpu.memory_space<vmem>>) semaphore(%arg20 : memref<!tpu.dma_semaphore, #tpu.memory_space<semaphore_mem>>) {add = true}
      %dma_start3A_666 = arith.constant 3 : i32
      %dma_start3A_667 = arith.constant 0 : i32
      %dma_start3A_668 = tpu.memref_slice %arg12[%dma_start3A_666, %dma_start3A_667] : memref<4x128xi32, #tpu.memory_space<vmem>> -> memref<1x128xi32, #tpu.memory_space<vmem>>
      %dma_start3A_669 = tpu.memref_squeeze %dma_start3A_668 : memref<1x128xi32, #tpu.memory_space<vmem>> -> memref<128xi32, #tpu.memory_space<vmem>>
      %dma_start3A_670 = arith.constant 0 : i32
      %dma_start3A_671 = tpu.memref_slice %arg21[%dma_start3A_670] : memref<50176xf32, #tpu.memory_space<vmem_shared>> -> memref<50176xf32, #tpu.memory_space<vmem_shared>>
      tpu.enqueue_indirect_dma source(%arg23 : memref<128xf32, #tpu.memory_space<vmem>>) target(%dma_start3A_671 : memref<50176xf32, #tpu.memory_space<vmem_shared>>) offsets(%dma_start3A_669 : memref<128xi32, #tpu.memory_space<vmem>>) semaphore(%arg20 : memref<!tpu.dma_semaphore, #tpu.memory_space<semaphore_mem>>) {add = true}
      %dma_wait3A_672 = arith.constant 0 : i32
      %dma_wait3A_673 = arith.constant 0 : i32
      %dma_wait3A_674 = arith.constant 0 : i32
      %dma_wait3A_675 = tpu.memref_slice %arg14[%dma_wait3A_673, %dma_wait3A_674] : memref<512x32xbf16, #tpu.memory_space<vmem>> -> memref<128x32xbf16, #tpu.memory_space<vmem>>
      %dma_wait3A_676 = arith.constant 0 : i32
      %dma_wait3A_677 = tpu.memref_slice %arg12[%dma_wait3A_672, %dma_wait3A_676] : memref<4x128xi32, #tpu.memory_space<vmem>> -> memref<1x128xi32, #tpu.memory_space<vmem>>
      %dma_wait3A_678 = tpu.memref_squeeze %dma_wait3A_677 : memref<1x128xi32, #tpu.memory_space<vmem>> -> memref<128xi32, #tpu.memory_space<vmem>>
      %dma_wait3A_679 = arith.constant 0 : i32
      %dma_wait3A_680 = arith.constant 0 : i32
      %dma_wait3A_681 = tpu.memref_slice %arg8[%dma_wait3A_679, %dma_wait3A_680] : memref<50176x32xbf16, #tpu.memory_space<vmem_shared>> -> memref<50176x32xbf16, #tpu.memory_space<vmem_shared>>
      tpu.wait_indirect_dma semaphore(%arg20 : memref<!tpu.dma_semaphore, #tpu.memory_space<semaphore_mem>>) src(%dma_wait3A_675 : memref<128x32xbf16, #tpu.memory_space<vmem>>) dst(%dma_wait3A_681 : memref<50176x32xbf16, #tpu.memory_space<vmem_shared>>)
      %dma_wait3A_682 = arith.constant 0 : i32
      %dma_wait3A_683 = arith.constant 0 : i32
      %dma_wait3A_684 = tpu.memref_slice %arg12[%dma_wait3A_682, %dma_wait3A_683] : memref<4x128xi32, #tpu.memory_space<vmem>> -> memref<1x128xi32, #tpu.memory_space<vmem>>
      %dma_wait3A_685 = tpu.memref_squeeze %dma_wait3A_684 : memref<1x128xi32, #tpu.memory_space<vmem>> -> memref<128xi32, #tpu.memory_space<vmem>>
      %dma_wait3A_686 = arith.constant 0 : i32
      %dma_wait3A_687 = tpu.memref_slice %arg21[%dma_wait3A_686] : memref<50176xf32, #tpu.memory_space<vmem_shared>> -> memref<50176xf32, #tpu.memory_space<vmem_shared>>
      tpu.wait_indirect_dma semaphore(%arg20 : memref<!tpu.dma_semaphore, #tpu.memory_space<semaphore_mem>>) src(%arg23 : memref<128xf32, #tpu.memory_space<vmem>>) dst(%dma_wait3A_687 : memref<50176xf32, #tpu.memory_space<vmem_shared>>)
      %dma_wait3A_688 = arith.constant 1 : i32
      %dma_wait3A_689 = arith.constant 128 : i32
      %dma_wait3A_690 = arith.constant 0 : i32
      %dma_wait3A_691 = tpu.memref_slice %arg14[%dma_wait3A_689, %dma_wait3A_690] : memref<512x32xbf16, #tpu.memory_space<vmem>> -> memref<128x32xbf16, #tpu.memory_space<vmem>>
      %dma_wait3A_692 = arith.constant 0 : i32
      %dma_wait3A_693 = tpu.memref_slice %arg12[%dma_wait3A_688, %dma_wait3A_692] : memref<4x128xi32, #tpu.memory_space<vmem>> -> memref<1x128xi32, #tpu.memory_space<vmem>>
      %dma_wait3A_694 = tpu.memref_squeeze %dma_wait3A_693 : memref<1x128xi32, #tpu.memory_space<vmem>> -> memref<128xi32, #tpu.memory_space<vmem>>
      %dma_wait3A_695 = arith.constant 0 : i32
      %dma_wait3A_696 = arith.constant 0 : i32
      %dma_wait3A_697 = tpu.memref_slice %arg8[%dma_wait3A_695, %dma_wait3A_696] : memref<50176x32xbf16, #tpu.memory_space<vmem_shared>> -> memref<50176x32xbf16, #tpu.memory_space<vmem_shared>>
      tpu.wait_indirect_dma semaphore(%arg20 : memref<!tpu.dma_semaphore, #tpu.memory_space<semaphore_mem>>) src(%dma_wait3A_691 : memref<128x32xbf16, #tpu.memory_space<vmem>>) dst(%dma_wait3A_697 : memref<50176x32xbf16, #tpu.memory_space<vmem_shared>>)
      %dma_wait3A_698 = arith.constant 1 : i32
      %dma_wait3A_699 = arith.constant 0 : i32
      %dma_wait3A_700 = tpu.memref_slice %arg12[%dma_wait3A_698, %dma_wait3A_699] : memref<4x128xi32, #tpu.memory_space<vmem>> -> memref<1x128xi32, #tpu.memory_space<vmem>>
      %dma_wait3A_701 = tpu.memref_squeeze %dma_wait3A_700 : memref<1x128xi32, #tpu.memory_space<vmem>> -> memref<128xi32, #tpu.memory_space<vmem>>
      %dma_wait3A_702 = arith.constant 0 : i32
      %dma_wait3A_703 = tpu.memref_slice %arg21[%dma_wait3A_702] : memref<50176xf32, #tpu.memory_space<vmem_shared>> -> memref<50176xf32, #tpu.memory_space<vmem_shared>>
      tpu.wait_indirect_dma semaphore(%arg20 : memref<!tpu.dma_semaphore, #tpu.memory_space<semaphore_mem>>) src(%arg23 : memref<128xf32, #tpu.memory_space<vmem>>) dst(%dma_wait3A_703 : memref<50176xf32, #tpu.memory_space<vmem_shared>>)
      %dma_wait3A_704 = arith.constant 2 : i32
      %dma_wait3A_705 = arith.constant 256 : i32
      %dma_wait3A_706 = arith.constant 0 : i32
      %dma_wait3A_707 = tpu.memref_slice %arg14[%dma_wait3A_705, %dma_wait3A_706] : memref<512x32xbf16, #tpu.memory_space<vmem>> -> memref<128x32xbf16, #tpu.memory_space<vmem>>
      %dma_wait3A_708 = arith.constant 0 : i32
      %dma_wait3A_709 = tpu.memref_slice %arg12[%dma_wait3A_704, %dma_wait3A_708] : memref<4x128xi32, #tpu.memory_space<vmem>> -> memref<1x128xi32, #tpu.memory_space<vmem>>
      %dma_wait3A_710 = tpu.memref_squeeze %dma_wait3A_709 : memref<1x128xi32, #tpu.memory_space<vmem>> -> memref<128xi32, #tpu.memory_space<vmem>>
      %dma_wait3A_711 = arith.constant 0 : i32
      %dma_wait3A_712 = arith.constant 0 : i32
      %dma_wait3A_713 = tpu.memref_slice %arg8[%dma_wait3A_711, %dma_wait3A_712] : memref<50176x32xbf16, #tpu.memory_space<vmem_shared>> -> memref<50176x32xbf16, #tpu.memory_space<vmem_shared>>
      tpu.wait_indirect_dma semaphore(%arg20 : memref<!tpu.dma_semaphore, #tpu.memory_space<semaphore_mem>>) src(%dma_wait3A_707 : memref<128x32xbf16, #tpu.memory_space<vmem>>) dst(%dma_wait3A_713 : memref<50176x32xbf16, #tpu.memory_space<vmem_shared>>)
      %dma_wait3A_714 = arith.constant 2 : i32
      %dma_wait3A_715 = arith.constant 0 : i32
      %dma_wait3A_716 = tpu.memref_slice %arg12[%dma_wait3A_714, %dma_wait3A_715] : memref<4x128xi32, #tpu.memory_space<vmem>> -> memref<1x128xi32, #tpu.memory_space<vmem>>
      %dma_wait3A_717 = tpu.memref_squeeze %dma_wait3A_716 : memref<1x128xi32, #tpu.memory_space<vmem>> -> memref<128xi32, #tpu.memory_space<vmem>>
      %dma_wait3A_718 = arith.constant 0 : i32
      %dma_wait3A_719 = tpu.memref_slice %arg21[%dma_wait3A_718] : memref<50176xf32, #tpu.memory_space<vmem_shared>> -> memref<50176xf32, #tpu.memory_space<vmem_shared>>
      tpu.wait_indirect_dma semaphore(%arg20 : memref<!tpu.dma_semaphore, #tpu.memory_space<semaphore_mem>>) src(%arg23 : memref<128xf32, #tpu.memory_space<vmem>>) dst(%dma_wait3A_719 : memref<50176xf32, #tpu.memory_space<vmem_shared>>)
      %dma_wait3A_720 = arith.constant 3 : i32
      %dma_wait3A_721 = arith.constant 384 : i32
      %dma_wait3A_722 = arith.constant 0 : i32
      %dma_wait3A_723 = tpu.memref_slice %arg14[%dma_wait3A_721, %dma_wait3A_722] : memref<512x32xbf16, #tpu.memory_space<vmem>> -> memref<128x32xbf16, #tpu.memory_space<vmem>>
      %dma_wait3A_724 = arith.constant 0 : i32
      %dma_wait3A_725 = tpu.memref_slice %arg12[%dma_wait3A_720, %dma_wait3A_724] : memref<4x128xi32, #tpu.memory_space<vmem>> -> memref<1x128xi32, #tpu.memory_space<vmem>>
      %dma_wait3A_726 = tpu.memref_squeeze %dma_wait3A_725 : memref<1x128xi32, #tpu.memory_space<vmem>> -> memref<128xi32, #tpu.memory_space<vmem>>
      %dma_wait3A_727 = arith.constant 0 : i32
      %dma_wait3A_728 = arith.constant 0 : i32
      %dma_wait3A_729 = tpu.memref_slice %arg8[%dma_wait3A_727, %dma_wait3A_728] : memref<50176x32xbf16, #tpu.memory_space<vmem_shared>> -> memref<50176x32xbf16, #tpu.memory_space<vmem_shared>>
      tpu.wait_indirect_dma semaphore(%arg20 : memref<!tpu.dma_semaphore, #tpu.memory_space<semaphore_mem>>) src(%dma_wait3A_723 : memref<128x32xbf16, #tpu.memory_space<vmem>>) dst(%dma_wait3A_729 : memref<50176x32xbf16, #tpu.memory_space<vmem_shared>>)
      %dma_wait3A_730 = arith.constant 3 : i32
      %dma_wait3A_731 = arith.constant 0 : i32
      %dma_wait3A_732 = tpu.memref_slice %arg12[%dma_wait3A_730, %dma_wait3A_731] : memref<4x128xi32, #tpu.memory_space<vmem>> -> memref<1x128xi32, #tpu.memory_space<vmem>>
      %dma_wait3A_733 = tpu.memref_squeeze %dma_wait3A_732 : memref<1x128xi32, #tpu.memory_space<vmem>> -> memref<128xi32, #tpu.memory_space<vmem>>
      %dma_wait3A_734 = arith.constant 0 : i32
      %dma_wait3A_735 = tpu.memref_slice %arg21[%dma_wait3A_734] : memref<50176xf32, #tpu.memory_space<vmem_shared>> -> memref<50176xf32, #tpu.memory_space<vmem_shared>>
      tpu.wait_indirect_dma semaphore(%arg20 : memref<!tpu.dma_semaphore, #tpu.memory_space<semaphore_mem>>) src(%arg23 : memref<128xf32, #tpu.memory_space<vmem>>) dst(%dma_wait3A_735 : memref<50176xf32, #tpu.memory_space<vmem_shared>>)
      %lt3A = arith.constant 24 : i32
      %lt3A_736 = arith.cmpi slt, %scan3A_585, %lt3A : i32
      %convert_element_type3A = arith.extui %lt3A_736 : i1 to i32
      %cond3A = arith.constant 0 : i32
      %cond3A_737 = arith.cmpi ne, %convert_element_type3A, %cond3A : i32
      scf.if %cond3A_737 {
        %add3A_880 = arith.constant 2 : i32
        %add3A_881 = arith.addi %add3A_589, %add3A_880 : i32
        %mul3A_882 = arith.constant 512 : i32
        %mul3A_883 = arith.muli %add3A_881, %mul3A_882 : i32
        %mul3A_884 = arith.constant 4 : i32
        %mul3A_885 = arith.muli %add3A_881, %mul3A_884 : i32
        %dma_start3A_886 = tpu.memref_slice %arg3[%mul3A_883] : memref<819200xi32, #tpu.memory_space<hbm>> -> memref<512xi32, #tpu.memory_space<hbm>>
        %dma_start3A_887 = tpu.memref_slice %arg3[%mul3A_883] : memref<819200xi32, #tpu.memory_space<hbm>> -> memref<512xi32, #tpu.memory_space<hbm>>
        tpu.enqueue_dma source(%dma_start3A_887 : memref<512xi32, #tpu.memory_space<hbm>>) target(%arg10 : memref<512xi32, #tpu.memory_space<vmem>>) target_semaphore(%arg16 : memref<!tpu.dma_semaphore, #tpu.memory_space<semaphore_mem>>)
        %dma_start3A_888 = arith.constant 0 : i32
        %dma_start3A_889 = tpu.memref_slice %arg4[%mul3A_885, %dma_start3A_888] : memref<6400x128xi32, #tpu.memory_space<hbm>> -> memref<4x128xi32, #tpu.memory_space<hbm>>
        %dma_start3A_890 = arith.constant 0 : i32
        %dma_start3A_891 = tpu.memref_slice %arg4[%mul3A_885, %dma_start3A_890] : memref<6400x128xi32, #tpu.memory_space<hbm>> -> memref<4x128xi32, #tpu.memory_space<hbm>>
        tpu.enqueue_dma source(%dma_start3A_891 : memref<4x128xi32, #tpu.memory_space<hbm>>) target(%arg12 : memref<4x128xi32, #tpu.memory_space<vmem>>) target_semaphore(%arg16 : memref<!tpu.dma_semaphore, #tpu.memory_space<semaphore_mem>>)
      } else {
      }
      %dma_wait3A_738 = arith.constant 0 : i32
      %dma_wait3A_739 = arith.constant 0 : i32
      %dma_wait3A_740 = tpu.memref_slice %arg2[%dma_wait3A_738, %dma_wait3A_739] : memref<50176x32xbf16, #tpu.memory_space<hbm>> -> memref<50176x32xbf16, #tpu.memory_space<hbm>>
      tpu.wait_indirect_dma semaphore(%arg19 : memref<!tpu.dma_semaphore, #tpu.memory_space<semaphore_mem>>) src(%dma_wait3A_740 : memref<50176x32xbf16, #tpu.memory_space<hbm>>) dst(%arg15 : memref<512x32xbf16, #tpu.memory_space<vmem>>)
      %lt3A_741 = arith.constant 24 : i32
      %lt3A_742 = arith.cmpi slt, %scan3A_585, %lt3A_741 : i32
      %convert_element_type3A_743 = arith.extui %lt3A_742 : i1 to i32
      %cond3A_744 = arith.constant 0 : i32
      %cond3A_745 = arith.cmpi ne, %convert_element_type3A_743, %cond3A_744 : i32
      scf.if %cond3A_745 {
        %add3A_880 = arith.constant 2 : i32
        %add3A_881 = arith.addi %add3A_589, %add3A_880 : i32
        %mul3A_882 = arith.constant 512 : i32
        %mul3A_883 = arith.muli %add3A_881, %mul3A_882 : i32
        %mul3A_884 = arith.constant 4 : i32
        %mul3A_885 = arith.muli %add3A_881, %mul3A_884 : i32
        %dma_wait3A_886 = tpu.memref_slice %arg3[%mul3A_883] : memref<819200xi32, #tpu.memory_space<hbm>> -> memref<512xi32, #tpu.memory_space<hbm>>
        %dma_wait3A_887 = tpu.memref_slice %arg3[%mul3A_883] : memref<819200xi32, #tpu.memory_space<hbm>> -> memref<512xi32, #tpu.memory_space<hbm>>
        tpu.wait_dma2 semaphore(%arg16 : memref<!tpu.dma_semaphore, #tpu.memory_space<semaphore_mem>>) src(%dma_wait3A_887 : memref<512xi32, #tpu.memory_space<hbm>>) dst(%arg10 : memref<512xi32, #tpu.memory_space<vmem>>)
        %dma_wait3A_888 = arith.constant 0 : i32
        %dma_wait3A_889 = tpu.memref_slice %arg4[%mul3A_885, %dma_wait3A_888] : memref<6400x128xi32, #tpu.memory_space<hbm>> -> memref<4x128xi32, #tpu.memory_space<hbm>>
        %dma_wait3A_890 = arith.constant 0 : i32
        %dma_wait3A_891 = tpu.memref_slice %arg4[%mul3A_885, %dma_wait3A_890] : memref<6400x128xi32, #tpu.memory_space<hbm>> -> memref<4x128xi32, #tpu.memory_space<hbm>>
        tpu.wait_dma2 semaphore(%arg16 : memref<!tpu.dma_semaphore, #tpu.memory_space<semaphore_mem>>) src(%dma_wait3A_891 : memref<4x128xi32, #tpu.memory_space<hbm>>) dst(%arg12 : memref<4x128xi32, #tpu.memory_space<vmem>>)
        %dma_start3A_892 = arith.constant 0 : i32
        %dma_start3A_893 = arith.constant 0 : i32
        %dma_start3A_894 = tpu.memref_slice %arg2[%dma_start3A_892, %dma_start3A_893] : memref<50176x32xbf16, #tpu.memory_space<hbm>> -> memref<50176x32xbf16, #tpu.memory_space<hbm>>
        tpu.enqueue_indirect_dma source(%dma_start3A_894 : memref<50176x32xbf16, #tpu.memory_space<hbm>>) target(%arg14 : memref<512x32xbf16, #tpu.memory_space<vmem>>) offsets(%arg10 : memref<512xi32, #tpu.memory_space<vmem>>) semaphore(%arg18 : memref<!tpu.dma_semaphore, #tpu.memory_space<semaphore_mem>>)
      } else {
      }
      %dma_start3A_746 = arith.constant 0 : i32
      %dma_start3A_747 = arith.constant 0 : i32
      %dma_start3A_748 = arith.constant 0 : i32
      %dma_start3A_749 = tpu.memref_slice %arg15[%dma_start3A_747, %dma_start3A_748] : memref<512x32xbf16, #tpu.memory_space<vmem>> -> memref<128x32xbf16, #tpu.memory_space<vmem>>
      %dma_start3A_750 = arith.constant 0 : i32
      %dma_start3A_751 = tpu.memref_slice %arg13[%dma_start3A_746, %dma_start3A_750] : memref<4x128xi32, #tpu.memory_space<vmem>> -> memref<1x128xi32, #tpu.memory_space<vmem>>
      %dma_start3A_752 = tpu.memref_squeeze %dma_start3A_751 : memref<1x128xi32, #tpu.memory_space<vmem>> -> memref<128xi32, #tpu.memory_space<vmem>>
      %dma_start3A_753 = arith.constant 0 : i32
      %dma_start3A_754 = arith.constant 0 : i32
      %dma_start3A_755 = tpu.memref_slice %arg8[%dma_start3A_753, %dma_start3A_754] : memref<50176x32xbf16, #tpu.memory_space<vmem_shared>> -> memref<50176x32xbf16, #tpu.memory_space<vmem_shared>>
      tpu.enqueue_indirect_dma source(%dma_start3A_749 : memref<128x32xbf16, #tpu.memory_space<vmem>>) target(%dma_start3A_755 : memref<50176x32xbf16, #tpu.memory_space<vmem_shared>>) offsets(%dma_start3A_752 : memref<128xi32, #tpu.memory_space<vmem>>) semaphore(%arg20 : memref<!tpu.dma_semaphore, #tpu.memory_space<semaphore_mem>>) {add = true}
      %dma_start3A_756 = arith.constant 0 : i32
      %dma_start3A_757 = arith.constant 0 : i32
      %dma_start3A_758 = tpu.memref_slice %arg13[%dma_start3A_756, %dma_start3A_757] : memref<4x128xi32, #tpu.memory_space<vmem>> -> memref<1x128xi32, #tpu.memory_space<vmem>>
      %dma_start3A_759 = tpu.memref_squeeze %dma_start3A_758 : memref<1x128xi32, #tpu.memory_space<vmem>> -> memref<128xi32, #tpu.memory_space<vmem>>
      %dma_start3A_760 = arith.constant 0 : i32
      %dma_start3A_761 = tpu.memref_slice %arg21[%dma_start3A_760] : memref<50176xf32, #tpu.memory_space<vmem_shared>> -> memref<50176xf32, #tpu.memory_space<vmem_shared>>
      tpu.enqueue_indirect_dma source(%arg23 : memref<128xf32, #tpu.memory_space<vmem>>) target(%dma_start3A_761 : memref<50176xf32, #tpu.memory_space<vmem_shared>>) offsets(%dma_start3A_759 : memref<128xi32, #tpu.memory_space<vmem>>) semaphore(%arg20 : memref<!tpu.dma_semaphore, #tpu.memory_space<semaphore_mem>>) {add = true}
      %dma_start3A_762 = arith.constant 1 : i32
      %dma_start3A_763 = arith.constant 128 : i32
      %dma_start3A_764 = arith.constant 0 : i32
      %dma_start3A_765 = tpu.memref_slice %arg15[%dma_start3A_763, %dma_start3A_764] : memref<512x32xbf16, #tpu.memory_space<vmem>> -> memref<128x32xbf16, #tpu.memory_space<vmem>>
      %dma_start3A_766 = arith.constant 0 : i32
      %dma_start3A_767 = tpu.memref_slice %arg13[%dma_start3A_762, %dma_start3A_766] : memref<4x128xi32, #tpu.memory_space<vmem>> -> memref<1x128xi32, #tpu.memory_space<vmem>>
      %dma_start3A_768 = tpu.memref_squeeze %dma_start3A_767 : memref<1x128xi32, #tpu.memory_space<vmem>> -> memref<128xi32, #tpu.memory_space<vmem>>
      %dma_start3A_769 = arith.constant 0 : i32
      %dma_start3A_770 = arith.constant 0 : i32
      %dma_start3A_771 = tpu.memref_slice %arg8[%dma_start3A_769, %dma_start3A_770] : memref<50176x32xbf16, #tpu.memory_space<vmem_shared>> -> memref<50176x32xbf16, #tpu.memory_space<vmem_shared>>
      tpu.enqueue_indirect_dma source(%dma_start3A_765 : memref<128x32xbf16, #tpu.memory_space<vmem>>) target(%dma_start3A_771 : memref<50176x32xbf16, #tpu.memory_space<vmem_shared>>) offsets(%dma_start3A_768 : memref<128xi32, #tpu.memory_space<vmem>>) semaphore(%arg20 : memref<!tpu.dma_semaphore, #tpu.memory_space<semaphore_mem>>) {add = true}
      %dma_start3A_772 = arith.constant 1 : i32
      %dma_start3A_773 = arith.constant 0 : i32
      %dma_start3A_774 = tpu.memref_slice %arg13[%dma_start3A_772, %dma_start3A_773] : memref<4x128xi32, #tpu.memory_space<vmem>> -> memref<1x128xi32, #tpu.memory_space<vmem>>
      %dma_start3A_775 = tpu.memref_squeeze %dma_start3A_774 : memref<1x128xi32, #tpu.memory_space<vmem>> -> memref<128xi32, #tpu.memory_space<vmem>>
      %dma_start3A_776 = arith.constant 0 : i32
      %dma_start3A_777 = tpu.memref_slice %arg21[%dma_start3A_776] : memref<50176xf32, #tpu.memory_space<vmem_shared>> -> memref<50176xf32, #tpu.memory_space<vmem_shared>>
      tpu.enqueue_indirect_dma source(%arg23 : memref<128xf32, #tpu.memory_space<vmem>>) target(%dma_start3A_777 : memref<50176xf32, #tpu.memory_space<vmem_shared>>) offsets(%dma_start3A_775 : memref<128xi32, #tpu.memory_space<vmem>>) semaphore(%arg20 : memref<!tpu.dma_semaphore, #tpu.memory_space<semaphore_mem>>) {add = true}
      %dma_start3A_778 = arith.constant 2 : i32
      %dma_start3A_779 = arith.constant 256 : i32
      %dma_start3A_780 = arith.constant 0 : i32
      %dma_start3A_781 = tpu.memref_slice %arg15[%dma_start3A_779, %dma_start3A_780] : memref<512x32xbf16, #tpu.memory_space<vmem>> -> memref<128x32xbf16, #tpu.memory_space<vmem>>
      %dma_start3A_782 = arith.constant 0 : i32
      %dma_start3A_783 = tpu.memref_slice %arg13[%dma_start3A_778, %dma_start3A_782] : memref<4x128xi32, #tpu.memory_space<vmem>> -> memref<1x128xi32, #tpu.memory_space<vmem>>
      %dma_start3A_784 = tpu.memref_squeeze %dma_start3A_783 : memref<1x128xi32, #tpu.memory_space<vmem>> -> memref<128xi32, #tpu.memory_space<vmem>>
      %dma_start3A_785 = arith.constant 0 : i32
      %dma_start3A_786 = arith.constant 0 : i32
      %dma_start3A_787 = tpu.memref_slice %arg8[%dma_start3A_785, %dma_start3A_786] : memref<50176x32xbf16, #tpu.memory_space<vmem_shared>> -> memref<50176x32xbf16, #tpu.memory_space<vmem_shared>>
      tpu.enqueue_indirect_dma source(%dma_start3A_781 : memref<128x32xbf16, #tpu.memory_space<vmem>>) target(%dma_start3A_787 : memref<50176x32xbf16, #tpu.memory_space<vmem_shared>>) offsets(%dma_start3A_784 : memref<128xi32, #tpu.memory_space<vmem>>) semaphore(%arg20 : memref<!tpu.dma_semaphore, #tpu.memory_space<semaphore_mem>>) {add = true}
      %dma_start3A_788 = arith.constant 2 : i32
      %dma_start3A_789 = arith.constant 0 : i32
      %dma_start3A_790 = tpu.memref_slice %arg13[%dma_start3A_788, %dma_start3A_789] : memref<4x128xi32, #tpu.memory_space<vmem>> -> memref<1x128xi32, #tpu.memory_space<vmem>>
      %dma_start3A_791 = tpu.memref_squeeze %dma_start3A_790 : memref<1x128xi32, #tpu.memory_space<vmem>> -> memref<128xi32, #tpu.memory_space<vmem>>
      %dma_start3A_792 = arith.constant 0 : i32
      %dma_start3A_793 = tpu.memref_slice %arg21[%dma_start3A_792] : memref<50176xf32, #tpu.memory_space<vmem_shared>> -> memref<50176xf32, #tpu.memory_space<vmem_shared>>
      tpu.enqueue_indirect_dma source(%arg23 : memref<128xf32, #tpu.memory_space<vmem>>) target(%dma_start3A_793 : memref<50176xf32, #tpu.memory_space<vmem_shared>>) offsets(%dma_start3A_791 : memref<128xi32, #tpu.memory_space<vmem>>) semaphore(%arg20 : memref<!tpu.dma_semaphore, #tpu.memory_space<semaphore_mem>>) {add = true}
      %dma_start3A_794 = arith.constant 3 : i32
      %dma_start3A_795 = arith.constant 384 : i32
      %dma_start3A_796 = arith.constant 0 : i32
      %dma_start3A_797 = tpu.memref_slice %arg15[%dma_start3A_795, %dma_start3A_796] : memref<512x32xbf16, #tpu.memory_space<vmem>> -> memref<128x32xbf16, #tpu.memory_space<vmem>>
      %dma_start3A_798 = arith.constant 0 : i32
      %dma_start3A_799 = tpu.memref_slice %arg13[%dma_start3A_794, %dma_start3A_798] : memref<4x128xi32, #tpu.memory_space<vmem>> -> memref<1x128xi32, #tpu.memory_space<vmem>>
      %dma_start3A_800 = tpu.memref_squeeze %dma_start3A_799 : memref<1x128xi32, #tpu.memory_space<vmem>> -> memref<128xi32, #tpu.memory_space<vmem>>
      %dma_start3A_801 = arith.constant 0 : i32
      %dma_start3A_802 = arith.constant 0 : i32
      %dma_start3A_803 = tpu.memref_slice %arg8[%dma_start3A_801, %dma_start3A_802] : memref<50176x32xbf16, #tpu.memory_space<vmem_shared>> -> memref<50176x32xbf16, #tpu.memory_space<vmem_shared>>
      tpu.enqueue_indirect_dma source(%dma_start3A_797 : memref<128x32xbf16, #tpu.memory_space<vmem>>) target(%dma_start3A_803 : memref<50176x32xbf16, #tpu.memory_space<vmem_shared>>) offsets(%dma_start3A_800 : memref<128xi32, #tpu.memory_space<vmem>>) semaphore(%arg20 : memref<!tpu.dma_semaphore, #tpu.memory_space<semaphore_mem>>) {add = true}
      %dma_start3A_804 = arith.constant 3 : i32
      %dma_start3A_805 = arith.constant 0 : i32
      %dma_start3A_806 = tpu.memref_slice %arg13[%dma_start3A_804, %dma_start3A_805] : memref<4x128xi32, #tpu.memory_space<vmem>> -> memref<1x128xi32, #tpu.memory_space<vmem>>
      %dma_start3A_807 = tpu.memref_squeeze %dma_start3A_806 : memref<1x128xi32, #tpu.memory_space<vmem>> -> memref<128xi32, #tpu.memory_space<vmem>>
      %dma_start3A_808 = arith.constant 0 : i32
      %dma_start3A_809 = tpu.memref_slice %arg21[%dma_start3A_808] : memref<50176xf32, #tpu.memory_space<vmem_shared>> -> memref<50176xf32, #tpu.memory_space<vmem_shared>>
      tpu.enqueue_indirect_dma source(%arg23 : memref<128xf32, #tpu.memory_space<vmem>>) target(%dma_start3A_809 : memref<50176xf32, #tpu.memory_space<vmem_shared>>) offsets(%dma_start3A_807 : memref<128xi32, #tpu.memory_space<vmem>>) semaphore(%arg20 : memref<!tpu.dma_semaphore, #tpu.memory_space<semaphore_mem>>) {add = true}
      %dma_wait3A_810 = arith.constant 0 : i32
      %dma_wait3A_811 = arith.constant 0 : i32
      %dma_wait3A_812 = arith.constant 0 : i32
      %dma_wait3A_813 = tpu.memref_slice %arg15[%dma_wait3A_811, %dma_wait3A_812] : memref<512x32xbf16, #tpu.memory_space<vmem>> -> memref<128x32xbf16, #tpu.memory_space<vmem>>
      %dma_wait3A_814 = arith.constant 0 : i32
      %dma_wait3A_815 = tpu.memref_slice %arg13[%dma_wait3A_810, %dma_wait3A_814] : memref<4x128xi32, #tpu.memory_space<vmem>> -> memref<1x128xi32, #tpu.memory_space<vmem>>
      %dma_wait3A_816 = tpu.memref_squeeze %dma_wait3A_815 : memref<1x128xi32, #tpu.memory_space<vmem>> -> memref<128xi32, #tpu.memory_space<vmem>>
      %dma_wait3A_817 = arith.constant 0 : i32
      %dma_wait3A_818 = arith.constant 0 : i32
      %dma_wait3A_819 = tpu.memref_slice %arg8[%dma_wait3A_817, %dma_wait3A_818] : memref<50176x32xbf16, #tpu.memory_space<vmem_shared>> -> memref<50176x32xbf16, #tpu.memory_space<vmem_shared>>
      tpu.wait_indirect_dma semaphore(%arg20 : memref<!tpu.dma_semaphore, #tpu.memory_space<semaphore_mem>>) src(%dma_wait3A_813 : memref<128x32xbf16, #tpu.memory_space<vmem>>) dst(%dma_wait3A_819 : memref<50176x32xbf16, #tpu.memory_space<vmem_shared>>)
      %dma_wait3A_820 = arith.constant 0 : i32
      %dma_wait3A_821 = arith.constant 0 : i32
      %dma_wait3A_822 = tpu.memref_slice %arg13[%dma_wait3A_820, %dma_wait3A_821] : memref<4x128xi32, #tpu.memory_space<vmem>> -> memref<1x128xi32, #tpu.memory_space<vmem>>
      %dma_wait3A_823 = tpu.memref_squeeze %dma_wait3A_822 : memref<1x128xi32, #tpu.memory_space<vmem>> -> memref<128xi32, #tpu.memory_space<vmem>>
      %dma_wait3A_824 = arith.constant 0 : i32
      %dma_wait3A_825 = tpu.memref_slice %arg21[%dma_wait3A_824] : memref<50176xf32, #tpu.memory_space<vmem_shared>> -> memref<50176xf32, #tpu.memory_space<vmem_shared>>
      tpu.wait_indirect_dma semaphore(%arg20 : memref<!tpu.dma_semaphore, #tpu.memory_space<semaphore_mem>>) src(%arg23 : memref<128xf32, #tpu.memory_space<vmem>>) dst(%dma_wait3A_825 : memref<50176xf32, #tpu.memory_space<vmem_shared>>)
      %dma_wait3A_826 = arith.constant 1 : i32
      %dma_wait3A_827 = arith.constant 128 : i32
      %dma_wait3A_828 = arith.constant 0 : i32
      %dma_wait3A_829 = tpu.memref_slice %arg15[%dma_wait3A_827, %dma_wait3A_828] : memref<512x32xbf16, #tpu.memory_space<vmem>> -> memref<128x32xbf16, #tpu.memory_space<vmem>>
      %dma_wait3A_830 = arith.constant 0 : i32
      %dma_wait3A_831 = tpu.memref_slice %arg13[%dma_wait3A_826, %dma_wait3A_830] : memref<4x128xi32, #tpu.memory_space<vmem>> -> memref<1x128xi32, #tpu.memory_space<vmem>>
      %dma_wait3A_832 = tpu.memref_squeeze %dma_wait3A_831 : memref<1x128xi32, #tpu.memory_space<vmem>> -> memref<128xi32, #tpu.memory_space<vmem>>
      %dma_wait3A_833 = arith.constant 0 : i32
      %dma_wait3A_834 = arith.constant 0 : i32
      %dma_wait3A_835 = tpu.memref_slice %arg8[%dma_wait3A_833, %dma_wait3A_834] : memref<50176x32xbf16, #tpu.memory_space<vmem_shared>> -> memref<50176x32xbf16, #tpu.memory_space<vmem_shared>>
      tpu.wait_indirect_dma semaphore(%arg20 : memref<!tpu.dma_semaphore, #tpu.memory_space<semaphore_mem>>) src(%dma_wait3A_829 : memref<128x32xbf16, #tpu.memory_space<vmem>>) dst(%dma_wait3A_835 : memref<50176x32xbf16, #tpu.memory_space<vmem_shared>>)
      %dma_wait3A_836 = arith.constant 1 : i32
      %dma_wait3A_837 = arith.constant 0 : i32
      %dma_wait3A_838 = tpu.memref_slice %arg13[%dma_wait3A_836, %dma_wait3A_837] : memref<4x128xi32, #tpu.memory_space<vmem>> -> memref<1x128xi32, #tpu.memory_space<vmem>>
      %dma_wait3A_839 = tpu.memref_squeeze %dma_wait3A_838 : memref<1x128xi32, #tpu.memory_space<vmem>> -> memref<128xi32, #tpu.memory_space<vmem>>
      %dma_wait3A_840 = arith.constant 0 : i32
      %dma_wait3A_841 = tpu.memref_slice %arg21[%dma_wait3A_840] : memref<50176xf32, #tpu.memory_space<vmem_shared>> -> memref<50176xf32, #tpu.memory_space<vmem_shared>>
      tpu.wait_indirect_dma semaphore(%arg20 : memref<!tpu.dma_semaphore, #tpu.memory_space<semaphore_mem>>) src(%arg23 : memref<128xf32, #tpu.memory_space<vmem>>) dst(%dma_wait3A_841 : memref<50176xf32, #tpu.memory_space<vmem_shared>>)
      %dma_wait3A_842 = arith.constant 2 : i32
      %dma_wait3A_843 = arith.constant 256 : i32
      %dma_wait3A_844 = arith.constant 0 : i32
      %dma_wait3A_845 = tpu.memref_slice %arg15[%dma_wait3A_843, %dma_wait3A_844] : memref<512x32xbf16, #tpu.memory_space<vmem>> -> memref<128x32xbf16, #tpu.memory_space<vmem>>
      %dma_wait3A_846 = arith.constant 0 : i32
      %dma_wait3A_847 = tpu.memref_slice %arg13[%dma_wait3A_842, %dma_wait3A_846] : memref<4x128xi32, #tpu.memory_space<vmem>> -> memref<1x128xi32, #tpu.memory_space<vmem>>
      %dma_wait3A_848 = tpu.memref_squeeze %dma_wait3A_847 : memref<1x128xi32, #tpu.memory_space<vmem>> -> memref<128xi32, #tpu.memory_space<vmem>>
      %dma_wait3A_849 = arith.constant 0 : i32
      %dma_wait3A_850 = arith.constant 0 : i32
      %dma_wait3A_851 = tpu.memref_slice %arg8[%dma_wait3A_849, %dma_wait3A_850] : memref<50176x32xbf16, #tpu.memory_space<vmem_shared>> -> memref<50176x32xbf16, #tpu.memory_space<vmem_shared>>
      tpu.wait_indirect_dma semaphore(%arg20 : memref<!tpu.dma_semaphore, #tpu.memory_space<semaphore_mem>>) src(%dma_wait3A_845 : memref<128x32xbf16, #tpu.memory_space<vmem>>) dst(%dma_wait3A_851 : memref<50176x32xbf16, #tpu.memory_space<vmem_shared>>)
      %dma_wait3A_852 = arith.constant 2 : i32
      %dma_wait3A_853 = arith.constant 0 : i32
      %dma_wait3A_854 = tpu.memref_slice %arg13[%dma_wait3A_852, %dma_wait3A_853] : memref<4x128xi32, #tpu.memory_space<vmem>> -> memref<1x128xi32, #tpu.memory_space<vmem>>
      %dma_wait3A_855 = tpu.memref_squeeze %dma_wait3A_854 : memref<1x128xi32, #tpu.memory_space<vmem>> -> memref<128xi32, #tpu.memory_space<vmem>>
      %dma_wait3A_856 = arith.constant 0 : i32
      %dma_wait3A_857 = tpu.memref_slice %arg21[%dma_wait3A_856] : memref<50176xf32, #tpu.memory_space<vmem_shared>> -> memref<50176xf32, #tpu.memory_space<vmem_shared>>
      tpu.wait_indirect_dma semaphore(%arg20 : memref<!tpu.dma_semaphore, #tpu.memory_space<semaphore_mem>>) src(%arg23 : memref<128xf32, #tpu.memory_space<vmem>>) dst(%dma_wait3A_857 : memref<50176xf32, #tpu.memory_space<vmem_shared>>)
      %dma_wait3A_858 = arith.constant 3 : i32
      %dma_wait3A_859 = arith.constant 384 : i32
      %dma_wait3A_860 = arith.constant 0 : i32
      %dma_wait3A_861 = tpu.memref_slice %arg15[%dma_wait3A_859, %dma_wait3A_860] : memref<512x32xbf16, #tpu.memory_space<vmem>> -> memref<128x32xbf16, #tpu.memory_space<vmem>>
      %dma_wait3A_862 = arith.constant 0 : i32
      %dma_wait3A_863 = tpu.memref_slice %arg13[%dma_wait3A_858, %dma_wait3A_862] : memref<4x128xi32, #tpu.memory_space<vmem>> -> memref<1x128xi32, #tpu.memory_space<vmem>>
      %dma_wait3A_864 = tpu.memref_squeeze %dma_wait3A_863 : memref<1x128xi32, #tpu.memory_space<vmem>> -> memref<128xi32, #tpu.memory_space<vmem>>
      %dma_wait3A_865 = arith.constant 0 : i32
      %dma_wait3A_866 = arith.constant 0 : i32
      %dma_wait3A_867 = tpu.memref_slice %arg8[%dma_wait3A_865, %dma_wait3A_866] : memref<50176x32xbf16, #tpu.memory_space<vmem_shared>> -> memref<50176x32xbf16, #tpu.memory_space<vmem_shared>>
      tpu.wait_indirect_dma semaphore(%arg20 : memref<!tpu.dma_semaphore, #tpu.memory_space<semaphore_mem>>) src(%dma_wait3A_861 : memref<128x32xbf16, #tpu.memory_space<vmem>>) dst(%dma_wait3A_867 : memref<50176x32xbf16, #tpu.memory_space<vmem_shared>>)
      %dma_wait3A_868 = arith.constant 3 : i32
      %dma_wait3A_869 = arith.constant 0 : i32
      %dma_wait3A_870 = tpu.memref_slice %arg13[%dma_wait3A_868, %dma_wait3A_869] : memref<4x128xi32, #tpu.memory_space<vmem>> -> memref<1x128xi32, #tpu.memory_space<vmem>>
      %dma_wait3A_871 = tpu.memref_squeeze %dma_wait3A_870 : memref<1x128xi32, #tpu.memory_space<vmem>> -> memref<128xi32, #tpu.memory_space<vmem>>
      %dma_wait3A_872 = arith.constant 0 : i32
      %dma_wait3A_873 = tpu.memref_slice %arg21[%dma_wait3A_872] : memref<50176xf32, #tpu.memory_space<vmem_shared>> -> memref<50176xf32, #tpu.memory_space<vmem_shared>>
      tpu.wait_indirect_dma semaphore(%arg20 : memref<!tpu.dma_semaphore, #tpu.memory_space<semaphore_mem>>) src(%arg23 : memref<128xf32, #tpu.memory_space<vmem>>) dst(%dma_wait3A_873 : memref<50176xf32, #tpu.memory_space<vmem_shared>>)
      %lt3A_874 = arith.constant 24 : i32
      %lt3A_875 = arith.cmpi slt, %scan3A_585, %lt3A_874 : i32
      %convert_element_type3A_876 = arith.extui %lt3A_875 : i1 to i32
      %cond3A_877 = arith.constant 0 : i32
      %cond3A_878 = arith.cmpi ne, %convert_element_type3A_876, %cond3A_877 : i32
      scf.if %cond3A_878 {
        %add3A_880 = arith.constant 3 : i32
        %add3A_881 = arith.addi %add3A_589, %add3A_880 : i32
        %mul3A_882 = arith.constant 512 : i32
        %mul3A_883 = arith.muli %add3A_881, %mul3A_882 : i32
        %mul3A_884 = arith.constant 4 : i32
        %mul3A_885 = arith.muli %add3A_881, %mul3A_884 : i32
        %dma_start3A_886 = tpu.memref_slice %arg3[%mul3A_883] : memref<819200xi32, #tpu.memory_space<hbm>> -> memref<512xi32, #tpu.memory_space<hbm>>
        %dma_start3A_887 = tpu.memref_slice %arg3[%mul3A_883] : memref<819200xi32, #tpu.memory_space<hbm>> -> memref<512xi32, #tpu.memory_space<hbm>>
        tpu.enqueue_dma source(%dma_start3A_887 : memref<512xi32, #tpu.memory_space<hbm>>) target(%arg11 : memref<512xi32, #tpu.memory_space<vmem>>) target_semaphore(%arg17 : memref<!tpu.dma_semaphore, #tpu.memory_space<semaphore_mem>>)
        %dma_start3A_888 = arith.constant 0 : i32
        %dma_start3A_889 = tpu.memref_slice %arg4[%mul3A_885, %dma_start3A_888] : memref<6400x128xi32, #tpu.memory_space<hbm>> -> memref<4x128xi32, #tpu.memory_space<hbm>>
        %dma_start3A_890 = arith.constant 0 : i32
        %dma_start3A_891 = tpu.memref_slice %arg4[%mul3A_885, %dma_start3A_890] : memref<6400x128xi32, #tpu.memory_space<hbm>> -> memref<4x128xi32, #tpu.memory_space<hbm>>
        tpu.enqueue_dma source(%dma_start3A_891 : memref<4x128xi32, #tpu.memory_space<hbm>>) target(%arg13 : memref<4x128xi32, #tpu.memory_space<vmem>>) target_semaphore(%arg17 : memref<!tpu.dma_semaphore, #tpu.memory_space<semaphore_mem>>)
      } else {
      }
      %scan3A_879 = arith.constant 0 : i32
      scf.yield %scan3A_879 : i32
    }
    %scan3A_583 = arith.constant 25 : i32
    %barrier3A_584 = arith.constant 0 : index
    tpu.barrier barrier_id(%barrier3A_584)
    "tpu.region"() ({
      %run_scoped3A_585 = tpu.sem_alloc : memref<!tpu.dma_semaphore, #tpu.memory_space<semaphore_mem>>
      %dma_start3A_586 = arith.constant 0 : i32
      %dma_start3A_587 = tpu.memref_slice %arg6[%arg0, %mul3A_0, %dma_start3A_586] : memref<2x50176x32xbf16, #tpu.memory_space<hbm>> -> memref<1x3136x32xbf16, #tpu.memory_space<hbm>>
      %dma_start3A_588 = tpu.memref_squeeze %dma_start3A_587 : memref<1x3136x32xbf16, #tpu.memory_space<hbm>> -> memref<3136x32xbf16, #tpu.memory_space<hbm>>
      %dma_start3A_589 = arith.constant 0 : i32
      %dma_start3A_590 = tpu.memref_slice %arg8[%mul3A_0, %dma_start3A_589] : memref<50176x32xbf16, #tpu.memory_space<vmem_shared>> -> memref<3136x32xbf16, #tpu.memory_space<vmem_shared>>
      tpu.enqueue_dma source(%dma_start3A_590 : memref<3136x32xbf16, #tpu.memory_space<vmem_shared>>) target(%dma_start3A_588 : memref<3136x32xbf16, #tpu.memory_space<hbm>>) target_semaphore(%run_scoped3A_585 : memref<!tpu.dma_semaphore, #tpu.memory_space<semaphore_mem>>)
      %dma_wait3A_591 = arith.constant 0 : i32
      %dma_wait3A_592 = tpu.memref_slice %arg6[%arg0, %mul3A_0, %dma_wait3A_591] : memref<2x50176x32xbf16, #tpu.memory_space<hbm>> -> memref<1x3136x32xbf16, #tpu.memory_space<hbm>>
      %dma_wait3A_593 = tpu.memref_squeeze %dma_wait3A_592 : memref<1x3136x32xbf16, #tpu.memory_space<hbm>> -> memref<3136x32xbf16, #tpu.memory_space<hbm>>
      %dma_wait3A_594 = arith.constant 0 : i32
      %dma_wait3A_595 = tpu.memref_slice %arg8[%mul3A_0, %dma_wait3A_594] : memref<50176x32xbf16, #tpu.memory_space<vmem_shared>> -> memref<3136x32xbf16, #tpu.memory_space<vmem_shared>>
      tpu.wait_dma2 semaphore(%run_scoped3A_585 : memref<!tpu.dma_semaphore, #tpu.memory_space<semaphore_mem>>) src(%dma_wait3A_595 : memref<3136x32xbf16, #tpu.memory_space<vmem_shared>>) dst(%dma_wait3A_593 : memref<3136x32xbf16, #tpu.memory_space<hbm>>)
      tpu.yield
    }) : () -> ()
    %run_scoped3A = arith.constant 0 : i32
    "tpu.region"() ({
      %run_scoped3A_585 = tpu.sem_alloc : memref<!tpu.dma_semaphore, #tpu.memory_space<semaphore_mem>>
      %dma_start3A_586 = arith.constant 0 : i32
      %dma_start3A_587 = tpu.memref_slice %arg7[%arg0, %arg1, %run_scoped3A, %dma_start3A_586] : memref<2x16x1x3136xf32, #tpu.memory_space<hbm>> -> memref<1x1x1x3136xf32, #tpu.memory_space<hbm>>
      %dma_start3A_588 = tpu.memref_squeeze %dma_start3A_587 : memref<1x1x1x3136xf32, #tpu.memory_space<hbm>> -> memref<3136xf32, #tpu.memory_space<hbm>>
      %dma_start3A_589 = tpu.memref_slice %arg21[%mul3A_0] : memref<50176xf32, #tpu.memory_space<vmem_shared>> -> memref<3136xf32, #tpu.memory_space<vmem_shared>>
      tpu.enqueue_dma source(%dma_start3A_589 : memref<3136xf32, #tpu.memory_space<vmem_shared>>) target(%dma_start3A_588 : memref<3136xf32, #tpu.memory_space<hbm>>) target_semaphore(%run_scoped3A_585 : memref<!tpu.dma_semaphore, #tpu.memory_space<semaphore_mem>>)
      %dma_wait3A_590 = arith.constant 0 : i32
      %dma_wait3A_591 = tpu.memref_slice %arg7[%arg0, %arg1, %run_scoped3A, %dma_wait3A_590] : memref<2x16x1x3136xf32, #tpu.memory_space<hbm>> -> memref<1x1x1x3136xf32, #tpu.memory_space<hbm>>
      %dma_wait3A_592 = tpu.memref_squeeze %dma_wait3A_591 : memref<1x1x1x3136xf32, #tpu.memory_space<hbm>> -> memref<3136xf32, #tpu.memory_space<hbm>>
      %dma_wait3A_593 = tpu.memref_slice %arg21[%mul3A_0] : memref<50176xf32, #tpu.memory_space<vmem_shared>> -> memref<3136xf32, #tpu.memory_space<vmem_shared>>
      tpu.wait_dma2 semaphore(%run_scoped3A_585 : memref<!tpu.dma_semaphore, #tpu.memory_space<semaphore_mem>>) src(%dma_wait3A_593 : memref<3136xf32, #tpu.memory_space<vmem_shared>>) dst(%dma_wait3A_592 : memref<3136xf32, #tpu.memory_space<hbm>>)
      tpu.yield
    }) : () -> ()
    return
  }
}

#map = affine_map<(d0, d1) -> (0, 0)>
#map1 = affine_map<(d0, d1) -> (0)>
#map2 = affine_map<(d0, d1) -> (0, 0, 0)>
module attributes {stable_mosaic.version = 14 : i64} {
  func.func @body(%arg0: i32, %arg1: i32, %arg2: memref<50176x64xbf16, #tpu.memory_space<hbm>>, %arg3: memref<819200xi32, #tpu.memory_space<hbm>>, %arg4: memref<6400x128xi32, #tpu.memory_space<hbm>>, %arg5: memref<112x64xbf16, #tpu.memory_space<hbm>>, %arg6: memref<2x50176x64xbf16, #tpu.memory_space<hbm>>, %arg7: memref<50176x64xbf16, #tpu.memory_space<vmem_shared>>, %arg8: memref<112x64xbf16, #tpu.memory_space<vmem>>, %arg9: memref<256xi32, #tpu.memory_space<vmem>>, %arg10: memref<256xi32, #tpu.memory_space<vmem>>, %arg11: memref<2x128xi32, #tpu.memory_space<vmem>>, %arg12: memref<2x128xi32, #tpu.memory_space<vmem>>, %arg13: memref<256x64xbf16, #tpu.memory_space<vmem>>, %arg14: memref<256x64xbf16, #tpu.memory_space<vmem>>, %arg15: memref<!tpu.dma_semaphore, #tpu.memory_space<semaphore_mem>>, %arg16: memref<!tpu.dma_semaphore, #tpu.memory_space<semaphore_mem>>, %arg17: memref<!tpu.dma_semaphore, #tpu.memory_space<semaphore_mem>>, %arg18: memref<!tpu.dma_semaphore, #tpu.memory_space<semaphore_mem>>, %arg19: memref<!tpu.dma_semaphore, #tpu.memory_space<semaphore_mem>>) attributes {dimension_semantics = [#tpu.dimension_semantics<core_parallel>, #tpu.dimension_semantics<subcore_parallel>], iteration_bounds = array<i64: 2, 16>, scalar_prefetch = 0 : i64, scratch_operands = 13 : i64, tpu.core_type = #tpu.core_type<sc_vector_subcore>, window_params = [{transform_indices = #map}, {transform_indices = #map1}, {transform_indices = #map}, {transform_indices = #map}, {transform_indices = #map2}]} {
    %mul3A = arith.constant 3136 : i32
    %mul3A_0 = arith.muli %arg1, %mul3A : i32
    %mul3A_1 = arith.constant 16 : i32
    %mul3A_2 = arith.muli %arg0, %mul3A_1 : i32
    %add3A = arith.addi %mul3A_2, %arg1 : i32
    %mul3A_3 = arith.constant 100 : i32
    %mul3A_4 = arith.muli %add3A, %mul3A_3 : i32
    tpu.enqueue_dma source(%arg5 : memref<112x64xbf16, #tpu.memory_space<hbm>>) target(%arg8 : memref<112x64xbf16, #tpu.memory_space<vmem>>) target_semaphore(%arg15 : memref<!tpu.dma_semaphore, #tpu.memory_space<semaphore_mem>>)
    tpu.wait_dma2 semaphore(%arg15 : memref<!tpu.dma_semaphore, #tpu.memory_space<semaphore_mem>>) src(%arg5 : memref<112x64xbf16, #tpu.memory_space<hbm>>) dst(%arg8 : memref<112x64xbf16, #tpu.memory_space<vmem>>)
    %add3A_5 = arith.constant 0 : i32
    %add3A_6 = arith.addi %mul3A_0, %add3A_5 : i32
    %dma_start3A = arith.constant 0 : i32
    %dma_start3A_7 = tpu.memref_slice %arg7[%add3A_6, %dma_start3A] : memref<50176x64xbf16, #tpu.memory_space<vmem_shared>> -> memref<112x64xbf16, #tpu.memory_space<vmem_shared>>
    %dma_start3A_8 = arith.constant 0 : i32
    %dma_start3A_9 = tpu.memref_slice %arg7[%add3A_6, %dma_start3A_8] : memref<50176x64xbf16, #tpu.memory_space<vmem_shared>> -> memref<112x64xbf16, #tpu.memory_space<vmem_shared>>
    tpu.enqueue_dma source(%arg8 : memref<112x64xbf16, #tpu.memory_space<vmem>>) target(%dma_start3A_9 : memref<112x64xbf16, #tpu.memory_space<vmem_shared>>) target_semaphore(%arg19 : memref<!tpu.dma_semaphore, #tpu.memory_space<semaphore_mem>>)
    %add3A_10 = arith.constant 112 : i32
    %add3A_11 = arith.addi %mul3A_0, %add3A_10 : i32
    %dma_start3A_12 = arith.constant 0 : i32
    %dma_start3A_13 = tpu.memref_slice %arg7[%add3A_11, %dma_start3A_12] : memref<50176x64xbf16, #tpu.memory_space<vmem_shared>> -> memref<112x64xbf16, #tpu.memory_space<vmem_shared>>
    %dma_start3A_14 = arith.constant 0 : i32
    %dma_start3A_15 = tpu.memref_slice %arg7[%add3A_11, %dma_start3A_14] : memref<50176x64xbf16, #tpu.memory_space<vmem_shared>> -> memref<112x64xbf16, #tpu.memory_space<vmem_shared>>
    tpu.enqueue_dma source(%arg8 : memref<112x64xbf16, #tpu.memory_space<vmem>>) target(%dma_start3A_15 : memref<112x64xbf16, #tpu.memory_space<vmem_shared>>) target_semaphore(%arg19 : memref<!tpu.dma_semaphore, #tpu.memory_space<semaphore_mem>>)
    %add3A_16 = arith.constant 224 : i32
    %add3A_17 = arith.addi %mul3A_0, %add3A_16 : i32
    %dma_start3A_18 = arith.constant 0 : i32
    %dma_start3A_19 = tpu.memref_slice %arg7[%add3A_17, %dma_start3A_18] : memref<50176x64xbf16, #tpu.memory_space<vmem_shared>> -> memref<112x64xbf16, #tpu.memory_space<vmem_shared>>
    %dma_start3A_20 = arith.constant 0 : i32
    %dma_start3A_21 = tpu.memref_slice %arg7[%add3A_17, %dma_start3A_20] : memref<50176x64xbf16, #tpu.memory_space<vmem_shared>> -> memref<112x64xbf16, #tpu.memory_space<vmem_shared>>
    tpu.enqueue_dma source(%arg8 : memref<112x64xbf16, #tpu.memory_space<vmem>>) target(%dma_start3A_21 : memref<112x64xbf16, #tpu.memory_space<vmem_shared>>) target_semaphore(%arg19 : memref<!tpu.dma_semaphore, #tpu.memory_space<semaphore_mem>>)
    %add3A_22 = arith.constant 336 : i32
    %add3A_23 = arith.addi %mul3A_0, %add3A_22 : i32
    %dma_start3A_24 = arith.constant 0 : i32
    %dma_start3A_25 = tpu.memref_slice %arg7[%add3A_23, %dma_start3A_24] : memref<50176x64xbf16, #tpu.memory_space<vmem_shared>> -> memref<112x64xbf16, #tpu.memory_space<vmem_shared>>
    %dma_start3A_26 = arith.constant 0 : i32
    %dma_start3A_27 = tpu.memref_slice %arg7[%add3A_23, %dma_start3A_26] : memref<50176x64xbf16, #tpu.memory_space<vmem_shared>> -> memref<112x64xbf16, #tpu.memory_space<vmem_shared>>
    tpu.enqueue_dma source(%arg8 : memref<112x64xbf16, #tpu.memory_space<vmem>>) target(%dma_start3A_27 : memref<112x64xbf16, #tpu.memory_space<vmem_shared>>) target_semaphore(%arg19 : memref<!tpu.dma_semaphore, #tpu.memory_space<semaphore_mem>>)
    %add3A_28 = arith.constant 448 : i32
    %add3A_29 = arith.addi %mul3A_0, %add3A_28 : i32
    %dma_start3A_30 = arith.constant 0 : i32
    %dma_start3A_31 = tpu.memref_slice %arg7[%add3A_29, %dma_start3A_30] : memref<50176x64xbf16, #tpu.memory_space<vmem_shared>> -> memref<112x64xbf16, #tpu.memory_space<vmem_shared>>
    %dma_start3A_32 = arith.constant 0 : i32
    %dma_start3A_33 = tpu.memref_slice %arg7[%add3A_29, %dma_start3A_32] : memref<50176x64xbf16, #tpu.memory_space<vmem_shared>> -> memref<112x64xbf16, #tpu.memory_space<vmem_shared>>
    tpu.enqueue_dma source(%arg8 : memref<112x64xbf16, #tpu.memory_space<vmem>>) target(%dma_start3A_33 : memref<112x64xbf16, #tpu.memory_space<vmem_shared>>) target_semaphore(%arg19 : memref<!tpu.dma_semaphore, #tpu.memory_space<semaphore_mem>>)
    %add3A_34 = arith.constant 560 : i32
    %add3A_35 = arith.addi %mul3A_0, %add3A_34 : i32
    %dma_start3A_36 = arith.constant 0 : i32
    %dma_start3A_37 = tpu.memref_slice %arg7[%add3A_35, %dma_start3A_36] : memref<50176x64xbf16, #tpu.memory_space<vmem_shared>> -> memref<112x64xbf16, #tpu.memory_space<vmem_shared>>
    %dma_start3A_38 = arith.constant 0 : i32
    %dma_start3A_39 = tpu.memref_slice %arg7[%add3A_35, %dma_start3A_38] : memref<50176x64xbf16, #tpu.memory_space<vmem_shared>> -> memref<112x64xbf16, #tpu.memory_space<vmem_shared>>
    tpu.enqueue_dma source(%arg8 : memref<112x64xbf16, #tpu.memory_space<vmem>>) target(%dma_start3A_39 : memref<112x64xbf16, #tpu.memory_space<vmem_shared>>) target_semaphore(%arg19 : memref<!tpu.dma_semaphore, #tpu.memory_space<semaphore_mem>>)
    %add3A_40 = arith.constant 672 : i32
    %add3A_41 = arith.addi %mul3A_0, %add3A_40 : i32
    %dma_start3A_42 = arith.constant 0 : i32
    %dma_start3A_43 = tpu.memref_slice %arg7[%add3A_41, %dma_start3A_42] : memref<50176x64xbf16, #tpu.memory_space<vmem_shared>> -> memref<112x64xbf16, #tpu.memory_space<vmem_shared>>
    %dma_start3A_44 = arith.constant 0 : i32
    %dma_start3A_45 = tpu.memref_slice %arg7[%add3A_41, %dma_start3A_44] : memref<50176x64xbf16, #tpu.memory_space<vmem_shared>> -> memref<112x64xbf16, #tpu.memory_space<vmem_shared>>
    tpu.enqueue_dma source(%arg8 : memref<112x64xbf16, #tpu.memory_space<vmem>>) target(%dma_start3A_45 : memref<112x64xbf16, #tpu.memory_space<vmem_shared>>) target_semaphore(%arg19 : memref<!tpu.dma_semaphore, #tpu.memory_space<semaphore_mem>>)
    %add3A_46 = arith.constant 784 : i32
    %add3A_47 = arith.addi %mul3A_0, %add3A_46 : i32
    %dma_start3A_48 = arith.constant 0 : i32
    %dma_start3A_49 = tpu.memref_slice %arg7[%add3A_47, %dma_start3A_48] : memref<50176x64xbf16, #tpu.memory_space<vmem_shared>> -> memref<112x64xbf16, #tpu.memory_space<vmem_shared>>
    %dma_start3A_50 = arith.constant 0 : i32
    %dma_start3A_51 = tpu.memref_slice %arg7[%add3A_47, %dma_start3A_50] : memref<50176x64xbf16, #tpu.memory_space<vmem_shared>> -> memref<112x64xbf16, #tpu.memory_space<vmem_shared>>
    tpu.enqueue_dma source(%arg8 : memref<112x64xbf16, #tpu.memory_space<vmem>>) target(%dma_start3A_51 : memref<112x64xbf16, #tpu.memory_space<vmem_shared>>) target_semaphore(%arg19 : memref<!tpu.dma_semaphore, #tpu.memory_space<semaphore_mem>>)
    %add3A_52 = arith.constant 896 : i32
    %add3A_53 = arith.addi %mul3A_0, %add3A_52 : i32
    %dma_start3A_54 = arith.constant 0 : i32
    %dma_start3A_55 = tpu.memref_slice %arg7[%add3A_53, %dma_start3A_54] : memref<50176x64xbf16, #tpu.memory_space<vmem_shared>> -> memref<112x64xbf16, #tpu.memory_space<vmem_shared>>
    %dma_start3A_56 = arith.constant 0 : i32
    %dma_start3A_57 = tpu.memref_slice %arg7[%add3A_53, %dma_start3A_56] : memref<50176x64xbf16, #tpu.memory_space<vmem_shared>> -> memref<112x64xbf16, #tpu.memory_space<vmem_shared>>
    tpu.enqueue_dma source(%arg8 : memref<112x64xbf16, #tpu.memory_space<vmem>>) target(%dma_start3A_57 : memref<112x64xbf16, #tpu.memory_space<vmem_shared>>) target_semaphore(%arg19 : memref<!tpu.dma_semaphore, #tpu.memory_space<semaphore_mem>>)
    %add3A_58 = arith.constant 1008 : i32
    %add3A_59 = arith.addi %mul3A_0, %add3A_58 : i32
    %dma_start3A_60 = arith.constant 0 : i32
    %dma_start3A_61 = tpu.memref_slice %arg7[%add3A_59, %dma_start3A_60] : memref<50176x64xbf16, #tpu.memory_space<vmem_shared>> -> memref<112x64xbf16, #tpu.memory_space<vmem_shared>>
    %dma_start3A_62 = arith.constant 0 : i32
    %dma_start3A_63 = tpu.memref_slice %arg7[%add3A_59, %dma_start3A_62] : memref<50176x64xbf16, #tpu.memory_space<vmem_shared>> -> memref<112x64xbf16, #tpu.memory_space<vmem_shared>>
    tpu.enqueue_dma source(%arg8 : memref<112x64xbf16, #tpu.memory_space<vmem>>) target(%dma_start3A_63 : memref<112x64xbf16, #tpu.memory_space<vmem_shared>>) target_semaphore(%arg19 : memref<!tpu.dma_semaphore, #tpu.memory_space<semaphore_mem>>)
    %add3A_64 = arith.constant 1120 : i32
    %add3A_65 = arith.addi %mul3A_0, %add3A_64 : i32
    %dma_start3A_66 = arith.constant 0 : i32
    %dma_start3A_67 = tpu.memref_slice %arg7[%add3A_65, %dma_start3A_66] : memref<50176x64xbf16, #tpu.memory_space<vmem_shared>> -> memref<112x64xbf16, #tpu.memory_space<vmem_shared>>
    %dma_start3A_68 = arith.constant 0 : i32
    %dma_start3A_69 = tpu.memref_slice %arg7[%add3A_65, %dma_start3A_68] : memref<50176x64xbf16, #tpu.memory_space<vmem_shared>> -> memref<112x64xbf16, #tpu.memory_space<vmem_shared>>
    tpu.enqueue_dma source(%arg8 : memref<112x64xbf16, #tpu.memory_space<vmem>>) target(%dma_start3A_69 : memref<112x64xbf16, #tpu.memory_space<vmem_shared>>) target_semaphore(%arg19 : memref<!tpu.dma_semaphore, #tpu.memory_space<semaphore_mem>>)
    %add3A_70 = arith.constant 1232 : i32
    %add3A_71 = arith.addi %mul3A_0, %add3A_70 : i32
    %dma_start3A_72 = arith.constant 0 : i32
    %dma_start3A_73 = tpu.memref_slice %arg7[%add3A_71, %dma_start3A_72] : memref<50176x64xbf16, #tpu.memory_space<vmem_shared>> -> memref<112x64xbf16, #tpu.memory_space<vmem_shared>>
    %dma_start3A_74 = arith.constant 0 : i32
    %dma_start3A_75 = tpu.memref_slice %arg7[%add3A_71, %dma_start3A_74] : memref<50176x64xbf16, #tpu.memory_space<vmem_shared>> -> memref<112x64xbf16, #tpu.memory_space<vmem_shared>>
    tpu.enqueue_dma source(%arg8 : memref<112x64xbf16, #tpu.memory_space<vmem>>) target(%dma_start3A_75 : memref<112x64xbf16, #tpu.memory_space<vmem_shared>>) target_semaphore(%arg19 : memref<!tpu.dma_semaphore, #tpu.memory_space<semaphore_mem>>)
    %add3A_76 = arith.constant 1344 : i32
    %add3A_77 = arith.addi %mul3A_0, %add3A_76 : i32
    %dma_start3A_78 = arith.constant 0 : i32
    %dma_start3A_79 = tpu.memref_slice %arg7[%add3A_77, %dma_start3A_78] : memref<50176x64xbf16, #tpu.memory_space<vmem_shared>> -> memref<112x64xbf16, #tpu.memory_space<vmem_shared>>
    %dma_start3A_80 = arith.constant 0 : i32
    %dma_start3A_81 = tpu.memref_slice %arg7[%add3A_77, %dma_start3A_80] : memref<50176x64xbf16, #tpu.memory_space<vmem_shared>> -> memref<112x64xbf16, #tpu.memory_space<vmem_shared>>
    tpu.enqueue_dma source(%arg8 : memref<112x64xbf16, #tpu.memory_space<vmem>>) target(%dma_start3A_81 : memref<112x64xbf16, #tpu.memory_space<vmem_shared>>) target_semaphore(%arg19 : memref<!tpu.dma_semaphore, #tpu.memory_space<semaphore_mem>>)
    %add3A_82 = arith.constant 1456 : i32
    %add3A_83 = arith.addi %mul3A_0, %add3A_82 : i32
    %dma_start3A_84 = arith.constant 0 : i32
    %dma_start3A_85 = tpu.memref_slice %arg7[%add3A_83, %dma_start3A_84] : memref<50176x64xbf16, #tpu.memory_space<vmem_shared>> -> memref<112x64xbf16, #tpu.memory_space<vmem_shared>>
    %dma_start3A_86 = arith.constant 0 : i32
    %dma_start3A_87 = tpu.memref_slice %arg7[%add3A_83, %dma_start3A_86] : memref<50176x64xbf16, #tpu.memory_space<vmem_shared>> -> memref<112x64xbf16, #tpu.memory_space<vmem_shared>>
    tpu.enqueue_dma source(%arg8 : memref<112x64xbf16, #tpu.memory_space<vmem>>) target(%dma_start3A_87 : memref<112x64xbf16, #tpu.memory_space<vmem_shared>>) target_semaphore(%arg19 : memref<!tpu.dma_semaphore, #tpu.memory_space<semaphore_mem>>)
    %add3A_88 = arith.constant 1568 : i32
    %add3A_89 = arith.addi %mul3A_0, %add3A_88 : i32
    %dma_start3A_90 = arith.constant 0 : i32
    %dma_start3A_91 = tpu.memref_slice %arg7[%add3A_89, %dma_start3A_90] : memref<50176x64xbf16, #tpu.memory_space<vmem_shared>> -> memref<112x64xbf16, #tpu.memory_space<vmem_shared>>
    %dma_start3A_92 = arith.constant 0 : i32
    %dma_start3A_93 = tpu.memref_slice %arg7[%add3A_89, %dma_start3A_92] : memref<50176x64xbf16, #tpu.memory_space<vmem_shared>> -> memref<112x64xbf16, #tpu.memory_space<vmem_shared>>
    tpu.enqueue_dma source(%arg8 : memref<112x64xbf16, #tpu.memory_space<vmem>>) target(%dma_start3A_93 : memref<112x64xbf16, #tpu.memory_space<vmem_shared>>) target_semaphore(%arg19 : memref<!tpu.dma_semaphore, #tpu.memory_space<semaphore_mem>>)
    %add3A_94 = arith.constant 1680 : i32
    %add3A_95 = arith.addi %mul3A_0, %add3A_94 : i32
    %dma_start3A_96 = arith.constant 0 : i32
    %dma_start3A_97 = tpu.memref_slice %arg7[%add3A_95, %dma_start3A_96] : memref<50176x64xbf16, #tpu.memory_space<vmem_shared>> -> memref<112x64xbf16, #tpu.memory_space<vmem_shared>>
    %dma_start3A_98 = arith.constant 0 : i32
    %dma_start3A_99 = tpu.memref_slice %arg7[%add3A_95, %dma_start3A_98] : memref<50176x64xbf16, #tpu.memory_space<vmem_shared>> -> memref<112x64xbf16, #tpu.memory_space<vmem_shared>>
    tpu.enqueue_dma source(%arg8 : memref<112x64xbf16, #tpu.memory_space<vmem>>) target(%dma_start3A_99 : memref<112x64xbf16, #tpu.memory_space<vmem_shared>>) target_semaphore(%arg19 : memref<!tpu.dma_semaphore, #tpu.memory_space<semaphore_mem>>)
    %add3A_100 = arith.constant 1792 : i32
    %add3A_101 = arith.addi %mul3A_0, %add3A_100 : i32
    %dma_start3A_102 = arith.constant 0 : i32
    %dma_start3A_103 = tpu.memref_slice %arg7[%add3A_101, %dma_start3A_102] : memref<50176x64xbf16, #tpu.memory_space<vmem_shared>> -> memref<112x64xbf16, #tpu.memory_space<vmem_shared>>
    %dma_start3A_104 = arith.constant 0 : i32
    %dma_start3A_105 = tpu.memref_slice %arg7[%add3A_101, %dma_start3A_104] : memref<50176x64xbf16, #tpu.memory_space<vmem_shared>> -> memref<112x64xbf16, #tpu.memory_space<vmem_shared>>
    tpu.enqueue_dma source(%arg8 : memref<112x64xbf16, #tpu.memory_space<vmem>>) target(%dma_start3A_105 : memref<112x64xbf16, #tpu.memory_space<vmem_shared>>) target_semaphore(%arg19 : memref<!tpu.dma_semaphore, #tpu.memory_space<semaphore_mem>>)
    %add3A_106 = arith.constant 1904 : i32
    %add3A_107 = arith.addi %mul3A_0, %add3A_106 : i32
    %dma_start3A_108 = arith.constant 0 : i32
    %dma_start3A_109 = tpu.memref_slice %arg7[%add3A_107, %dma_start3A_108] : memref<50176x64xbf16, #tpu.memory_space<vmem_shared>> -> memref<112x64xbf16, #tpu.memory_space<vmem_shared>>
    %dma_start3A_110 = arith.constant 0 : i32
    %dma_start3A_111 = tpu.memref_slice %arg7[%add3A_107, %dma_start3A_110] : memref<50176x64xbf16, #tpu.memory_space<vmem_shared>> -> memref<112x64xbf16, #tpu.memory_space<vmem_shared>>
    tpu.enqueue_dma source(%arg8 : memref<112x64xbf16, #tpu.memory_space<vmem>>) target(%dma_start3A_111 : memref<112x64xbf16, #tpu.memory_space<vmem_shared>>) target_semaphore(%arg19 : memref<!tpu.dma_semaphore, #tpu.memory_space<semaphore_mem>>)
    %add3A_112 = arith.constant 2016 : i32
    %add3A_113 = arith.addi %mul3A_0, %add3A_112 : i32
    %dma_start3A_114 = arith.constant 0 : i32
    %dma_start3A_115 = tpu.memref_slice %arg7[%add3A_113, %dma_start3A_114] : memref<50176x64xbf16, #tpu.memory_space<vmem_shared>> -> memref<112x64xbf16, #tpu.memory_space<vmem_shared>>
    %dma_start3A_116 = arith.constant 0 : i32
    %dma_start3A_117 = tpu.memref_slice %arg7[%add3A_113, %dma_start3A_116] : memref<50176x64xbf16, #tpu.memory_space<vmem_shared>> -> memref<112x64xbf16, #tpu.memory_space<vmem_shared>>
    tpu.enqueue_dma source(%arg8 : memref<112x64xbf16, #tpu.memory_space<vmem>>) target(%dma_start3A_117 : memref<112x64xbf16, #tpu.memory_space<vmem_shared>>) target_semaphore(%arg19 : memref<!tpu.dma_semaphore, #tpu.memory_space<semaphore_mem>>)
    %add3A_118 = arith.constant 2128 : i32
    %add3A_119 = arith.addi %mul3A_0, %add3A_118 : i32
    %dma_start3A_120 = arith.constant 0 : i32
    %dma_start3A_121 = tpu.memref_slice %arg7[%add3A_119, %dma_start3A_120] : memref<50176x64xbf16, #tpu.memory_space<vmem_shared>> -> memref<112x64xbf16, #tpu.memory_space<vmem_shared>>
    %dma_start3A_122 = arith.constant 0 : i32
    %dma_start3A_123 = tpu.memref_slice %arg7[%add3A_119, %dma_start3A_122] : memref<50176x64xbf16, #tpu.memory_space<vmem_shared>> -> memref<112x64xbf16, #tpu.memory_space<vmem_shared>>
    tpu.enqueue_dma source(%arg8 : memref<112x64xbf16, #tpu.memory_space<vmem>>) target(%dma_start3A_123 : memref<112x64xbf16, #tpu.memory_space<vmem_shared>>) target_semaphore(%arg19 : memref<!tpu.dma_semaphore, #tpu.memory_space<semaphore_mem>>)
    %add3A_124 = arith.constant 2240 : i32
    %add3A_125 = arith.addi %mul3A_0, %add3A_124 : i32
    %dma_start3A_126 = arith.constant 0 : i32
    %dma_start3A_127 = tpu.memref_slice %arg7[%add3A_125, %dma_start3A_126] : memref<50176x64xbf16, #tpu.memory_space<vmem_shared>> -> memref<112x64xbf16, #tpu.memory_space<vmem_shared>>
    %dma_start3A_128 = arith.constant 0 : i32
    %dma_start3A_129 = tpu.memref_slice %arg7[%add3A_125, %dma_start3A_128] : memref<50176x64xbf16, #tpu.memory_space<vmem_shared>> -> memref<112x64xbf16, #tpu.memory_space<vmem_shared>>
    tpu.enqueue_dma source(%arg8 : memref<112x64xbf16, #tpu.memory_space<vmem>>) target(%dma_start3A_129 : memref<112x64xbf16, #tpu.memory_space<vmem_shared>>) target_semaphore(%arg19 : memref<!tpu.dma_semaphore, #tpu.memory_space<semaphore_mem>>)
    %add3A_130 = arith.constant 2352 : i32
    %add3A_131 = arith.addi %mul3A_0, %add3A_130 : i32
    %dma_start3A_132 = arith.constant 0 : i32
    %dma_start3A_133 = tpu.memref_slice %arg7[%add3A_131, %dma_start3A_132] : memref<50176x64xbf16, #tpu.memory_space<vmem_shared>> -> memref<112x64xbf16, #tpu.memory_space<vmem_shared>>
    %dma_start3A_134 = arith.constant 0 : i32
    %dma_start3A_135 = tpu.memref_slice %arg7[%add3A_131, %dma_start3A_134] : memref<50176x64xbf16, #tpu.memory_space<vmem_shared>> -> memref<112x64xbf16, #tpu.memory_space<vmem_shared>>
    tpu.enqueue_dma source(%arg8 : memref<112x64xbf16, #tpu.memory_space<vmem>>) target(%dma_start3A_135 : memref<112x64xbf16, #tpu.memory_space<vmem_shared>>) target_semaphore(%arg19 : memref<!tpu.dma_semaphore, #tpu.memory_space<semaphore_mem>>)
    %add3A_136 = arith.constant 2464 : i32
    %add3A_137 = arith.addi %mul3A_0, %add3A_136 : i32
    %dma_start3A_138 = arith.constant 0 : i32
    %dma_start3A_139 = tpu.memref_slice %arg7[%add3A_137, %dma_start3A_138] : memref<50176x64xbf16, #tpu.memory_space<vmem_shared>> -> memref<112x64xbf16, #tpu.memory_space<vmem_shared>>
    %dma_start3A_140 = arith.constant 0 : i32
    %dma_start3A_141 = tpu.memref_slice %arg7[%add3A_137, %dma_start3A_140] : memref<50176x64xbf16, #tpu.memory_space<vmem_shared>> -> memref<112x64xbf16, #tpu.memory_space<vmem_shared>>
    tpu.enqueue_dma source(%arg8 : memref<112x64xbf16, #tpu.memory_space<vmem>>) target(%dma_start3A_141 : memref<112x64xbf16, #tpu.memory_space<vmem_shared>>) target_semaphore(%arg19 : memref<!tpu.dma_semaphore, #tpu.memory_space<semaphore_mem>>)
    %add3A_142 = arith.constant 2576 : i32
    %add3A_143 = arith.addi %mul3A_0, %add3A_142 : i32
    %dma_start3A_144 = arith.constant 0 : i32
    %dma_start3A_145 = tpu.memref_slice %arg7[%add3A_143, %dma_start3A_144] : memref<50176x64xbf16, #tpu.memory_space<vmem_shared>> -> memref<112x64xbf16, #tpu.memory_space<vmem_shared>>
    %dma_start3A_146 = arith.constant 0 : i32
    %dma_start3A_147 = tpu.memref_slice %arg7[%add3A_143, %dma_start3A_146] : memref<50176x64xbf16, #tpu.memory_space<vmem_shared>> -> memref<112x64xbf16, #tpu.memory_space<vmem_shared>>
    tpu.enqueue_dma source(%arg8 : memref<112x64xbf16, #tpu.memory_space<vmem>>) target(%dma_start3A_147 : memref<112x64xbf16, #tpu.memory_space<vmem_shared>>) target_semaphore(%arg19 : memref<!tpu.dma_semaphore, #tpu.memory_space<semaphore_mem>>)
    %add3A_148 = arith.constant 2688 : i32
    %add3A_149 = arith.addi %mul3A_0, %add3A_148 : i32
    %dma_start3A_150 = arith.constant 0 : i32
    %dma_start3A_151 = tpu.memref_slice %arg7[%add3A_149, %dma_start3A_150] : memref<50176x64xbf16, #tpu.memory_space<vmem_shared>> -> memref<112x64xbf16, #tpu.memory_space<vmem_shared>>
    %dma_start3A_152 = arith.constant 0 : i32
    %dma_start3A_153 = tpu.memref_slice %arg7[%add3A_149, %dma_start3A_152] : memref<50176x64xbf16, #tpu.memory_space<vmem_shared>> -> memref<112x64xbf16, #tpu.memory_space<vmem_shared>>
    tpu.enqueue_dma source(%arg8 : memref<112x64xbf16, #tpu.memory_space<vmem>>) target(%dma_start3A_153 : memref<112x64xbf16, #tpu.memory_space<vmem_shared>>) target_semaphore(%arg19 : memref<!tpu.dma_semaphore, #tpu.memory_space<semaphore_mem>>)
    %add3A_154 = arith.constant 2800 : i32
    %add3A_155 = arith.addi %mul3A_0, %add3A_154 : i32
    %dma_start3A_156 = arith.constant 0 : i32
    %dma_start3A_157 = tpu.memref_slice %arg7[%add3A_155, %dma_start3A_156] : memref<50176x64xbf16, #tpu.memory_space<vmem_shared>> -> memref<112x64xbf16, #tpu.memory_space<vmem_shared>>
    %dma_start3A_158 = arith.constant 0 : i32
    %dma_start3A_159 = tpu.memref_slice %arg7[%add3A_155, %dma_start3A_158] : memref<50176x64xbf16, #tpu.memory_space<vmem_shared>> -> memref<112x64xbf16, #tpu.memory_space<vmem_shared>>
    tpu.enqueue_dma source(%arg8 : memref<112x64xbf16, #tpu.memory_space<vmem>>) target(%dma_start3A_159 : memref<112x64xbf16, #tpu.memory_space<vmem_shared>>) target_semaphore(%arg19 : memref<!tpu.dma_semaphore, #tpu.memory_space<semaphore_mem>>)
    %add3A_160 = arith.constant 2912 : i32
    %add3A_161 = arith.addi %mul3A_0, %add3A_160 : i32
    %dma_start3A_162 = arith.constant 0 : i32
    %dma_start3A_163 = tpu.memref_slice %arg7[%add3A_161, %dma_start3A_162] : memref<50176x64xbf16, #tpu.memory_space<vmem_shared>> -> memref<112x64xbf16, #tpu.memory_space<vmem_shared>>
    %dma_start3A_164 = arith.constant 0 : i32
    %dma_start3A_165 = tpu.memref_slice %arg7[%add3A_161, %dma_start3A_164] : memref<50176x64xbf16, #tpu.memory_space<vmem_shared>> -> memref<112x64xbf16, #tpu.memory_space<vmem_shared>>
    tpu.enqueue_dma source(%arg8 : memref<112x64xbf16, #tpu.memory_space<vmem>>) target(%dma_start3A_165 : memref<112x64xbf16, #tpu.memory_space<vmem_shared>>) target_semaphore(%arg19 : memref<!tpu.dma_semaphore, #tpu.memory_space<semaphore_mem>>)
    %add3A_166 = arith.constant 3024 : i32
    %add3A_167 = arith.addi %mul3A_0, %add3A_166 : i32
    %dma_start3A_168 = arith.constant 0 : i32
    %dma_start3A_169 = tpu.memref_slice %arg7[%add3A_167, %dma_start3A_168] : memref<50176x64xbf16, #tpu.memory_space<vmem_shared>> -> memref<112x64xbf16, #tpu.memory_space<vmem_shared>>
    %dma_start3A_170 = arith.constant 0 : i32
    %dma_start3A_171 = tpu.memref_slice %arg7[%add3A_167, %dma_start3A_170] : memref<50176x64xbf16, #tpu.memory_space<vmem_shared>> -> memref<112x64xbf16, #tpu.memory_space<vmem_shared>>
    tpu.enqueue_dma source(%arg8 : memref<112x64xbf16, #tpu.memory_space<vmem>>) target(%dma_start3A_171 : memref<112x64xbf16, #tpu.memory_space<vmem_shared>>) target_semaphore(%arg19 : memref<!tpu.dma_semaphore, #tpu.memory_space<semaphore_mem>>)
    %dma_wait3A = arith.constant 0 : i32
    %dma_wait3A_172 = tpu.memref_slice %arg7[%add3A_6, %dma_wait3A] : memref<50176x64xbf16, #tpu.memory_space<vmem_shared>> -> memref<112x64xbf16, #tpu.memory_space<vmem_shared>>
    %dma_wait3A_173 = arith.constant 0 : i32
    %dma_wait3A_174 = tpu.memref_slice %arg7[%add3A_6, %dma_wait3A_173] : memref<50176x64xbf16, #tpu.memory_space<vmem_shared>> -> memref<112x64xbf16, #tpu.memory_space<vmem_shared>>
    tpu.wait_dma2 semaphore(%arg19 : memref<!tpu.dma_semaphore, #tpu.memory_space<semaphore_mem>>) src(%arg8 : memref<112x64xbf16, #tpu.memory_space<vmem>>) dst(%dma_wait3A_174 : memref<112x64xbf16, #tpu.memory_space<vmem_shared>>)
    %dma_wait3A_175 = arith.constant 0 : i32
    %dma_wait3A_176 = tpu.memref_slice %arg7[%add3A_11, %dma_wait3A_175] : memref<50176x64xbf16, #tpu.memory_space<vmem_shared>> -> memref<112x64xbf16, #tpu.memory_space<vmem_shared>>
    %dma_wait3A_177 = arith.constant 0 : i32
    %dma_wait3A_178 = tpu.memref_slice %arg7[%add3A_11, %dma_wait3A_177] : memref<50176x64xbf16, #tpu.memory_space<vmem_shared>> -> memref<112x64xbf16, #tpu.memory_space<vmem_shared>>
    tpu.wait_dma2 semaphore(%arg19 : memref<!tpu.dma_semaphore, #tpu.memory_space<semaphore_mem>>) src(%arg8 : memref<112x64xbf16, #tpu.memory_space<vmem>>) dst(%dma_wait3A_178 : memref<112x64xbf16, #tpu.memory_space<vmem_shared>>)
    %dma_wait3A_179 = arith.constant 0 : i32
    %dma_wait3A_180 = tpu.memref_slice %arg7[%add3A_17, %dma_wait3A_179] : memref<50176x64xbf16, #tpu.memory_space<vmem_shared>> -> memref<112x64xbf16, #tpu.memory_space<vmem_shared>>
    %dma_wait3A_181 = arith.constant 0 : i32
    %dma_wait3A_182 = tpu.memref_slice %arg7[%add3A_17, %dma_wait3A_181] : memref<50176x64xbf16, #tpu.memory_space<vmem_shared>> -> memref<112x64xbf16, #tpu.memory_space<vmem_shared>>
    tpu.wait_dma2 semaphore(%arg19 : memref<!tpu.dma_semaphore, #tpu.memory_space<semaphore_mem>>) src(%arg8 : memref<112x64xbf16, #tpu.memory_space<vmem>>) dst(%dma_wait3A_182 : memref<112x64xbf16, #tpu.memory_space<vmem_shared>>)
    %dma_wait3A_183 = arith.constant 0 : i32
    %dma_wait3A_184 = tpu.memref_slice %arg7[%add3A_23, %dma_wait3A_183] : memref<50176x64xbf16, #tpu.memory_space<vmem_shared>> -> memref<112x64xbf16, #tpu.memory_space<vmem_shared>>
    %dma_wait3A_185 = arith.constant 0 : i32
    %dma_wait3A_186 = tpu.memref_slice %arg7[%add3A_23, %dma_wait3A_185] : memref<50176x64xbf16, #tpu.memory_space<vmem_shared>> -> memref<112x64xbf16, #tpu.memory_space<vmem_shared>>
    tpu.wait_dma2 semaphore(%arg19 : memref<!tpu.dma_semaphore, #tpu.memory_space<semaphore_mem>>) src(%arg8 : memref<112x64xbf16, #tpu.memory_space<vmem>>) dst(%dma_wait3A_186 : memref<112x64xbf16, #tpu.memory_space<vmem_shared>>)
    %dma_wait3A_187 = arith.constant 0 : i32
    %dma_wait3A_188 = tpu.memref_slice %arg7[%add3A_29, %dma_wait3A_187] : memref<50176x64xbf16, #tpu.memory_space<vmem_shared>> -> memref<112x64xbf16, #tpu.memory_space<vmem_shared>>
    %dma_wait3A_189 = arith.constant 0 : i32
    %dma_wait3A_190 = tpu.memref_slice %arg7[%add3A_29, %dma_wait3A_189] : memref<50176x64xbf16, #tpu.memory_space<vmem_shared>> -> memref<112x64xbf16, #tpu.memory_space<vmem_shared>>
    tpu.wait_dma2 semaphore(%arg19 : memref<!tpu.dma_semaphore, #tpu.memory_space<semaphore_mem>>) src(%arg8 : memref<112x64xbf16, #tpu.memory_space<vmem>>) dst(%dma_wait3A_190 : memref<112x64xbf16, #tpu.memory_space<vmem_shared>>)
    %dma_wait3A_191 = arith.constant 0 : i32
    %dma_wait3A_192 = tpu.memref_slice %arg7[%add3A_35, %dma_wait3A_191] : memref<50176x64xbf16, #tpu.memory_space<vmem_shared>> -> memref<112x64xbf16, #tpu.memory_space<vmem_shared>>
    %dma_wait3A_193 = arith.constant 0 : i32
    %dma_wait3A_194 = tpu.memref_slice %arg7[%add3A_35, %dma_wait3A_193] : memref<50176x64xbf16, #tpu.memory_space<vmem_shared>> -> memref<112x64xbf16, #tpu.memory_space<vmem_shared>>
    tpu.wait_dma2 semaphore(%arg19 : memref<!tpu.dma_semaphore, #tpu.memory_space<semaphore_mem>>) src(%arg8 : memref<112x64xbf16, #tpu.memory_space<vmem>>) dst(%dma_wait3A_194 : memref<112x64xbf16, #tpu.memory_space<vmem_shared>>)
    %dma_wait3A_195 = arith.constant 0 : i32
    %dma_wait3A_196 = tpu.memref_slice %arg7[%add3A_41, %dma_wait3A_195] : memref<50176x64xbf16, #tpu.memory_space<vmem_shared>> -> memref<112x64xbf16, #tpu.memory_space<vmem_shared>>
    %dma_wait3A_197 = arith.constant 0 : i32
    %dma_wait3A_198 = tpu.memref_slice %arg7[%add3A_41, %dma_wait3A_197] : memref<50176x64xbf16, #tpu.memory_space<vmem_shared>> -> memref<112x64xbf16, #tpu.memory_space<vmem_shared>>
    tpu.wait_dma2 semaphore(%arg19 : memref<!tpu.dma_semaphore, #tpu.memory_space<semaphore_mem>>) src(%arg8 : memref<112x64xbf16, #tpu.memory_space<vmem>>) dst(%dma_wait3A_198 : memref<112x64xbf16, #tpu.memory_space<vmem_shared>>)
    %dma_wait3A_199 = arith.constant 0 : i32
    %dma_wait3A_200 = tpu.memref_slice %arg7[%add3A_47, %dma_wait3A_199] : memref<50176x64xbf16, #tpu.memory_space<vmem_shared>> -> memref<112x64xbf16, #tpu.memory_space<vmem_shared>>
    %dma_wait3A_201 = arith.constant 0 : i32
    %dma_wait3A_202 = tpu.memref_slice %arg7[%add3A_47, %dma_wait3A_201] : memref<50176x64xbf16, #tpu.memory_space<vmem_shared>> -> memref<112x64xbf16, #tpu.memory_space<vmem_shared>>
    tpu.wait_dma2 semaphore(%arg19 : memref<!tpu.dma_semaphore, #tpu.memory_space<semaphore_mem>>) src(%arg8 : memref<112x64xbf16, #tpu.memory_space<vmem>>) dst(%dma_wait3A_202 : memref<112x64xbf16, #tpu.memory_space<vmem_shared>>)
    %dma_wait3A_203 = arith.constant 0 : i32
    %dma_wait3A_204 = tpu.memref_slice %arg7[%add3A_53, %dma_wait3A_203] : memref<50176x64xbf16, #tpu.memory_space<vmem_shared>> -> memref<112x64xbf16, #tpu.memory_space<vmem_shared>>
    %dma_wait3A_205 = arith.constant 0 : i32
    %dma_wait3A_206 = tpu.memref_slice %arg7[%add3A_53, %dma_wait3A_205] : memref<50176x64xbf16, #tpu.memory_space<vmem_shared>> -> memref<112x64xbf16, #tpu.memory_space<vmem_shared>>
    tpu.wait_dma2 semaphore(%arg19 : memref<!tpu.dma_semaphore, #tpu.memory_space<semaphore_mem>>) src(%arg8 : memref<112x64xbf16, #tpu.memory_space<vmem>>) dst(%dma_wait3A_206 : memref<112x64xbf16, #tpu.memory_space<vmem_shared>>)
    %dma_wait3A_207 = arith.constant 0 : i32
    %dma_wait3A_208 = tpu.memref_slice %arg7[%add3A_59, %dma_wait3A_207] : memref<50176x64xbf16, #tpu.memory_space<vmem_shared>> -> memref<112x64xbf16, #tpu.memory_space<vmem_shared>>
    %dma_wait3A_209 = arith.constant 0 : i32
    %dma_wait3A_210 = tpu.memref_slice %arg7[%add3A_59, %dma_wait3A_209] : memref<50176x64xbf16, #tpu.memory_space<vmem_shared>> -> memref<112x64xbf16, #tpu.memory_space<vmem_shared>>
    tpu.wait_dma2 semaphore(%arg19 : memref<!tpu.dma_semaphore, #tpu.memory_space<semaphore_mem>>) src(%arg8 : memref<112x64xbf16, #tpu.memory_space<vmem>>) dst(%dma_wait3A_210 : memref<112x64xbf16, #tpu.memory_space<vmem_shared>>)
    %dma_wait3A_211 = arith.constant 0 : i32
    %dma_wait3A_212 = tpu.memref_slice %arg7[%add3A_65, %dma_wait3A_211] : memref<50176x64xbf16, #tpu.memory_space<vmem_shared>> -> memref<112x64xbf16, #tpu.memory_space<vmem_shared>>
    %dma_wait3A_213 = arith.constant 0 : i32
    %dma_wait3A_214 = tpu.memref_slice %arg7[%add3A_65, %dma_wait3A_213] : memref<50176x64xbf16, #tpu.memory_space<vmem_shared>> -> memref<112x64xbf16, #tpu.memory_space<vmem_shared>>
    tpu.wait_dma2 semaphore(%arg19 : memref<!tpu.dma_semaphore, #tpu.memory_space<semaphore_mem>>) src(%arg8 : memref<112x64xbf16, #tpu.memory_space<vmem>>) dst(%dma_wait3A_214 : memref<112x64xbf16, #tpu.memory_space<vmem_shared>>)
    %dma_wait3A_215 = arith.constant 0 : i32
    %dma_wait3A_216 = tpu.memref_slice %arg7[%add3A_71, %dma_wait3A_215] : memref<50176x64xbf16, #tpu.memory_space<vmem_shared>> -> memref<112x64xbf16, #tpu.memory_space<vmem_shared>>
    %dma_wait3A_217 = arith.constant 0 : i32
    %dma_wait3A_218 = tpu.memref_slice %arg7[%add3A_71, %dma_wait3A_217] : memref<50176x64xbf16, #tpu.memory_space<vmem_shared>> -> memref<112x64xbf16, #tpu.memory_space<vmem_shared>>
    tpu.wait_dma2 semaphore(%arg19 : memref<!tpu.dma_semaphore, #tpu.memory_space<semaphore_mem>>) src(%arg8 : memref<112x64xbf16, #tpu.memory_space<vmem>>) dst(%dma_wait3A_218 : memref<112x64xbf16, #tpu.memory_space<vmem_shared>>)
    %dma_wait3A_219 = arith.constant 0 : i32
    %dma_wait3A_220 = tpu.memref_slice %arg7[%add3A_77, %dma_wait3A_219] : memref<50176x64xbf16, #tpu.memory_space<vmem_shared>> -> memref<112x64xbf16, #tpu.memory_space<vmem_shared>>
    %dma_wait3A_221 = arith.constant 0 : i32
    %dma_wait3A_222 = tpu.memref_slice %arg7[%add3A_77, %dma_wait3A_221] : memref<50176x64xbf16, #tpu.memory_space<vmem_shared>> -> memref<112x64xbf16, #tpu.memory_space<vmem_shared>>
    tpu.wait_dma2 semaphore(%arg19 : memref<!tpu.dma_semaphore, #tpu.memory_space<semaphore_mem>>) src(%arg8 : memref<112x64xbf16, #tpu.memory_space<vmem>>) dst(%dma_wait3A_222 : memref<112x64xbf16, #tpu.memory_space<vmem_shared>>)
    %dma_wait3A_223 = arith.constant 0 : i32
    %dma_wait3A_224 = tpu.memref_slice %arg7[%add3A_83, %dma_wait3A_223] : memref<50176x64xbf16, #tpu.memory_space<vmem_shared>> -> memref<112x64xbf16, #tpu.memory_space<vmem_shared>>
    %dma_wait3A_225 = arith.constant 0 : i32
    %dma_wait3A_226 = tpu.memref_slice %arg7[%add3A_83, %dma_wait3A_225] : memref<50176x64xbf16, #tpu.memory_space<vmem_shared>> -> memref<112x64xbf16, #tpu.memory_space<vmem_shared>>
    tpu.wait_dma2 semaphore(%arg19 : memref<!tpu.dma_semaphore, #tpu.memory_space<semaphore_mem>>) src(%arg8 : memref<112x64xbf16, #tpu.memory_space<vmem>>) dst(%dma_wait3A_226 : memref<112x64xbf16, #tpu.memory_space<vmem_shared>>)
    %dma_wait3A_227 = arith.constant 0 : i32
    %dma_wait3A_228 = tpu.memref_slice %arg7[%add3A_89, %dma_wait3A_227] : memref<50176x64xbf16, #tpu.memory_space<vmem_shared>> -> memref<112x64xbf16, #tpu.memory_space<vmem_shared>>
    %dma_wait3A_229 = arith.constant 0 : i32
    %dma_wait3A_230 = tpu.memref_slice %arg7[%add3A_89, %dma_wait3A_229] : memref<50176x64xbf16, #tpu.memory_space<vmem_shared>> -> memref<112x64xbf16, #tpu.memory_space<vmem_shared>>
    tpu.wait_dma2 semaphore(%arg19 : memref<!tpu.dma_semaphore, #tpu.memory_space<semaphore_mem>>) src(%arg8 : memref<112x64xbf16, #tpu.memory_space<vmem>>) dst(%dma_wait3A_230 : memref<112x64xbf16, #tpu.memory_space<vmem_shared>>)
    %dma_wait3A_231 = arith.constant 0 : i32
    %dma_wait3A_232 = tpu.memref_slice %arg7[%add3A_95, %dma_wait3A_231] : memref<50176x64xbf16, #tpu.memory_space<vmem_shared>> -> memref<112x64xbf16, #tpu.memory_space<vmem_shared>>
    %dma_wait3A_233 = arith.constant 0 : i32
    %dma_wait3A_234 = tpu.memref_slice %arg7[%add3A_95, %dma_wait3A_233] : memref<50176x64xbf16, #tpu.memory_space<vmem_shared>> -> memref<112x64xbf16, #tpu.memory_space<vmem_shared>>
    tpu.wait_dma2 semaphore(%arg19 : memref<!tpu.dma_semaphore, #tpu.memory_space<semaphore_mem>>) src(%arg8 : memref<112x64xbf16, #tpu.memory_space<vmem>>) dst(%dma_wait3A_234 : memref<112x64xbf16, #tpu.memory_space<vmem_shared>>)
    %dma_wait3A_235 = arith.constant 0 : i32
    %dma_wait3A_236 = tpu.memref_slice %arg7[%add3A_101, %dma_wait3A_235] : memref<50176x64xbf16, #tpu.memory_space<vmem_shared>> -> memref<112x64xbf16, #tpu.memory_space<vmem_shared>>
    %dma_wait3A_237 = arith.constant 0 : i32
    %dma_wait3A_238 = tpu.memref_slice %arg7[%add3A_101, %dma_wait3A_237] : memref<50176x64xbf16, #tpu.memory_space<vmem_shared>> -> memref<112x64xbf16, #tpu.memory_space<vmem_shared>>
    tpu.wait_dma2 semaphore(%arg19 : memref<!tpu.dma_semaphore, #tpu.memory_space<semaphore_mem>>) src(%arg8 : memref<112x64xbf16, #tpu.memory_space<vmem>>) dst(%dma_wait3A_238 : memref<112x64xbf16, #tpu.memory_space<vmem_shared>>)
    %dma_wait3A_239 = arith.constant 0 : i32
    %dma_wait3A_240 = tpu.memref_slice %arg7[%add3A_107, %dma_wait3A_239] : memref<50176x64xbf16, #tpu.memory_space<vmem_shared>> -> memref<112x64xbf16, #tpu.memory_space<vmem_shared>>
    %dma_wait3A_241 = arith.constant 0 : i32
    %dma_wait3A_242 = tpu.memref_slice %arg7[%add3A_107, %dma_wait3A_241] : memref<50176x64xbf16, #tpu.memory_space<vmem_shared>> -> memref<112x64xbf16, #tpu.memory_space<vmem_shared>>
    tpu.wait_dma2 semaphore(%arg19 : memref<!tpu.dma_semaphore, #tpu.memory_space<semaphore_mem>>) src(%arg8 : memref<112x64xbf16, #tpu.memory_space<vmem>>) dst(%dma_wait3A_242 : memref<112x64xbf16, #tpu.memory_space<vmem_shared>>)
    %dma_wait3A_243 = arith.constant 0 : i32
    %dma_wait3A_244 = tpu.memref_slice %arg7[%add3A_113, %dma_wait3A_243] : memref<50176x64xbf16, #tpu.memory_space<vmem_shared>> -> memref<112x64xbf16, #tpu.memory_space<vmem_shared>>
    %dma_wait3A_245 = arith.constant 0 : i32
    %dma_wait3A_246 = tpu.memref_slice %arg7[%add3A_113, %dma_wait3A_245] : memref<50176x64xbf16, #tpu.memory_space<vmem_shared>> -> memref<112x64xbf16, #tpu.memory_space<vmem_shared>>
    tpu.wait_dma2 semaphore(%arg19 : memref<!tpu.dma_semaphore, #tpu.memory_space<semaphore_mem>>) src(%arg8 : memref<112x64xbf16, #tpu.memory_space<vmem>>) dst(%dma_wait3A_246 : memref<112x64xbf16, #tpu.memory_space<vmem_shared>>)
    %dma_wait3A_247 = arith.constant 0 : i32
    %dma_wait3A_248 = tpu.memref_slice %arg7[%add3A_119, %dma_wait3A_247] : memref<50176x64xbf16, #tpu.memory_space<vmem_shared>> -> memref<112x64xbf16, #tpu.memory_space<vmem_shared>>
    %dma_wait3A_249 = arith.constant 0 : i32
    %dma_wait3A_250 = tpu.memref_slice %arg7[%add3A_119, %dma_wait3A_249] : memref<50176x64xbf16, #tpu.memory_space<vmem_shared>> -> memref<112x64xbf16, #tpu.memory_space<vmem_shared>>
    tpu.wait_dma2 semaphore(%arg19 : memref<!tpu.dma_semaphore, #tpu.memory_space<semaphore_mem>>) src(%arg8 : memref<112x64xbf16, #tpu.memory_space<vmem>>) dst(%dma_wait3A_250 : memref<112x64xbf16, #tpu.memory_space<vmem_shared>>)
    %dma_wait3A_251 = arith.constant 0 : i32
    %dma_wait3A_252 = tpu.memref_slice %arg7[%add3A_125, %dma_wait3A_251] : memref<50176x64xbf16, #tpu.memory_space<vmem_shared>> -> memref<112x64xbf16, #tpu.memory_space<vmem_shared>>
    %dma_wait3A_253 = arith.constant 0 : i32
    %dma_wait3A_254 = tpu.memref_slice %arg7[%add3A_125, %dma_wait3A_253] : memref<50176x64xbf16, #tpu.memory_space<vmem_shared>> -> memref<112x64xbf16, #tpu.memory_space<vmem_shared>>
    tpu.wait_dma2 semaphore(%arg19 : memref<!tpu.dma_semaphore, #tpu.memory_space<semaphore_mem>>) src(%arg8 : memref<112x64xbf16, #tpu.memory_space<vmem>>) dst(%dma_wait3A_254 : memref<112x64xbf16, #tpu.memory_space<vmem_shared>>)
    %dma_wait3A_255 = arith.constant 0 : i32
    %dma_wait3A_256 = tpu.memref_slice %arg7[%add3A_131, %dma_wait3A_255] : memref<50176x64xbf16, #tpu.memory_space<vmem_shared>> -> memref<112x64xbf16, #tpu.memory_space<vmem_shared>>
    %dma_wait3A_257 = arith.constant 0 : i32
    %dma_wait3A_258 = tpu.memref_slice %arg7[%add3A_131, %dma_wait3A_257] : memref<50176x64xbf16, #tpu.memory_space<vmem_shared>> -> memref<112x64xbf16, #tpu.memory_space<vmem_shared>>
    tpu.wait_dma2 semaphore(%arg19 : memref<!tpu.dma_semaphore, #tpu.memory_space<semaphore_mem>>) src(%arg8 : memref<112x64xbf16, #tpu.memory_space<vmem>>) dst(%dma_wait3A_258 : memref<112x64xbf16, #tpu.memory_space<vmem_shared>>)
    %dma_wait3A_259 = arith.constant 0 : i32
    %dma_wait3A_260 = tpu.memref_slice %arg7[%add3A_137, %dma_wait3A_259] : memref<50176x64xbf16, #tpu.memory_space<vmem_shared>> -> memref<112x64xbf16, #tpu.memory_space<vmem_shared>>
    %dma_wait3A_261 = arith.constant 0 : i32
    %dma_wait3A_262 = tpu.memref_slice %arg7[%add3A_137, %dma_wait3A_261] : memref<50176x64xbf16, #tpu.memory_space<vmem_shared>> -> memref<112x64xbf16, #tpu.memory_space<vmem_shared>>
    tpu.wait_dma2 semaphore(%arg19 : memref<!tpu.dma_semaphore, #tpu.memory_space<semaphore_mem>>) src(%arg8 : memref<112x64xbf16, #tpu.memory_space<vmem>>) dst(%dma_wait3A_262 : memref<112x64xbf16, #tpu.memory_space<vmem_shared>>)
    %dma_wait3A_263 = arith.constant 0 : i32
    %dma_wait3A_264 = tpu.memref_slice %arg7[%add3A_143, %dma_wait3A_263] : memref<50176x64xbf16, #tpu.memory_space<vmem_shared>> -> memref<112x64xbf16, #tpu.memory_space<vmem_shared>>
    %dma_wait3A_265 = arith.constant 0 : i32
    %dma_wait3A_266 = tpu.memref_slice %arg7[%add3A_143, %dma_wait3A_265] : memref<50176x64xbf16, #tpu.memory_space<vmem_shared>> -> memref<112x64xbf16, #tpu.memory_space<vmem_shared>>
    tpu.wait_dma2 semaphore(%arg19 : memref<!tpu.dma_semaphore, #tpu.memory_space<semaphore_mem>>) src(%arg8 : memref<112x64xbf16, #tpu.memory_space<vmem>>) dst(%dma_wait3A_266 : memref<112x64xbf16, #tpu.memory_space<vmem_shared>>)
    %dma_wait3A_267 = arith.constant 0 : i32
    %dma_wait3A_268 = tpu.memref_slice %arg7[%add3A_149, %dma_wait3A_267] : memref<50176x64xbf16, #tpu.memory_space<vmem_shared>> -> memref<112x64xbf16, #tpu.memory_space<vmem_shared>>
    %dma_wait3A_269 = arith.constant 0 : i32
    %dma_wait3A_270 = tpu.memref_slice %arg7[%add3A_149, %dma_wait3A_269] : memref<50176x64xbf16, #tpu.memory_space<vmem_shared>> -> memref<112x64xbf16, #tpu.memory_space<vmem_shared>>
    tpu.wait_dma2 semaphore(%arg19 : memref<!tpu.dma_semaphore, #tpu.memory_space<semaphore_mem>>) src(%arg8 : memref<112x64xbf16, #tpu.memory_space<vmem>>) dst(%dma_wait3A_270 : memref<112x64xbf16, #tpu.memory_space<vmem_shared>>)
    %dma_wait3A_271 = arith.constant 0 : i32
    %dma_wait3A_272 = tpu.memref_slice %arg7[%add3A_155, %dma_wait3A_271] : memref<50176x64xbf16, #tpu.memory_space<vmem_shared>> -> memref<112x64xbf16, #tpu.memory_space<vmem_shared>>
    %dma_wait3A_273 = arith.constant 0 : i32
    %dma_wait3A_274 = tpu.memref_slice %arg7[%add3A_155, %dma_wait3A_273] : memref<50176x64xbf16, #tpu.memory_space<vmem_shared>> -> memref<112x64xbf16, #tpu.memory_space<vmem_shared>>
    tpu.wait_dma2 semaphore(%arg19 : memref<!tpu.dma_semaphore, #tpu.memory_space<semaphore_mem>>) src(%arg8 : memref<112x64xbf16, #tpu.memory_space<vmem>>) dst(%dma_wait3A_274 : memref<112x64xbf16, #tpu.memory_space<vmem_shared>>)
    %dma_wait3A_275 = arith.constant 0 : i32
    %dma_wait3A_276 = tpu.memref_slice %arg7[%add3A_161, %dma_wait3A_275] : memref<50176x64xbf16, #tpu.memory_space<vmem_shared>> -> memref<112x64xbf16, #tpu.memory_space<vmem_shared>>
    %dma_wait3A_277 = arith.constant 0 : i32
    %dma_wait3A_278 = tpu.memref_slice %arg7[%add3A_161, %dma_wait3A_277] : memref<50176x64xbf16, #tpu.memory_space<vmem_shared>> -> memref<112x64xbf16, #tpu.memory_space<vmem_shared>>
    tpu.wait_dma2 semaphore(%arg19 : memref<!tpu.dma_semaphore, #tpu.memory_space<semaphore_mem>>) src(%arg8 : memref<112x64xbf16, #tpu.memory_space<vmem>>) dst(%dma_wait3A_278 : memref<112x64xbf16, #tpu.memory_space<vmem_shared>>)
    %dma_wait3A_279 = arith.constant 0 : i32
    %dma_wait3A_280 = tpu.memref_slice %arg7[%add3A_167, %dma_wait3A_279] : memref<50176x64xbf16, #tpu.memory_space<vmem_shared>> -> memref<112x64xbf16, #tpu.memory_space<vmem_shared>>
    %dma_wait3A_281 = arith.constant 0 : i32
    %dma_wait3A_282 = tpu.memref_slice %arg7[%add3A_167, %dma_wait3A_281] : memref<50176x64xbf16, #tpu.memory_space<vmem_shared>> -> memref<112x64xbf16, #tpu.memory_space<vmem_shared>>
    tpu.wait_dma2 semaphore(%arg19 : memref<!tpu.dma_semaphore, #tpu.memory_space<semaphore_mem>>) src(%arg8 : memref<112x64xbf16, #tpu.memory_space<vmem>>) dst(%dma_wait3A_282 : memref<112x64xbf16, #tpu.memory_space<vmem_shared>>)
    %barrier3A = arith.constant 0 : index
    tpu.barrier barrier_id(%barrier3A)
    %add3A_283 = arith.constant 0 : i32
    %add3A_284 = arith.addi %mul3A_4, %add3A_283 : i32
    %mul3A_285 = arith.constant 256 : i32
    %mul3A_286 = arith.muli %add3A_284, %mul3A_285 : i32
    %mul3A_287 = arith.constant 2 : i32
    %mul3A_288 = arith.muli %add3A_284, %mul3A_287 : i32
    %dma_start3A_289 = tpu.memref_slice %arg3[%mul3A_286] : memref<819200xi32, #tpu.memory_space<hbm>> -> memref<256xi32, #tpu.memory_space<hbm>>
    %dma_start3A_290 = tpu.memref_slice %arg3[%mul3A_286] : memref<819200xi32, #tpu.memory_space<hbm>> -> memref<256xi32, #tpu.memory_space<hbm>>
    tpu.enqueue_dma source(%dma_start3A_290 : memref<256xi32, #tpu.memory_space<hbm>>) target(%arg9 : memref<256xi32, #tpu.memory_space<vmem>>) target_semaphore(%arg15 : memref<!tpu.dma_semaphore, #tpu.memory_space<semaphore_mem>>)
    %dma_start3A_291 = arith.constant 0 : i32
    %dma_start3A_292 = tpu.memref_slice %arg4[%mul3A_288, %dma_start3A_291] : memref<6400x128xi32, #tpu.memory_space<hbm>> -> memref<2x128xi32, #tpu.memory_space<hbm>>
    %dma_start3A_293 = arith.constant 0 : i32
    %dma_start3A_294 = tpu.memref_slice %arg4[%mul3A_288, %dma_start3A_293] : memref<6400x128xi32, #tpu.memory_space<hbm>> -> memref<2x128xi32, #tpu.memory_space<hbm>>
    tpu.enqueue_dma source(%dma_start3A_294 : memref<2x128xi32, #tpu.memory_space<hbm>>) target(%arg11 : memref<2x128xi32, #tpu.memory_space<vmem>>) target_semaphore(%arg15 : memref<!tpu.dma_semaphore, #tpu.memory_space<semaphore_mem>>)
    %add3A_295 = arith.constant 1 : i32
    %add3A_296 = arith.addi %mul3A_4, %add3A_295 : i32
    %mul3A_297 = arith.constant 256 : i32
    %mul3A_298 = arith.muli %add3A_296, %mul3A_297 : i32
    %mul3A_299 = arith.constant 2 : i32
    %mul3A_300 = arith.muli %add3A_296, %mul3A_299 : i32
    %dma_start3A_301 = tpu.memref_slice %arg3[%mul3A_298] : memref<819200xi32, #tpu.memory_space<hbm>> -> memref<256xi32, #tpu.memory_space<hbm>>
    %dma_start3A_302 = tpu.memref_slice %arg3[%mul3A_298] : memref<819200xi32, #tpu.memory_space<hbm>> -> memref<256xi32, #tpu.memory_space<hbm>>
    tpu.enqueue_dma source(%dma_start3A_302 : memref<256xi32, #tpu.memory_space<hbm>>) target(%arg10 : memref<256xi32, #tpu.memory_space<vmem>>) target_semaphore(%arg16 : memref<!tpu.dma_semaphore, #tpu.memory_space<semaphore_mem>>)
    %dma_start3A_303 = arith.constant 0 : i32
    %dma_start3A_304 = tpu.memref_slice %arg4[%mul3A_300, %dma_start3A_303] : memref<6400x128xi32, #tpu.memory_space<hbm>> -> memref<2x128xi32, #tpu.memory_space<hbm>>
    %dma_start3A_305 = arith.constant 0 : i32
    %dma_start3A_306 = tpu.memref_slice %arg4[%mul3A_300, %dma_start3A_305] : memref<6400x128xi32, #tpu.memory_space<hbm>> -> memref<2x128xi32, #tpu.memory_space<hbm>>
    tpu.enqueue_dma source(%dma_start3A_306 : memref<2x128xi32, #tpu.memory_space<hbm>>) target(%arg12 : memref<2x128xi32, #tpu.memory_space<vmem>>) target_semaphore(%arg16 : memref<!tpu.dma_semaphore, #tpu.memory_space<semaphore_mem>>)
    %add3A_307 = arith.constant 0 : i32
    %add3A_308 = arith.addi %mul3A_4, %add3A_307 : i32
    %mul3A_309 = arith.constant 256 : i32
    %mul3A_310 = arith.muli %add3A_308, %mul3A_309 : i32
    %mul3A_311 = arith.constant 2 : i32
    %mul3A_312 = arith.muli %add3A_308, %mul3A_311 : i32
    %dma_wait3A_313 = tpu.memref_slice %arg3[%mul3A_310] : memref<819200xi32, #tpu.memory_space<hbm>> -> memref<256xi32, #tpu.memory_space<hbm>>
    %dma_wait3A_314 = tpu.memref_slice %arg3[%mul3A_310] : memref<819200xi32, #tpu.memory_space<hbm>> -> memref<256xi32, #tpu.memory_space<hbm>>
    tpu.wait_dma2 semaphore(%arg15 : memref<!tpu.dma_semaphore, #tpu.memory_space<semaphore_mem>>) src(%dma_wait3A_314 : memref<256xi32, #tpu.memory_space<hbm>>) dst(%arg9 : memref<256xi32, #tpu.memory_space<vmem>>)
    %dma_wait3A_315 = arith.constant 0 : i32
    %dma_wait3A_316 = tpu.memref_slice %arg4[%mul3A_312, %dma_wait3A_315] : memref<6400x128xi32, #tpu.memory_space<hbm>> -> memref<2x128xi32, #tpu.memory_space<hbm>>
    %dma_wait3A_317 = arith.constant 0 : i32
    %dma_wait3A_318 = tpu.memref_slice %arg4[%mul3A_312, %dma_wait3A_317] : memref<6400x128xi32, #tpu.memory_space<hbm>> -> memref<2x128xi32, #tpu.memory_space<hbm>>
    tpu.wait_dma2 semaphore(%arg15 : memref<!tpu.dma_semaphore, #tpu.memory_space<semaphore_mem>>) src(%dma_wait3A_318 : memref<2x128xi32, #tpu.memory_space<hbm>>) dst(%arg11 : memref<2x128xi32, #tpu.memory_space<vmem>>)
    %dma_start3A_319 = arith.constant 0 : i32
    %dma_start3A_320 = arith.constant 0 : i32
    %dma_start3A_321 = tpu.memref_slice %arg2[%dma_start3A_319, %dma_start3A_320] : memref<50176x64xbf16, #tpu.memory_space<hbm>> -> memref<50176x64xbf16, #tpu.memory_space<hbm>>
    tpu.enqueue_indirect_dma source(%dma_start3A_321 : memref<50176x64xbf16, #tpu.memory_space<hbm>>) target(%arg13 : memref<256x64xbf16, #tpu.memory_space<vmem>>) offsets(%arg9 : memref<256xi32, #tpu.memory_space<vmem>>) semaphore(%arg17 : memref<!tpu.dma_semaphore, #tpu.memory_space<semaphore_mem>>)
    %scan3A = arith.constant 0 : i32
    %scan3A_322 = arith.constant 0 : i32
    %scan3A_323 = arith.constant 50 : i32
    %scan3A_324 = arith.addi %scan3A_322, %scan3A_323 : i32
    %scan3A_325 = arith.constant 1 : i32
    %scan3A_326 = scf.for %scan3A_329 = %scan3A_322 to %scan3A_324 step %scan3A_325 iter_args(%scan3A_330 = %scan3A) -> (i32)  : i32 {
      %mul3A_331 = arith.constant 2 : i32
      %mul3A_332 = arith.muli %mul3A_331, %scan3A_329 : i32
      %add3A_333 = arith.addi %mul3A_4, %mul3A_332 : i32
      %add3A_334 = arith.constant 1 : i32
      %add3A_335 = arith.addi %add3A_333, %add3A_334 : i32
      %mul3A_336 = arith.constant 256 : i32
      %mul3A_337 = arith.muli %add3A_335, %mul3A_336 : i32
      %mul3A_338 = arith.constant 2 : i32
      %mul3A_339 = arith.muli %add3A_335, %mul3A_338 : i32
      %dma_wait3A_340 = tpu.memref_slice %arg3[%mul3A_337] : memref<819200xi32, #tpu.memory_space<hbm>> -> memref<256xi32, #tpu.memory_space<hbm>>
      %dma_wait3A_341 = tpu.memref_slice %arg3[%mul3A_337] : memref<819200xi32, #tpu.memory_space<hbm>> -> memref<256xi32, #tpu.memory_space<hbm>>
      tpu.wait_dma2 semaphore(%arg16 : memref<!tpu.dma_semaphore, #tpu.memory_space<semaphore_mem>>) src(%dma_wait3A_341 : memref<256xi32, #tpu.memory_space<hbm>>) dst(%arg10 : memref<256xi32, #tpu.memory_space<vmem>>)
      %dma_wait3A_342 = arith.constant 0 : i32
      %dma_wait3A_343 = tpu.memref_slice %arg4[%mul3A_339, %dma_wait3A_342] : memref<6400x128xi32, #tpu.memory_space<hbm>> -> memref<2x128xi32, #tpu.memory_space<hbm>>
      %dma_wait3A_344 = arith.constant 0 : i32
      %dma_wait3A_345 = tpu.memref_slice %arg4[%mul3A_339, %dma_wait3A_344] : memref<6400x128xi32, #tpu.memory_space<hbm>> -> memref<2x128xi32, #tpu.memory_space<hbm>>
      tpu.wait_dma2 semaphore(%arg16 : memref<!tpu.dma_semaphore, #tpu.memory_space<semaphore_mem>>) src(%dma_wait3A_345 : memref<2x128xi32, #tpu.memory_space<hbm>>) dst(%arg12 : memref<2x128xi32, #tpu.memory_space<vmem>>)
      %dma_start3A_346 = arith.constant 0 : i32
      %dma_start3A_347 = arith.constant 0 : i32
      %dma_start3A_348 = tpu.memref_slice %arg2[%dma_start3A_346, %dma_start3A_347] : memref<50176x64xbf16, #tpu.memory_space<hbm>> -> memref<50176x64xbf16, #tpu.memory_space<hbm>>
      tpu.enqueue_indirect_dma source(%dma_start3A_348 : memref<50176x64xbf16, #tpu.memory_space<hbm>>) target(%arg14 : memref<256x64xbf16, #tpu.memory_space<vmem>>) offsets(%arg10 : memref<256xi32, #tpu.memory_space<vmem>>) semaphore(%arg18 : memref<!tpu.dma_semaphore, #tpu.memory_space<semaphore_mem>>)
      %dma_wait3A_349 = arith.constant 0 : i32
      %dma_wait3A_350 = arith.constant 0 : i32
      %dma_wait3A_351 = tpu.memref_slice %arg2[%dma_wait3A_349, %dma_wait3A_350] : memref<50176x64xbf16, #tpu.memory_space<hbm>> -> memref<50176x64xbf16, #tpu.memory_space<hbm>>
      tpu.wait_indirect_dma semaphore(%arg17 : memref<!tpu.dma_semaphore, #tpu.memory_space<semaphore_mem>>) src(%dma_wait3A_351 : memref<50176x64xbf16, #tpu.memory_space<hbm>>) dst(%arg13 : memref<256x64xbf16, #tpu.memory_space<vmem>>)
      %dma_start3A_352 = arith.constant 0 : i32
      %dma_start3A_353 = arith.constant 0 : i32
      %dma_start3A_354 = arith.constant 0 : i32
      %dma_start3A_355 = tpu.memref_slice %arg13[%dma_start3A_353, %dma_start3A_354] : memref<256x64xbf16, #tpu.memory_space<vmem>> -> memref<128x64xbf16, #tpu.memory_space<vmem>>
      %dma_start3A_356 = arith.constant 0 : i32
      %dma_start3A_357 = tpu.memref_slice %arg11[%dma_start3A_352, %dma_start3A_356] : memref<2x128xi32, #tpu.memory_space<vmem>> -> memref<1x128xi32, #tpu.memory_space<vmem>>
      %dma_start3A_358 = tpu.memref_squeeze %dma_start3A_357 : memref<1x128xi32, #tpu.memory_space<vmem>> -> memref<128xi32, #tpu.memory_space<vmem>>
      %dma_start3A_359 = arith.constant 0 : i32
      %dma_start3A_360 = arith.constant 0 : i32
      %dma_start3A_361 = tpu.memref_slice %arg7[%dma_start3A_359, %dma_start3A_360] : memref<50176x64xbf16, #tpu.memory_space<vmem_shared>> -> memref<50176x64xbf16, #tpu.memory_space<vmem_shared>>
      tpu.enqueue_indirect_dma source(%dma_start3A_355 : memref<128x64xbf16, #tpu.memory_space<vmem>>) target(%dma_start3A_361 : memref<50176x64xbf16, #tpu.memory_space<vmem_shared>>) offsets(%dma_start3A_358 : memref<128xi32, #tpu.memory_space<vmem>>) semaphore(%arg19 : memref<!tpu.dma_semaphore, #tpu.memory_space<semaphore_mem>>) {add = true}
      %dma_start3A_362 = arith.constant 1 : i32
      %dma_start3A_363 = arith.constant 128 : i32
      %dma_start3A_364 = arith.constant 0 : i32
      %dma_start3A_365 = tpu.memref_slice %arg13[%dma_start3A_363, %dma_start3A_364] : memref<256x64xbf16, #tpu.memory_space<vmem>> -> memref<128x64xbf16, #tpu.memory_space<vmem>>
      %dma_start3A_366 = arith.constant 0 : i32
      %dma_start3A_367 = tpu.memref_slice %arg11[%dma_start3A_362, %dma_start3A_366] : memref<2x128xi32, #tpu.memory_space<vmem>> -> memref<1x128xi32, #tpu.memory_space<vmem>>
      %dma_start3A_368 = tpu.memref_squeeze %dma_start3A_367 : memref<1x128xi32, #tpu.memory_space<vmem>> -> memref<128xi32, #tpu.memory_space<vmem>>
      %dma_start3A_369 = arith.constant 0 : i32
      %dma_start3A_370 = arith.constant 0 : i32
      %dma_start3A_371 = tpu.memref_slice %arg7[%dma_start3A_369, %dma_start3A_370] : memref<50176x64xbf16, #tpu.memory_space<vmem_shared>> -> memref<50176x64xbf16, #tpu.memory_space<vmem_shared>>
      tpu.enqueue_indirect_dma source(%dma_start3A_365 : memref<128x64xbf16, #tpu.memory_space<vmem>>) target(%dma_start3A_371 : memref<50176x64xbf16, #tpu.memory_space<vmem_shared>>) offsets(%dma_start3A_368 : memref<128xi32, #tpu.memory_space<vmem>>) semaphore(%arg19 : memref<!tpu.dma_semaphore, #tpu.memory_space<semaphore_mem>>) {add = true}
      %dma_wait3A_372 = arith.constant 0 : i32
      %dma_wait3A_373 = arith.constant 0 : i32
      %dma_wait3A_374 = arith.constant 0 : i32
      %dma_wait3A_375 = tpu.memref_slice %arg13[%dma_wait3A_373, %dma_wait3A_374] : memref<256x64xbf16, #tpu.memory_space<vmem>> -> memref<128x64xbf16, #tpu.memory_space<vmem>>
      %dma_wait3A_376 = arith.constant 0 : i32
      %dma_wait3A_377 = tpu.memref_slice %arg11[%dma_wait3A_372, %dma_wait3A_376] : memref<2x128xi32, #tpu.memory_space<vmem>> -> memref<1x128xi32, #tpu.memory_space<vmem>>
      %dma_wait3A_378 = tpu.memref_squeeze %dma_wait3A_377 : memref<1x128xi32, #tpu.memory_space<vmem>> -> memref<128xi32, #tpu.memory_space<vmem>>
      %dma_wait3A_379 = arith.constant 0 : i32
      %dma_wait3A_380 = arith.constant 0 : i32
      %dma_wait3A_381 = tpu.memref_slice %arg7[%dma_wait3A_379, %dma_wait3A_380] : memref<50176x64xbf16, #tpu.memory_space<vmem_shared>> -> memref<50176x64xbf16, #tpu.memory_space<vmem_shared>>
      tpu.wait_indirect_dma semaphore(%arg19 : memref<!tpu.dma_semaphore, #tpu.memory_space<semaphore_mem>>) src(%dma_wait3A_375 : memref<128x64xbf16, #tpu.memory_space<vmem>>) dst(%dma_wait3A_381 : memref<50176x64xbf16, #tpu.memory_space<vmem_shared>>)
      %dma_wait3A_382 = arith.constant 1 : i32
      %dma_wait3A_383 = arith.constant 128 : i32
      %dma_wait3A_384 = arith.constant 0 : i32
      %dma_wait3A_385 = tpu.memref_slice %arg13[%dma_wait3A_383, %dma_wait3A_384] : memref<256x64xbf16, #tpu.memory_space<vmem>> -> memref<128x64xbf16, #tpu.memory_space<vmem>>
      %dma_wait3A_386 = arith.constant 0 : i32
      %dma_wait3A_387 = tpu.memref_slice %arg11[%dma_wait3A_382, %dma_wait3A_386] : memref<2x128xi32, #tpu.memory_space<vmem>> -> memref<1x128xi32, #tpu.memory_space<vmem>>
      %dma_wait3A_388 = tpu.memref_squeeze %dma_wait3A_387 : memref<1x128xi32, #tpu.memory_space<vmem>> -> memref<128xi32, #tpu.memory_space<vmem>>
      %dma_wait3A_389 = arith.constant 0 : i32
      %dma_wait3A_390 = arith.constant 0 : i32
      %dma_wait3A_391 = tpu.memref_slice %arg7[%dma_wait3A_389, %dma_wait3A_390] : memref<50176x64xbf16, #tpu.memory_space<vmem_shared>> -> memref<50176x64xbf16, #tpu.memory_space<vmem_shared>>
      tpu.wait_indirect_dma semaphore(%arg19 : memref<!tpu.dma_semaphore, #tpu.memory_space<semaphore_mem>>) src(%dma_wait3A_385 : memref<128x64xbf16, #tpu.memory_space<vmem>>) dst(%dma_wait3A_391 : memref<50176x64xbf16, #tpu.memory_space<vmem_shared>>)
      %lt3A = arith.constant 49 : i32
      %lt3A_392 = arith.cmpi slt, %scan3A_329, %lt3A : i32
      %convert_element_type3A = arith.extui %lt3A_392 : i1 to i32
      %cond3A = arith.constant 0 : i32
      %cond3A_393 = arith.cmpi ne, %convert_element_type3A, %cond3A : i32
      scf.if %cond3A_393 {
        %add3A_448 = arith.constant 2 : i32
        %add3A_449 = arith.addi %add3A_333, %add3A_448 : i32
        %mul3A_450 = arith.constant 256 : i32
        %mul3A_451 = arith.muli %add3A_449, %mul3A_450 : i32
        %mul3A_452 = arith.constant 2 : i32
        %mul3A_453 = arith.muli %add3A_449, %mul3A_452 : i32
        %dma_start3A_454 = tpu.memref_slice %arg3[%mul3A_451] : memref<819200xi32, #tpu.memory_space<hbm>> -> memref<256xi32, #tpu.memory_space<hbm>>
        %dma_start3A_455 = tpu.memref_slice %arg3[%mul3A_451] : memref<819200xi32, #tpu.memory_space<hbm>> -> memref<256xi32, #tpu.memory_space<hbm>>
        tpu.enqueue_dma source(%dma_start3A_455 : memref<256xi32, #tpu.memory_space<hbm>>) target(%arg9 : memref<256xi32, #tpu.memory_space<vmem>>) target_semaphore(%arg15 : memref<!tpu.dma_semaphore, #tpu.memory_space<semaphore_mem>>)
        %dma_start3A_456 = arith.constant 0 : i32
        %dma_start3A_457 = tpu.memref_slice %arg4[%mul3A_453, %dma_start3A_456] : memref<6400x128xi32, #tpu.memory_space<hbm>> -> memref<2x128xi32, #tpu.memory_space<hbm>>
        %dma_start3A_458 = arith.constant 0 : i32
        %dma_start3A_459 = tpu.memref_slice %arg4[%mul3A_453, %dma_start3A_458] : memref<6400x128xi32, #tpu.memory_space<hbm>> -> memref<2x128xi32, #tpu.memory_space<hbm>>
        tpu.enqueue_dma source(%dma_start3A_459 : memref<2x128xi32, #tpu.memory_space<hbm>>) target(%arg11 : memref<2x128xi32, #tpu.memory_space<vmem>>) target_semaphore(%arg15 : memref<!tpu.dma_semaphore, #tpu.memory_space<semaphore_mem>>)
      } else {
      }
      %dma_wait3A_394 = arith.constant 0 : i32
      %dma_wait3A_395 = arith.constant 0 : i32
      %dma_wait3A_396 = tpu.memref_slice %arg2[%dma_wait3A_394, %dma_wait3A_395] : memref<50176x64xbf16, #tpu.memory_space<hbm>> -> memref<50176x64xbf16, #tpu.memory_space<hbm>>
      tpu.wait_indirect_dma semaphore(%arg18 : memref<!tpu.dma_semaphore, #tpu.memory_space<semaphore_mem>>) src(%dma_wait3A_396 : memref<50176x64xbf16, #tpu.memory_space<hbm>>) dst(%arg14 : memref<256x64xbf16, #tpu.memory_space<vmem>>)
      %lt3A_397 = arith.constant 49 : i32
      %lt3A_398 = arith.cmpi slt, %scan3A_329, %lt3A_397 : i32
      %convert_element_type3A_399 = arith.extui %lt3A_398 : i1 to i32
      %cond3A_400 = arith.constant 0 : i32
      %cond3A_401 = arith.cmpi ne, %convert_element_type3A_399, %cond3A_400 : i32
      scf.if %cond3A_401 {
        %add3A_448 = arith.constant 2 : i32
        %add3A_449 = arith.addi %add3A_333, %add3A_448 : i32
        %mul3A_450 = arith.constant 256 : i32
        %mul3A_451 = arith.muli %add3A_449, %mul3A_450 : i32
        %mul3A_452 = arith.constant 2 : i32
        %mul3A_453 = arith.muli %add3A_449, %mul3A_452 : i32
        %dma_wait3A_454 = tpu.memref_slice %arg3[%mul3A_451] : memref<819200xi32, #tpu.memory_space<hbm>> -> memref<256xi32, #tpu.memory_space<hbm>>
        %dma_wait3A_455 = tpu.memref_slice %arg3[%mul3A_451] : memref<819200xi32, #tpu.memory_space<hbm>> -> memref<256xi32, #tpu.memory_space<hbm>>
        tpu.wait_dma2 semaphore(%arg15 : memref<!tpu.dma_semaphore, #tpu.memory_space<semaphore_mem>>) src(%dma_wait3A_455 : memref<256xi32, #tpu.memory_space<hbm>>) dst(%arg9 : memref<256xi32, #tpu.memory_space<vmem>>)
        %dma_wait3A_456 = arith.constant 0 : i32
        %dma_wait3A_457 = tpu.memref_slice %arg4[%mul3A_453, %dma_wait3A_456] : memref<6400x128xi32, #tpu.memory_space<hbm>> -> memref<2x128xi32, #tpu.memory_space<hbm>>
        %dma_wait3A_458 = arith.constant 0 : i32
        %dma_wait3A_459 = tpu.memref_slice %arg4[%mul3A_453, %dma_wait3A_458] : memref<6400x128xi32, #tpu.memory_space<hbm>> -> memref<2x128xi32, #tpu.memory_space<hbm>>
        tpu.wait_dma2 semaphore(%arg15 : memref<!tpu.dma_semaphore, #tpu.memory_space<semaphore_mem>>) src(%dma_wait3A_459 : memref<2x128xi32, #tpu.memory_space<hbm>>) dst(%arg11 : memref<2x128xi32, #tpu.memory_space<vmem>>)
        %dma_start3A_460 = arith.constant 0 : i32
        %dma_start3A_461 = arith.constant 0 : i32
        %dma_start3A_462 = tpu.memref_slice %arg2[%dma_start3A_460, %dma_start3A_461] : memref<50176x64xbf16, #tpu.memory_space<hbm>> -> memref<50176x64xbf16, #tpu.memory_space<hbm>>
        tpu.enqueue_indirect_dma source(%dma_start3A_462 : memref<50176x64xbf16, #tpu.memory_space<hbm>>) target(%arg13 : memref<256x64xbf16, #tpu.memory_space<vmem>>) offsets(%arg9 : memref<256xi32, #tpu.memory_space<vmem>>) semaphore(%arg17 : memref<!tpu.dma_semaphore, #tpu.memory_space<semaphore_mem>>)
      } else {
      }
      %dma_start3A_402 = arith.constant 0 : i32
      %dma_start3A_403 = arith.constant 0 : i32
      %dma_start3A_404 = arith.constant 0 : i32
      %dma_start3A_405 = tpu.memref_slice %arg14[%dma_start3A_403, %dma_start3A_404] : memref<256x64xbf16, #tpu.memory_space<vmem>> -> memref<128x64xbf16, #tpu.memory_space<vmem>>
      %dma_start3A_406 = arith.constant 0 : i32
      %dma_start3A_407 = tpu.memref_slice %arg12[%dma_start3A_402, %dma_start3A_406] : memref<2x128xi32, #tpu.memory_space<vmem>> -> memref<1x128xi32, #tpu.memory_space<vmem>>
      %dma_start3A_408 = tpu.memref_squeeze %dma_start3A_407 : memref<1x128xi32, #tpu.memory_space<vmem>> -> memref<128xi32, #tpu.memory_space<vmem>>
      %dma_start3A_409 = arith.constant 0 : i32
      %dma_start3A_410 = arith.constant 0 : i32
      %dma_start3A_411 = tpu.memref_slice %arg7[%dma_start3A_409, %dma_start3A_410] : memref<50176x64xbf16, #tpu.memory_space<vmem_shared>> -> memref<50176x64xbf16, #tpu.memory_space<vmem_shared>>
      tpu.enqueue_indirect_dma source(%dma_start3A_405 : memref<128x64xbf16, #tpu.memory_space<vmem>>) target(%dma_start3A_411 : memref<50176x64xbf16, #tpu.memory_space<vmem_shared>>) offsets(%dma_start3A_408 : memref<128xi32, #tpu.memory_space<vmem>>) semaphore(%arg19 : memref<!tpu.dma_semaphore, #tpu.memory_space<semaphore_mem>>) {add = true}
      %dma_start3A_412 = arith.constant 1 : i32
      %dma_start3A_413 = arith.constant 128 : i32
      %dma_start3A_414 = arith.constant 0 : i32
      %dma_start3A_415 = tpu.memref_slice %arg14[%dma_start3A_413, %dma_start3A_414] : memref<256x64xbf16, #tpu.memory_space<vmem>> -> memref<128x64xbf16, #tpu.memory_space<vmem>>
      %dma_start3A_416 = arith.constant 0 : i32
      %dma_start3A_417 = tpu.memref_slice %arg12[%dma_start3A_412, %dma_start3A_416] : memref<2x128xi32, #tpu.memory_space<vmem>> -> memref<1x128xi32, #tpu.memory_space<vmem>>
      %dma_start3A_418 = tpu.memref_squeeze %dma_start3A_417 : memref<1x128xi32, #tpu.memory_space<vmem>> -> memref<128xi32, #tpu.memory_space<vmem>>
      %dma_start3A_419 = arith.constant 0 : i32
      %dma_start3A_420 = arith.constant 0 : i32
      %dma_start3A_421 = tpu.memref_slice %arg7[%dma_start3A_419, %dma_start3A_420] : memref<50176x64xbf16, #tpu.memory_space<vmem_shared>> -> memref<50176x64xbf16, #tpu.memory_space<vmem_shared>>
      tpu.enqueue_indirect_dma source(%dma_start3A_415 : memref<128x64xbf16, #tpu.memory_space<vmem>>) target(%dma_start3A_421 : memref<50176x64xbf16, #tpu.memory_space<vmem_shared>>) offsets(%dma_start3A_418 : memref<128xi32, #tpu.memory_space<vmem>>) semaphore(%arg19 : memref<!tpu.dma_semaphore, #tpu.memory_space<semaphore_mem>>) {add = true}
      %dma_wait3A_422 = arith.constant 0 : i32
      %dma_wait3A_423 = arith.constant 0 : i32
      %dma_wait3A_424 = arith.constant 0 : i32
      %dma_wait3A_425 = tpu.memref_slice %arg14[%dma_wait3A_423, %dma_wait3A_424] : memref<256x64xbf16, #tpu.memory_space<vmem>> -> memref<128x64xbf16, #tpu.memory_space<vmem>>
      %dma_wait3A_426 = arith.constant 0 : i32
      %dma_wait3A_427 = tpu.memref_slice %arg12[%dma_wait3A_422, %dma_wait3A_426] : memref<2x128xi32, #tpu.memory_space<vmem>> -> memref<1x128xi32, #tpu.memory_space<vmem>>
      %dma_wait3A_428 = tpu.memref_squeeze %dma_wait3A_427 : memref<1x128xi32, #tpu.memory_space<vmem>> -> memref<128xi32, #tpu.memory_space<vmem>>
      %dma_wait3A_429 = arith.constant 0 : i32
      %dma_wait3A_430 = arith.constant 0 : i32
      %dma_wait3A_431 = tpu.memref_slice %arg7[%dma_wait3A_429, %dma_wait3A_430] : memref<50176x64xbf16, #tpu.memory_space<vmem_shared>> -> memref<50176x64xbf16, #tpu.memory_space<vmem_shared>>
      tpu.wait_indirect_dma semaphore(%arg19 : memref<!tpu.dma_semaphore, #tpu.memory_space<semaphore_mem>>) src(%dma_wait3A_425 : memref<128x64xbf16, #tpu.memory_space<vmem>>) dst(%dma_wait3A_431 : memref<50176x64xbf16, #tpu.memory_space<vmem_shared>>)
      %dma_wait3A_432 = arith.constant 1 : i32
      %dma_wait3A_433 = arith.constant 128 : i32
      %dma_wait3A_434 = arith.constant 0 : i32
      %dma_wait3A_435 = tpu.memref_slice %arg14[%dma_wait3A_433, %dma_wait3A_434] : memref<256x64xbf16, #tpu.memory_space<vmem>> -> memref<128x64xbf16, #tpu.memory_space<vmem>>
      %dma_wait3A_436 = arith.constant 0 : i32
      %dma_wait3A_437 = tpu.memref_slice %arg12[%dma_wait3A_432, %dma_wait3A_436] : memref<2x128xi32, #tpu.memory_space<vmem>> -> memref<1x128xi32, #tpu.memory_space<vmem>>
      %dma_wait3A_438 = tpu.memref_squeeze %dma_wait3A_437 : memref<1x128xi32, #tpu.memory_space<vmem>> -> memref<128xi32, #tpu.memory_space<vmem>>
      %dma_wait3A_439 = arith.constant 0 : i32
      %dma_wait3A_440 = arith.constant 0 : i32
      %dma_wait3A_441 = tpu.memref_slice %arg7[%dma_wait3A_439, %dma_wait3A_440] : memref<50176x64xbf16, #tpu.memory_space<vmem_shared>> -> memref<50176x64xbf16, #tpu.memory_space<vmem_shared>>
      tpu.wait_indirect_dma semaphore(%arg19 : memref<!tpu.dma_semaphore, #tpu.memory_space<semaphore_mem>>) src(%dma_wait3A_435 : memref<128x64xbf16, #tpu.memory_space<vmem>>) dst(%dma_wait3A_441 : memref<50176x64xbf16, #tpu.memory_space<vmem_shared>>)
      %lt3A_442 = arith.constant 49 : i32
      %lt3A_443 = arith.cmpi slt, %scan3A_329, %lt3A_442 : i32
      %convert_element_type3A_444 = arith.extui %lt3A_443 : i1 to i32
      %cond3A_445 = arith.constant 0 : i32
      %cond3A_446 = arith.cmpi ne, %convert_element_type3A_444, %cond3A_445 : i32
      scf.if %cond3A_446 {
        %add3A_448 = arith.constant 3 : i32
        %add3A_449 = arith.addi %add3A_333, %add3A_448 : i32
        %mul3A_450 = arith.constant 256 : i32
        %mul3A_451 = arith.muli %add3A_449, %mul3A_450 : i32
        %mul3A_452 = arith.constant 2 : i32
        %mul3A_453 = arith.muli %add3A_449, %mul3A_452 : i32
        %dma_start3A_454 = tpu.memref_slice %arg3[%mul3A_451] : memref<819200xi32, #tpu.memory_space<hbm>> -> memref<256xi32, #tpu.memory_space<hbm>>
        %dma_start3A_455 = tpu.memref_slice %arg3[%mul3A_451] : memref<819200xi32, #tpu.memory_space<hbm>> -> memref<256xi32, #tpu.memory_space<hbm>>
        tpu.enqueue_dma source(%dma_start3A_455 : memref<256xi32, #tpu.memory_space<hbm>>) target(%arg10 : memref<256xi32, #tpu.memory_space<vmem>>) target_semaphore(%arg16 : memref<!tpu.dma_semaphore, #tpu.memory_space<semaphore_mem>>)
        %dma_start3A_456 = arith.constant 0 : i32
        %dma_start3A_457 = tpu.memref_slice %arg4[%mul3A_453, %dma_start3A_456] : memref<6400x128xi32, #tpu.memory_space<hbm>> -> memref<2x128xi32, #tpu.memory_space<hbm>>
        %dma_start3A_458 = arith.constant 0 : i32
        %dma_start3A_459 = tpu.memref_slice %arg4[%mul3A_453, %dma_start3A_458] : memref<6400x128xi32, #tpu.memory_space<hbm>> -> memref<2x128xi32, #tpu.memory_space<hbm>>
        tpu.enqueue_dma source(%dma_start3A_459 : memref<2x128xi32, #tpu.memory_space<hbm>>) target(%arg12 : memref<2x128xi32, #tpu.memory_space<vmem>>) target_semaphore(%arg16 : memref<!tpu.dma_semaphore, #tpu.memory_space<semaphore_mem>>)
      } else {
      }
      %scan3A_447 = arith.constant 0 : i32
      scf.yield %scan3A_447 : i32
    }
    %scan3A_327 = arith.constant 50 : i32
    %barrier3A_328 = arith.constant 0 : index
    tpu.barrier barrier_id(%barrier3A_328)
    "tpu.region"() ({
      %run_scoped3A = tpu.sem_alloc : memref<!tpu.dma_semaphore, #tpu.memory_space<semaphore_mem>>
      %dma_start3A_329 = arith.constant 0 : i32
      %dma_start3A_330 = tpu.memref_slice %arg6[%arg0, %mul3A_0, %dma_start3A_329] : memref<2x50176x64xbf16, #tpu.memory_space<hbm>> -> memref<1x3136x64xbf16, #tpu.memory_space<hbm>>
      %dma_start3A_331 = tpu.memref_squeeze %dma_start3A_330 : memref<1x3136x64xbf16, #tpu.memory_space<hbm>> -> memref<3136x64xbf16, #tpu.memory_space<hbm>>
      %dma_start3A_332 = arith.constant 0 : i32
      %dma_start3A_333 = tpu.memref_slice %arg7[%mul3A_0, %dma_start3A_332] : memref<50176x64xbf16, #tpu.memory_space<vmem_shared>> -> memref<3136x64xbf16, #tpu.memory_space<vmem_shared>>
      tpu.enqueue_dma source(%dma_start3A_333 : memref<3136x64xbf16, #tpu.memory_space<vmem_shared>>) target(%dma_start3A_331 : memref<3136x64xbf16, #tpu.memory_space<hbm>>) target_semaphore(%run_scoped3A : memref<!tpu.dma_semaphore, #tpu.memory_space<semaphore_mem>>)
      %dma_wait3A_334 = arith.constant 0 : i32
      %dma_wait3A_335 = tpu.memref_slice %arg6[%arg0, %mul3A_0, %dma_wait3A_334] : memref<2x50176x64xbf16, #tpu.memory_space<hbm>> -> memref<1x3136x64xbf16, #tpu.memory_space<hbm>>
      %dma_wait3A_336 = tpu.memref_squeeze %dma_wait3A_335 : memref<1x3136x64xbf16, #tpu.memory_space<hbm>> -> memref<3136x64xbf16, #tpu.memory_space<hbm>>
      %dma_wait3A_337 = arith.constant 0 : i32
      %dma_wait3A_338 = tpu.memref_slice %arg7[%mul3A_0, %dma_wait3A_337] : memref<50176x64xbf16, #tpu.memory_space<vmem_shared>> -> memref<3136x64xbf16, #tpu.memory_space<vmem_shared>>
      tpu.wait_dma2 semaphore(%run_scoped3A : memref<!tpu.dma_semaphore, #tpu.memory_space<semaphore_mem>>) src(%dma_wait3A_338 : memref<3136x64xbf16, #tpu.memory_space<vmem_shared>>) dst(%dma_wait3A_336 : memref<3136x64xbf16, #tpu.memory_space<hbm>>)
      tpu.yield
    }) : () -> ()
    return
  }
}

module attributes {stable_mosaic.version = 14 : i64} {
  func.func @_embed_body(%arg0: i32, %arg1: memref<1x1x7168xi32, #tpu.memory_space<vmem>>, %arg2: memref<64x32xf32, #tpu.memory_space<vmem>>, %arg3: memref<7168x32xbf16, #tpu.memory_space<vmem>>) attributes {dimension_semantics = [#tpu.dimension_semantics<arbitrary>], iteration_bounds = array<i64: 7>, scalar_prefetch = 0 : i64, scratch_operands = 0 : i64, tpu.core_type = #tpu.core_type<tc>, window_params = [{transform_indices = @transform_0, window_bounds = array<i64: 1, 1, 7168>}, {pipeline_mode = #tpu.pipeline_mode<synchronous>, transform_indices = @transform_1, window_bounds = array<i64: 64, 32>}, {transform_indices = @transform_2, window_bounds = array<i64: 7168, 32>}]} {
    %get3A = arith.constant 0 : index
    %get3A_0 = arith.constant 0 : index
    %get3A_1 = arith.constant 0 : index
    %get3A_2 = vector.load %arg1[%get3A, %get3A_0, %get3A_1] : memref<1x1x7168xi32, #tpu.memory_space<vmem>>, vector<1x1x7168xi32>
    %get3A_3 = vector.shape_cast %get3A_2 : vector<1x1x7168xi32> to vector<7168xi32>
    %broadcast_in_dim3A = vector.shape_cast %get3A_3 : vector<7168xi32> to vector<7168x1xi32>
    %iota3A = tpu.iota {dimensions = array<i32: 1>} : vector<1x64xi32>
    %eq3A = vector.broadcast %broadcast_in_dim3A : vector<7168x1xi32> to vector<7168x64xi32>
    %eq3A_4 = vector.broadcast %iota3A : vector<1x64xi32> to vector<7168x64xi32>
    %eq3A_5 = arith.cmpi eq, %eq3A, %eq3A_4 : vector<7168x64xi32>
    %convert_element_type3A = arith.extui %eq3A_5 : vector<7168x64xi1> to vector<7168x64xi32>
    %convert_element_type3A_6 = arith.sitofp %convert_element_type3A : vector<7168x64xi32> to vector<7168x64xf32>
    %get3A_7 = arith.constant 0 : index
    %get3A_8 = arith.constant 0 : index
    %get3A_9 = vector.load %arg2[%get3A_7, %get3A_8] : memref<64x32xf32, #tpu.memory_space<vmem>>, vector<64x32xf32>
    %dot_general3A = arith.constant dense<0.000000e+00> : vector<7168x32xf32>
    %dot_general3A_10 = tpu.matmul %convert_element_type3A_6, %get3A_9, %dot_general3A {dimension_numbers = #tpu.dot_dimension_numbers<[1], [0], [0], [1], [0, 0, 1, 1], [], []>, transpose_lhs_hint = false} : vector<7168x64xf32>, vector<64x32xf32>, vector<7168x32xf32> -> vector<7168x32xf32>
    %convert_element_type3A_11 = arith.truncf %dot_general3A_10 : vector<7168x32xf32> to vector<7168x32xbf16>
    %swap3A = arith.constant 0 : index
    %swap3A_12 = arith.constant 0 : index
    %swap3A_13 = vector.load %arg3[%swap3A, %swap3A_12] : memref<7168x32xbf16, #tpu.memory_space<vmem>>, vector<7168x32xbf16>
    tpu.vector_store %arg3[%swap3A, %swap3A_12], %convert_element_type3A_11 {strides = array<i32>} : memref<7168x32xbf16, #tpu.memory_space<vmem>>, vector<7168x32xbf16>,
    return
  }
  func.func @transform_0(%arg0: i32) -> (i32, i32, i32) {
    %c0_i32 = arith.constant 0 : i32
    %c0_i32_0 = arith.constant 0 : i32
    %c0_i32_1 = arith.constant 0 : i32
    return %arg0, %c0_i32, %c0_i32_0 : i32, i32, i32
  }
  func.func @transform_1(%arg0: i32) -> (i32, i32) {
    %c0_i32 = arith.constant 0 : i32
    %c0_i32_0 = arith.constant 0 : i32
    %c0_i32_1 = arith.constant 0 : i32
    return %c0_i32, %c0_i32_0 : i32, i32
  }
  func.func @transform_2(%arg0: i32) -> (i32, i32) {
    %c0_i32 = arith.constant 0 : i32
    %c0_i32_0 = arith.constant 0 : i32
    return %arg0, %c0_i32 : i32, i32
  }
}

module attributes {stable_mosaic.version = 14 : i64} {
  func.func @_dense1_body(%arg0: i32, %arg1: memref<2x7168x32xbf16, #tpu.memory_space<vmem>>, %arg2: memref<2x1x1x7168xf32, #tpu.memory_space<vmem>>, %arg3: memref<7168x32xbf16, #tpu.memory_space<vmem>>, %arg4: memref<64x32xf32, #tpu.memory_space<vmem>>, %arg5: memref<64x32xf32, #tpu.memory_space<vmem>>, %arg6: memref<1x64xf32, #tpu.memory_space<vmem>>, %arg7: memref<7168x64xbf16, #tpu.memory_space<vmem>>) attributes {dimension_semantics = [#tpu.dimension_semantics<arbitrary>], iteration_bounds = array<i64: 7>, scalar_prefetch = 0 : i64, scratch_operands = 0 : i64, tpu.core_type = #tpu.core_type<tc>, window_params = [{transform_indices = @transform_0, window_bounds = array<i64: 2, 7168, 32>}, {transform_indices = @transform_1, window_bounds = array<i64: 2, 1, 1, 7168>}, {transform_indices = @transform_2, window_bounds = array<i64: 7168, 32>}, {pipeline_mode = #tpu.pipeline_mode<synchronous>, transform_indices = @transform_3, window_bounds = array<i64: 64, 32>}, {pipeline_mode = #tpu.pipeline_mode<synchronous>, transform_indices = @transform_4, window_bounds = array<i64: 64, 32>}, {pipeline_mode = #tpu.pipeline_mode<synchronous>, transform_indices = @transform_5, window_bounds = array<i64: 1, 64>}, {transform_indices = @transform_6, window_bounds = array<i64: 7168, 64>}]} {
    %get3A = arith.constant 0 : index
    %get3A_0 = arith.constant 0 : index
    %get3A_1 = arith.constant 0 : index
    %get3A_2 = vector.load %arg1[%get3A, %get3A_0, %get3A_1] : memref<2x7168x32xbf16, #tpu.memory_space<vmem>>, vector<1x7168x32xbf16>
    %get3A_3 = vector.shape_cast %get3A_2 : vector<1x7168x32xbf16> to vector<7168x32xbf16>
    %convert_element_type3A = arith.extf %get3A_3 : vector<7168x32xbf16> to vector<7168x32xf32>
    %get3A_4 = arith.constant 1 : index
    %get3A_5 = arith.constant 0 : index
    %get3A_6 = arith.constant 0 : index
    %get3A_7 = vector.load %arg1[%get3A_4, %get3A_5, %get3A_6] : memref<2x7168x32xbf16, #tpu.memory_space<vmem>>, vector<1x7168x32xbf16>
    %get3A_8 = vector.shape_cast %get3A_7 : vector<1x7168x32xbf16> to vector<7168x32xbf16>
    %convert_element_type3A_9 = arith.extf %get3A_8 : vector<7168x32xbf16> to vector<7168x32xf32>
    %add3A = arith.addf %convert_element_type3A, %convert_element_type3A_9 : vector<7168x32xf32>
    %get3A_10 = arith.constant 0 : index
    %get3A_11 = arith.constant 0 : index
    %get3A_12 = arith.constant 0 : index
    %get3A_13 = arith.constant 0 : index
    %get3A_14 = vector.load %arg2[%get3A_10, %get3A_11, %get3A_12, %get3A_13] : memref<2x1x1x7168xf32, #tpu.memory_space<vmem>>, vector<1x1x1x7168xf32>
    %get3A_15 = vector.shape_cast %get3A_14 : vector<1x1x1x7168xf32> to vector<7168xf32>
    %get3A_16 = arith.constant 1 : index
    %get3A_17 = arith.constant 0 : index
    %get3A_18 = arith.constant 0 : index
    %get3A_19 = arith.constant 0 : index
    %get3A_20 = vector.load %arg2[%get3A_16, %get3A_17, %get3A_18, %get3A_19] : memref<2x1x1x7168xf32, #tpu.memory_space<vmem>>, vector<1x1x1x7168xf32>
    %get3A_21 = vector.shape_cast %get3A_20 : vector<1x1x1x7168xf32> to vector<7168xf32>
    %add3A_22 = arith.addf %get3A_15, %get3A_21 : vector<7168xf32>
    %max3A = arith.constant 1.000000e+00 : f32
    %max3A_23 = vector.broadcast %max3A : f32 to vector<7168xf32>
    %max3A_24 = arith.maximumf %add3A_22, %max3A_23 : vector<7168xf32>
    %div3A = arith.constant 1.000000e+00 : f32
    %div3A_25 = vector.broadcast %div3A : f32 to vector<7168xf32>
    %div3A_26 = arith.divf %div3A_25, %max3A_24 : vector<7168xf32>
    %broadcast_in_dim3A = vector.shape_cast %div3A_26 : vector<7168xf32> to vector<7168x1xf32>
    %mul3A = vector.broadcast %broadcast_in_dim3A : vector<7168x1xf32> to vector<7168x32xf32>
    %mul3A_27 = arith.mulf %add3A, %mul3A : vector<7168x32xf32>
    %get3A_28 = arith.constant 0 : index
    %get3A_29 = arith.constant 0 : index
    %get3A_30 = vector.load %arg3[%get3A_28, %get3A_29] : memref<7168x32xbf16, #tpu.memory_space<vmem>>, vector<7168x32xbf16>
    %convert_element_type3A_31 = arith.extf %get3A_30 : vector<7168x32xbf16> to vector<7168x32xf32>
    %get3A_32 = arith.constant 0 : index
    %get3A_33 = arith.constant 0 : index
    %get3A_34 = vector.load %arg4[%get3A_32, %get3A_33] : memref<64x32xf32, #tpu.memory_space<vmem>>, vector<64x32xf32>
    %dot_general3A = arith.constant dense<0.000000e+00> : vector<7168x64xf32>
    %dot_general3A_35 = tpu.matmul %mul3A_27, %get3A_34, %dot_general3A {dimension_numbers = #tpu.dot_dimension_numbers<[1], [1], [0], [0], [0, 0, 1, 0], [], []>, transpose_lhs_hint = false} : vector<7168x32xf32>, vector<64x32xf32>, vector<7168x64xf32> -> vector<7168x64xf32>
    %get3A_36 = arith.constant 0 : index
    %get3A_37 = arith.constant 0 : index
    %get3A_38 = vector.load %arg5[%get3A_36, %get3A_37] : memref<64x32xf32, #tpu.memory_space<vmem>>, vector<64x32xf32>
    %dot_general3A_39 = arith.constant dense<0.000000e+00> : vector<7168x64xf32>
    %dot_general3A_40 = tpu.matmul %convert_element_type3A_31, %get3A_38, %dot_general3A_39 {dimension_numbers = #tpu.dot_dimension_numbers<[1], [1], [0], [0], [0, 0, 1, 0], [], []>, transpose_lhs_hint = false} : vector<7168x32xf32>, vector<64x32xf32>, vector<7168x64xf32> -> vector<7168x64xf32>
    %add3A_41 = arith.addf %dot_general3A_35, %dot_general3A_40 : vector<7168x64xf32>
    %get3A_42 = arith.constant 0 : index
    %get3A_43 = arith.constant 0 : index
    %get3A_44 = vector.load %arg6[%get3A_42, %get3A_43] : memref<1x64xf32, #tpu.memory_space<vmem>>, vector<1x64xf32>
    %add3A_45 = vector.broadcast %get3A_44 : vector<1x64xf32> to vector<7168x64xf32>
    %add3A_46 = arith.addf %add3A_41, %add3A_45 : vector<7168x64xf32>
    %max3A_47 = arith.constant 0.000000e+00 : f32
    %max3A_48 = vector.broadcast %max3A_47 : f32 to vector<7168x64xf32>
    %max3A_49 = arith.maximumf %add3A_46, %max3A_48 : vector<7168x64xf32>
    %convert_element_type3A_50 = arith.truncf %max3A_49 : vector<7168x64xf32> to vector<7168x64xbf16>
    %swap3A = arith.constant 0 : index
    %swap3A_51 = arith.constant 0 : index
    %swap3A_52 = vector.load %arg7[%swap3A, %swap3A_51] : memref<7168x64xbf16, #tpu.memory_space<vmem>>, vector<7168x64xbf16>
    tpu.vector_store %arg7[%swap3A, %swap3A_51], %convert_element_type3A_50 {strides = array<i32>} : memref<7168x64xbf16, #tpu.memory_space<vmem>>, vector<7168x64xbf16>,
    return
  }
  func.func @transform_0(%arg0: i32) -> (i32, i32, i32) {
    %c0_i32 = arith.constant 0 : i32
    %c0_i32_0 = arith.constant 0 : i32
    %c0_i32_1 = arith.constant 0 : i32
    return %c0_i32, %arg0, %c0_i32_0 : i32, i32, i32
  }
  func.func @transform_1(%arg0: i32) -> (i32, i32, i32, i32) {
    %c0_i32 = arith.constant 0 : i32
    %c0_i32_0 = arith.constant 0 : i32
    %c0_i32_1 = arith.constant 0 : i32
    %c0_i32_2 = arith.constant 0 : i32
    return %c0_i32, %arg0, %c0_i32_0, %c0_i32_1 : i32, i32, i32, i32
  }
  func.func @transform_2(%arg0: i32) -> (i32, i32) {
    %c0_i32 = arith.constant 0 : i32
    %c0_i32_0 = arith.constant 0 : i32
    return %arg0, %c0_i32 : i32, i32
  }
  func.func @transform_3(%arg0: i32) -> (i32, i32) {
    %c0_i32 = arith.constant 0 : i32
    %c0_i32_0 = arith.constant 0 : i32
    %c0_i32_1 = arith.constant 0 : i32
    return %c0_i32, %c0_i32_0 : i32, i32
  }
  func.func @transform_4(%arg0: i32) -> (i32, i32) {
    %c0_i32 = arith.constant 0 : i32
    %c0_i32_0 = arith.constant 0 : i32
    %c0_i32_1 = arith.constant 0 : i32
    return %c0_i32, %c0_i32_0 : i32, i32
  }
  func.func @transform_5(%arg0: i32) -> (i32, i32) {
    %c0_i32 = arith.constant 0 : i32
    %c0_i32_0 = arith.constant 0 : i32
    %c0_i32_1 = arith.constant 0 : i32
    return %c0_i32, %c0_i32_0 : i32, i32
  }
  func.func @transform_6(%arg0: i32) -> (i32, i32) {
    %c0_i32 = arith.constant 0 : i32
    %c0_i32_0 = arith.constant 0 : i32
    return %arg0, %c0_i32 : i32, i32
  }
}

module attributes {stable_mosaic.version = 14 : i64} {
  func.func @_final_body(%arg0: i32, %arg1: memref<2x7168x64xbf16, #tpu.memory_space<vmem>>, %arg2: memref<2x1x1x7168xf32, #tpu.memory_space<vmem>>, %arg3: memref<7168x64xbf16, #tpu.memory_space<vmem>>, %arg4: memref<1x1x7168xi32, #tpu.memory_space<vmem>>, %arg5: memref<64x64xf32, #tpu.memory_space<vmem>>, %arg6: memref<64x64xf32, #tpu.memory_space<vmem>>, %arg7: memref<1x64xf32, #tpu.memory_space<vmem>>, %arg8: memref<2x64xf32, #tpu.memory_space<vmem>>, %arg9: memref<1x2xf32, #tpu.memory_space<vmem>>, %arg10: memref<128x2xf32, #tpu.memory_space<vmem>>, %arg11: memref<128x72xf32, #tpu.memory_space<vmem>>) attributes {dimension_semantics = [#tpu.dimension_semantics<arbitrary>], iteration_bounds = array<i64: 7>, scalar_prefetch = 0 : i64, scratch_operands = 1 : i64, tpu.core_type = #tpu.core_type<tc>, window_params = [{transform_indices = @transform_0, window_bounds = array<i64: 2, 7168, 64>}, {transform_indices = @transform_1, window_bounds = array<i64: 2, 1, 1, 7168>}, {transform_indices = @transform_2, window_bounds = array<i64: 7168, 64>}, {transform_indices = @transform_3, window_bounds = array<i64: 1, 1, 7168>}, {pipeline_mode = #tpu.pipeline_mode<synchronous>, transform_indices = @transform_4, window_bounds = array<i64: 64, 64>}, {pipeline_mode = #tpu.pipeline_mode<synchronous>, transform_indices = @transform_5, window_bounds = array<i64: 64, 64>}, {pipeline_mode = #tpu.pipeline_mode<synchronous>, transform_indices = @transform_6, window_bounds = array<i64: 1, 64>}, {pipeline_mode = #tpu.pipeline_mode<synchronous>, transform_indices = @transform_7, window_bounds = array<i64: 2, 64>}, {pipeline_mode = #tpu.pipeline_mode<synchronous>, transform_indices = @transform_8, window_bounds = array<i64: 1, 2>}, {pipeline_mode = #tpu.pipeline_mode<synchronous>, transform_indices = @transform_9, window_bounds = array<i64: 128, 2>}]} {
    %get3A = arith.constant 0 : index
    %get3A_0 = arith.constant 0 : index
    %get3A_1 = arith.constant 0 : index
    %get3A_2 = vector.load %arg1[%get3A, %get3A_0, %get3A_1] : memref<2x7168x64xbf16, #tpu.memory_space<vmem>>, vector<1x7168x64xbf16>
    %get3A_3 = vector.shape_cast %get3A_2 : vector<1x7168x64xbf16> to vector<7168x64xbf16>
    %convert_element_type3A = arith.extf %get3A_3 : vector<7168x64xbf16> to vector<7168x64xf32>
    %get3A_4 = arith.constant 1 : index
    %get3A_5 = arith.constant 0 : index
    %get3A_6 = arith.constant 0 : index
    %get3A_7 = vector.load %arg1[%get3A_4, %get3A_5, %get3A_6] : memref<2x7168x64xbf16, #tpu.memory_space<vmem>>, vector<1x7168x64xbf16>
    %get3A_8 = vector.shape_cast %get3A_7 : vector<1x7168x64xbf16> to vector<7168x64xbf16>
    %convert_element_type3A_9 = arith.extf %get3A_8 : vector<7168x64xbf16> to vector<7168x64xf32>
    %add3A = arith.addf %convert_element_type3A, %convert_element_type3A_9 : vector<7168x64xf32>
    %get3A_10 = arith.constant 0 : index
    %get3A_11 = arith.constant 0 : index
    %get3A_12 = vector.load %arg3[%get3A_10, %get3A_11] : memref<7168x64xbf16, #tpu.memory_space<vmem>>, vector<7168x64xbf16>
    %convert_element_type3A_13 = arith.extf %get3A_12 : vector<7168x64xbf16> to vector<7168x64xf32>
    %get3A_14 = arith.constant 0 : index
    %get3A_15 = arith.constant 0 : index
    %get3A_16 = arith.constant 0 : index
    %get3A_17 = arith.constant 0 : index
    %get3A_18 = vector.load %arg2[%get3A_14, %get3A_15, %get3A_16, %get3A_17] : memref<2x1x1x7168xf32, #tpu.memory_space<vmem>>, vector<1x1x1x7168xf32>
    %get3A_19 = vector.shape_cast %get3A_18 : vector<1x1x1x7168xf32> to vector<7168xf32>
    %get3A_20 = arith.constant 1 : index
    %get3A_21 = arith.constant 0 : index
    %get3A_22 = arith.constant 0 : index
    %get3A_23 = arith.constant 0 : index
    %get3A_24 = vector.load %arg2[%get3A_20, %get3A_21, %get3A_22, %get3A_23] : memref<2x1x1x7168xf32, #tpu.memory_space<vmem>>, vector<1x1x1x7168xf32>
    %get3A_25 = vector.shape_cast %get3A_24 : vector<1x1x1x7168xf32> to vector<7168xf32>
    %add3A_26 = arith.addf %get3A_19, %get3A_25 : vector<7168xf32>
    %max3A = arith.constant 1.000000e+00 : f32
    %max3A_27 = vector.broadcast %max3A : f32 to vector<7168xf32>
    %max3A_28 = arith.maximumf %add3A_26, %max3A_27 : vector<7168xf32>
    %div3A = arith.constant 1.000000e+00 : f32
    %div3A_29 = vector.broadcast %div3A : f32 to vector<7168xf32>
    %div3A_30 = arith.divf %div3A_29, %max3A_28 : vector<7168xf32>
    %broadcast_in_dim3A = vector.shape_cast %div3A_30 : vector<7168xf32> to vector<7168x1xf32>
    %mul3A = vector.broadcast %broadcast_in_dim3A : vector<7168x1xf32> to vector<7168x64xf32>
    %mul3A_31 = arith.mulf %add3A, %mul3A : vector<7168x64xf32>
    %get3A_32 = arith.constant 0 : index
    %get3A_33 = arith.constant 0 : index
    %get3A_34 = vector.load %arg5[%get3A_32, %get3A_33] : memref<64x64xf32, #tpu.memory_space<vmem>>, vector<64x64xf32>
    %dot_general3A = arith.constant dense<0.000000e+00> : vector<7168x64xf32>
    %dot_general3A_35 = tpu.matmul %mul3A_31, %get3A_34, %dot_general3A {dimension_numbers = #tpu.dot_dimension_numbers<[1], [1], [0], [0], [0, 0, 1, 0], [], []>, transpose_lhs_hint = false} : vector<7168x64xf32>, vector<64x64xf32>, vector<7168x64xf32> -> vector<7168x64xf32>
    %get3A_36 = arith.constant 0 : index
    %get3A_37 = arith.constant 0 : index
    %get3A_38 = vector.load %arg6[%get3A_36, %get3A_37] : memref<64x64xf32, #tpu.memory_space<vmem>>, vector<64x64xf32>
    %dot_general3A_39 = arith.constant dense<0.000000e+00> : vector<7168x64xf32>
    %dot_general3A_40 = tpu.matmul %convert_element_type3A_13, %get3A_38, %dot_general3A_39 {dimension_numbers = #tpu.dot_dimension_numbers<[1], [1], [0], [0], [0, 0, 1, 0], [], []>, transpose_lhs_hint = false} : vector<7168x64xf32>, vector<64x64xf32>, vector<7168x64xf32> -> vector<7168x64xf32>
    %add3A_41 = arith.addf %dot_general3A_35, %dot_general3A_40 : vector<7168x64xf32>
    %get3A_42 = arith.constant 0 : index
    %get3A_43 = arith.constant 0 : index
    %get3A_44 = vector.load %arg7[%get3A_42, %get3A_43] : memref<1x64xf32, #tpu.memory_space<vmem>>, vector<1x64xf32>
    %add3A_45 = vector.broadcast %get3A_44 : vector<1x64xf32> to vector<7168x64xf32>
    %add3A_46 = arith.addf %add3A_41, %add3A_45 : vector<7168x64xf32>
    %max3A_47 = arith.constant 0.000000e+00 : f32
    %max3A_48 = vector.broadcast %max3A_47 : f32 to vector<7168x64xf32>
    %max3A_49 = arith.maximumf %add3A_46, %max3A_48 : vector<7168x64xf32>
    %get3A_50 = arith.constant 0 : index
    %get3A_51 = arith.constant 0 : index
    %get3A_52 = arith.constant 0 : index
    %get3A_53 = vector.load %arg4[%get3A_50, %get3A_51, %get3A_52] : memref<1x1x7168xi32, #tpu.memory_space<vmem>>, vector<1x1x7168xi32>
    %get3A_54 = vector.shape_cast %get3A_53 : vector<1x1x7168xi32> to vector<7168xi32>
    %iota3A = tpu.iota {dimensions = array<i32: 0>} : vector<128x1xi32>
    %broadcast_in_dim3A_55 = vector.shape_cast %get3A_54 : vector<7168xi32> to vector<1x7168xi32>
    %eq3A = vector.broadcast %iota3A : vector<128x1xi32> to vector<128x7168xi32>
    %eq3A_56 = vector.broadcast %broadcast_in_dim3A_55 : vector<1x7168xi32> to vector<128x7168xi32>
    %eq3A_57 = arith.cmpi eq, %eq3A, %eq3A_56 : vector<128x7168xi32>
    %convert_element_type3A_58 = arith.extui %eq3A_57 : vector<128x7168xi1> to vector<128x7168xi32>
    %convert_element_type3A_59 = arith.sitofp %convert_element_type3A_58 : vector<128x7168xi32> to vector<128x7168xf32>
    %broadcast_in_dim3A_60 = arith.constant 1.000000e+00 : f32
    %broadcast_in_dim3A_61 = vector.broadcast %broadcast_in_dim3A_60 : f32 to vector<7168x8xf32>
    %concatenate3A = tpu.concatenate %max3A_49, %broadcast_in_dim3A_61 in 1 : vector<7168x64xf32>, vector<7168x8xf32> -> vector<7168x72xf32>
    %dot_general3A_62 = arith.constant dense<0.000000e+00> : vector<128x72xf32>
    %dot_general3A_63 = tpu.matmul %convert_element_type3A_59, %concatenate3A, %dot_general3A_62 {dimension_numbers = #tpu.dot_dimension_numbers<[1], [0], [0], [1], [0, 0, 1, 1], [], []>, transpose_lhs_hint = false} : vector<128x7168xf32>, vector<7168x72xf32>, vector<128x72xf32> -> vector<128x72xf32>
    %eq3A_64 = arith.constant 0 : i32
    %eq3A_65 = arith.cmpi eq, %arg0, %eq3A_64 : i32
    %convert_element_type3A_66 = arith.extui %eq3A_65 : i1 to i32
    %cond3A = arith.constant 0 : i32
    %cond3A_67 = arith.cmpi ne, %convert_element_type3A_66, %cond3A : i32
    scf.if %cond3A_67 {
      %swap3A = arith.constant 0 : index
      %swap3A_77 = arith.constant 0 : index
      %swap3A_78 = vector.load %arg11[%swap3A, %swap3A_77] : memref<128x72xf32, #tpu.memory_space<vmem>>, vector<128x72xf32>
      tpu.vector_store %arg11[%swap3A, %swap3A_77], %dot_general3A_63 {strides = array<i32>} : memref<128x72xf32, #tpu.memory_space<vmem>>, vector<128x72xf32>,
    } else {
    }
    %gt3A = arith.constant 0 : i32
    %gt3A_68 = arith.cmpi sgt, %arg0, %gt3A : i32
    %convert_element_type3A_69 = arith.extui %gt3A_68 : i1 to i32
    %cond3A_70 = arith.constant 0 : i32
    %cond3A_71 = arith.cmpi ne, %convert_element_type3A_69, %cond3A_70 : i32
    scf.if %cond3A_71 {
      %get3A_77 = arith.constant 0 : index
      %get3A_78 = arith.constant 0 : index
      %get3A_79 = vector.load %arg11[%get3A_77, %get3A_78] : memref<128x72xf32, #tpu.memory_space<vmem>>, vector<128x72xf32>
      %add3A_80 = arith.addf %get3A_79, %dot_general3A_63 : vector<128x72xf32>
      %swap3A = arith.constant 0 : index
      %swap3A_81 = arith.constant 0 : index
      %swap3A_82 = vector.load %arg11[%swap3A, %swap3A_81] : memref<128x72xf32, #tpu.memory_space<vmem>>, vector<128x72xf32>
      tpu.vector_store %arg11[%swap3A, %swap3A_81], %add3A_80 {strides = array<i32>} : memref<128x72xf32, #tpu.memory_space<vmem>>, vector<128x72xf32>,
    } else {
    }
    %eq3A_72 = arith.constant 6 : i32
    %eq3A_73 = arith.cmpi eq, %arg0, %eq3A_72 : i32
    %convert_element_type3A_74 = arith.extui %eq3A_73 : i1 to i32
    %cond3A_75 = arith.constant 0 : i32
    %cond3A_76 = arith.cmpi ne, %convert_element_type3A_74, %cond3A_75 : i32
    scf.if %cond3A_76 {
      %get3A_77 = arith.constant 0 : index
      %get3A_78 = arith.constant 0 : index
      %get3A_79 = vector.load %arg11[%get3A_77, %get3A_78] : memref<128x72xf32, #tpu.memory_space<vmem>>, vector<128x72xf32>
      %slice3A = vector.extract_strided_slice %get3A_79 {offsets = [0, 64], sizes = [128, 1], strides = [1, 1]} : vector<128x72xf32> to vector<128x1xf32>
      %squeeze3A = vector.shape_cast %slice3A : vector<128x1xf32> to vector<128xf32>
      %slice3A_80 = vector.extract_strided_slice %get3A_79 {offsets = [0, 0], sizes = [128, 64], strides = [1, 1]} : vector<128x72xf32> to vector<128x64xf32>
      %max3A_81 = arith.constant 1.000000e+00 : f32
      %max3A_82 = vector.broadcast %max3A_81 : f32 to vector<128xf32>
      %max3A_83 = arith.maximumf %squeeze3A, %max3A_82 : vector<128xf32>
      %div3A_84 = arith.constant 1.000000e+00 : f32
      %div3A_85 = vector.broadcast %div3A_84 : f32 to vector<128xf32>
      %div3A_86 = arith.divf %div3A_85, %max3A_83 : vector<128xf32>
      %broadcast_in_dim3A_87 = vector.shape_cast %div3A_86 : vector<128xf32> to vector<128x1xf32>
      %mul3A_88 = vector.broadcast %broadcast_in_dim3A_87 : vector<128x1xf32> to vector<128x64xf32>
      %mul3A_89 = arith.mulf %slice3A_80, %mul3A_88 : vector<128x64xf32>
      %get3A_90 = arith.constant 0 : index
      %get3A_91 = arith.constant 0 : index
      %get3A_92 = vector.load %arg8[%get3A_90, %get3A_91] : memref<2x64xf32, #tpu.memory_space<vmem>>, vector<2x64xf32>
      %dot_general3A_93 = arith.constant dense<0.000000e+00> : vector<128x2xf32>
      %dot_general3A_94 = tpu.matmul %mul3A_89, %get3A_92, %dot_general3A_93 {dimension_numbers = #tpu.dot_dimension_numbers<[1], [1], [0], [0], [0, 0, 1, 0], [], []>, transpose_lhs_hint = false} : vector<128x64xf32>, vector<2x64xf32>, vector<128x2xf32> -> vector<128x2xf32>
      %get3A_95 = arith.constant 0 : index
      %get3A_96 = arith.constant 0 : index
      %get3A_97 = vector.load %arg9[%get3A_95, %get3A_96] : memref<1x2xf32, #tpu.memory_space<vmem>>, vector<1x2xf32>
      %add3A_98 = vector.broadcast %get3A_97 : vector<1x2xf32> to vector<128x2xf32>
      %add3A_99 = arith.addf %dot_general3A_94, %add3A_98 : vector<128x2xf32>
      %swap3A = arith.constant 0 : index
      %swap3A_100 = arith.constant 0 : index
      %swap3A_101 = vector.load %arg10[%swap3A, %swap3A_100] : memref<128x2xf32, #tpu.memory_space<vmem>>, vector<128x2xf32>
      tpu.vector_store %arg10[%swap3A, %swap3A_100], %add3A_99 {strides = array<i32>} : memref<128x2xf32, #tpu.memory_space<vmem>>, vector<128x2xf32>,
    } else {
    }
    return
  }
  func.func @transform_0(%arg0: i32) -> (i32, i32, i32) {
    %c0_i32 = arith.constant 0 : i32
    %c0_i32_0 = arith.constant 0 : i32
    %c0_i32_1 = arith.constant 0 : i32
    return %c0_i32, %arg0, %c0_i32_0 : i32, i32, i32
  }
  func.func @transform_1(%arg0: i32) -> (i32, i32, i32, i32) {
    %c0_i32 = arith.constant 0 : i32
    %c0_i32_0 = arith.constant 0 : i32
    %c0_i32_1 = arith.constant 0 : i32
    %c0_i32_2 = arith.constant 0 : i32
    return %c0_i32, %arg0, %c0_i32_0, %c0_i32_1 : i32, i32, i32, i32
  }
  func.func @transform_2(%arg0: i32) -> (i32, i32) {
    %c0_i32 = arith.constant 0 : i32
    %c0_i32_0 = arith.constant 0 : i32
    return %arg0, %c0_i32 : i32, i32
  }
  func.func @transform_3(%arg0: i32) -> (i32, i32, i32) {
    %c0_i32 = arith.constant 0 : i32
    %c0_i32_0 = arith.constant 0 : i32
    %c0_i32_1 = arith.constant 0 : i32
    return %arg0, %c0_i32, %c0_i32_0 : i32, i32, i32
  }
  func.func @transform_4(%arg0: i32) -> (i32, i32) {
    %c0_i32 = arith.constant 0 : i32
    %c0_i32_0 = arith.constant 0 : i32
    %c0_i32_1 = arith.constant 0 : i32
    return %c0_i32, %c0_i32_0 : i32, i32
  }
  func.func @transform_5(%arg0: i32) -> (i32, i32) {
    %c0_i32 = arith.constant 0 : i32
    %c0_i32_0 = arith.constant 0 : i32
    %c0_i32_1 = arith.constant 0 : i32
    return %c0_i32, %c0_i32_0 : i32, i32
  }
  func.func @transform_6(%arg0: i32) -> (i32, i32) {
    %c0_i32 = arith.constant 0 : i32
    %c0_i32_0 = arith.constant 0 : i32
    %c0_i32_1 = arith.constant 0 : i32
    return %c0_i32, %c0_i32_0 : i32, i32
  }
  func.func @transform_7(%arg0: i32) -> (i32, i32) {
    %c0_i32 = arith.constant 0 : i32
    %c0_i32_0 = arith.constant 0 : i32
    %c0_i32_1 = arith.constant 0 : i32
    return %c0_i32, %c0_i32_0 : i32, i32
  }
  func.func @transform_8(%arg0: i32) -> (i32, i32) {
    %c0_i32 = arith.constant 0 : i32
    %c0_i32_0 = arith.constant 0 : i32
    %c0_i32_1 = arith.constant 0 : i32
    return %c0_i32, %c0_i32_0 : i32, i32
  }
  func.func @transform_9(%arg0: i32) -> (i32, i32) {
    %c0_i32 = arith.constant 0 : i32
    %c0_i32_0 = arith.constant 0 : i32
    %c0_i32_1 = arith.constant 0 : i32
    return %c0_i32, %c0_i32_0 : i32, i32
  }
}

</mosaic_0001>

<sc_bundles>
// kernel: kernel.10.cloned.1.call-start
scs
__scs_entry_jumppad:
0x0: {  	(pc) =	sbr.rel $0x88, $3  }
0x1: {  	(tag) =	ssettag $0x0;
	lr =	simm.s32 $0x1  }
0x2: {  	[smem:$0x3F95] =	sst lr;
	_ =	strace $0xD0000000  }
0x3: {  	_ = 	snop  }
0x4: {  	_ = 	snop  }
0x5: {  	_ = 	snop  }
0x6: {  	_ = 	snop  }
0x7: {  	_ = 	snop  }
__scs_overlays_trampoline_lowered:
0x8: {  	[smem:$0x3FA4] =	sst s0  }
0x9: {  	[smem:$0x3FA5] =	sst s1  }
0xa: {  	[smem:$0x3FA6] =	sst s2  }
0xb: {  	[smem:$0x3FA7] =	sst s3  }
0xc: {  	[smem:$0x3FA8] =	sst s4  }
0xd: {  	[smem:$0x3FA9] =	sst s5  }
0xe: {  	[smem:$0x3FAA] =	sst s6  }
0xf: {  	[smem:$0x3FAB] =	sst s7  }
0x10: {  	[smem:$0x3FAC] =	sst s8  }
0x11: {  	[smem:$0x3FAD] =	sst s9;
	s0 =	simm.s32 @!p0 $0x0  }
0x12: {  	s1 =	sld [smem:$0x3F93];
	s0 =	simm.s32 @p0 $0x1  }
0x13: {  	[smem:$0x3FAE] =	sst s0;
	s0 =	simm.s32 @!p1 $0x0  }
0x14: {  	s2 =	sld [smem:$0x3F92];
	s0 =	simm.s32 @p1 $0x1  }
0x15: {  	[smem:$0x3FAF] =	sst s0;
	s0 =	simm.s32 @!p2 $0x0  }
0x16: {  	s3 =	sld [smem:$0x3FDB];
	s0 =	simm.s32 @p2 $0x1  }
0x17: {  	s4 =	simm.s32 $0x1BF5;
	[smem:$0x3FB1] =	sst s0  }
0x18: {  	s0 =	sld [smem:$0x3F94];
	_ =	swait.ge [sflag:s4], $0x0  }
0x19: {  	s7 =	sld [smem:$0x3F95]  }
0x1a: {  	s8 =	sadd.s32 $0xFFFFE003, lr  }
0x1b: {  	s9 =	sadd.s32 $0xFFFFFEF7, lr;
	s5 =	simm.s32 $0xFFFFFFFF;
	p2 =	slt.u32 s8, $0xFFFFF086  }
0x1c: {  	p1 =	slt.u32 s9, $0xF7A;
	s5 =	simm.s32 @!p2 $0x0  }
0x1d: {  	s5 =	simm.s32 @p1 $0x1;
	p0 =	seq.s32 s7, s2  }
0x1e: {  	s7 =	smul.u32 @!p0 $0xF7A, s2;
	p2 =	seq.s32 @!p0 s5, $0x0  }
0x1f: {  	s9 =	smul.u32 $0xF7A, s1;
	s8 =	simm.s32 @!p0 $0x1BF5;
	p2 =	por !p2, p0  }
0x20: {  	[sflag:s8] =	ssyncset.s32 @!p0 $0xFFFFF086;
	s6 =	sadd.s32 @!p0 s3, s7;
	s7 =	simm.s32 @!p0 $0x108  }
0x21: {  	s3 =	sadd.s32 s3, s9;
	s6 =	sadd.s32 @!p0 $0x88, s6;
	s7 =	simm.s32 @p2 $0x1082  }
0x22: {  	[simem:s7], [sflag:s8] =	dma.local @!p0 [hbm:s6], $0xF7A  }
0x23: {  	s9 =	sor.u32 $0xD0000000, s2;
	s6 =	simm.s32 $0x108;
	_ =	swait.ge @!p0 [sflag:s8], $0x0  }
0x24: {  	s3 =	sadd.s32 $0x88, s3;
	s6 =	simm.s32 @!p1 $0x1082;
	[sflag:s4] =	ssyncset.s32 $0xFFFFF086  }
0x25: {  	[simem:s6], [sflag:s4] =	dma.local [hbm:s3], $0xF7A  }
0x26: {  	[smem:$0x3F95] =	sst s1;
	(tag) =	ssettag s2;
	_ =	strace s9  }
0x27: {  	s1 =	sld [smem:$0x3FA5]  }
0x28: {  	s2 =	sld [smem:$0x3FA6]  }
0x29: {  	s4 =	sld [smem:$0x3FA8]  }
0x2a: {  	p0 =	seq.s32 s5, $0x0;
	s5 =	sld [smem:$0x3FA9]  }
0x2b: {  	s6 =	sld [smem:$0x3FAA]  }
0x2c: {  	s7 =	sld [smem:$0x3FAB]  }
0x2d: {  	s3 =	simm.s32 $0x108;
	s8 =	sld [smem:$0x3FAC]  }
0x2e: {  	s3 =	simm.s32 @!p0 $0x1082;
	s9 =	sld [smem:$0x3FAD]  }
0x2f: {  	lr =	sadd.s32 s0, s3;
	s0 =	sld [smem:$0x3FA4]  }
0x30: {  	s3 =	sld [smem:$0x3FA7]  }
0x31: {  	[smem:$0x3FB0] =	sst s10  }
0x32: {  	s10 =	sld [smem:$0x3FAE];
	_ =	sdelay $0x3  }
0x33: {  	p0 =	seq.s32 s10, $0x1;
	s10 =	sld [smem:$0x3FB0];
	_ =	sdelay $0x3  }
0x34: {  	[smem:$0x3FB0] =	sst s10  }
0x35: {  	s10 =	sld [smem:$0x3FAF];
	_ =	sdelay $0x3  }
0x36: {  	p1 =	seq.s32 s10, $0x1;
	s10 =	sld [smem:$0x3FB0];
	_ =	sdelay $0x3  }
0x37: {  	[smem:$0x3FB0] =	sst s10  }
0x38: {  	s10 =	sld [smem:$0x3FB1]  }
0x39: {  	_ = 	snop;
	(pc) =	sbr.ind lr, $3  }
0x3a: {  	_ = 	snop  }
0x3b: {  	_ = 	snop  }
0x3c: {  	p2 =	seq.s32 s10, $0x1;
	s10 =	sld [smem:$0x3FB0]  }
0x3d: {  	_ =	shalt  }
0x3e: {  	_ =	shalt  }
0x3f: {  	_ =	shalt  }
0x40: {  	_ =	shalt  }
0x41: {  	_ =	shalt  }
0x42: {  	_ =	shalt  }
0x43: {  	_ =	shalt  }
0x44: {  	_ =	shalt  }
0x45: {  	_ =	shalt  }
0x46: {  	_ =	shalt  }
0x47: {  	_ =	shalt  }
0x48: {  	_ =	shalt  }
0x49: {  	_ =	shalt  }
0x4a: {  	_ =	shalt  }
0x4b: {  	_ =	shalt  }
0x4c: {  	_ =	shalt  }
0x4d: {  	_ =	shalt  }
0x4e: {  	_ =	shalt  }
0x4f: {  	_ =	shalt  }
0x50: {  	_ =	shalt  }
0x51: {  	_ =	shalt  }
0x52: {  	_ =	shalt  }
0x53: {  	_ =	shalt  }
0x54: {  	_ =	shalt  }
0x55: {  	_ =	shalt  }
0x56: {  	_ =	shalt  }
0x57: {  	_ =	shalt  }
0x58: {  	_ =	shalt  }
0x59: {  	_ =	shalt  }
0x5a: {  	_ =	shalt  }
0x5b: {  	_ =	shalt  }
0x5c: {  	_ =	shalt  }
0x5d: {  	_ =	shalt  }
0x5e: {  	_ =	shalt  }
0x5f: {  	_ =	shalt  }
0x60: {  	_ =	shalt  }
0x61: {  	_ =	shalt  }
0x62: {  	_ =	shalt  }
0x63: {  	_ =	shalt  }
0x64: {  	_ =	shalt  }
0x65: {  	_ =	shalt  }
0x66: {  	_ =	shalt  }
0x67: {  	_ =	shalt  }
0x68: {  	_ =	shalt  }
0x69: {  	_ =	shalt  }
0x6a: {  	_ =	shalt  }
0x6b: {  	_ =	shalt  }
0x6c: {  	_ =	shalt  }
0x6d: {  	_ =	shalt  }
0x6e: {  	_ =	shalt  }
0x6f: {  	_ =	shalt  }
0x70: {  	_ =	shalt  }
0x71: {  	_ =	shalt  }
0x72: {  	_ =	shalt  }
0x73: {  	_ =	shalt  }
0x74: {  	_ =	shalt  }
0x75: {  	_ =	shalt  }
0x76: {  	_ =	shalt  }
0x77: {  	_ =	shalt  }
0x78: {  	_ =	shalt  }
0x79: {  	_ =	shalt  }
0x7a: {  	_ =	shalt  }
0x7b: {  	_ =	shalt  }
0x7c: {  	_ =	shalt  }
0x7d: {  	_ =	shalt  }
0x7e: {  	_ =	shalt  }
0x7f: {  	_ =	shalt  }
0x80: {  	_ =	shalt  }
0x81: {  	_ =	shalt  }
0x82: {  	_ =	shalt  }
0x83: {  	_ =	shalt  }
0x84: {  	_ =	shalt  }
0x85: {  	_ =	shalt  }
0x86: {  	_ =	shalt  }
0x87: {  	_ =	shalt  }
.Lfunc_end0:
.L_simem_size_0:
called_computation.1_lowered:
.L_overlay_start_0:
0x88: {  	s2 =	sld [smem:$0x3FD9]  }
0x89: {  	s3 =	sld [smem:$0x3FFE];
	_ =	sdelay $0x1  }
0x8a: {  	s1 =	srdreg.scid  }
0x8b: {  	s0 =	sand.u32 $0x1, s1  }
0x8c: {  	s16 =	sshll.u32 s0, $0xA;
	s2 =	sadd.s32 s3, s2  }
0x8d: {  	s2 =	sadd.s32 s2, s16  }
0x8e: {  	[smem:$0x3FBC] =	sst s2  }
0x8f: {  	_ = 	snop  }
0x90: {  	(tm) =	ssettm $0x1  }
0x91: {  	s17 =	sld [smem:$0x3FFB];
	_ =	sdelay $0x3  }
0x92: {  	_ =	strace s17  }
0x93: {  	s2 =	sld [smem:$0x3FFC];
	_ =	sdelay $0x3  }
0x94: {  	_ =	strace s2  }
0x95: {  	s2 =	sld [smem:$0x3FFD];
	_ =	sdelay $0x3  }
0x96: {  	_ =	strace s2  }
0x97: {  	_ =	strace $0x8FFFFFFF  }
0x98: {  	s18 =	sld [smem:$0x3FDB];
	_ =	sdelay $0x1  }
0x99: {  	s19 =	simm.s32 $_scs_section_size  }
0x9a: {  	s4 =	simm.s32 $_size__tile_overlayer_lowered;
	s5 =	simm.s32 $_tile_overlayer_lowered  }
0x9b: {  	s22 =	simm.s32 $0x1BFF;
	s21 =	sshll.u32 s5, $0x1;
	s2 =	sadd.s32 s19, s18  }
0x9c: {  	s6 =	simm.s32 $0x0;
	s20 =	sshll.u32 s4, $0x1;
	s4 =	sadd.s32 s21, s2  }
0x9d: {  	[timem:s6], [sflag:s22] =	dma.local [hbm:s4], s20  }
0x9e: {  	_ =	swait.ge [sflag:s22], s20  }
0x9f: {  	s3 =	ssub.s32 $0x0, s20;
	[sflag:s22] =	ssyncset.done $0x0  }
0xa0: {  	[sflag:s22] =	ssyncadd.s32 s3;
	_ =	sdelay $0x1  }
0xa1: {  	s23 =	simm.s32 $0x1B8B  }
0xa2: {  	_ =	swait.ge [sflag:s23], $0x1  }
0xa3: {  	[sflag:s23] =	ssyncset.done $0x0  }
0xa4: {  	s25 =	simm.s32 $0x1B8E;
	s24 =	sld [smem:$0x3FFE];
	[sflag:s23] =	ssyncadd.s32 $0xFFFFFFFF  }
0xa5: {  	s26 =	simm.s32 $execute0_lowered;
	[smem:$0x3FD2] =	sst s25  }
0xa6: {  	s4 =	sshll.u32 s26, $0x1;
	_ =	strace $0x80000049;
	[dreg:$0x1] =	wrdreg $0xFFFFFFFF  }
0xa7: {  	s28 =	simm.s32 $_size_execute0_lowered;
	s2 =	sadd.s32 s2, s4;
	[dreg:$0x0] =	wrdreg $0x0  }
0xa8: {  	s4 =	sshll.u32 s28, $0x1;
	[dreg:$0x2] =	wrdreg s2  }
0xa9: {  	[dreg:$0x3] =	wrdreg s4  }
0xaa: {  	[dreg:$0x4] =	wrdreg $0xC0  }
0xab: {  	_ =	task [dreg:s6], $0x5FFFF  }
0xac: {  	[dreg:$0x1] =	wrdreg $0xFFFFFFFF  }
0xad: {  	[dreg:$0x0] =	wrdreg $0x60  }
0xae: {  	[dreg:$0x2] =	wrdreg s24  }
0xaf: {  	[dreg:$0x3] =	wrdreg $0x0  }
0xb0: {  	[dreg:$0x4] =	wrdreg $0x9  }
0xb1: {  	_ =	task.clear_ibuf [dreg:s6], $0x5FFFF;
	_ =	strace $0x90000049  }
0xb2: {  	s29 =	simm.s32 $0x9;
	_ =	strace $0x8000004B  }
0xb3: {  	_ =	swait.ge [sflag:s29], $0x1  }
0xb4: {  	[sflag:s29] =	ssyncadd.s32 $0xFFFFFFFF  }
0xb5: {  	_ =	strace $0x9000004B  }
0xb6: {  	_ =	sfence  }
0xb7: {  	s30 =	sld [smem:$0x0];
	_ =	sdelay $0x2  }
0xb8: {  	s31 =	sshll.u32 s1, $0xD;
	s1 =	sshrl.u32 s1, $0x2  }
0xb9: {  	s3 =	sand.u32 $0x4000, s31;
	s1 =	sadd.s32 s1, s30  }
0xba: {  	s0 =	sor.u32 s3, s0;
	s1 =	sshll.u32 s1, $0x11  }
0xbb: {  	s0 =	sor.u32 s1, s0  }
0xbc: {  	s0 =	sadd.s32 $0x8F2B, s0  }
0xbd: {  	[sflag:s0] =	ssyncadd.remote.s32 $0x1  }
0xbe: {  	_ =	sfence.sel $0xFFFF  }
0xbf: {  	[dreg:$0x0] =	wrdreg $0xFFFFFFFF;
	(pc) =	sbr.abs _section_cstart, $3  }
0xc0: {  	[dreg:$0x1] =	wrdreg $0xFFFFFFFF  }
0xc1: {  	_ =	task.clear_ibuf [dreg:s6], $0x2FFFF;
	_ =	strace $0x9FFFFFFF  }
0xc2: {  	(tm) =	ssettm $0x7FFFFFFF  }
0xc3: {  	_ =	shalt  }
tec
execute0_lowered:
.L_overlay_start_1:
0x0: {  	(tag) =	ssettag $0x1  }
0x1: {  	s0 =	rddreg [dreg:$0x0]  }
0x2: {  	s2 =	rddreg [dreg:$0x1];
	s3 =	simm.s32 $0x0;
	s1 =	srdreg.scid  }
0x3: {  	s12 =	stileid.u32;
	s28 =	simm.s32 $0x1BA00;
	s29 =	simm.s32 $0x3  }
0x4: {  	s30 =	simm.s32 $0x80;
	s31 =	simm.s32 $0x19880;
	s10 =	smul.u32 $0x62000, s12  }
0x5: {  	[smem:$0x7FF] =	sst s3;
	s1 =	sand.u32 $0x1, s1;
	s5 =	smul.u32 $0x31000, s12  }
0x6: {  	s4 =	sadd.s32 $0xAEA00, s0;
	s11 =	sadd.s32 $0xE2C00, s0;
	s24 =	sshrl.u32 s10, $0x2  }
0x7: {  	_ =	strace $0x8000004A;
	[dreg:$0x3] =	wrdreg s11;
	s11 =	sadd.s32 s24, s2  }
0x8: {  	s7 =	sadd.s32 $0x95A00, s0;
	s8 =	sadd.s32 $0x7CA00, s0;
	s26 =	sadd.s32 $0xE00, s11  }
0x9: {  	s6 =	smul.u32 $0x310000, s1;
	s13 =	sadd.s32 $0x1C00, s11;
	[dreg:$0x4] =	wrdreg s26  }
0xa: {  	s9 =	ssub.s32 $0x2, s1;
	s14 =	sadd.s32 $0x2A00, s11;
	[dreg:$0x5] =	wrdreg s13  }
0xb: {  	s25 =	sshll.u32 s1, $0x4;
	s16 =	sadd.s32 $0x3800, s11;
	[dreg:$0x6] =	wrdreg s14  }
0xc: {  	s1 =	smul.u32 $0xC800, s1;
	s17 =	sadd.s32 $0x4600, s11;
	[dreg:$0x7] =	wrdreg s16  }
0xd: {  	s23 =	sshrl.u32 s9, $0x1;
	s18 =	sadd.s32 $0x5400, s11;
	[dreg:$0x8] =	wrdreg s17  }
0xe: {  	s10 =	sor.u32 s12, s25;
	s19 =	sadd.s32 $0x6200, s11;
	[dreg:$0x9] =	wrdreg s18  }
0xf: {  	s6 =	sadd.s32 s5, s6;
	s20 =	sadd.s32 $0x7000, s11;
	[dreg:$0xa] =	wrdreg s19  }
0x10: {  	s9 =	ssub.s32 s9, s23;
	s25 =	sadd.s32 $0x7E00, s11;
	[dreg:$0xb] =	wrdreg s20  }
0x11: {  	s15 =	smul.u32 $0xC80, s10;
	s10 =	sadd.s32 $0xC400, s11;
	[dreg:$0x10] =	wrdreg s25  }
0x12: {  	s24 =	smul.u32 $0xC80, s12;
	s12 =	sadd.s32 $0xD200, s11;
	[dreg:$0x15] =	wrdreg s10  }
0x13: {  	s5 =	sshrl.u32 s5, $0x1;
	s21 =	sadd.s32 s7, s15;
	[dreg:$0x16] =	wrdreg s12  }
0x14: {  	s6 =	sshrl.u32 s6, $0x4;
	s22 =	sadd.s32 s8, s15;
	[dreg:$0xc] =	wrdreg s21  }
0x15: {  	s0 =	sadd.s32 s6, s0;
	s26 =	sadd.s32 $0x8C00, s11;
	[dreg:$0xd] =	wrdreg s22  }
0x16: {  	s6 =	sadd.s32 s5, s2;
	s13 =	sadd.s32 $0xE000, s11;
	[dreg:$0x11] =	wrdreg s26  }
0x17: {  	s5 =	sor.u32 $0x20, s15;
	s14 =	sadd.s32 $0xEE00, s11;
	[dreg:$0x17] =	wrdreg s13  }
0x18: {  	s15 =	sadd.s32 $0xFC00, s11;
	s16 =	sadd.s32 $0x10A00, s11;
	[dreg:$0x18] =	wrdreg s14  }
0x19: {  	s17 =	sadd.s32 $0x11800, s11;
	s18 =	sadd.s32 $0x12600, s11;
	[dreg:$0x19] =	wrdreg s15  }
0x1a: {  	s19 =	sadd.s32 $0x13400, s11;
	s25 =	sadd.s32 $0x16C00, s11;
	[dreg:$0x1a] =	wrdreg s16  }
0x1b: {  	s23 =	sadd.s32 s7, s5;
	s5 =	sadd.s32 s8, s5;
	[dreg:$0x1b] =	wrdreg s17  }
0x1c: {  	s7 =	sadd.s32 s1, s7;
	s1 =	sadd.s32 s1, s8;
	[dreg:$0x1c] =	wrdreg s18  }
0x1d: {  	s8 =	sadd.s32 $0xB600, s11;
	[dreg:$0x1d] =	wrdreg s19;
	s22 =	sadd.s32 $0x14200, s11  }
0x1e: {  	[smem:$0x7FB] =	sst s25;
	s26 =	sadd.s32 $0x17A00, s11;
	s0 =	sadd.s32 $0x2000, s0  }
0x1f: {  	s14 =	smax.u32 s9, $0x1;
	s15 =	simm.s32 $0x18800;
	[dreg:$0xe] =	wrdreg s23  }
0x20: {  	s16 =	simm.s32 $0x1;
	s17 =	simm.s32 $0x5;
	[dreg:$0xf] =	wrdreg s5  }
0x21: {  	s18 =	simm.s32 $0x19600;
	s19 =	simm.s32 $0x19800;
	[dreg:$0x14] =	wrdreg s8  }
0x22: {  	s25 =	simm.s32 $0x19A00;
	s9 =	simm.s32 $0x0;
	[dreg:$0x1e] =	wrdreg s22  }
0x23: {  	s20 =	sadd.s32 s24, s7;
	s21 =	sadd.s32 s24, s1;
	[smem:$0x7FC] =	sst s26  }
0x24: {  	s5 =	sadd.s32 $0x9A00, s11;
	s7 =	sadd.s32 $0xA800, s11;
	[smem:$0x7FD] =	sst s0  }
0x25: {  	s23 =	sadd.s32 $0x15000, s11;
	s24 =	sadd.s32 $0x15E00, s11;
	[dreg:$0x12] =	wrdreg s5  }
0x26: {  	s22 =	simm.s32 $0x19700;
	s26 =	simm.s32 $0x2;
	[dreg:$0x13] =	wrdreg s7  }
0x27: {  	s0 =	simm.s32 $0x1AA00;
	s1 =	simm.s32 $0x4;
	[dreg:$0x1f] =	wrdreg s23  }
0x28: {  	s8 =	simm.s32 $0x6;
	[smem:$0x7FA] =	sst s24;
	s23 =	simm.s32 $0x19900  }
0x29: {  	s24 =	simm.s32 $0x100;
	s5 =	simm.s32 $0x19980;
	s7 =	simm.s32 $0x1CA00  }
.LBB2_1:
0x2a: {  	s10 =	rddreg [dreg:$0x3]  }
0x2b: {  	[tilespmem:s15], [sflag:$0x1] =	stream.linear.gather [hbm4b:s10+s3], $0xE00, $0x38;
	[tilespmem:$0x1DA00] =	vst v63  }
0x2c: {  	_ =	swait.ge [sflag:s16], $0xE00  }
0x2d: {  	[sflag:s16] =	ssyncset.done $0x0  }
0x2e: {  	s12 =	rddreg [dreg:$0x4];
	[sflag:s16] =	ssyncadd.s32 $0xFFFFF200  }
0x2f: {  	[spmem:s6] =	stream.linear.scatter [tilespmem:s15], [sflag:$0x5], $0xE00, $0x38;
	[tilespmem:$0x1DA00] =	vst v63  }
0x30: {  	s13 =	rddreg [dreg:$0x5]  }
0x31: {  	[spmem:s12] =	stream.linear.scatter [tilespmem:s15], [sflag:$0x5], $0xE00, $0x38;
	[tilespmem:$0x1DA00] =	vst v63  }
0x32: {  	s11 =	rddreg [dreg:$0x6]  }
0x33: {  	[spmem:s13] =	stream.linear.scatter [tilespmem:s15], [sflag:$0x5], $0xE00, $0x38;
	[tilespmem:$0x1DA00] =	vst v63  }
0x34: {  	s12 =	rddreg [dreg:$0x7]  }
0x35: {  	[spmem:s11] =	stream.linear.scatter [tilespmem:s15], [sflag:$0x5], $0xE00, $0x38;
	[tilespmem:$0x1DA00] =	vst v63  }
0x36: {  	s13 =	rddreg [dreg:$0x8]  }
0x37: {  	[spmem:s12] =	stream.linear.scatter [tilespmem:s15], [sflag:$0x5], $0xE00, $0x38;
	[tilespmem:$0x1DA00] =	vst v63  }
0x38: {  	s11 =	rddreg [dreg:$0x9]  }
0x39: {  	[spmem:s13] =	stream.linear.scatter [tilespmem:s15], [sflag:$0x5], $0xE00, $0x38;
	[tilespmem:$0x1DA00] =	vst v63  }
0x3a: {  	s12 =	rddreg [dreg:$0xa]  }
0x3b: {  	[spmem:s11] =	stream.linear.scatter [tilespmem:s15], [sflag:$0x5], $0xE00, $0x38;
	[tilespmem:$0x1DA00] =	vst v63  }
0x3c: {  	s13 =	rddreg [dreg:$0xb]  }
0x3d: {  	[spmem:s12] =	stream.linear.scatter [tilespmem:s15], [sflag:$0x5], $0xE00, $0x38;
	[tilespmem:$0x1DA00] =	vst v63  }
0x3e: {  	s11 =	rddreg [dreg:$0x10]  }
0x3f: {  	[spmem:s13] =	stream.linear.scatter [tilespmem:s15], [sflag:$0x5], $0xE00, $0x38;
	[tilespmem:$0x1DA00] =	vst v63  }
0x40: {  	s12 =	rddreg [dreg:$0x11]  }
0x41: {  	[spmem:s11] =	stream.linear.scatter [tilespmem:s15], [sflag:$0x5], $0xE00, $0x38;
	[tilespmem:$0x1DA00] =	vst v63  }
0x42: {  	s13 =	rddreg [dreg:$0x12]  }
0x43: {  	[spmem:s12] =	stream.linear.scatter [tilespmem:s15], [sflag:$0x5], $0xE00, $0x38;
	[tilespmem:$0x1DA00] =	vst v63  }
0x44: {  	s11 =	rddreg [dreg:$0x13]  }
0x45: {  	[spmem:s13] =	stream.linear.scatter [tilespmem:s15], [sflag:$0x5], $0xE00, $0x38;
	[tilespmem:$0x1DA00] =	vst v63  }
0x46: {  	s12 =	rddreg [dreg:$0x14]  }
0x47: {  	[spmem:s11] =	stream.linear.scatter [tilespmem:s15], [sflag:$0x5], $0xE00, $0x38;
	[tilespmem:$0x1DA00] =	vst v63  }
0x48: {  	s13 =	rddreg [dreg:$0x15]  }
0x49: {  	[spmem:s12] =	stream.linear.scatter [tilespmem:s15], [sflag:$0x5], $0xE00, $0x38;
	[tilespmem:$0x1DA00] =	vst v63  }
0x4a: {  	s11 =	rddreg [dreg:$0x16]  }
0x4b: {  	[spmem:s13] =	stream.linear.scatter [tilespmem:s15], [sflag:$0x5], $0xE00, $0x38;
	[tilespmem:$0x1DA00] =	vst v63  }
0x4c: {  	s12 =	rddreg [dreg:$0x17]  }
0x4d: {  	[spmem:s11] =	stream.linear.scatter [tilespmem:s15], [sflag:$0x5], $0xE00, $0x38;
	[tilespmem:$0x1DA00] =	vst v63  }
0x4e: {  	s13 =	rddreg [dreg:$0x18]  }
0x4f: {  	[spmem:s12] =	stream.linear.scatter [tilespmem:s15], [sflag:$0x5], $0xE00, $0x38;
	[tilespmem:$0x1DA00] =	vst v63  }
0x50: {  	s11 =	rddreg [dreg:$0x19]  }
0x51: {  	[spmem:s13] =	stream.linear.scatter [tilespmem:s15], [sflag:$0x5], $0xE00, $0x38;
	[tilespmem:$0x1DA00] =	vst v63  }
0x52: {  	s12 =	rddreg [dreg:$0x1a]  }
0x53: {  	[spmem:s11] =	stream.linear.scatter [tilespmem:s15], [sflag:$0x5], $0xE00, $0x38;
	[tilespmem:$0x1DA00] =	vst v63  }
0x54: {  	s13 =	rddreg [dreg:$0x1b]  }
0x55: {  	[spmem:s12] =	stream.linear.scatter [tilespmem:s15], [sflag:$0x5], $0xE00, $0x38;
	[tilespmem:$0x1DA00] =	vst v63  }
0x56: {  	s11 =	rddreg [dreg:$0x1c]  }
0x57: {  	[spmem:s13] =	stream.linear.scatter [tilespmem:s15], [sflag:$0x5], $0xE00, $0x38;
	[tilespmem:$0x1DA00] =	vst v63  }
0x58: {  	s12 =	rddreg [dreg:$0x1d]  }
0x59: {  	[spmem:s11] =	stream.linear.scatter [tilespmem:s15], [sflag:$0x5], $0xE00, $0x38;
	[tilespmem:$0x1DA00] =	vst v63  }
0x5a: {  	s13 =	rddreg [dreg:$0x1e]  }
0x5b: {  	[spmem:s12] =	stream.linear.scatter [tilespmem:s15], [sflag:$0x5], $0xE00, $0x38;
	[tilespmem:$0x1DA00] =	vst v63  }
0x5c: {  	s11 =	rddreg [dreg:$0x1f]  }
0x5d: {  	[spmem:s13] =	stream.linear.scatter [tilespmem:s15], [sflag:$0x5], $0xE00, $0x38;
	[tilespmem:$0x1DA00] =	vst v63  }
0x5e: {  	s12 =	sld [smem:$0x7FA]  }
0x5f: {  	[spmem:s11] =	stream.linear.scatter [tilespmem:s15], [sflag:$0x5], $0xE00, $0x38;
	[tilespmem:$0x1DA00] =	vst v63  }
0x60: {  	s13 =	sld [smem:$0x7FB]  }
0x61: {  	[spmem:s12] =	stream.linear.scatter [tilespmem:s15], [sflag:$0x5], $0xE00, $0x38;
	[tilespmem:$0x1DA00] =	vst v63  }
0x62: {  	s11 =	sld [smem:$0x7FC]  }
0x63: {  	[spmem:s13] =	stream.linear.scatter [tilespmem:s15], [sflag:$0x5], $0xE00, $0x38;
	[tilespmem:$0x1DA00] =	vst v63  }
0x64: {  	_ = 	snop  }
0x65: {  	[spmem:s11] =	stream.linear.scatter [tilespmem:s15], [sflag:$0x5], $0xE00, $0x38;
	[tilespmem:$0x1DA00] =	vst v63  }
0x66: {  	_ =	swait.ge [sflag:s17], $0xE00  }
0x67: {  	[sflag:s17] =	ssyncset.done $0x0  }
0x68: {  	[sflag:s17] =	ssyncadd.s32 $0xFFFFF200  }
0x69: {  	_ =	swait.ge [sflag:s17], $0xE00  }
0x6a: {  	[sflag:s17] =	ssyncset.done $0x0  }
0x6b: {  	[sflag:s17] =	ssyncadd.s32 $0xFFFFF200  }
0x6c: {  	_ =	swait.ge [sflag:s17], $0xE00  }
0x6d: {  	[sflag:s17] =	ssyncset.done $0x0  }
0x6e: {  	[sflag:s17] =	ssyncadd.s32 $0xFFFFF200  }
0x6f: {  	_ =	swait.ge [sflag:s17], $0xE00  }
0x70: {  	[sflag:s17] =	ssyncset.done $0x0  }
0x71: {  	[sflag:s17] =	ssyncadd.s32 $0xFFFFF200  }
0x72: {  	_ =	swait.ge [sflag:s17], $0xE00  }
0x73: {  	[sflag:s17] =	ssyncset.done $0x0  }
0x74: {  	[sflag:s17] =	ssyncadd.s32 $0xFFFFF200  }
0x75: {  	_ =	swait.ge [sflag:s17], $0xE00  }
0x76: {  	[sflag:s17] =	ssyncset.done $0x0  }
0x77: {  	[sflag:s17] =	ssyncadd.s32 $0xFFFFF200  }
0x78: {  	_ =	swait.ge [sflag:s17], $0xE00  }
0x79: {  	[sflag:s17] =	ssyncset.done $0x0  }
0x7a: {  	[sflag:s17] =	ssyncadd.s32 $0xFFFFF200  }
0x7b: {  	_ =	swait.ge [sflag:s17], $0xE00  }
0x7c: {  	[sflag:s17] =	ssyncset.done $0x0  }
0x7d: {  	[sflag:s17] =	ssyncadd.s32 $0xFFFFF200  }
0x7e: {  	_ =	swait.ge [sflag:s17], $0xE00  }
0x7f: {  	[sflag:s17] =	ssyncset.done $0x0  }
0x80: {  	[sflag:s17] =	ssyncadd.s32 $0xFFFFF200  }
0x81: {  	_ =	swait.ge [sflag:s17], $0xE00  }
0x82: {  	[sflag:s17] =	ssyncset.done $0x0  }
0x83: {  	[sflag:s17] =	ssyncadd.s32 $0xFFFFF200  }
0x84: {  	_ =	swait.ge [sflag:s17], $0xE00  }
0x85: {  	[sflag:s17] =	ssyncset.done $0x0  }
0x86: {  	[sflag:s17] =	ssyncadd.s32 $0xFFFFF200  }
0x87: {  	_ =	swait.ge [sflag:s17], $0xE00  }
0x88: {  	[sflag:s17] =	ssyncset.done $0x0  }
0x89: {  	[sflag:s17] =	ssyncadd.s32 $0xFFFFF200  }
0x8a: {  	_ =	swait.ge [sflag:s17], $0xE00  }
0x8b: {  	[sflag:s17] =	ssyncset.done $0x0  }
0x8c: {  	[sflag:s17] =	ssyncadd.s32 $0xFFFFF200  }
0x8d: {  	_ =	swait.ge [sflag:s17], $0xE00  }
0x8e: {  	[sflag:s17] =	ssyncset.done $0x0  }
0x8f: {  	[sflag:s17] =	ssyncadd.s32 $0xFFFFF200  }
0x90: {  	_ =	swait.ge [sflag:s17], $0xE00  }
0x91: {  	[sflag:s17] =	ssyncset.done $0x0  }
0x92: {  	[sflag:s17] =	ssyncadd.s32 $0xFFFFF200  }
0x93: {  	_ =	swait.ge [sflag:s17], $0xE00  }
0x94: {  	[sflag:s17] =	ssyncset.done $0x0  }
0x95: {  	[sflag:s17] =	ssyncadd.s32 $0xFFFFF200  }
0x96: {  	_ =	swait.ge [sflag:s17], $0xE00  }
0x97: {  	[sflag:s17] =	ssyncset.done $0x0  }
0x98: {  	[sflag:s17] =	ssyncadd.s32 $0xFFFFF200  }
0x99: {  	_ =	swait.ge [sflag:s17], $0xE00  }
0x9a: {  	[sflag:s17] =	ssyncset.done $0x0  }
0x9b: {  	[sflag:s17] =	ssyncadd.s32 $0xFFFFF200  }
0x9c: {  	_ =	swait.ge [sflag:s17], $0xE00  }
0x9d: {  	[sflag:s17] =	ssyncset.done $0x0  }
0x9e: {  	[sflag:s17] =	ssyncadd.s32 $0xFFFFF200  }
0x9f: {  	_ =	swait.ge [sflag:s17], $0xE00  }
0xa0: {  	[sflag:s17] =	ssyncset.done $0x0  }
0xa1: {  	[sflag:s17] =	ssyncadd.s32 $0xFFFFF200  }
0xa2: {  	_ =	swait.ge [sflag:s17], $0xE00  }
0xa3: {  	[sflag:s17] =	ssyncset.done $0x0  }
0xa4: {  	[sflag:s17] =	ssyncadd.s32 $0xFFFFF200  }
0xa5: {  	_ =	swait.ge [sflag:s17], $0xE00  }
0xa6: {  	[sflag:s17] =	ssyncset.done $0x0  }
0xa7: {  	[sflag:s17] =	ssyncadd.s32 $0xFFFFF200  }
0xa8: {  	_ =	swait.ge [sflag:s17], $0xE00  }
0xa9: {  	[sflag:s17] =	ssyncset.done $0x0  }
0xaa: {  	[sflag:s17] =	ssyncadd.s32 $0xFFFFF200  }
0xab: {  	_ =	swait.ge [sflag:s17], $0xE00  }
0xac: {  	[sflag:s17] =	ssyncset.done $0x0  }
0xad: {  	[sflag:s17] =	ssyncadd.s32 $0xFFFFF200  }
0xae: {  	_ =	swait.ge [sflag:s17], $0xE00  }
0xaf: {  	[sflag:s17] =	ssyncset.done $0x0  }
0xb0: {  	[sflag:s17] =	ssyncadd.s32 $0xFFFFF200  }
0xb1: {  	_ =	swait.ge [sflag:s17], $0xE00  }
0xb2: {  	[sflag:s17] =	ssyncset.done $0x0  }
0xb3: {  	[sflag:s17] =	ssyncadd.s32 $0xFFFFF200  }
0xb4: {  	_ =	swait.ge [sflag:s17], $0xE00  }
0xb5: {  	[sflag:s17] =	ssyncset.done $0x0  }
0xb6: {  	[sflag:s17] =	ssyncadd.s32 $0xFFFFF200  }
0xb7: {  	_ =	swait.ge [sflag:s17], $0xE00  }
0xb8: {  	[sflag:s17] =	ssyncset.done $0x0  }
0xb9: {  	[sflag:s17] =	ssyncadd.s32 $0xFFFFF200  }
0xba: {  	[bflag:$0x0] =	sbarrier.arrive $0xFFFF  }
0xbb: {  	s12 =	rddreg [dreg:$0xc]  }
0xbc: {  	[tilespmem:s18], [sflag:$0x1] =	stream.linear.gather [hbm4b:s12+s3], $0x100, $0x38;
	[tilespmem:$0x1DA00] =	vst v63  }
0xbd: {  	s13 =	rddreg [dreg:$0xd]  }
0xbe: {  	[tilespmem:s19], [sflag:$0x1] =	stream.linear.gather [hbm4b:s13+s3], $0x100, $0x38;
	[tilespmem:$0x1DA00] =	vst v63  }
0xbf: {  	s11 =	rddreg [dreg:$0xe]  }
0xc0: {  	[tilespmem:s22], [sflag:$0x2] =	stream.linear.gather [hbm4b:s11+s3], $0x100, $0x38;
	[tilespmem:$0x1DA00] =	vst v63  }
0xc1: {  	s12 =	rddreg [dreg:$0xf]  }
0xc2: {  	[tilespmem:s23], [sflag:$0x2] =	stream.linear.gather [hbm4b:s12+s3], $0x100, $0x38;
	[tilespmem:$0x1DA00] =	vst v63  }
0xc3: {  	_ =	swait.ge [sflag:s16], $0x100  }
0xc4: {  	[sflag:s16] =	ssyncset.done $0x0  }
0xc5: {  	[sflag:s16] =	ssyncadd.s32 $0xFFFFFF00  }
0xc6: {  	_ =	swait.ge [sflag:s16], $0x100  }
0xc7: {  	[sflag:s16] =	ssyncset.done $0x0  }
0xc8: {  	[sflag:s16] =	ssyncadd.s32 $0xFFFFFF00  }
0xc9: {  	[tilespmem:s25], [sflag:$0x3] =	stream.indirect.gather [hbm4b:s4+s24], $0x20, s18, s24, $0xb8;
	[tilespmem:$0x1DA00] =	vst v63  }
0xca: {  	_ =	swait.ge [sflag:s26], $0x100  }
0xcb: {  	[sflag:s26] =	ssyncset.done $0x0  }
0xcc: {  	[sflag:s26] =	ssyncadd.s32 $0xFFFFFF00  }
0xcd: {  	_ =	swait.ge [sflag:s26], $0x100  }
0xce: {  	[sflag:s26] =	ssyncset.done $0x0  }
0xcf: {  	[sflag:s26] =	ssyncadd.s32 $0xFFFFFF00  }
0xd0: {  	[tilespmem:s28], [sflag:$0x4] =	stream.indirect.gather [hbm4b:s4+s24], $0x20, s22, s24, $0xb8;
	[tilespmem:$0x1DA00] =	vst v63  }
0xd1: {  	_ =	swait.ge [sflag:s29], $0x2000  }
0xd2: {  	[sflag:s29] =	ssyncset.done $0x0  }
0xd3: {  	[sflag:s29] =	ssyncadd.s32 $0xFFFFE000  }
0xd4: {  	[spmem:s2] =	stream.indirect.scatter.add.bf16 [tilespmem:s25], [sflag:$0x5], $0x20, s19, s30, $0xb8;
	[tilespmem:$0x1DA00] =	vst v63  }
0xd5: {  	_ = 	snop  }
0xd6: {  	[spmem:s2] =	stream.indirect.scatter.add.bf16 [tilespmem:s0], [sflag:$0x5], $0x20, s31, s30, $0xb8;
	[tilespmem:$0x1DA00] =	vst v63  }
0xd7: {  	_ =	swait.ge [sflag:s17], $0x1000  }
0xd8: {  	[sflag:s17] =	ssyncset.done $0x0  }
0xd9: {  	[sflag:s17] =	ssyncadd.s32 $0xFFFFF000  }
0xda: {  	_ =	swait.ge [sflag:s17], $0x1000  }
0xdb: {  	s10 =	sadd.s32 $0x0, s20;
	[sflag:s17] =	ssyncset.done $0x0  }
0xdc: {  	s11 =	sadd.s32 $0x40, s10;
	s12 =	sadd.s32 $0x0, s21;
	[sflag:s17] =	ssyncadd.s32 $0xFFFFF000  }
0xdd: {  	[tilespmem:s18], [sflag:$0x1] =	stream.linear.gather [hbm4b:s11+s3], $0x100, $0x38;
	[tilespmem:$0x1DA00] =	vst v63  }
0xde: {  	s13 =	sadd.s32 $0x40, s12  }
0xdf: {  	[tilespmem:s19], [sflag:$0x1] =	stream.linear.gather [hbm4b:s13+s3], $0x100, $0x38;
	[tilespmem:$0x1DA00] =	vst v63  }
0xe0: {  	_ =	swait.ge [sflag:s1], $0x2000  }
0xe1: {  	[sflag:s1] =	ssyncset.done $0x0  }
0xe2: {  	[sflag:s1] =	ssyncadd.s32 $0xFFFFE000  }
0xe3: {  	_ =	swait.ge [sflag:s16], $0x100  }
0xe4: {  	[sflag:s16] =	ssyncset.done $0x0  }
0xe5: {  	[sflag:s16] =	ssyncadd.s32 $0xFFFFFF00  }
0xe6: {  	_ =	swait.ge [sflag:s16], $0x100  }
0xe7: {  	[sflag:s16] =	ssyncset.done $0x0  }
0xe8: {  	[sflag:s16] =	ssyncadd.s32 $0xFFFFFF00  }
0xe9: {  	[tilespmem:s25], [sflag:$0x3] =	stream.indirect.gather [hbm4b:s4+s24], $0x20, s18, s24, $0xb8;
	[tilespmem:$0x1DA00] =	vst v63  }
0xea: {  	_ = 	snop  }
0xeb: {  	[spmem:s2] =	stream.indirect.scatter.add.bf16 [tilespmem:s28], [sflag:$0x5], $0x20, s23, s30, $0xb8;
	[tilespmem:$0x1DA00] =	vst v63  }
0xec: {  	_ = 	snop  }
0xed: {  	[spmem:s2] =	stream.indirect.scatter.add.bf16 [tilespmem:s7], [sflag:$0x5], $0x20, s5, s30, $0xb8;
	[tilespmem:$0x1DA00] =	vst v63  }
0xee: {  	_ =	swait.ge [sflag:s17], $0x1000  }
0xef: {  	[sflag:s17] =	ssyncset.done $0x0  }
0xf0: {  	[sflag:s17] =	ssyncadd.s32 $0xFFFFF000  }
0xf1: {  	_ =	swait.ge [sflag:s17], $0x1000  }
0xf2: {  	[sflag:s17] =	ssyncset.done $0x0  }
0xf3: {  	s10 =	sadd.s32 $0x60, s10;
	[sflag:s17] =	ssyncadd.s32 $0xFFFFF000  }
0xf4: {  	[tilespmem:s22], [sflag:$0x2] =	stream.linear.gather [hbm4b:s10+s3], $0x100, $0x38;
	[tilespmem:$0x1DA00] =	vst v63  }
0xf5: {  	s11 =	sadd.s32 $0x60, s12;
	s10 =	simm.s32 $0x40  }
.LBB2_2:
0xf6: {  	[tilespmem:s23], [sflag:$0x2] =	stream.linear.gather [hbm4b:s11+s3], $0x100, $0x38;
	[tilespmem:$0x1DA00] =	vst v63  }
0xf7: {  	s11 =	smov.u32 s10  }
0xf8: {  	p0 =	sne.s32 s10, $0xC00;
	s10 =	sadd.s32 $0x40, s10;
	_ =	swait.ge [sflag:s26], $0x100  }
0xf9: {  	[sflag:s26] =	ssyncset.done $0x0  }
0xfa: {  	[sflag:s26] =	ssyncadd.s32 $0xFFFFFF00  }
0xfb: {  	_ =	swait.ge [sflag:s26], $0x100  }
0xfc: {  	[sflag:s26] =	ssyncset.done $0x0  }
0xfd: {  	[sflag:s26] =	ssyncadd.s32 $0xFFFFFF00  }
0xfe: {  	[tilespmem:s28], [sflag:$0x4] =	stream.indirect.gather [hbm4b:s4+s24], $0x20, s22, s24, $0xb8;
	[tilespmem:$0x1DA00] =	vst v63  }
0xff: {  	_ =	swait.ge [sflag:s29], $0x2000  }
0x100: {  	[sflag:s29] =	ssyncset.done $0x0  }
0x101: {  	[sflag:s29] =	ssyncadd.s32 $0xFFFFE000  }
0x102: {  	[spmem:s2] =	stream.indirect.scatter.add.bf16 [tilespmem:s25], [sflag:$0x5], $0x20, s19, s30, $0xb8;
	[tilespmem:$0x1DA00] =	vst v63  }
0x103: {  	_ = 	snop  }
0x104: {  	[spmem:s2] =	stream.indirect.scatter.add.bf16 [tilespmem:s0], [sflag:$0x5], $0x20, s31, s30, $0xb8;
	[tilespmem:$0x1DA00] =	vst v63  }
0x105: {  	_ =	swait.ge [sflag:s17], $0x1000  }
0x106: {  	[sflag:s17] =	ssyncset.done $0x0  }
0x107: {  	[sflag:s17] =	ssyncadd.s32 $0xFFFFF000  }
0x108: {  	_ =	swait.ge [sflag:s17], $0x1000  }
0x109: {  	s12 =	sadd.s32 s11, s20;
	[sflag:s17] =	ssyncset.done $0x0  }
0x10a: {  	s11 =	sadd.s32 s11, s21;
	s13 =	sadd.s32 $0x40, s12;
	[sflag:s17] =	ssyncadd.s32 $0xFFFFF000  }
0x10b: {  	[tilespmem:s18], [sflag:$0x1] =	stream.linear.gather [hbm4b:s13+s3], $0x100, $0x38;
	[tilespmem:$0x1DA00] =	vst v63  }
0x10c: {  	s13 =	sadd.s32 $0x40, s11  }
0x10d: {  	[tilespmem:s19], [sflag:$0x1] =	stream.linear.gather [hbm4b:s13+s3], $0x100, $0x38;
	[tilespmem:$0x1DA00] =	vst v63  }
0x10e: {  	_ =	swait.ge [sflag:s1], $0x2000  }
0x10f: {  	[sflag:s1] =	ssyncset.done $0x0  }
0x110: {  	[sflag:s1] =	ssyncadd.s32 $0xFFFFE000  }
0x111: {  	_ =	swait.ge [sflag:s16], $0x100  }
0x112: {  	[sflag:s16] =	ssyncset.done $0x0  }
0x113: {  	[sflag:s16] =	ssyncadd.s32 $0xFFFFFF00  }
0x114: {  	_ =	swait.ge [sflag:s16], $0x100  }
0x115: {  	[sflag:s16] =	ssyncset.done $0x0  }
0x116: {  	[sflag:s16] =	ssyncadd.s32 $0xFFFFFF00  }
0x117: {  	[tilespmem:s25], [sflag:$0x3] =	stream.indirect.gather [hbm4b:s4+s24], $0x20, s18, s24, $0xb8;
	[tilespmem:$0x1DA00] =	vst v63  }
0x118: {  	_ = 	snop  }
0x119: {  	[spmem:s2] =	stream.indirect.scatter.add.bf16 [tilespmem:s28], [sflag:$0x5], $0x20, s23, s30, $0xb8;
	[tilespmem:$0x1DA00] =	vst v63  }
0x11a: {  	_ = 	snop  }
0x11b: {  	[spmem:s2] =	stream.indirect.scatter.add.bf16 [tilespmem:s7], [sflag:$0x5], $0x20, s5, s30, $0xb8;
	[tilespmem:$0x1DA00] =	vst v63  }
0x11c: {  	_ =	swait.ge [sflag:s17], $0x1000  }
0x11d: {  	[sflag:s17] =	ssyncset.done $0x0  }
0x11e: {  	[sflag:s17] =	ssyncadd.s32 $0xFFFFF000  }
.Ltmp0:
0x11f: {  	_ =	swait.ge [sflag:s17], $0x1000;
	(pc) =	sbr.rel @p0 .LBB2_2-.Ltmp0, $4  }
0x120: {  	[sflag:s17] =	ssyncset.done $0x0  }
0x121: {  	s12 =	sadd.s32 $0x60, s12;
	[sflag:s17] =	ssyncadd.s32 $0xFFFFF000  }
0x122: {  	[tilespmem:s22], [sflag:$0x2] =	stream.linear.gather [hbm4b:s12+s3], $0x100, $0x38;
	[tilespmem:$0x1DA00] =	vst v63  }
0x123: {  	s11 =	sadd.s32 $0x60, s11  }
0x124: {  	[tilespmem:s23], [sflag:$0x2] =	stream.linear.gather [hbm4b:s11+s3], $0x100, $0x38;
	[tilespmem:$0x1DA00] =	vst v63  }
0x125: {  	_ =	swait.ge [sflag:s26], $0x100  }
0x126: {  	[sflag:s26] =	ssyncset.done $0x0  }
0x127: {  	[sflag:s26] =	ssyncadd.s32 $0xFFFFFF00  }
0x128: {  	_ =	swait.ge [sflag:s26], $0x100  }
0x129: {  	[sflag:s26] =	ssyncset.done $0x0  }
0x12a: {  	[sflag:s26] =	ssyncadd.s32 $0xFFFFFF00  }
0x12b: {  	[tilespmem:s28], [sflag:$0x4] =	stream.indirect.gather [hbm4b:s4+s24], $0x20, s22, s24, $0xb8;
	[tilespmem:$0x1DA00] =	vst v63  }
0x12c: {  	_ =	swait.ge [sflag:s29], $0x2000  }
0x12d: {  	[sflag:s29] =	ssyncset.done $0x0  }
0x12e: {  	[sflag:s29] =	ssyncadd.s32 $0xFFFFE000  }
0x12f: {  	[spmem:s2] =	stream.indirect.scatter.add.bf16 [tilespmem:s25], [sflag:$0x5], $0x20, s19, s30, $0xb8;
	[tilespmem:$0x1DA00] =	vst v63  }
0x130: {  	_ = 	snop  }
0x131: {  	[spmem:s2] =	stream.indirect.scatter.add.bf16 [tilespmem:s0], [sflag:$0x5], $0x20, s31, s30, $0xb8;
	[tilespmem:$0x1DA00] =	vst v63  }
0x132: {  	_ =	swait.ge [sflag:s17], $0x1000  }
0x133: {  	[sflag:s17] =	ssyncset.done $0x0  }
0x134: {  	[sflag:s17] =	ssyncadd.s32 $0xFFFFF000  }
0x135: {  	_ =	swait.ge [sflag:s17], $0x1000  }
0x136: {  	[sflag:s17] =	ssyncset.done $0x0  }
0x137: {  	[sflag:s17] =	ssyncadd.s32 $0xFFFFF000  }
0x138: {  	_ =	swait.ge [sflag:s1], $0x2000  }
0x139: {  	[sflag:s1] =	ssyncset.done $0x0  }
0x13a: {  	[sflag:s1] =	ssyncadd.s32 $0xFFFFE000  }
0x13b: {  	[spmem:s2] =	stream.indirect.scatter.add.bf16 [tilespmem:s28], [sflag:$0x5], $0x20, s23, s30, $0xb8;
	[tilespmem:$0x1DA00] =	vst v63  }
0x13c: {  	_ = 	snop  }
0x13d: {  	[spmem:s2] =	stream.indirect.scatter.add.bf16 [tilespmem:s7], [sflag:$0x5], $0x20, s5, s30, $0xb8;
	[tilespmem:$0x1DA00] =	vst v63  }
0x13e: {  	_ =	swait.ge [sflag:s17], $0x1000  }
0x13f: {  	[sflag:s17] =	ssyncset.done $0x0  }
0x140: {  	[sflag:s17] =	ssyncadd.s32 $0xFFFFF000  }
0x141: {  	_ =	swait.ge [sflag:s17], $0x1000  }
0x142: {  	[sflag:s17] =	ssyncset.done $0x0  }
0x143: {  	[sflag:s17] =	ssyncadd.s32 $0xFFFFF000  }
0x144: {  	[bflag:$0x0] =	sbarrier.arrive $0xFFFF  }
0x145: {  	s10 =	stileid.u32;
	s9 =	sadd.s32 $0x1, s9;
	s12 =	sld [smem:$0x7FD]  }
0x146: {  	s10 =	sshll.u32 s10, $0x6;
	p0 =	sne.s32 s9, s14  }
.Ltmp1:
0x147: {  	s13 =	sshrl.u32 s6, $0x3;
	s10 =	sor.u32 $0x1C06, s10;
	(pc) =	sbr.rel @p0 .LBB2_1-.Ltmp1, $4  }
0x148: {  	[hbm:s12], [sflag:s10] =	dma.local [spmem:s13], $0x3100  }
0x149: {  	_ =	swait.ge [sflag:s8], $0x3100  }
0x14a: {  	[sflag:s8] =	ssyncset.done $0x0  }
0x14b: {  	[sflag:s8] =	ssyncadd.s32 $0xFFFFCF00  }
0x14c: {  	_ =	sfence.sel $0x180000  }
0x14d: {  	[bflag:$0x0] =	sbarrier.arrive $0xFFFF  }
0x14e: {  	_ =	strace $0x9000004A  }
0x14f: {  	s0 =	stileid.u32;
	[bflag:$0x2] =	sbarrier.arrive $0xFFFF  }
0x150: {  	p0 =	sne.s32 s0, $0x0;
	s0 =	rddreg [dreg:$0x2]  }
0x151: {  	s0 =	sadd.s32 @!p0 $0x100000, s0  }
0x152: {  	[sflag:s0] =	ssyncadd.tile.s32 @!p0 $0x1;
	_ =	shalt  }
.Lfunc_end2:
_tile_overlayer_lowered:
.L_overlay_start_2:
0x153: {  	(tag) =	ssettag $0x2  }
0x154: {  	s0 =	rddreg [dreg:$0x0];
	s2 =	stileid.u32  }
0x155: {  	s1 =	rddreg [dreg:$0x1];
	p0 =	sne.s32 s2, $0x0  }
0x156: {  	s3 =	rddreg [dreg:$0x2];
	[bflag:$0x3] =	sbarrier.arrive $0xFFFF;
	s2 =	simm.s32 @!p0 $0x1C06  }
0x157: {  	[timem:s3], [sflag:s2] =	dma.local @!p0 [hbm:s0], s1  }
0x158: {  	s0 =	simm.s32 @!p0 $0x6  }
0x159: {  	_ =	swait.ge @!p0 [sflag:s0], s1  }
0x15a: {  	s1 =	ssub.s32 @!p0 $0x0, s1;
	[sflag:s0] =	ssyncset.done @!p0 $0x0  }
0x15b: {  	[sflag:s0] =	ssyncadd.s32 @!p0 s1  }
0x15c: {  	[bflag:$0x3] =	sbarrier.arrive $0xFFFF  }
0x15d: {  	_ =	shalt  }

// kernel: kernel.7.cloned.1.call-start
scs
__scs_entry_jumppad:
0x0: {  	(pc) =	sbr.rel $0x88, $3  }
0x1: {  	(tag) =	ssettag $0x0;
	lr =	simm.s32 $0x1  }
0x2: {  	[smem:$0x3F95] =	sst lr;
	_ =	strace $0xD0000000  }
0x3: {  	_ = 	snop  }
0x4: {  	_ = 	snop  }
0x5: {  	_ = 	snop  }
0x6: {  	_ = 	snop  }
0x7: {  	_ = 	snop  }
__scs_overlays_trampoline_lowered:
0x8: {  	[smem:$0x3FA4] =	sst s0  }
0x9: {  	[smem:$0x3FA5] =	sst s1  }
0xa: {  	[smem:$0x3FA6] =	sst s2  }
0xb: {  	[smem:$0x3FA7] =	sst s3  }
0xc: {  	[smem:$0x3FA8] =	sst s4  }
0xd: {  	[smem:$0x3FA9] =	sst s5  }
0xe: {  	[smem:$0x3FAA] =	sst s6  }
0xf: {  	[smem:$0x3FAB] =	sst s7  }
0x10: {  	[smem:$0x3FAC] =	sst s8  }
0x11: {  	[smem:$0x3FAD] =	sst s9;
	s0 =	simm.s32 @!p0 $0x0  }
0x12: {  	s1 =	sld [smem:$0x3F93];
	s0 =	simm.s32 @p0 $0x1  }
0x13: {  	[smem:$0x3FAE] =	sst s0;
	s0 =	simm.s32 @!p1 $0x0  }
0x14: {  	s2 =	sld [smem:$0x3F92];
	s0 =	simm.s32 @p1 $0x1  }
0x15: {  	[smem:$0x3FAF] =	sst s0;
	s0 =	simm.s32 @!p2 $0x0  }
0x16: {  	s3 =	sld [smem:$0x3FDB];
	s0 =	simm.s32 @p2 $0x1  }
0x17: {  	s4 =	simm.s32 $0x1BF5;
	[smem:$0x3FB1] =	sst s0  }
0x18: {  	s0 =	sld [smem:$0x3F94];
	_ =	swait.ge [sflag:s4], $0x0  }
0x19: {  	s7 =	sld [smem:$0x3F95]  }
0x1a: {  	s8 =	sadd.s32 $0xFFFFE003, lr  }
0x1b: {  	s9 =	sadd.s32 $0xFFFFFEF7, lr;
	s5 =	simm.s32 $0xFFFFFFFF;
	p2 =	slt.u32 s8, $0xFFFFF086  }
0x1c: {  	p1 =	slt.u32 s9, $0xF7A;
	s5 =	simm.s32 @!p2 $0x0  }
0x1d: {  	s5 =	simm.s32 @p1 $0x1;
	p0 =	seq.s32 s7, s2  }
0x1e: {  	s7 =	smul.u32 @!p0 $0xF7A, s2;
	p2 =	seq.s32 @!p0 s5, $0x0  }
0x1f: {  	s9 =	smul.u32 $0xF7A, s1;
	s8 =	simm.s32 @!p0 $0x1BF5;
	p2 =	por !p2, p0  }
0x20: {  	[sflag:s8] =	ssyncset.s32 @!p0 $0xFFFFF086;
	s6 =	sadd.s32 @!p0 s3, s7;
	s7 =	simm.s32 @!p0 $0x108  }
0x21: {  	s3 =	sadd.s32 s3, s9;
	s6 =	sadd.s32 @!p0 $0x88, s6;
	s7 =	simm.s32 @p2 $0x1082  }
0x22: {  	[simem:s7], [sflag:s8] =	dma.local @!p0 [hbm:s6], $0xF7A  }
0x23: {  	s9 =	sor.u32 $0xD0000000, s2;
	s6 =	simm.s32 $0x108;
	_ =	swait.ge @!p0 [sflag:s8], $0x0  }
0x24: {  	s3 =	sadd.s32 $0x88, s3;
	s6 =	simm.s32 @!p1 $0x1082;
	[sflag:s4] =	ssyncset.s32 $0xFFFFF086  }
0x25: {  	[simem:s6], [sflag:s4] =	dma.local [hbm:s3], $0xF7A  }
0x26: {  	[smem:$0x3F95] =	sst s1;
	(tag) =	ssettag s2;
	_ =	strace s9  }
0x27: {  	s1 =	sld [smem:$0x3FA5]  }
0x28: {  	s2 =	sld [smem:$0x3FA6]  }
0x29: {  	s4 =	sld [smem:$0x3FA8]  }
0x2a: {  	p0 =	seq.s32 s5, $0x0;
	s5 =	sld [smem:$0x3FA9]  }
0x2b: {  	s6 =	sld [smem:$0x3FAA]  }
0x2c: {  	s7 =	sld [smem:$0x3FAB]  }
0x2d: {  	s3 =	simm.s32 $0x108;
	s8 =	sld [smem:$0x3FAC]  }
0x2e: {  	s3 =	simm.s32 @!p0 $0x1082;
	s9 =	sld [smem:$0x3FAD]  }
0x2f: {  	lr =	sadd.s32 s0, s3;
	s0 =	sld [smem:$0x3FA4]  }
0x30: {  	s3 =	sld [smem:$0x3FA7]  }
0x31: {  	[smem:$0x3FB0] =	sst s10  }
0x32: {  	s10 =	sld [smem:$0x3FAE];
	_ =	sdelay $0x3  }
0x33: {  	p0 =	seq.s32 s10, $0x1;
	s10 =	sld [smem:$0x3FB0];
	_ =	sdelay $0x3  }
0x34: {  	[smem:$0x3FB0] =	sst s10  }
0x35: {  	s10 =	sld [smem:$0x3FAF];
	_ =	sdelay $0x3  }
0x36: {  	p1 =	seq.s32 s10, $0x1;
	s10 =	sld [smem:$0x3FB0];
	_ =	sdelay $0x3  }
0x37: {  	[smem:$0x3FB0] =	sst s10  }
0x38: {  	s10 =	sld [smem:$0x3FB1]  }
0x39: {  	_ = 	snop;
	(pc) =	sbr.ind lr, $3  }
0x3a: {  	_ = 	snop  }
0x3b: {  	_ = 	snop  }
0x3c: {  	p2 =	seq.s32 s10, $0x1;
	s10 =	sld [smem:$0x3FB0]  }
0x3d: {  	_ =	shalt  }
0x3e: {  	_ =	shalt  }
0x3f: {  	_ =	shalt  }
0x40: {  	_ =	shalt  }
0x41: {  	_ =	shalt  }
0x42: {  	_ =	shalt  }
0x43: {  	_ =	shalt  }
0x44: {  	_ =	shalt  }
0x45: {  	_ =	shalt  }
0x46: {  	_ =	shalt  }
0x47: {  	_ =	shalt  }
0x48: {  	_ =	shalt  }
0x49: {  	_ =	shalt  }
0x4a: {  	_ =	shalt  }
0x4b: {  	_ =	shalt  }
0x4c: {  	_ =	shalt  }
0x4d: {  	_ =	shalt  }
0x4e: {  	_ =	shalt  }
0x4f: {  	_ =	shalt  }
0x50: {  	_ =	shalt  }
0x51: {  	_ =	shalt  }
0x52: {  	_ =	shalt  }
0x53: {  	_ =	shalt  }
0x54: {  	_ =	shalt  }
0x55: {  	_ =	shalt  }
0x56: {  	_ =	shalt  }
0x57: {  	_ =	shalt  }
0x58: {  	_ =	shalt  }
0x59: {  	_ =	shalt  }
0x5a: {  	_ =	shalt  }
0x5b: {  	_ =	shalt  }
0x5c: {  	_ =	shalt  }
0x5d: {  	_ =	shalt  }
0x5e: {  	_ =	shalt  }
0x5f: {  	_ =	shalt  }
0x60: {  	_ =	shalt  }
0x61: {  	_ =	shalt  }
0x62: {  	_ =	shalt  }
0x63: {  	_ =	shalt  }
0x64: {  	_ =	shalt  }
0x65: {  	_ =	shalt  }
0x66: {  	_ =	shalt  }
0x67: {  	_ =	shalt  }
0x68: {  	_ =	shalt  }
0x69: {  	_ =	shalt  }
0x6a: {  	_ =	shalt  }
0x6b: {  	_ =	shalt  }
0x6c: {  	_ =	shalt  }
0x6d: {  	_ =	shalt  }
0x6e: {  	_ =	shalt  }
0x6f: {  	_ =	shalt  }
0x70: {  	_ =	shalt  }
0x71: {  	_ =	shalt  }
0x72: {  	_ =	shalt  }
0x73: {  	_ =	shalt  }
0x74: {  	_ =	shalt  }
0x75: {  	_ =	shalt  }
0x76: {  	_ =	shalt  }
0x77: {  	_ =	shalt  }
0x78: {  	_ =	shalt  }
0x79: {  	_ =	shalt  }
0x7a: {  	_ =	shalt  }
0x7b: {  	_ =	shalt  }
0x7c: {  	_ =	shalt  }
0x7d: {  	_ =	shalt  }
0x7e: {  	_ =	shalt  }
0x7f: {  	_ =	shalt  }
0x80: {  	_ =	shalt  }
0x81: {  	_ =	shalt  }
0x82: {  	_ =	shalt  }
0x83: {  	_ =	shalt  }
0x84: {  	_ =	shalt  }
0x85: {  	_ =	shalt  }
0x86: {  	_ =	shalt  }
0x87: {  	_ =	shalt  }
.Lfunc_end0:
.L_simem_size_0:
called_computation_lowered:
.L_overlay_start_0:
0x88: {  	s2 =	sld [smem:$0x3FD9]  }
0x89: {  	s3 =	sld [smem:$0x3FFE];
	_ =	sdelay $0x1  }
0x8a: {  	s1 =	srdreg.scid  }
0x8b: {  	s0 =	sand.u32 $0x1, s1  }
0x8c: {  	s16 =	sshll.u32 s0, $0xA;
	s2 =	sadd.s32 s3, s2  }
0x8d: {  	s2 =	sadd.s32 s2, s16  }
0x8e: {  	[smem:$0x3FBC] =	sst s2  }
0x8f: {  	_ = 	snop  }
0x90: {  	(tm) =	ssettm $0x1  }
0x91: {  	s17 =	sld [smem:$0x3FFB];
	_ =	sdelay $0x3  }
0x92: {  	_ =	strace s17  }
0x93: {  	s2 =	sld [smem:$0x3FFC];
	_ =	sdelay $0x3  }
0x94: {  	_ =	strace s2  }
0x95: {  	s2 =	sld [smem:$0x3FFD];
	_ =	sdelay $0x3  }
0x96: {  	_ =	strace s2  }
0x97: {  	_ =	strace $0x8FFFFFFF  }
0x98: {  	s18 =	sld [smem:$0x3FDB];
	_ =	sdelay $0x1  }
0x99: {  	s19 =	simm.s32 $_scs_section_size  }
0x9a: {  	s4 =	simm.s32 $_size__tile_overlayer_lowered;
	s5 =	simm.s32 $_tile_overlayer_lowered  }
0x9b: {  	s22 =	simm.s32 $0x1BFF;
	s21 =	sshll.u32 s5, $0x1;
	s2 =	sadd.s32 s19, s18  }
0x9c: {  	s6 =	simm.s32 $0x0;
	s20 =	sshll.u32 s4, $0x1;
	s4 =	sadd.s32 s21, s2  }
0x9d: {  	[timem:s6], [sflag:s22] =	dma.local [hbm:s4], s20  }
0x9e: {  	_ =	swait.ge [sflag:s22], s20  }
0x9f: {  	s3 =	ssub.s32 $0x0, s20;
	[sflag:s22] =	ssyncset.done $0x0  }
0xa0: {  	[sflag:s22] =	ssyncadd.s32 s3;
	_ =	sdelay $0x1  }
0xa1: {  	s23 =	simm.s32 $0x1B8B  }
0xa2: {  	_ =	swait.ge [sflag:s23], $0x1  }
0xa3: {  	[sflag:s23] =	ssyncset.done $0x0  }
0xa4: {  	s25 =	simm.s32 $0x1B8E;
	s24 =	sld [smem:$0x3FFE];
	[sflag:s23] =	ssyncadd.s32 $0xFFFFFFFF  }
0xa5: {  	s26 =	simm.s32 $execute0_lowered;
	[smem:$0x3FD2] =	sst s25  }
0xa6: {  	s4 =	sshll.u32 s26, $0x1;
	_ =	strace $0x80000046;
	[dreg:$0x1] =	wrdreg $0xFFFFFFFF  }
0xa7: {  	s28 =	simm.s32 $_size_execute0_lowered;
	s2 =	sadd.s32 s2, s4;
	[dreg:$0x0] =	wrdreg $0x0  }
0xa8: {  	s4 =	sshll.u32 s28, $0x1;
	[dreg:$0x2] =	wrdreg s2  }
0xa9: {  	[dreg:$0x3] =	wrdreg s4  }
0xaa: {  	[dreg:$0x4] =	wrdreg $0xC0  }
0xab: {  	_ =	task [dreg:s6], $0x5FFFF  }
0xac: {  	[dreg:$0x1] =	wrdreg $0xFFFFFFFF  }
0xad: {  	[dreg:$0x0] =	wrdreg $0x60  }
0xae: {  	[dreg:$0x2] =	wrdreg s24  }
0xaf: {  	[dreg:$0x3] =	wrdreg $0x0  }
0xb0: {  	[dreg:$0x4] =	wrdreg $0x113000  }
0xb1: {  	[dreg:$0x5] =	wrdreg $0x9  }
0xb2: {  	_ =	task.clear_ibuf [dreg:s6], $0x6FFFF;
	_ =	strace $0x90000046  }
0xb3: {  	s29 =	simm.s32 $0x9;
	_ =	strace $0x80000048  }
0xb4: {  	_ =	swait.ge [sflag:s29], $0x1  }
0xb5: {  	[sflag:s29] =	ssyncadd.s32 $0xFFFFFFFF  }
0xb6: {  	_ =	strace $0x90000048  }
0xb7: {  	_ =	sfence  }
0xb8: {  	s30 =	sld [smem:$0x0];
	_ =	sdelay $0x2  }
0xb9: {  	s31 =	sshll.u32 s1, $0xD;
	s1 =	sshrl.u32 s1, $0x2  }
0xba: {  	s3 =	sand.u32 $0x4000, s31;
	s1 =	sadd.s32 s1, s30  }
0xbb: {  	s0 =	sor.u32 s3, s0;
	s1 =	sshll.u32 s1, $0x11  }
0xbc: {  	s0 =	sor.u32 s1, s0  }
0xbd: {  	s0 =	sadd.s32 $0x8F2B, s0  }
0xbe: {  	[sflag:s0] =	ssyncadd.remote.s32 $0x1  }
0xbf: {  	_ =	sfence.sel $0xFFFF  }
0xc0: {  	[dreg:$0x0] =	wrdreg $0xFFFFFFFF;
	(pc) =	sbr.abs _section_cstart, $3  }
0xc1: {  	[dreg:$0x1] =	wrdreg $0xFFFFFFFF  }
0xc2: {  	_ =	task.clear_ibuf [dreg:s6], $0x2FFFF;
	_ =	strace $0x9FFFFFFF  }
0xc3: {  	(tm) =	ssettm $0x7FFFFFFF  }
tec
execute0_lowered:
.L_overlay_start_1:
0x0: {  	(tag) =	ssettag $0x1  }
0x1: {  	s6 =	rddreg [dreg:$0x0]  }
0x2: {  	s2 =	rddreg [dreg:$0x1]  }
0x3: {  	s3 =	rddreg [dreg:$0x2]  }
0x4: {  	s0 =	srdreg.scid;
	s16 =	stileid.u32;
	s4 =	simm.s32 $0x0  }
0x5: {  	s28 =	simm.s32 $0x5;
	s30 =	simm.s32 $0xCF00;
	s31 =	simm.s32 $0xCD00  }
0x6: {  	s29 =	simm.s32 $0xD180;
	s8 =	sand.u32 $0x1, s0;
	s9 =	smul.u32 $0x18800, s16  }
0x7: {  	[smem:$0x7FF] =	sst s4;
	s0 =	smul.u32 $0xC40, s16;
	s5 =	sadd.s32 $0x64000, s6  }
0x8: {  	s10 =	sadd.s32 $0x95A00, s6;
	s11 =	sadd.s32 $0x7CA00, s6;
	s1 =	smul.u32 $0x188000, s8  }
0x9: {  	s12 =	sadd.s32 $0x7C800, s6;
	_ =	strace $0x80000047;
	s7 =	smul.u32 $0xC400, s8  }
0xa: {  	[dreg:$0x4] =	wrdreg s12;
	s19 =	ssub.s32 $0x2, s8;
	s21 =	sshll.u32 s8, $0x4  }
0xb: {  	s8 =	smul.u32 $0xC800, s8;
	s13 =	sshrl.u32 s19, $0x1;
	s20 =	sadd.s32 $0x70, s0  }
0xc: {  	s24 =	sadd.s32 $0xE0, s0;
	s25 =	sadd.s32 $0x150, s0;
	s12 =	sadd.s32 $0x2A0, s0  }
0xd: {  	s1 =	sadd.s32 s9, s1;
	s7 =	sadd.s32 s0, s7;
	s9 =	sshrl.u32 s9, $0x1  }
0xe: {  	s14 =	sshll.u32 s20, $0x4;
	s23 =	sadd.s32 s20, s3;
	s26 =	sshll.u32 s24, $0x4  }
0xf: {  	s15 =	sshll.u32 s25, $0x4;
	s17 =	sadd.s32 s25, s3;
	s1 =	sshrl.u32 s1, $0x4  }
0x10: {  	s7 =	sshrl.u32 s7, $0x3;
	s22 =	sadd.s32 s14, s2;
	[dreg:$0x7] =	wrdreg s23  }
0x11: {  	s14 =	sadd.s32 s26, s2;
	s15 =	sadd.s32 s15, s2;
	[dreg:$0xb] =	wrdreg s17  }
0x12: {  	s23 =	sadd.s32 s8, s10;
	s8 =	sadd.s32 s8, s11;
	s26 =	sadd.s32 $0x230, s0  }
0x13: {  	s17 =	sadd.s32 $0x380, s0;
	s1 =	sadd.s32 s1, s6;
	s6 =	sadd.s32 s7, s6  }
0x14: {  	s7 =	ssub.s32 s19, s13;
	s13 =	sor.u32 s16, s21;
	[dreg:$0x6] =	wrdreg s22  }
0x15: {  	s21 =	sadd.s32 s9, s2;
	[dreg:$0x8] =	wrdreg s14;
	s9 =	sadd.s32 s24, s3  }
0x16: {  	[dreg:$0xa] =	wrdreg s15;
	s22 =	smul.u32 $0xC80, s16;
	s24 =	sadd.s32 $0x1C0, s0  }
0x17: {  	s15 =	sadd.s32 s12, s3;
	s13 =	smul.u32 $0xC80, s13;
	[dreg:$0x9] =	wrdreg s9  }
0x18: {  	s14 =	sadd.s32 $0x310, s0;
	s25 =	sshll.u32 s24, $0x4;
	[dreg:$0x15] =	wrdreg s15  }
0x19: {  	s16 =	sshll.u32 s14, $0x4;
	[dreg:$0x5] =	wrdreg s21;
	s18 =	sadd.s32 s10, s13  }
0x1a: {  	s19 =	sadd.s32 s11, s13;
	s20 =	sor.u32 $0x40, s13;
	[dreg:$0xc] =	wrdreg s18  }
0x1b: {  	[dreg:$0xd] =	wrdreg s19;
	s13 =	sadd.s32 s10, s20;
	s9 =	sadd.s32 s11, s20  }
0x1c: {  	s18 =	sadd.s32 s22, s23;
	s19 =	sadd.s32 s22, s8;
	[dreg:$0xe] =	wrdreg s13  }
0x1d: {  	s8 =	sadd.s32 s25, s2;
	s11 =	sshll.u32 s26, $0x4;
	[dreg:$0xf] =	wrdreg s9  }
0x1e: {  	s10 =	sadd.s32 s24, s3;
	s20 =	sshll.u32 s17, $0x4;
	[dreg:$0x10] =	wrdreg s8  }
0x1f: {  	s22 =	sadd.s32 $0x3F0, s0;
	s25 =	sadd.s32 s17, s3;
	[dreg:$0x11] =	wrdreg s10  }
0x20: {  	s8 =	sadd.s32 s11, s2;
	s13 =	sshll.u32 s12, $0x4;
	[dreg:$0x19] =	wrdreg s25  }
0x21: {  	s9 =	sadd.s32 s26, s3;
	s23 =	sadd.s32 s20, s2;
	[dreg:$0x12] =	wrdreg s8  }
0x22: {  	s24 =	sshll.u32 s22, $0x4;
	s26 =	sadd.s32 $0x460, s0;
	[dreg:$0x13] =	wrdreg s9  }
0x23: {  	s10 =	sadd.s32 s22, s3;
	s12 =	sadd.s32 $0x4D0, s0;
	[dreg:$0x18] =	wrdreg s23  }
0x24: {  	s20 =	sadd.s32 $0x5B0, s0;
	s8 =	sadd.s32 s13, s2;
	[dreg:$0x1b] =	wrdreg s10  }
0x25: {  	s9 =	sadd.s32 s16, s2;
	s11 =	sshll.u32 s26, $0x4;
	[dreg:$0x14] =	wrdreg s8  }
0x26: {  	s13 =	sshll.u32 s12, $0x4;
	s17 =	sadd.s32 s12, s3;
	[dreg:$0x16] =	wrdreg s9  }
0x27: {  	s23 =	sshll.u32 s20, $0x4;
	s8 =	sadd.s32 s14, s3;
	[dreg:$0x1f] =	wrdreg s17  }
0x28: {  	s10 =	sadd.s32 $0x850, s0;
	s9 =	sadd.s32 s11, s2;
	[dreg:$0x17] =	wrdreg s8  }
0x29: {  	s14 =	sadd.s32 $0x540, s0;
	s15 =	sadd.s32 s13, s2;
	[dreg:$0x1c] =	wrdreg s9  }
0x2a: {  	s11 =	sadd.s32 $0xA80, s0;
	s8 =	sadd.s32 s24, s2;
	[dreg:$0x1e] =	wrdreg s15  }
0x2b: {  	s16 =	sshll.u32 s14, $0x4;
	s22 =	sadd.s32 s14, s3;
	s24 =	sadd.s32 $0x620, s0  }
0x2c: {  	s9 =	sadd.s32 s23, s2;
	s15 =	sadd.s32 $0x700, s0;
	[dreg:$0x1a] =	wrdreg s8  }
0x2d: {  	s23 =	sadd.s32 $0x7E0, s0;
	s8 =	sadd.s32 s26, s3;
	[smem:$0x7DB] =	sst s22  }
0x2e: {  	[smem:$0x7DC] =	sst s9;
	s25 =	sshll.u32 s24, $0x4;
	s26 =	sadd.s32 $0x690, s0  }
0x2f: {  	s14 =	sadd.s32 s24, s3;
	s17 =	sshll.u32 s15, $0x4;
	[dreg:$0x1d] =	wrdreg s8  }
0x30: {  	s8 =	sadd.s32 s16, s2;
	s12 =	sadd.s32 s25, s2;
	[smem:$0x7DF] =	sst s14  }
0x31: {  	s13 =	sshll.u32 s26, $0x4;
	s16 =	sadd.s32 s26, s3;
	[smem:$0x7DA] =	sst s8  }
0x32: {  	s9 =	sadd.s32 s17, s2;
	s25 =	sshll.u32 s23, $0x4;
	[smem:$0x7DE] =	sst s12  }
0x33: {  	s14 =	sadd.s32 $0x8C0, s0;
	s8 =	sadd.s32 s20, s3;
	[smem:$0x7E1] =	sst s16  }
0x34: {  	s20 =	sadd.s32 $0x770, s0;
	[smem:$0x7E2] =	sst s9;
	s12 =	sadd.s32 s23, s3  }
0x35: {  	s16 =	sadd.s32 $0x930, s0;
	s23 =	sadd.s32 $0x9A0, s0;
	[smem:$0x7DD] =	sst s8  }
0x36: {  	s8 =	sadd.s32 s13, s2;
	s22 =	sshll.u32 s20, $0x4;
	s26 =	sadd.s32 s20, s3  }
0x37: {  	[smem:$0x7E7] =	sst s12;
	s13 =	sshll.u32 s10, $0x4;
	s20 =	sshll.u32 s16, $0x4  }
0x38: {  	s12 =	sadd.s32 $0xAF0, s0;
	[smem:$0x7E0] =	sst s8;
	s8 =	sadd.s32 s15, s3  }
0x39: {  	s24 =	sadd.s32 s22, s2;
	[smem:$0x7E5] =	sst s26;
	s9 =	sadd.s32 s13, s2  }
0x3a: {  	s15 =	sshll.u32 s14, $0x4;
	s22 =	sadd.s32 s14, s3;
	[smem:$0x7E3] =	sst s8  }
0x3b: {  	s26 =	sadd.s32 $0xA10, s0;
	s13 =	sshll.u32 s11, $0x4;
	[smem:$0x7E4] =	sst s24  }
0x3c: {  	s14 =	sshll.u32 s12, $0x4;
	s8 =	sadd.s32 s25, s2;
	[smem:$0x7E8] =	sst s9  }
0x3d: {  	s17 =	sadd.s32 s15, s2;
	[smem:$0x7EB] =	sst s22;
	s24 =	sadd.s32 s16, s3  }
0x3e: {  	s25 =	sshll.u32 s23, $0x4;
	s15 =	sadd.s32 s14, s2;
	[smem:$0x7E6] =	sst s8  }
0x3f: {  	s16 =	sadd.s32 $0xB60, s0;
	s14 =	simm.s32 $0xCF80;
	[smem:$0x7EA] =	sst s17  }
0x40: {  	s8 =	sadd.s32 s10, s3;
	[smem:$0x7ED] =	sst s24;
	s9 =	sadd.s32 s25, s2  }
0x41: {  	s10 =	sadd.s32 s26, s3;
	[smem:$0x7F4] =	sst s15;
	s24 =	sadd.s32 s0, s3  }
0x42: {  	s0 =	sadd.s32 $0xBD0, s0;
	s17 =	sshll.u32 s16, $0x4;
	[smem:$0x7E9] =	sst s8  }
0x43: {  	s25 =	sadd.s32 $0xDFA00, s6;
	s6 =	simm.s32 $0xD300;
	[smem:$0x7EE] =	sst s9  }
0x44: {  	s8 =	sadd.s32 s20, s2;
	s9 =	sshll.u32 s26, $0x4;
	[smem:$0x7F1] =	sst s10  }
0x45: {  	s10 =	sadd.s32 s13, s2;
	s20 =	sshll.u32 s0, $0x4;
	[smem:$0x7FB] =	sst s25  }
0x46: {  	s0 =	sadd.s32 s0, s3;
	s26 =	smax.u32 s7, $0x1;
	[smem:$0x7FD] =	sst s24  }
0x47: {  	s7 =	simm.s32 $0x10300;
	s13 =	simm.s32 $0xD280;
	[smem:$0x7EC] =	sst s8  }
0x48: {  	s25 =	simm.s32 $0x10B00;
	s8 =	sadd.s32 s23, s3;
	[smem:$0x7F2] =	sst s10  }
0x49: {  	s22 =	sadd.s32 s20, s2;
	[smem:$0x7F9] =	sst s0;
	s23 =	sadd.s32 $0xAEA00, s1  }
0x4a: {  	[smem:$0x7FC] =	sst s26;
	s0 =	simm.s32 $0xD100;
	s1 =	simm.s32 $0x200  }
0x4b: {  	s10 =	simm.s32 $0x3;
	s20 =	simm.s32 $0xD080;
	[smem:$0x7EF] =	sst s8  }
0x4c: {  	s8 =	sadd.s32 s9, s2;
	s9 =	sadd.s32 s12, s3;
	[smem:$0x7F8] =	sst s22  }
0x4d: {  	[smem:$0x7FA] =	sst s23;
	s12 =	simm.s32 $0x11FB0;
	s22 =	simm.s32 $0xFB00  }
.Ltmp0:
0x4e: {  	s23 =	simm.s32 $0xD200;
	[smem:$0x7F0] =	sst s8;
	(pc) =	sbr.rel .LBB2_1-.Ltmp0, $4  }
0x4f: {  	s8 =	sadd.s32 s11, s3;
	[smem:$0x7F5] =	sst s9;
	s9 =	sadd.s32 s17, s2  }
0x50: {  	s11 =	simm.s32 $0x80;
	s17 =	simm.s32 $0x0;
	[smem:$0x7F3] =	sst s8  }
0x51: {  	[smem:$0x7F6] =	sst s9;
	s8 =	sadd.s32 s16, s3;
	s9 =	simm.s32 $0xF300  }
0x52: {  	v0 =	vimm.f32 $0.0e+00;
	v1 =	vimm.f32 $1.000000000e+00;
	s16 =	simm.s32 $0xD000;
	[smem:$0x7F7] =	sst s8;
	s8 =	simm.s32 $0x2  }
.LBB2_4:
0x53: {  	[bflag:$0x0] =	sbarrier.arrive $0xFFFF  }
0x54: {  	s15 =	stileid.u32;
	s24 =	sld [smem:$0x7FA]  }
0x55: {  	s15 =	sshll.u32 s15, $0x6;
	s1 =	rddreg [dreg:$0x5]  }
0x56: {  	s21 =	simm.s32 $0x6;
	s15 =	sor.u32 $0x1C06, s15;
	s17 =	sshrl.u32 s1, $0x3  }
0x57: {  	[hbm:s24], [sflag:s15] =	dma.local [spmem:s17], $0x1880  }
0x58: {  	_ =	swait.ge [sflag:s21], $0x1880  }
0x59: {  	s24 =	sld [smem:$0x7FD]  }
0x5a: {  	s26 =	sld [smem:$0x7FB]  }
0x5b: {  	[sflag:s21] =	ssyncset.done $0x0  }
0x5c: {  	[sflag:s21] =	ssyncadd.s32 $0xFFFFE780;
	s17 =	sshrl.u32 s24, $0x3  }
0x5d: {  	[hbm:s26], [sflag:s15] =	dma.local [spmem:s17], $0x188  }
0x5e: {  	_ =	swait.ge [sflag:s21], $0x188  }
0x5f: {  	s15 =	sld [smem:$0x7D9]  }
0x60: {  	s26 =	sld [smem:$0x7FC];
	_ =	sdelay $0x1  }
0x61: {  	s17 =	sadd.s32 $0x1, s15  }
0x62: {  	p0 =	sne.s32 s17, s26  }
.Ltmp1:
0x63: {  	_ = 	snop;
	(pc) =	sbr.rel @!p0 .LBB2_5-.Ltmp1, $3  }
0x64: {  	_ =	sdelay $0x1  }
0x65: {  	[sflag:s21] =	ssyncset.done $0x0  }
0x66: {  	[sflag:s21] =	ssyncadd.s32 $0xFFFFFE78;
	s21 =	smov.u32 s1;
	s1 =	simm.s32 $0x200  }
.LBB2_1:
0x67: {  	[smem:$0x7D9] =	sst s17  }
0x68: {  	s15 =	rddreg [dreg:$0x4];
	s17 =	simm.s32 $0xC400  }
0x69: {  	[tilespmem:s17], [sflag:$0x1] =	stream.linear.gather [hbm4b:s15+s4], $0x700, $0x38;
	[tilespmem:$0x12030] =	vst v63  }
0x6a: {  	[tilespmem:$0x11F40] =	vst v0  }
0x6b: {  	[tilespmem:$0x11F50] =	vst v0  }
0x6c: {  	[tilespmem:$0x11F60] =	vst v0  }
0x6d: {  	[tilespmem:$0x11F70] =	vst v0  }
0x6e: {  	[tilespmem:$0x11F80] =	vst v0  }
0x6f: {  	[tilespmem:$0x11F90] =	vst v0  }
0x70: {  	[tilespmem:$0x11FA0] =	vst v0  }
0x71: {  	[tilespmem:$0x11FB0] =	vst v1  }
0x72: {  	[tilespmem:$0x11FC0] =	vst v1  }
0x73: {  	[tilespmem:$0x11FD0] =	vst v1  }
0x74: {  	[tilespmem:$0x11FE0] =	vst v1  }
0x75: {  	[tilespmem:$0x11FF0] =	vst v1  }
0x76: {  	[tilespmem:$0x12000] =	vst v1  }
0x77: {  	[tilespmem:$0x12010] =	vst v1  }
0x78: {  	s26 =	simm.s32 $0x1;
	[tilespmem:$0x12020] =	vst v1  }
0x79: {  	_ =	swait.ge [sflag:s26], $0x700  }
0x7a: {  	[sflag:s26] =	ssyncset.done $0x0  }
0x7b: {  	[sflag:s26] =	ssyncadd.s32 $0xFFFFF900  }
0x7c: {  	[spmem:s21] =	stream.linear.scatter [tilespmem:s17], [sflag:$0x5], $0x700, $0x38;
	[tilespmem:$0x12030] =	vst v63  }
0x7d: {  	s21 =	simm.s32 $0x11F40  }
0x7e: {  	[spmem:s24] =	stream.linear.scatter [tilespmem:s21], [sflag:$0x5], $0x70, $0x38;
	[tilespmem:$0x12030] =	vst v63  }
0x7f: {  	s24 =	rddreg [dreg:$0x6]  }
0x80: {  	[spmem:s24] =	stream.linear.scatter [tilespmem:s17], [sflag:$0x5], $0x700, $0x38;
	[tilespmem:$0x12030] =	vst v63  }
0x81: {  	s24 =	rddreg [dreg:$0x7]  }
0x82: {  	[spmem:s24] =	stream.linear.scatter [tilespmem:s21], [sflag:$0x5], $0x70, $0x38;
	[tilespmem:$0x12030] =	vst v63  }
0x83: {  	s24 =	rddreg [dreg:$0x8]  }
0x84: {  	[spmem:s24] =	stream.linear.scatter [tilespmem:s17], [sflag:$0x5], $0x700, $0x38;
	[tilespmem:$0x12030] =	vst v63  }
0x85: {  	s24 =	rddreg [dreg:$0x9]  }
0x86: {  	[spmem:s24] =	stream.linear.scatter [tilespmem:s21], [sflag:$0x5], $0x70, $0x38;
	[tilespmem:$0x12030] =	vst v63  }
0x87: {  	s24 =	rddreg [dreg:$0xa]  }
0x88: {  	[spmem:s24] =	stream.linear.scatter [tilespmem:s17], [sflag:$0x5], $0x700, $0x38;
	[tilespmem:$0x12030] =	vst v63  }
0x89: {  	s24 =	rddreg [dreg:$0xb]  }
0x8a: {  	[spmem:s24] =	stream.linear.scatter [tilespmem:s21], [sflag:$0x5], $0x70, $0x38;
	[tilespmem:$0x12030] =	vst v63  }
0x8b: {  	s24 =	rddreg [dreg:$0x10]  }
0x8c: {  	[spmem:s24] =	stream.linear.scatter [tilespmem:s17], [sflag:$0x5], $0x700, $0x38;
	[tilespmem:$0x12030] =	vst v63  }
0x8d: {  	s24 =	rddreg [dreg:$0x11]  }
0x8e: {  	[spmem:s24] =	stream.linear.scatter [tilespmem:s21], [sflag:$0x5], $0x70, $0x38;
	[tilespmem:$0x12030] =	vst v63  }
0x8f: {  	s24 =	rddreg [dreg:$0x12]  }
0x90: {  	[spmem:s24] =	stream.linear.scatter [tilespmem:s17], [sflag:$0x5], $0x700, $0x38;
	[tilespmem:$0x12030] =	vst v63  }
0x91: {  	s24 =	rddreg [dreg:$0x13]  }
0x92: {  	[spmem:s24] =	stream.linear.scatter [tilespmem:s21], [sflag:$0x5], $0x70, $0x38;
	[tilespmem:$0x12030] =	vst v63  }
0x93: {  	s24 =	rddreg [dreg:$0x14]  }
0x94: {  	[spmem:s24] =	stream.linear.scatter [tilespmem:s17], [sflag:$0x5], $0x700, $0x38;
	[tilespmem:$0x12030] =	vst v63  }
0x95: {  	s24 =	rddreg [dreg:$0x15]  }
0x96: {  	[spmem:s24] =	stream.linear.scatter [tilespmem:s21], [sflag:$0x5], $0x70, $0x38;
	[tilespmem:$0x12030] =	vst v63  }
0x97: {  	s24 =	rddreg [dreg:$0x16]  }
0x98: {  	[spmem:s24] =	stream.linear.scatter [tilespmem:s17], [sflag:$0x5], $0x700, $0x38;
	[tilespmem:$0x12030] =	vst v63  }
0x99: {  	s24 =	rddreg [dreg:$0x17]  }
0x9a: {  	[spmem:s24] =	stream.linear.scatter [tilespmem:s21], [sflag:$0x5], $0x70, $0x38;
	[tilespmem:$0x12030] =	vst v63  }
0x9b: {  	s24 =	rddreg [dreg:$0x18]  }
0x9c: {  	[spmem:s24] =	stream.linear.scatter [tilespmem:s17], [sflag:$0x5], $0x700, $0x38;
	[tilespmem:$0x12030] =	vst v63  }
0x9d: {  	s24 =	rddreg [dreg:$0x19]  }
0x9e: {  	[spmem:s24] =	stream.linear.scatter [tilespmem:s21], [sflag:$0x5], $0x70, $0x38;
	[tilespmem:$0x12030] =	vst v63  }
0x9f: {  	s24 =	rddreg [dreg:$0x1a]  }
0xa0: {  	[spmem:s24] =	stream.linear.scatter [tilespmem:s17], [sflag:$0x5], $0x700, $0x38;
	[tilespmem:$0x12030] =	vst v63  }
0xa1: {  	s24 =	rddreg [dreg:$0x1b]  }
0xa2: {  	[spmem:s24] =	stream.linear.scatter [tilespmem:s21], [sflag:$0x5], $0x70, $0x38;
	[tilespmem:$0x12030] =	vst v63  }
0xa3: {  	s24 =	rddreg [dreg:$0x1c]  }
0xa4: {  	[spmem:s24] =	stream.linear.scatter [tilespmem:s17], [sflag:$0x5], $0x700, $0x38;
	[tilespmem:$0x12030] =	vst v63  }
0xa5: {  	s24 =	rddreg [dreg:$0x1d]  }
0xa6: {  	[spmem:s24] =	stream.linear.scatter [tilespmem:s21], [sflag:$0x5], $0x70, $0x38;
	[tilespmem:$0x12030] =	vst v63  }
0xa7: {  	s24 =	rddreg [dreg:$0x1e]  }
0xa8: {  	[spmem:s24] =	stream.linear.scatter [tilespmem:s17], [sflag:$0x5], $0x700, $0x38;
	[tilespmem:$0x12030] =	vst v63  }
0xa9: {  	s24 =	rddreg [dreg:$0x1f]  }
0xaa: {  	[spmem:s24] =	stream.linear.scatter [tilespmem:s21], [sflag:$0x5], $0x70, $0x38;
	[tilespmem:$0x12030] =	vst v63  }
0xab: {  	s24 =	sld [smem:$0x7DA];
	_ =	sdelay $0x2  }
0xac: {  	[spmem:s24] =	stream.linear.scatter [tilespmem:s17], [sflag:$0x5], $0x700, $0x38;
	[tilespmem:$0x12030] =	vst v63  }
0xad: {  	s24 =	sld [smem:$0x7DB];
	_ =	sdelay $0x2  }
0xae: {  	[spmem:s24] =	stream.linear.scatter [tilespmem:s21], [sflag:$0x5], $0x70, $0x38;
	[tilespmem:$0x12030] =	vst v63  }
0xaf: {  	s24 =	sld [smem:$0x7DC];
	_ =	sdelay $0x2  }
0xb0: {  	[spmem:s24] =	stream.linear.scatter [tilespmem:s17], [sflag:$0x5], $0x700, $0x38;
	[tilespmem:$0x12030] =	vst v63  }
0xb1: {  	s24 =	sld [smem:$0x7DD];
	_ =	sdelay $0x2  }
0xb2: {  	[spmem:s24] =	stream.linear.scatter [tilespmem:s21], [sflag:$0x5], $0x70, $0x38;
	[tilespmem:$0x12030] =	vst v63  }
0xb3: {  	s24 =	sld [smem:$0x7DE];
	_ =	sdelay $0x2  }
0xb4: {  	[spmem:s24] =	stream.linear.scatter [tilespmem:s17], [sflag:$0x5], $0x700, $0x38;
	[tilespmem:$0x12030] =	vst v63  }
0xb5: {  	s24 =	sld [smem:$0x7DF];
	_ =	sdelay $0x2  }
0xb6: {  	[spmem:s24] =	stream.linear.scatter [tilespmem:s21], [sflag:$0x5], $0x70, $0x38;
	[tilespmem:$0x12030] =	vst v63  }
0xb7: {  	s24 =	sld [smem:$0x7E0];
	_ =	sdelay $0x2  }
0xb8: {  	[spmem:s24] =	stream.linear.scatter [tilespmem:s17], [sflag:$0x5], $0x700, $0x38;
	[tilespmem:$0x12030] =	vst v63  }
0xb9: {  	s24 =	sld [smem:$0x7E1];
	_ =	sdelay $0x2  }
0xba: {  	[spmem:s24] =	stream.linear.scatter [tilespmem:s21], [sflag:$0x5], $0x70, $0x38;
	[tilespmem:$0x12030] =	vst v63  }
0xbb: {  	s24 =	sld [smem:$0x7E2];
	_ =	sdelay $0x2  }
0xbc: {  	[spmem:s24] =	stream.linear.scatter [tilespmem:s17], [sflag:$0x5], $0x700, $0x38;
	[tilespmem:$0x12030] =	vst v63  }
0xbd: {  	s24 =	sld [smem:$0x7E3];
	_ =	sdelay $0x2  }
0xbe: {  	[spmem:s24] =	stream.linear.scatter [tilespmem:s21], [sflag:$0x5], $0x70, $0x38;
	[tilespmem:$0x12030] =	vst v63  }
0xbf: {  	s24 =	sld [smem:$0x7E4];
	_ =	sdelay $0x2  }
0xc0: {  	[spmem:s24] =	stream.linear.scatter [tilespmem:s17], [sflag:$0x5], $0x700, $0x38;
	[tilespmem:$0x12030] =	vst v63  }
0xc1: {  	s24 =	sld [smem:$0x7E5];
	_ =	sdelay $0x2  }
0xc2: {  	[spmem:s24] =	stream.linear.scatter [tilespmem:s21], [sflag:$0x5], $0x70, $0x38;
	[tilespmem:$0x12030] =	vst v63  }
0xc3: {  	s24 =	sld [smem:$0x7E6];
	_ =	sdelay $0x2  }
0xc4: {  	[spmem:s24] =	stream.linear.scatter [tilespmem:s17], [sflag:$0x5], $0x700, $0x38;
	[tilespmem:$0x12030] =	vst v63  }
0xc5: {  	s24 =	sld [smem:$0x7E7];
	_ =	sdelay $0x2  }
0xc6: {  	[spmem:s24] =	stream.linear.scatter [tilespmem:s21], [sflag:$0x5], $0x70, $0x38;
	[tilespmem:$0x12030] =	vst v63  }
0xc7: {  	s24 =	sld [smem:$0x7E8];
	_ =	sdelay $0x2  }
0xc8: {  	[spmem:s24] =	stream.linear.scatter [tilespmem:s17], [sflag:$0x5], $0x700, $0x38;
	[tilespmem:$0x12030] =	vst v63  }
0xc9: {  	s24 =	sld [smem:$0x7E9];
	_ =	sdelay $0x2  }
0xca: {  	[spmem:s24] =	stream.linear.scatter [tilespmem:s21], [sflag:$0x5], $0x70, $0x38;
	[tilespmem:$0x12030] =	vst v63  }
0xcb: {  	s24 =	sld [smem:$0x7EA];
	_ =	sdelay $0x2  }
0xcc: {  	[spmem:s24] =	stream.linear.scatter [tilespmem:s17], [sflag:$0x5], $0x700, $0x38;
	[tilespmem:$0x12030] =	vst v63  }
0xcd: {  	s24 =	sld [smem:$0x7EB];
	_ =	sdelay $0x2  }
0xce: {  	[spmem:s24] =	stream.linear.scatter [tilespmem:s21], [sflag:$0x5], $0x70, $0x38;
	[tilespmem:$0x12030] =	vst v63  }
0xcf: {  	s24 =	sld [smem:$0x7EC];
	_ =	sdelay $0x2  }
0xd0: {  	[spmem:s24] =	stream.linear.scatter [tilespmem:s17], [sflag:$0x5], $0x700, $0x38;
	[tilespmem:$0x12030] =	vst v63  }
0xd1: {  	s24 =	sld [smem:$0x7ED];
	_ =	sdelay $0x2  }
0xd2: {  	[spmem:s24] =	stream.linear.scatter [tilespmem:s21], [sflag:$0x5], $0x70, $0x38;
	[tilespmem:$0x12030] =	vst v63  }
0xd3: {  	s24 =	sld [smem:$0x7EE];
	_ =	sdelay $0x2  }
0xd4: {  	[spmem:s24] =	stream.linear.scatter [tilespmem:s17], [sflag:$0x5], $0x700, $0x38;
	[tilespmem:$0x12030] =	vst v63  }
0xd5: {  	s24 =	sld [smem:$0x7EF];
	_ =	sdelay $0x2  }
0xd6: {  	[spmem:s24] =	stream.linear.scatter [tilespmem:s21], [sflag:$0x5], $0x70, $0x38;
	[tilespmem:$0x12030] =	vst v63  }
0xd7: {  	s24 =	sld [smem:$0x7F0];
	_ =	sdelay $0x2  }
0xd8: {  	[spmem:s24] =	stream.linear.scatter [tilespmem:s17], [sflag:$0x5], $0x700, $0x38;
	[tilespmem:$0x12030] =	vst v63  }
0xd9: {  	s24 =	sld [smem:$0x7F1];
	_ =	sdelay $0x2  }
0xda: {  	[spmem:s24] =	stream.linear.scatter [tilespmem:s21], [sflag:$0x5], $0x70, $0x38;
	[tilespmem:$0x12030] =	vst v63  }
0xdb: {  	s24 =	sld [smem:$0x7F2];
	_ =	sdelay $0x2  }
0xdc: {  	[spmem:s24] =	stream.linear.scatter [tilespmem:s17], [sflag:$0x5], $0x700, $0x38;
	[tilespmem:$0x12030] =	vst v63  }
0xdd: {  	s24 =	sld [smem:$0x7F3];
	_ =	sdelay $0x2  }
0xde: {  	[spmem:s24] =	stream.linear.scatter [tilespmem:s21], [sflag:$0x5], $0x70, $0x38;
	[tilespmem:$0x12030] =	vst v63  }
0xdf: {  	s24 =	sld [smem:$0x7F4];
	_ =	sdelay $0x2  }
0xe0: {  	[spmem:s24] =	stream.linear.scatter [tilespmem:s17], [sflag:$0x5], $0x700, $0x38;
	[tilespmem:$0x12030] =	vst v63  }
0xe1: {  	s24 =	sld [smem:$0x7F5];
	_ =	sdelay $0x2  }
0xe2: {  	[spmem:s24] =	stream.linear.scatter [tilespmem:s21], [sflag:$0x5], $0x70, $0x38;
	[tilespmem:$0x12030] =	vst v63  }
0xe3: {  	s24 =	sld [smem:$0x7F6];
	_ =	sdelay $0x2  }
0xe4: {  	[spmem:s24] =	stream.linear.scatter [tilespmem:s17], [sflag:$0x5], $0x700, $0x38;
	[tilespmem:$0x12030] =	vst v63  }
0xe5: {  	s24 =	sld [smem:$0x7F7];
	_ =	sdelay $0x2  }
0xe6: {  	[spmem:s24] =	stream.linear.scatter [tilespmem:s21], [sflag:$0x5], $0x70, $0x38;
	[tilespmem:$0x12030] =	vst v63  }
0xe7: {  	s24 =	sld [smem:$0x7F8];
	_ =	sdelay $0x2  }
0xe8: {  	[spmem:s24] =	stream.linear.scatter [tilespmem:s17], [sflag:$0x5], $0x700, $0x38;
	[tilespmem:$0x12030] =	vst v63  }
0xe9: {  	s17 =	sld [smem:$0x7F9];
	_ =	sdelay $0x2  }
0xea: {  	[spmem:s17] =	stream.linear.scatter [tilespmem:s21], [sflag:$0x5], $0x70, $0x38;
	[tilespmem:$0x12030] =	vst v63  }
0xeb: {  	_ =	swait.ge [sflag:s28], $0x700  }
0xec: {  	[sflag:s28] =	ssyncset.done $0x0  }
0xed: {  	[sflag:s28] =	ssyncadd.s32 $0xFFFFF900  }
0xee: {  	_ =	swait.ge [sflag:s28], $0x70  }
0xef: {  	[sflag:s28] =	ssyncset.done $0x0  }
0xf0: {  	[sflag:s28] =	ssyncadd.s32 $0xFFFFFF90  }
0xf1: {  	_ =	swait.ge [sflag:s28], $0x700  }
0xf2: {  	[sflag:s28] =	ssyncset.done $0x0  }
0xf3: {  	[sflag:s28] =	ssyncadd.s32 $0xFFFFF900  }
0xf4: {  	_ =	swait.ge [sflag:s28], $0x70  }
0xf5: {  	[sflag:s28] =	ssyncset.done $0x0  }
0xf6: {  	[sflag:s28] =	ssyncadd.s32 $0xFFFFFF90  }
0xf7: {  	_ =	swait.ge [sflag:s28], $0x700  }
0xf8: {  	[sflag:s28] =	ssyncset.done $0x0  }
0xf9: {  	[sflag:s28] =	ssyncadd.s32 $0xFFFFF900  }
0xfa: {  	_ =	swait.ge [sflag:s28], $0x70  }
0xfb: {  	[sflag:s28] =	ssyncset.done $0x0  }
0xfc: {  	[sflag:s28] =	ssyncadd.s32 $0xFFFFFF90  }
0xfd: {  	_ =	swait.ge [sflag:s28], $0x700  }
0xfe: {  	[sflag:s28] =	ssyncset.done $0x0  }
0xff: {  	[sflag:s28] =	ssyncadd.s32 $0xFFFFF900  }
0x100: {  	_ =	swait.ge [sflag:s28], $0x70  }
0x101: {  	[sflag:s28] =	ssyncset.done $0x0  }
0x102: {  	[sflag:s28] =	ssyncadd.s32 $0xFFFFFF90  }
0x103: {  	_ =	swait.ge [sflag:s28], $0x700  }
0x104: {  	[sflag:s28] =	ssyncset.done $0x0  }
0x105: {  	[sflag:s28] =	ssyncadd.s32 $0xFFFFF900  }
0x106: {  	_ =	swait.ge [sflag:s28], $0x70  }
0x107: {  	[sflag:s28] =	ssyncset.done $0x0  }
0x108: {  	[sflag:s28] =	ssyncadd.s32 $0xFFFFFF90  }
0x109: {  	_ =	swait.ge [sflag:s28], $0x700  }
0x10a: {  	[sflag:s28] =	ssyncset.done $0x0  }
0x10b: {  	[sflag:s28] =	ssyncadd.s32 $0xFFFFF900  }
0x10c: {  	_ =	swait.ge [sflag:s28], $0x70  }
0x10d: {  	[sflag:s28] =	ssyncset.done $0x0  }
0x10e: {  	[sflag:s28] =	ssyncadd.s32 $0xFFFFFF90  }
0x10f: {  	_ =	swait.ge [sflag:s28], $0x700  }
0x110: {  	[sflag:s28] =	ssyncset.done $0x0  }
0x111: {  	[sflag:s28] =	ssyncadd.s32 $0xFFFFF900  }
0x112: {  	_ =	swait.ge [sflag:s28], $0x70  }
0x113: {  	[sflag:s28] =	ssyncset.done $0x0  }
0x114: {  	[sflag:s28] =	ssyncadd.s32 $0xFFFFFF90  }
0x115: {  	_ =	swait.ge [sflag:s28], $0x700  }
0x116: {  	[sflag:s28] =	ssyncset.done $0x0  }
0x117: {  	[sflag:s28] =	ssyncadd.s32 $0xFFFFF900  }
0x118: {  	_ =	swait.ge [sflag:s28], $0x70  }
0x119: {  	[sflag:s28] =	ssyncset.done $0x0  }
0x11a: {  	[sflag:s28] =	ssyncadd.s32 $0xFFFFFF90  }
0x11b: {  	_ =	swait.ge [sflag:s28], $0x700  }
0x11c: {  	[sflag:s28] =	ssyncset.done $0x0  }
0x11d: {  	[sflag:s28] =	ssyncadd.s32 $0xFFFFF900  }
0x11e: {  	_ =	swait.ge [sflag:s28], $0x70  }
0x11f: {  	[sflag:s28] =	ssyncset.done $0x0  }
0x120: {  	[sflag:s28] =	ssyncadd.s32 $0xFFFFFF90  }
0x121: {  	_ =	swait.ge [sflag:s28], $0x700  }
0x122: {  	[sflag:s28] =	ssyncset.done $0x0  }
0x123: {  	[sflag:s28] =	ssyncadd.s32 $0xFFFFF900  }
0x124: {  	_ =	swait.ge [sflag:s28], $0x70  }
0x125: {  	[sflag:s28] =	ssyncset.done $0x0  }
0x126: {  	[sflag:s28] =	ssyncadd.s32 $0xFFFFFF90  }
0x127: {  	_ =	swait.ge [sflag:s28], $0x700  }
0x128: {  	[sflag:s28] =	ssyncset.done $0x0  }
0x129: {  	[sflag:s28] =	ssyncadd.s32 $0xFFFFF900  }
0x12a: {  	_ =	swait.ge [sflag:s28], $0x70  }
0x12b: {  	[sflag:s28] =	ssyncset.done $0x0  }
0x12c: {  	[sflag:s28] =	ssyncadd.s32 $0xFFFFFF90  }
0x12d: {  	_ =	swait.ge [sflag:s28], $0x700  }
0x12e: {  	[sflag:s28] =	ssyncset.done $0x0  }
0x12f: {  	[sflag:s28] =	ssyncadd.s32 $0xFFFFF900  }
0x130: {  	_ =	swait.ge [sflag:s28], $0x70  }
0x131: {  	[sflag:s28] =	ssyncset.done $0x0  }
0x132: {  	[sflag:s28] =	ssyncadd.s32 $0xFFFFFF90  }
0x133: {  	_ =	swait.ge [sflag:s28], $0x700  }
0x134: {  	[sflag:s28] =	ssyncset.done $0x0  }
0x135: {  	[sflag:s28] =	ssyncadd.s32 $0xFFFFF900  }
0x136: {  	_ =	swait.ge [sflag:s28], $0x70  }
0x137: {  	[sflag:s28] =	ssyncset.done $0x0  }
0x138: {  	[sflag:s28] =	ssyncadd.s32 $0xFFFFFF90  }
0x139: {  	_ =	swait.ge [sflag:s28], $0x700  }
0x13a: {  	[sflag:s28] =	ssyncset.done $0x0  }
0x13b: {  	[sflag:s28] =	ssyncadd.s32 $0xFFFFF900  }
0x13c: {  	_ =	swait.ge [sflag:s28], $0x70  }
0x13d: {  	[sflag:s28] =	ssyncset.done $0x0  }
0x13e: {  	[sflag:s28] =	ssyncadd.s32 $0xFFFFFF90  }
0x13f: {  	_ =	swait.ge [sflag:s28], $0x700  }
0x140: {  	[sflag:s28] =	ssyncset.done $0x0  }
0x141: {  	[sflag:s28] =	ssyncadd.s32 $0xFFFFF900  }
0x142: {  	_ =	swait.ge [sflag:s28], $0x70  }
0x143: {  	[sflag:s28] =	ssyncset.done $0x0  }
0x144: {  	[sflag:s28] =	ssyncadd.s32 $0xFFFFFF90  }
0x145: {  	_ =	swait.ge [sflag:s28], $0x700  }
0x146: {  	[sflag:s28] =	ssyncset.done $0x0  }
0x147: {  	[sflag:s28] =	ssyncadd.s32 $0xFFFFF900  }
0x148: {  	_ =	swait.ge [sflag:s28], $0x70  }
0x149: {  	[sflag:s28] =	ssyncset.done $0x0  }
0x14a: {  	[sflag:s28] =	ssyncadd.s32 $0xFFFFFF90  }
0x14b: {  	_ =	swait.ge [sflag:s28], $0x700  }
0x14c: {  	[sflag:s28] =	ssyncset.done $0x0  }
0x14d: {  	[sflag:s28] =	ssyncadd.s32 $0xFFFFF900  }
0x14e: {  	_ =	swait.ge [sflag:s28], $0x70  }
0x14f: {  	[sflag:s28] =	ssyncset.done $0x0  }
0x150: {  	[sflag:s28] =	ssyncadd.s32 $0xFFFFFF90  }
0x151: {  	_ =	swait.ge [sflag:s28], $0x700  }
0x152: {  	[sflag:s28] =	ssyncset.done $0x0  }
0x153: {  	[sflag:s28] =	ssyncadd.s32 $0xFFFFF900  }
0x154: {  	_ =	swait.ge [sflag:s28], $0x70  }
0x155: {  	[sflag:s28] =	ssyncset.done $0x0  }
0x156: {  	[sflag:s28] =	ssyncadd.s32 $0xFFFFFF90  }
0x157: {  	_ =	swait.ge [sflag:s28], $0x700  }
0x158: {  	[sflag:s28] =	ssyncset.done $0x0  }
0x159: {  	[sflag:s28] =	ssyncadd.s32 $0xFFFFF900  }
0x15a: {  	_ =	swait.ge [sflag:s28], $0x70  }
0x15b: {  	[sflag:s28] =	ssyncset.done $0x0  }
0x15c: {  	[sflag:s28] =	ssyncadd.s32 $0xFFFFFF90  }
0x15d: {  	_ =	swait.ge [sflag:s28], $0x700  }
0x15e: {  	[sflag:s28] =	ssyncset.done $0x0  }
0x15f: {  	[sflag:s28] =	ssyncadd.s32 $0xFFFFF900  }
0x160: {  	_ =	swait.ge [sflag:s28], $0x70  }
0x161: {  	[sflag:s28] =	ssyncset.done $0x0  }
0x162: {  	[sflag:s28] =	ssyncadd.s32 $0xFFFFFF90  }
0x163: {  	_ =	swait.ge [sflag:s28], $0x700  }
0x164: {  	[sflag:s28] =	ssyncset.done $0x0  }
0x165: {  	[sflag:s28] =	ssyncadd.s32 $0xFFFFF900  }
0x166: {  	_ =	swait.ge [sflag:s28], $0x70  }
0x167: {  	[sflag:s28] =	ssyncset.done $0x0  }
0x168: {  	[sflag:s28] =	ssyncadd.s32 $0xFFFFFF90  }
0x169: {  	_ =	swait.ge [sflag:s28], $0x700  }
0x16a: {  	[sflag:s28] =	ssyncset.done $0x0  }
0x16b: {  	[sflag:s28] =	ssyncadd.s32 $0xFFFFF900  }
0x16c: {  	_ =	swait.ge [sflag:s28], $0x70  }
0x16d: {  	[sflag:s28] =	ssyncset.done $0x0  }
0x16e: {  	[sflag:s28] =	ssyncadd.s32 $0xFFFFFF90  }
0x16f: {  	_ =	swait.ge [sflag:s28], $0x700  }
0x170: {  	[sflag:s28] =	ssyncset.done $0x0  }
0x171: {  	[sflag:s28] =	ssyncadd.s32 $0xFFFFF900  }
0x172: {  	_ =	swait.ge [sflag:s28], $0x70  }
0x173: {  	[sflag:s28] =	ssyncset.done $0x0  }
0x174: {  	[sflag:s28] =	ssyncadd.s32 $0xFFFFFF90  }
0x175: {  	_ =	swait.ge [sflag:s28], $0x700  }
0x176: {  	[sflag:s28] =	ssyncset.done $0x0  }
0x177: {  	[sflag:s28] =	ssyncadd.s32 $0xFFFFF900  }
0x178: {  	_ =	swait.ge [sflag:s28], $0x70  }
0x179: {  	[sflag:s28] =	ssyncset.done $0x0  }
0x17a: {  	[sflag:s28] =	ssyncadd.s32 $0xFFFFFF90  }
0x17b: {  	_ =	swait.ge [sflag:s28], $0x700  }
0x17c: {  	[sflag:s28] =	ssyncset.done $0x0  }
0x17d: {  	[sflag:s28] =	ssyncadd.s32 $0xFFFFF900  }
0x17e: {  	_ =	swait.ge [sflag:s28], $0x70  }
0x17f: {  	[sflag:s28] =	ssyncset.done $0x0  }
0x180: {  	[sflag:s28] =	ssyncadd.s32 $0xFFFFFF90  }
0x181: {  	_ =	swait.ge [sflag:s28], $0x700  }
0x182: {  	[sflag:s28] =	ssyncset.done $0x0  }
0x183: {  	[sflag:s28] =	ssyncadd.s32 $0xFFFFF900  }
0x184: {  	_ =	swait.ge [sflag:s28], $0x70  }
0x185: {  	[sflag:s28] =	ssyncset.done $0x0  }
0x186: {  	[sflag:s28] =	ssyncadd.s32 $0xFFFFFF90  }
0x187: {  	_ =	swait.ge [sflag:s28], $0x700  }
0x188: {  	[sflag:s28] =	ssyncset.done $0x0  }
0x189: {  	[sflag:s28] =	ssyncadd.s32 $0xFFFFF900  }
0x18a: {  	_ =	swait.ge [sflag:s28], $0x70  }
0x18b: {  	[sflag:s28] =	ssyncset.done $0x0  }
0x18c: {  	[sflag:s28] =	ssyncadd.s32 $0xFFFFFF90  }
0x18d: {  	_ =	swait.ge [sflag:s28], $0x700  }
0x18e: {  	[sflag:s28] =	ssyncset.done $0x0  }
0x18f: {  	[sflag:s28] =	ssyncadd.s32 $0xFFFFF900  }
0x190: {  	_ =	swait.ge [sflag:s28], $0x70  }
0x191: {  	[sflag:s28] =	ssyncset.done $0x0  }
0x192: {  	[sflag:s28] =	ssyncadd.s32 $0xFFFFFF90  }
0x193: {  	[bflag:$0x0] =	sbarrier.arrive $0xFFFF  }
0x194: {  	s17 =	simm.s32 $0xCB00;
	s21 =	rddreg [dreg:$0xc]  }
0x195: {  	[tilespmem:s17], [sflag:$0x1] =	stream.linear.gather [hbm4b:s21+s4], $0x200, $0x38;
	[tilespmem:$0x12030] =	vst v63  }
0x196: {  	s24 =	rddreg [dreg:$0xd]  }
0x197: {  	[tilespmem:s30], [sflag:$0x1] =	stream.linear.gather [hbm4b:s24+s4], $0x200, $0x38;
	[tilespmem:$0x12030] =	vst v63  }
0x198: {  	s21 =	rddreg [dreg:$0xe]  }
0x199: {  	[tilespmem:s31], [sflag:$0x2] =	stream.linear.gather [hbm4b:s21+s4], $0x200, $0x38;
	[tilespmem:$0x12030] =	vst v63  }
0x19a: {  	s24 =	rddreg [dreg:$0xf]  }
0x19b: {  	[tilespmem:s0], [sflag:$0x2] =	stream.linear.gather [hbm4b:s24+s4], $0x200, $0x38;
	[tilespmem:$0x12030] =	vst v63  }
0x19c: {  	_ =	swait.ge [sflag:s26], $0x200  }
0x19d: {  	[sflag:s26] =	ssyncset.done $0x0  }
0x19e: {  	[sflag:s26] =	ssyncadd.s32 $0xFFFFFE00  }
0x19f: {  	_ =	swait.ge [sflag:s26], $0x200  }
0x1a0: {  	[sflag:s26] =	ssyncset.done $0x0  }
0x1a1: {  	[sflag:s26] =	ssyncadd.s32 $0xFFFFFE00;
	s26 =	simm.s32 $0x0  }
0x1a2: {  	[tilespmem:s6], [sflag:$0x3] =	stream.indirect.gather [hbm4b:s5+s1], $0x10, s17, s1, $0xb8;
	[tilespmem:$0x12030] =	vst v63  }
.LBB2_2:
0x1a3: {  	_ =	swait.ge [sflag:s8], $0x200  }
0x1a4: {  	[sflag:s8] =	ssyncset.done $0x0  }
0x1a5: {  	[sflag:s8] =	ssyncadd.s32 $0xFFFFFE00  }
0x1a6: {  	_ =	swait.ge [sflag:s8], $0x200  }
0x1a7: {  	[sflag:s8] =	ssyncset.done $0x0  }
0x1a8: {  	[sflag:s8] =	ssyncadd.s32 $0xFFFFFE00  }
0x1a9: {  	[tilespmem:s9], [sflag:$0x4] =	stream.indirect.gather [hbm4b:s5+s1], $0x10, s31, s1, $0xb8;
	[tilespmem:$0x12030] =	vst v63  }
0x1aa: {  	_ =	swait.ge [sflag:s10], $0x2000  }
0x1ab: {  	[sflag:s10] =	ssyncset.done $0x0  }
0x1ac: {  	[sflag:s10] =	ssyncadd.s32 $0xFFFFE000  }
0x1ad: {  	[spmem:s2] =	stream.indirect.scatter.add.bf16 [tilespmem:s6], [sflag:$0x5], $0x10, s30, s11, $0xb8;
	[tilespmem:$0x12030] =	vst v63  }
0x1ae: {  	_ = 	snop  }
0x1af: {  	[spmem:s3] =	stream.indirect.scatter.add.f32 [tilespmem:s12], [sflag:$0x5], $0x1, s30, s11, $0xb8;
	[tilespmem:$0x12030] =	vst v63  }
0x1b0: {  	s15 =	simm.s32 $0xDB00  }
0x1b1: {  	[spmem:s2] =	stream.indirect.scatter.add.bf16 [tilespmem:s15], [sflag:$0x5], $0x10, s14, s11, $0xb8;
	[tilespmem:$0x12030] =	vst v63  }
0x1b2: {  	_ = 	snop  }
0x1b3: {  	[spmem:s3] =	stream.indirect.scatter.add.f32 [tilespmem:s12], [sflag:$0x5], $0x1, s14, s11, $0xb8;
	[tilespmem:$0x12030] =	vst v63  }
0x1b4: {  	s21 =	simm.s32 $0xE300  }
0x1b5: {  	[spmem:s2] =	stream.indirect.scatter.add.bf16 [tilespmem:s21], [sflag:$0x5], $0x10, s16, s11, $0xb8;
	[tilespmem:$0x12030] =	vst v63  }
0x1b6: {  	_ = 	snop  }
0x1b7: {  	[spmem:s3] =	stream.indirect.scatter.add.f32 [tilespmem:s12], [sflag:$0x5], $0x1, s16, s11, $0xb8;
	[tilespmem:$0x12030] =	vst v63  }
0x1b8: {  	s24 =	simm.s32 $0xEB00  }
0x1b9: {  	[spmem:s2] =	stream.indirect.scatter.add.bf16 [tilespmem:s24], [sflag:$0x5], $0x10, s20, s11, $0xb8;
	[tilespmem:$0x12030] =	vst v63  }
0x1ba: {  	_ = 	snop  }
0x1bb: {  	[spmem:s3] =	stream.indirect.scatter.add.f32 [tilespmem:s12], [sflag:$0x5], $0x1, s20, s11, $0xb8;
	[tilespmem:$0x12030] =	vst v63  }
0x1bc: {  	_ =	swait.ge [sflag:s28], $0x800  }
0x1bd: {  	[sflag:s28] =	ssyncset.done $0x0  }
0x1be: {  	[sflag:s28] =	ssyncadd.s32 $0xFFFFF800  }
0x1bf: {  	_ =	swait.ge [sflag:s28], $0x80  }
0x1c0: {  	[sflag:s28] =	ssyncset.done $0x0  }
0x1c1: {  	[sflag:s28] =	ssyncadd.s32 $0xFFFFFF80  }
0x1c2: {  	_ =	swait.ge [sflag:s28], $0x800  }
0x1c3: {  	[sflag:s28] =	ssyncset.done $0x0  }
0x1c4: {  	[sflag:s28] =	ssyncadd.s32 $0xFFFFF800  }
0x1c5: {  	_ =	swait.ge [sflag:s28], $0x80  }
0x1c6: {  	[sflag:s28] =	ssyncset.done $0x0  }
0x1c7: {  	[sflag:s28] =	ssyncadd.s32 $0xFFFFFF80  }
0x1c8: {  	_ =	swait.ge [sflag:s28], $0x800  }
0x1c9: {  	[sflag:s28] =	ssyncset.done $0x0  }
0x1ca: {  	[sflag:s28] =	ssyncadd.s32 $0xFFFFF800  }
0x1cb: {  	_ =	swait.ge [sflag:s28], $0x80  }
0x1cc: {  	[sflag:s28] =	ssyncset.done $0x0  }
0x1cd: {  	[sflag:s28] =	ssyncadd.s32 $0xFFFFFF80  }
0x1ce: {  	_ =	swait.ge [sflag:s28], $0x800  }
0x1cf: {  	[sflag:s28] =	ssyncset.done $0x0  }
0x1d0: {  	[sflag:s28] =	ssyncadd.s32 $0xFFFFF800  }
0x1d1: {  	_ =	swait.ge [sflag:s28], $0x80  }
0x1d2: {  	p0 =	seq.s32 s26, $0xC00;
	[sflag:s28] =	ssyncset.done $0x0  }
0x1d3: {  	s24 =	simm.s32 @p0 $0x4;
	[sflag:s28] =	ssyncadd.s32 $0xFFFFFF80  }
0x1d4: {  	_ =	swait.ge @p0 [sflag:s24], $0x2000  }
0x1d5: {  	[sflag:s24] =	ssyncset.done @p0 $0x0  }
0x1d6: {  	[sflag:s24] =	ssyncadd.s32 @p0 $0xFFFFE000;
	s24 =	sadd.s32 @!p0 s26, s18  }
0x1d7: {  	s17 =	simm.s32 @!p0 $0xCB00;
	s15 =	simm.s32 @!p0 $0x0;
	s24 =	sadd.s32 @!p0 $0x80, s24  }
0x1d8: {  	[tilespmem:s17], [sflag:$0x1] =	stream.linear.gather @!p0 [hbm4b:s24+s15], $0x200, $0x38;
	[tilespmem:$0x12030] =	vst v63  }
0x1d9: {  	s24 =	sadd.s32 @!p0 s26, s19  }
0x1da: {  	s21 =	simm.s32 @!p0 $0xCF00;
	s24 =	sadd.s32 @!p0 $0x80, s24  }
0x1db: {  	[tilespmem:s21], [sflag:$0x1] =	stream.linear.gather @!p0 [hbm4b:s24+s15], $0x200, $0x38;
	[tilespmem:$0x12030] =	vst v63  }
0x1dc: {  	s15 =	simm.s32 @!p0 $0x4  }
0x1dd: {  	_ =	swait.ge @!p0 [sflag:s15], $0x2000  }
0x1de: {  	[sflag:s15] =	ssyncset.done @!p0 $0x0  }
0x1df: {  	[sflag:s15] =	ssyncadd.s32 @!p0 $0xFFFFE000;
	s15 =	simm.s32 @!p0 $0x1  }
0x1e0: {  	_ =	swait.ge @!p0 [sflag:s15], $0x200  }
0x1e1: {  	[sflag:s15] =	ssyncset.done @!p0 $0x0  }
0x1e2: {  	[sflag:s15] =	ssyncadd.s32 @!p0 $0xFFFFFE00  }
0x1e3: {  	_ =	swait.ge @!p0 [sflag:s15], $0x200  }
0x1e4: {  	[sflag:s15] =	ssyncset.done @!p0 $0x0  }
0x1e5: {  	s21 =	simm.s32 @!p0 $0xD300;
	[sflag:s15] =	ssyncadd.s32 @!p0 $0xFFFFFE00;
	s15 =	simm.s32 @!p0 $0x200  }
0x1e6: {  	[tilespmem:s21], [sflag:$0x3] =	stream.indirect.gather @!p0 [hbm4b:s5+s15], $0x10, s17, s15, $0xb8;
	[tilespmem:$0x12030] =	vst v63  }
0x1e7: {  	_ = 	snop  }
0x1e8: {  	[spmem:s2] =	stream.indirect.scatter.add.bf16 [tilespmem:s9], [sflag:$0x5], $0x10, s0, s11, $0xb8;
	[tilespmem:$0x12030] =	vst v63  }
0x1e9: {  	_ = 	snop  }
0x1ea: {  	[spmem:s3] =	stream.indirect.scatter.add.f32 [tilespmem:s12], [sflag:$0x5], $0x1, s0, s11, $0xb8;
	[tilespmem:$0x12030] =	vst v63  }
0x1eb: {  	_ = 	snop  }
0x1ec: {  	[spmem:s2] =	stream.indirect.scatter.add.bf16 [tilespmem:s22], [sflag:$0x5], $0x10, s29, s11, $0xb8;
	[tilespmem:$0x12030] =	vst v63  }
0x1ed: {  	_ = 	snop  }
0x1ee: {  	[spmem:s3] =	stream.indirect.scatter.add.f32 [tilespmem:s12], [sflag:$0x5], $0x1, s29, s11, $0xb8;
	[tilespmem:$0x12030] =	vst v63  }
0x1ef: {  	_ = 	snop  }
0x1f0: {  	[spmem:s2] =	stream.indirect.scatter.add.bf16 [tilespmem:s7], [sflag:$0x5], $0x10, s23, s11, $0xb8;
	[tilespmem:$0x12030] =	vst v63  }
0x1f1: {  	_ = 	snop  }
0x1f2: {  	[spmem:s3] =	stream.indirect.scatter.add.f32 [tilespmem:s12], [sflag:$0x5], $0x1, s23, s11, $0xb8;
	[tilespmem:$0x12030] =	vst v63  }
0x1f3: {  	_ = 	snop  }
0x1f4: {  	[spmem:s2] =	stream.indirect.scatter.add.bf16 [tilespmem:s25], [sflag:$0x5], $0x10, s13, s11, $0xb8;
	[tilespmem:$0x12030] =	vst v63  }
0x1f5: {  	_ = 	snop  }
0x1f6: {  	[spmem:s3] =	stream.indirect.scatter.add.f32 [tilespmem:s12], [sflag:$0x5], $0x1, s13, s11, $0xb8;
	[tilespmem:$0x12030] =	vst v63  }
0x1f7: {  	_ =	swait.ge [sflag:s28], $0x800  }
0x1f8: {  	[sflag:s28] =	ssyncset.done $0x0  }
0x1f9: {  	[sflag:s28] =	ssyncadd.s32 $0xFFFFF800  }
0x1fa: {  	_ =	swait.ge [sflag:s28], $0x80  }
0x1fb: {  	[sflag:s28] =	ssyncset.done $0x0  }
0x1fc: {  	[sflag:s28] =	ssyncadd.s32 $0xFFFFFF80  }
0x1fd: {  	_ =	swait.ge [sflag:s28], $0x800  }
0x1fe: {  	[sflag:s28] =	ssyncset.done $0x0  }
0x1ff: {  	[sflag:s28] =	ssyncadd.s32 $0xFFFFF800  }
0x200: {  	_ =	swait.ge [sflag:s28], $0x80  }
0x201: {  	[sflag:s28] =	ssyncset.done $0x0  }
0x202: {  	[sflag:s28] =	ssyncadd.s32 $0xFFFFFF80  }
0x203: {  	_ =	swait.ge [sflag:s28], $0x800  }
0x204: {  	[sflag:s28] =	ssyncset.done $0x0  }
0x205: {  	[sflag:s28] =	ssyncadd.s32 $0xFFFFF800  }
0x206: {  	_ =	swait.ge [sflag:s28], $0x80  }
0x207: {  	[sflag:s28] =	ssyncset.done $0x0  }
0x208: {  	[sflag:s28] =	ssyncadd.s32 $0xFFFFFF80  }
0x209: {  	_ =	swait.ge [sflag:s28], $0x800  }
.Ltmp2:
0x20a: {  	[sflag:s28] =	ssyncset.done $0x0;
	(pc) =	sbr.rel @p0 .LBB2_4-.Ltmp2, $4  }
0x20b: {  	[sflag:s28] =	ssyncadd.s32 $0xFFFFF800  }
0x20c: {  	_ =	swait.ge [sflag:s28], $0x80  }
0x20d: {  	[sflag:s28] =	ssyncset.done $0x0  }
0x20e: {  	[sflag:s28] =	ssyncadd.s32 $0xFFFFFF80  }
.Ltmp3:
0x20f: {  	s15 =	sadd.s32 s26, s18;
	(pc) =	sbr.rel .LBB2_2-.Ltmp3, $4  }
0x210: {  	s24 =	sadd.s32 s26, s19;
	s15 =	sadd.s32 $0xC0, s15  }
0x211: {  	[tilespmem:s31], [sflag:$0x2] =	stream.linear.gather [hbm4b:s15+s4], $0x200, $0x38;
	[tilespmem:$0x12030] =	vst v63  }
0x212: {  	s26 =	sadd.s32 $0x80, s26;
	s15 =	sadd.s32 $0xC0, s24  }
0x213: {  	[tilespmem:s0], [sflag:$0x2] =	stream.linear.gather [hbm4b:s15+s4], $0x200, $0x38;
	[tilespmem:$0x12030] =	vst v63  }
.LBB2_5:
0x214: {  	_ =	sfence.sel $0x180000  }
0x215: {  	[bflag:$0x0] =	sbarrier.arrive $0xFFFF  }
0x216: {  	_ =	strace $0x90000047  }
0x217: {  	s0 =	stileid.u32;
	[bflag:$0x2] =	sbarrier.arrive $0xFFFF  }
0x218: {  	p0 =	sne.s32 s0, $0x0;
	s0 =	rddreg [dreg:$0x3]  }
0x219: {  	s0 =	sadd.s32 @!p0 $0x100000, s0  }
0x21a: {  	[sflag:s0] =	ssyncadd.tile.s32 @!p0 $0x1;
	_ =	shalt  }
.Lfunc_end2:
_tile_overlayer_lowered:
.L_overlay_start_2:
0x21b: {  	(tag) =	ssettag $0x2  }
0x21c: {  	s0 =	rddreg [dreg:$0x0];
	s2 =	stileid.u32  }
0x21d: {  	s1 =	rddreg [dreg:$0x1];
	p0 =	sne.s32 s2, $0x0  }
0x21e: {  	s3 =	rddreg [dreg:$0x2];
	[bflag:$0x3] =	sbarrier.arrive $0xFFFF;
	s2 =	simm.s32 @!p0 $0x1C06  }
0x21f: {  	[timem:s3], [sflag:s2] =	dma.local @!p0 [hbm:s0], s1  }
0x220: {  	s0 =	simm.s32 @!p0 $0x6  }
0x221: {  	_ =	swait.ge @!p0 [sflag:s0], s1  }
0x222: {  	s1 =	ssub.s32 @!p0 $0x0, s1;
	[sflag:s0] =	ssyncset.done @!p0 $0x0  }
0x223: {  	[sflag:s0] =	ssyncadd.s32 @!p0 s1  }
0x224: {  	[bflag:$0x3] =	sbarrier.arrive $0xFFFF  }
0x225: {  	_ =	shalt  }

</sc_bundles>
